<compile_context>
chip_gen: v7x
topology: tpu7x:2x2x1
jax: 0.10.2.dev20260603
libtpu: 0.0.44.dev20260713+nightly
codegen_flags: <defaults>
</compile_context>

<pallas_src>
import functools

import jax
import jax.numpy as jnp
from jax import lax
from jax.experimental import pallas as pl
from jax.experimental.pallas import tpu as pltpu
from jax.experimental.pallas import tpu_sc as plsc

N = 10000
E = 320000
D = 128
NPAD = 10240
RPT = NPAD // 16
K = 128
CH = 80
EPAD = 32 * CH * K
ZR = 128
G = 40
SUP = CH // G

_mesh = plsc.VectorSubcoreMesh(core_axis_name="c", subcore_axis_name="s")



@functools.partial(
    pl.kernel,
    mesh=_mesh,
    out_type=jax.ShapeDtypeStruct((2, NPAD, D), jnp.float32),
    scratch_types=[
        pltpu.VMEM((G, K), jnp.int32),
        pltpu.VMEM((G, K), jnp.int32),
        pltpu.VMEM((K, D), jnp.float32),
        pltpu.VMEM((K, D), jnp.float32),
        pltpu.SemaphoreType.DMA,
        pltpu.VMEM_SHARED((NPAD, D), jnp.float32),
    ],
)
def _sc_degrees(src_hbm, dst_hbm, out_hbm, src_v, dst_v, e0_v, e1_v, ss,
                deg_sh):
    c = lax.axis_index("c")
    s = lax.axis_index("s")
    t = c * 16 + s
    lane = lax.iota(jnp.int32, 16)
    one = jnp.full((16,), 1.0, jnp.float32)
    zero = jnp.full((16,), 0.0, jnp.float32)
    e0 = jnp.where(lane == 0, one, zero)
    e1 = jnp.where(lane == 1, one, zero)

    @pl.loop(0, K)
    def _(r):
        @pl.loop(0, D // 16)
        def _(k):
            e0_v[r, pl.ds(k * 16, 16)] = zero
            e1_v[r, pl.ds(k * 16, 16)] = zero

    @pl.loop(0, RPT // ZR)
    def _(z):
        pltpu.sync_copy(e0_v, deg_sh.at[pl.ds(s * RPT + z * ZR, ZR)])

    @pl.loop(0, K)
    def _(r):
        e0_v[r, pl.ds(0, 16)] = e0
        e1_v[r, pl.ds(0, 16)] = e1

    def _wait_pair():
        pltpu.make_async_copy(e0_v, deg_sh.at[pl.ds(0, K)], ss).wait()
        pltpu.make_async_copy(e1_v, deg_sh.at[pl.ds(0, K)], ss).wait()

    plsc.subcore_barrier()

    @pl.loop(0, SUP)
    def _(u):
        pltpu.sync_copy(src_hbm.at[pl.ds(t * CH + u * G, G)], src_v)
        pltpu.sync_copy(dst_hbm.at[pl.ds(t * CH + u * G, G)], dst_v)
        pltpu.async_copy(e0_v, deg_sh.at[src_v.at[0]], ss, add=True)
        pltpu.async_copy(e1_v, deg_sh.at[dst_v.at[0]], ss, add=True)

        @pl.loop(1, G)
        def _(j):
            pltpu.async_copy(e0_v, deg_sh.at[src_v.at[j]], ss, add=True)
            pltpu.async_copy(e1_v, deg_sh.at[dst_v.at[j]], ss, add=True)
            _wait_pair()

        _wait_pair()

    plsc.subcore_barrier()

    @pl.when(c == 0)
    def _():
        pltpu.sync_copy(deg_sh.at[pl.ds(s * RPT, RPT)],
                        out_hbm.at[0].at[pl.ds(s * RPT, RPT)])

    @pl.when(c == 1)
    def _():
        pltpu.sync_copy(deg_sh.at[pl.ds(s * RPT, RPT)],
                        out_hbm.at[1].at[pl.ds(s * RPT, RPT)])


@functools.partial(
    pl.kernel,
    mesh=_mesh,
    out_type=jax.ShapeDtypeStruct((2, NPAD, D), jnp.float32),
    scratch_types=[
        pltpu.VMEM((G, K), jnp.int32),
        pltpu.VMEM((G, K), jnp.int32),
        pltpu.VMEM((K, D), jnp.float32),
        pltpu.VMEM((K, D), jnp.float32),
        pltpu.SemaphoreType.DMA,
        pltpu.SemaphoreType.DMA,
        pltpu.VMEM_SHARED((NPAD, D), jnp.float32),
    ],
)
def _sc_aggregate(table_hbm, src_hbm, dst_hbm, out_hbm, src_v, dst_v, rows_a,
                  rows_b, sga, sgb, agg_sh):
    c = lax.axis_index("c")
    s = lax.axis_index("s")
    t = c * 16 + s
    zero = jnp.full((16,), 0.0, jnp.float32)

    @pl.loop(0, K)
    def _(r):
        @pl.loop(0, D // 16)
        def _(k):
            rows_a[r, pl.ds(k * 16, 16)] = zero

    @pl.loop(0, RPT // ZR)
    def _(z):
        pltpu.sync_copy(rows_a, agg_sh.at[pl.ds(s * RPT + z * ZR, ZR)])

    def _wait(buf, sem):
        pltpu.make_async_copy(table_hbm.at[pl.ds(0, K)], buf, sem).wait()

    plsc.subcore_barrier()

    @pl.loop(0, SUP)
    def _(u):
        pltpu.sync_copy(src_hbm.at[pl.ds(t * CH + u * G, G)], src_v)
        pltpu.sync_copy(dst_hbm.at[pl.ds(t * CH + u * G, G)], dst_v)
        pltpu.async_copy(table_hbm.at[src_v.at[0]], rows_a, sga)

        @pl.loop(0, G // 2)
        def _(jj):
            j = 2 * jj
            pltpu.async_copy(table_hbm.at[src_v.at[j + 1]], rows_b, sgb)
            _wait(rows_a, sga)
            pltpu.sync_copy(rows_a, agg_sh.at[dst_v.at[j]], add=True)

            @pl.when(j + 2 < G)
            def _():
                pltpu.async_copy(table_hbm.at[src_v.at[j + 2]], rows_a, sga)

            _wait(rows_b, sgb)
            pltpu.sync_copy(rows_b, agg_sh.at[dst_v.at[j + 1]], add=True)

    plsc.subcore_barrier()

    @pl.when(c == 0)
    def _():
        pltpu.sync_copy(agg_sh.at[pl.ds(s * RPT, RPT)],
                        out_hbm.at[0].at[pl.ds(s * RPT, RPT)])

    @pl.when(c == 1)
    def _():
        pltpu.sync_copy(agg_sh.at[pl.ds(s * RPT, RPT)],
                        out_hbm.at[1].at[pl.ds(s * RPT, RPT)])



def _prep_body(x_ref, deg_ref, table_ref, sc_ref):
    deg = deg_ref[0] + deg_ref[1]
    s_out = lax.rsqrt(jnp.maximum(deg[:, 0], 1.0))
    s_in = lax.rsqrt(jnp.maximum(deg[:, 1], 1.0))
    sc_ref[0, :] = s_in
    sc_ref[1, :] = s_out
    table_ref[...] = x_ref[...] * s_out[:, None]


def _tc_prep(x_pad, deg):
    return pl.pallas_call(
        _prep_body,
        out_shape=[
            jax.ShapeDtypeStruct((NPAD, D), jnp.float32),
            jax.ShapeDtypeStruct((2, NPAD), jnp.float32),
        ],
    )(x_pad, deg)


BR = 1024
NB = NPAD // BR


def _layer_body(agg_ref, sc_ref, w_ref, b_ref, out_ref):
    a = (agg_ref[0] + agg_ref[1]) * sc_ref[0][:, None]
    h = jnp.dot(a, w_ref[...], preferred_element_type=jnp.float32)
    h = jnp.maximum(h + b_ref[0][None, :], 0.0)
    out_ref[...] = h * sc_ref[1][:, None]


def _tc_layer(agg, scales, w, b2d):
    return pl.pallas_call(
        _layer_body,
        grid=(NB,),
        in_specs=[
            pl.BlockSpec((2, BR, D), lambda i: (0, i, 0)),
            pl.BlockSpec((2, BR), lambda i: (0, i)),
            pl.BlockSpec((D, D), lambda i: (0, 0)),
            pl.BlockSpec((1, D), lambda i: (0, 0)),
        ],
        out_specs=pl.BlockSpec((BR, D), lambda i: (i, 0)),
        out_shape=jax.ShapeDtypeStruct((NPAD, D), jnp.float32),
    )(agg, scales, w, b2d)


def _final_body(agg_ref, sc_ref, w_ref, b_ref, out_ref):
    i = pl.program_id(0)
    a = (agg_ref[0] + agg_ref[1]) * sc_ref[0][:, None]
    h = jnp.dot(a, w_ref[...], preferred_element_type=jnp.float32)
    h = jnp.maximum(h + b_ref[0][None, :], 0.0)
    rows = i * BR + lax.broadcasted_iota(jnp.int32, (BR, D), 0)
    h = jnp.where(rows < N, h, 0.0)
    part = jnp.sum(h.reshape(BR // 8, 8, D), axis=0)

    @pl.when(i == 0)
    def _():
        out_ref[...] = part

    @pl.when(i != 0)
    def _():
        out_ref[...] += part


def _tc_final(agg, scales, w, b2d):
    return pl.pallas_call(
        _final_body,
        grid=(NB,),
        in_specs=[
            pl.BlockSpec((2, BR, D), lambda i: (0, i, 0)),
            pl.BlockSpec((2, BR), lambda i: (0, i)),
            pl.BlockSpec((D, D), lambda i: (0, 0)),
            pl.BlockSpec((1, D), lambda i: (0, 0)),
        ],
        out_specs=pl.BlockSpec((8, D), lambda i: (0, 0)),
        out_shape=jax.ShapeDtypeStruct((8, D), jnp.float32),
    )(agg, scales, w, b2d)


def _head_body(sums_l_ref, sums_r_ref, wf1a_ref, wf1b_ref, bf1_ref, wf2_ref,
               bf2_ref, out_ref):
    suml = jnp.sum(sums_l_ref[...], axis=0, keepdims=True)
    sumr = jnp.sum(sums_r_ref[...], axis=0, keepdims=True)
    h = (jnp.dot(suml, wf1a_ref[...], preferred_element_type=jnp.float32)
         + jnp.dot(sumr, wf1b_ref[...], preferred_element_type=jnp.float32)
         + bf1_ref[...])
    h = jnp.maximum(h, 0.0)
    out_ref[...] = (jnp.sum(h * wf2_ref[...], axis=1, keepdims=True)
                    + bf2_ref[...])


def _tc_head(sums_l, sums_r, wf1a, wf1b, bf1_2d, wf2_t, bf2_2d):
    return pl.pallas_call(
        _head_body,
        out_shape=jax.ShapeDtypeStruct((1, 1), jnp.float32),
    )(sums_l, sums_r, wf1a, wf1b, bf1_2d, wf2_t, bf2_2d)



def _pad_edges(idx):
    pad = EPAD - E
    fill = N + (jnp.arange(pad, dtype=jnp.int32) % (NPAD - N))
    return jnp.concatenate([idx.astype(jnp.int32), fill]).reshape(
        32 * CH, K)


def kernel(xl, edge_index_l, xr, edge_index_r,
           W0, b0, W1, b1, W2, b2, Wf1, bf1, Wf2, bf2):
    sl, dl = _pad_edges(edge_index_l[0]), _pad_edges(edge_index_l[1])
    sr, dr = _pad_edges(edge_index_r[0]), _pad_edges(edge_index_r[1])

    xl_pad = jnp.pad(xl, ((0, NPAD - N), (0, 0)))
    xr_pad = jnp.pad(xr, ((0, NPAD - N), (0, 0)))

    tbl_l, sc_l = _tc_prep(xl_pad, _sc_degrees(sl, dl))
    tbl_r, sc_r = _tc_prep(xr_pad, _sc_degrees(sr, dr))

    for w, b in ((W0, b0), (W1, b1)):
        tbl_l = _tc_layer(_sc_aggregate(tbl_l, sl, dl), sc_l, w,
                          b.reshape(1, D))
        tbl_r = _tc_layer(_sc_aggregate(tbl_r, sr, dr), sc_r, w,
                          b.reshape(1, D))

    sums_l = _tc_final(_sc_aggregate(tbl_l, sl, dl), sc_l, W2,
                       b2.reshape(1, D))
    sums_r = _tc_final(_sc_aggregate(tbl_r, sr, dr), sc_r, W2,
                       b2.reshape(1, D))

    return _tc_head(sums_l, sums_r, Wf1[:D], Wf1[D:], bf1.reshape(1, D),
                    Wf2.reshape(1, D), bf2.reshape(1, 1))

# --- scband reference (transcript-rebuilt; emitter-appended) ---
"""Pipeline reference for scband-delta-model-22007412424941 (READ-ONLY COPY).

The authoritative reference and input builder live on the scoring server;
editing this copy changes nothing except your own understanding.
"""

import jax, jax.numpy as jnp
import numpy as np

N = 10000
E = 320000
DIN = 128
H = 128
DOUT = 1
DEPTH = 3


def setup_inputs(seed: int = 0) -> dict:
    key = jax.random.key(seed)
    ks = jax.random.split(key, 16)
    xl = jax.random.normal(ks[0], (N, DIN), dtype=jnp.float32)
    xr = jax.random.normal(ks[1], (N, DIN), dtype=jnp.float32)
    edge_index_l = jax.random.randint(ks[2], (2, E), 0, N, dtype=jnp.int32)
    edge_index_r = jax.random.randint(ks[3], (2, E), 0, N, dtype=jnp.int32)
    # GraphConv weights (layer 0: DIN->H, layers 1..2: H->H)
    W0 = jax.random.normal(ks[4], (DIN, H), dtype=jnp.float32) * 0.05
    b0 = jnp.zeros((H,), dtype=jnp.float32)
    W1 = jax.random.normal(ks[5], (H, H), dtype=jnp.float32) * 0.05
    b1 = jnp.zeros((H,), dtype=jnp.float32)
    W2 = jax.random.normal(ks[6], (H, H), dtype=jnp.float32) * 0.05
    b2 = jnp.zeros((H,), dtype=jnp.float32)
    # feed-forward head: Linear(2H, H) -> ReLU -> Linear(H, DOUT)
    Wf1 = jax.random.normal(ks[7], (2 * H, H), dtype=jnp.float32) * 0.05
    bf1 = jnp.zeros((H,), dtype=jnp.float32)
    Wf2 = jax.random.normal(ks[8], (H, DOUT), dtype=jnp.float32) * 0.05
    bf2 = jnp.zeros((DOUT,), dtype=jnp.float32)
    return {
        "xl": xl, "edge_index_l": edge_index_l,
        "xr": xr, "edge_index_r": edge_index_r,
        "W0": W0, "b0": b0, "W1": W1, "b1": b1, "W2": W2, "b2": b2,
        "Wf1": Wf1, "bf1": bf1, "Wf2": Wf2, "bf2": bf2,
    }


def _graph_conv(x, src, dst, W, b, n_nodes):
    # DGL GraphConv with norm='both': h = relu(D_in^{-1/2} A D_out^{-1/2} x W + b)
    ones = jnp.ones(src.shape[0], dtype=x.dtype)
    deg_out = jax.ops.segment_sum(ones, src, num_segments=n_nodes)
    deg_in = jax.ops.segment_sum(ones, dst, num_segments=n_nodes)
    deg_out = jnp.clip(deg_out, 1.0, None)
    deg_in = jnp.clip(deg_in, 1.0, None)
    h = x * (deg_out ** -0.5)[:, None]
    msg = h[src]  # gather over edges
    agg = jax.ops.segment_sum(msg, dst, num_segments=n_nodes)  # scatter-add
    agg = agg * (deg_in ** -0.5)[:, None]
    return jax.nn.relu(agg @ W + b)


def reference(xl, edge_index_l, xr, edge_index_r,
              W0, b0, W1, b1, W2, b2, Wf1, bf1, Wf2, bf2):
    srcl, dstl = edge_index_l[0], edge_index_l[1]
    srcr, dstr = edge_index_r[0], edge_index_r[1]
    hl, hr = xl, xr
    for W, b in ((W0, b0), (W1, b1), (W2, b2)):
        hl = _graph_conv(hl, srcl, dstl, W, b, hl.shape[0])
        hr = _graph_conv(hr, srcr, dstr, W, b, hr.shape[0])
    # dgl.sum_nodes over the single (batched-as-one) graph
    gl_read = jnp.sum(hl, axis=0, keepdims=True)
    gr_read = jnp.sum(hr, axis=0, keepdims=True)
    h = jnp.concatenate([gl_read, gr_read], axis=-1)
    h = jax.nn.relu(h @ Wf1 + bf1)
    return h @ Wf2 + bf2

if __name__ == "__main__":
    import jax
    _d = setup_inputs()
    print(jax.jit(kernel)(*tuple(_d.values())))

</pallas_src>

<mosaic_0001>
#map = affine_map<(d0, d1) -> (0, 0)>
#map1 = affine_map<(d0, d1) -> (0, 0, 0)>
module attributes {stable_mosaic.version = 14 : i64} {
  func.func @_sc_degrees(%arg0: i32, %arg1: i32, %arg2: memref<2560x128xi32, #tpu.memory_space<hbm>>, %arg3: memref<2560x128xi32, #tpu.memory_space<hbm>>, %arg4: memref<2x10240x128xf32, #tpu.memory_space<hbm>>, %arg5: memref<40x128xi32, #tpu.memory_space<vmem>>, %arg6: memref<40x128xi32, #tpu.memory_space<vmem>>, %arg7: memref<128x128xf32, #tpu.memory_space<vmem>>, %arg8: memref<128x128xf32, #tpu.memory_space<vmem>>, %arg9: memref<!tpu.dma_semaphore, #tpu.memory_space<semaphore_mem>>, %arg10: memref<10240x128xf32, #tpu.memory_space<vmem_shared>>) attributes {dimension_semantics = [#tpu.dimension_semantics<core_parallel>, #tpu.dimension_semantics<subcore_parallel>], iteration_bounds = array<i64: 2, 16>, scalar_prefetch = 0 : i64, scratch_operands = 6 : i64, tpu.core_type = #tpu.core_type<sc_vector_subcore>, window_params = [{transform_indices = #map}, {transform_indices = #map}, {transform_indices = #map1}]} {
    %mul3A = arith.constant 16 : i32
    %mul3A_0 = arith.muli %arg0, %mul3A : i32
    %add3A = arith.addi %mul3A_0, %arg1 : i32
    %iota3A = tpu.iota {dimensions = array<i32: 0>} : vector<16xi32>
    %broadcast_in_dim3A = arith.constant 1.000000e+00 : f32
    %broadcast_in_dim3A_1 = vector.broadcast %broadcast_in_dim3A : f32 to vector<16xf32>
    %broadcast_in_dim3A_2 = arith.constant 0.000000e+00 : f32
    %broadcast_in_dim3A_3 = vector.broadcast %broadcast_in_dim3A_2 : f32 to vector<16xf32>
    %eq3A = arith.constant 0 : i32
    %eq3A_4 = vector.broadcast %eq3A : i32 to vector<16xi32>
    %eq3A_5 = arith.cmpi eq, %iota3A, %eq3A_4 : vector<16xi32>
    %select_n3A = arith.select %eq3A_5, %broadcast_in_dim3A_1, %broadcast_in_dim3A_3 : vector<16xi1>, vector<16xf32>
    %eq3A_6 = arith.constant 1 : i32
    %eq3A_7 = vector.broadcast %eq3A_6 : i32 to vector<16xi32>
    %eq3A_8 = arith.cmpi eq, %iota3A, %eq3A_7 : vector<16xi32>
    %select_n3A_9 = arith.select %eq3A_8, %broadcast_in_dim3A_1, %broadcast_in_dim3A_3 : vector<16xi1>, vector<16xf32>
    %scan3A = arith.constant 0 : i32
    %scan3A_10 = arith.constant 128 : i32
    %scan3A_11 = arith.addi %scan3A, %scan3A_10 : i32
    %scan3A_12 = arith.constant 1 : i32
    scf.for %scan3A_38 = %scan3A to %scan3A_11 step %scan3A_12  : i32 {
      %mul3A_39 = arith.constant 1 : i32
      %mul3A_40 = arith.muli %scan3A_38, %mul3A_39 : i32
      %add3A_41 = arith.constant 0 : i32
      %add3A_42 = arith.addi %add3A_41, %mul3A_40 : i32
      %scan3A_43 = arith.constant 0 : i32
      %scan3A_44 = arith.constant 8 : i32
      %scan3A_45 = arith.addi %scan3A_43, %scan3A_44 : i32
      %scan3A_46 = arith.constant 1 : i32
      scf.for %scan3A_48 = %scan3A_43 to %scan3A_45 step %scan3A_46  : i32 {
        %mul3A_49 = arith.constant 1 : i32
        %mul3A_50 = arith.muli %scan3A_48, %mul3A_49 : i32
        %add3A_51 = arith.constant 0 : i32
        %add3A_52 = arith.addi %add3A_51, %mul3A_50 : i32
        %mul3A_53 = arith.constant 16 : i32
        %mul3A_54 = arith.muli %add3A_52, %mul3A_53 : i32
        %swap3A = arith.index_cast %add3A_42 : i32 to index
        %swap3A_55 = arith.index_cast %mul3A_54 : i32 to index
        %swap3A_56 = tpu.vector_load %arg7[%swap3A, %swap3A_55] {strides = array<i32>} : memref<128x128xf32, #tpu.memory_space<vmem>>, vector<1x16xf32>,
        %swap3A_57 = vector.shape_cast %swap3A_56 : vector<1x16xf32> to vector<16xf32>
        %swap3A_58 = vector.shape_cast %broadcast_in_dim3A_3 : vector<16xf32> to vector<1x16xf32>
        tpu.vector_store %arg7[%swap3A, %swap3A_55], %swap3A_58 {strides = array<i32>} : memref<128x128xf32, #tpu.memory_space<vmem>>, vector<1x16xf32>,
        %mul3A_59 = arith.constant 16 : i32
        %mul3A_60 = arith.muli %add3A_52, %mul3A_59 : i32
        %swap3A_61 = arith.index_cast %add3A_42 : i32 to index
        %swap3A_62 = arith.index_cast %mul3A_60 : i32 to index
        %swap3A_63 = tpu.vector_load %arg8[%swap3A_61, %swap3A_62] {strides = array<i32>} : memref<128x128xf32, #tpu.memory_space<vmem>>, vector<1x16xf32>,
        %swap3A_64 = vector.shape_cast %swap3A_63 : vector<1x16xf32> to vector<16xf32>
        %swap3A_65 = vector.shape_cast %broadcast_in_dim3A_3 : vector<16xf32> to vector<1x16xf32>
        tpu.vector_store %arg8[%swap3A_61, %swap3A_62], %swap3A_65 {strides = array<i32>} : memref<128x128xf32, #tpu.memory_space<vmem>>, vector<1x16xf32>,
      }
      %scan3A_47 = arith.constant 8 : i32
    }
    %scan3A_13 = arith.constant 128 : i32
    %scan3A_14 = arith.constant 0 : i32
    %scan3A_15 = arith.constant 5 : i32
    %scan3A_16 = arith.addi %scan3A_14, %scan3A_15 : i32
    %scan3A_17 = arith.constant 1 : i32
    scf.for %scan3A_38 = %scan3A_14 to %scan3A_16 step %scan3A_17  : i32 {
      %mul3A_39 = arith.constant 1 : i32
      %mul3A_40 = arith.muli %scan3A_38, %mul3A_39 : i32
      %add3A_41 = arith.constant 0 : i32
      %add3A_42 = arith.addi %add3A_41, %mul3A_40 : i32
      %mul3A_43 = arith.constant 640 : i32
      %mul3A_44 = arith.muli %arg1, %mul3A_43 : i32
      %mul3A_45 = arith.constant 128 : i32
      %mul3A_46 = arith.muli %add3A_42, %mul3A_45 : i32
      %add3A_47 = arith.addi %mul3A_44, %mul3A_46 : i32
      "tpu.region"() ({
        %run_scoped3A = tpu.sem_alloc : memref<!tpu.dma_semaphore, #tpu.memory_space<semaphore_mem>>
        %dma_start3A = arith.constant 0 : i32
        %dma_start3A_48 = tpu.memref_slice %arg10[%add3A_47, %dma_start3A] : memref<10240x128xf32, #tpu.memory_space<vmem_shared>> -> memref<128x128xf32, #tpu.memory_space<vmem_shared>>
        %dma_start3A_49 = arith.constant 0 : i32
        %dma_start3A_50 = tpu.memref_slice %arg10[%add3A_47, %dma_start3A_49] : memref<10240x128xf32, #tpu.memory_space<vmem_shared>> -> memref<128x128xf32, #tpu.memory_space<vmem_shared>>
        tpu.enqueue_dma source(%arg7 : memref<128x128xf32, #tpu.memory_space<vmem>>) target(%dma_start3A_50 : memref<128x128xf32, #tpu.memory_space<vmem_shared>>) target_semaphore(%run_scoped3A : memref<!tpu.dma_semaphore, #tpu.memory_space<semaphore_mem>>)
        %dma_wait3A = arith.constant 0 : i32
        %dma_wait3A_51 = tpu.memref_slice %arg10[%add3A_47, %dma_wait3A] : memref<10240x128xf32, #tpu.memory_space<vmem_shared>> -> memref<128x128xf32, #tpu.memory_space<vmem_shared>>
        %dma_wait3A_52 = arith.constant 0 : i32
        %dma_wait3A_53 = tpu.memref_slice %arg10[%add3A_47, %dma_wait3A_52] : memref<10240x128xf32, #tpu.memory_space<vmem_shared>> -> memref<128x128xf32, #tpu.memory_space<vmem_shared>>
        tpu.wait_dma2 semaphore(%run_scoped3A : memref<!tpu.dma_semaphore, #tpu.memory_space<semaphore_mem>>) src(%arg7 : memref<128x128xf32, #tpu.memory_space<vmem>>) dst(%dma_wait3A_53 : memref<128x128xf32, #tpu.memory_space<vmem_shared>>)
        tpu.yield
      }) : () -> ()
    }
    %scan3A_18 = arith.constant 5 : i32
    %scan3A_19 = arith.constant 0 : i32
    %scan3A_20 = arith.constant 128 : i32
    %scan3A_21 = arith.addi %scan3A_19, %scan3A_20 : i32
    %scan3A_22 = arith.constant 1 : i32
    scf.for %scan3A_38 = %scan3A_19 to %scan3A_21 step %scan3A_22  : i32 {
      %mul3A_39 = arith.constant 1 : i32
      %mul3A_40 = arith.muli %scan3A_38, %mul3A_39 : i32
      %add3A_41 = arith.constant 0 : i32
      %add3A_42 = arith.addi %add3A_41, %mul3A_40 : i32
      %swap3A = arith.index_cast %add3A_42 : i32 to index
      %swap3A_43 = arith.constant 0 : index
      %swap3A_44 = tpu.vector_load %arg7[%swap3A, %swap3A_43] {strides = array<i32>} : memref<128x128xf32, #tpu.memory_space<vmem>>, vector<1x16xf32>,
      %swap3A_45 = vector.shape_cast %swap3A_44 : vector<1x16xf32> to vector<16xf32>
      %swap3A_46 = vector.shape_cast %select_n3A : vector<16xf32> to vector<1x16xf32>
      tpu.vector_store %arg7[%swap3A, %swap3A_43], %swap3A_46 {strides = array<i32>} : memref<128x128xf32, #tpu.memory_space<vmem>>, vector<1x16xf32>,
      %swap3A_47 = arith.index_cast %add3A_42 : i32 to index
      %swap3A_48 = arith.constant 0 : index
      %swap3A_49 = tpu.vector_load %arg8[%swap3A_47, %swap3A_48] {strides = array<i32>} : memref<128x128xf32, #tpu.memory_space<vmem>>, vector<1x16xf32>,
      %swap3A_50 = vector.shape_cast %swap3A_49 : vector<1x16xf32> to vector<16xf32>
      %swap3A_51 = vector.shape_cast %select_n3A_9 : vector<16xf32> to vector<1x16xf32>
      tpu.vector_store %arg8[%swap3A_47, %swap3A_48], %swap3A_51 {strides = array<i32>} : memref<128x128xf32, #tpu.memory_space<vmem>>, vector<1x16xf32>,
    }
    %scan3A_23 = arith.constant 128 : i32
    %barrier3A = arith.constant 0 : index
    tpu.barrier barrier_id(%barrier3A)
    %scan3A_24 = arith.constant 0 : i32
    %scan3A_25 = arith.constant 2 : i32
    %scan3A_26 = arith.addi %scan3A_24, %scan3A_25 : i32
    %scan3A_27 = arith.constant 1 : i32
    scf.for %scan3A_38 = %scan3A_24 to %scan3A_26 step %scan3A_27  : i32 {
      %mul3A_39 = arith.constant 1 : i32
      %mul3A_40 = arith.muli %scan3A_38, %mul3A_39 : i32
      %add3A_41 = arith.constant 0 : i32
      %add3A_42 = arith.addi %add3A_41, %mul3A_40 : i32
      %mul3A_43 = arith.constant 80 : i32
      %mul3A_44 = arith.muli %add3A, %mul3A_43 : i32
      %mul3A_45 = arith.constant 40 : i32
      %mul3A_46 = arith.muli %add3A_42, %mul3A_45 : i32
      %add3A_47 = arith.addi %mul3A_44, %mul3A_46 : i32
      "tpu.region"() ({
        %run_scoped3A = tpu.sem_alloc : memref<!tpu.dma_semaphore, #tpu.memory_space<semaphore_mem>>
        %dma_start3A_82 = arith.constant 0 : i32
        %dma_start3A_83 = tpu.memref_slice %arg2[%add3A_47, %dma_start3A_82] : memref<2560x128xi32, #tpu.memory_space<hbm>> -> memref<40x128xi32, #tpu.memory_space<hbm>>
        %dma_start3A_84 = arith.constant 0 : i32
        %dma_start3A_85 = tpu.memref_slice %arg2[%add3A_47, %dma_start3A_84] : memref<2560x128xi32, #tpu.memory_space<hbm>> -> memref<40x128xi32, #tpu.memory_space<hbm>>
        tpu.enqueue_dma source(%dma_start3A_85 : memref<40x128xi32, #tpu.memory_space<hbm>>) target(%arg5 : memref<40x128xi32, #tpu.memory_space<vmem>>) target_semaphore(%run_scoped3A : memref<!tpu.dma_semaphore, #tpu.memory_space<semaphore_mem>>)
        %dma_wait3A_86 = arith.constant 0 : i32
        %dma_wait3A_87 = tpu.memref_slice %arg2[%add3A_47, %dma_wait3A_86] : memref<2560x128xi32, #tpu.memory_space<hbm>> -> memref<40x128xi32, #tpu.memory_space<hbm>>
        %dma_wait3A_88 = arith.constant 0 : i32
        %dma_wait3A_89 = tpu.memref_slice %arg2[%add3A_47, %dma_wait3A_88] : memref<2560x128xi32, #tpu.memory_space<hbm>> -> memref<40x128xi32, #tpu.memory_space<hbm>>
        tpu.wait_dma2 semaphore(%run_scoped3A : memref<!tpu.dma_semaphore, #tpu.memory_space<semaphore_mem>>) src(%dma_wait3A_89 : memref<40x128xi32, #tpu.memory_space<hbm>>) dst(%arg5 : memref<40x128xi32, #tpu.memory_space<vmem>>)
        tpu.yield
      }) : () -> ()
      %mul3A_48 = arith.constant 80 : i32
      %mul3A_49 = arith.muli %add3A, %mul3A_48 : i32
      %mul3A_50 = arith.constant 40 : i32
      %mul3A_51 = arith.muli %add3A_42, %mul3A_50 : i32
      %add3A_52 = arith.addi %mul3A_49, %mul3A_51 : i32
      "tpu.region"() ({
        %run_scoped3A = tpu.sem_alloc : memref<!tpu.dma_semaphore, #tpu.memory_space<semaphore_mem>>
        %dma_start3A_82 = arith.constant 0 : i32
        %dma_start3A_83 = tpu.memref_slice %arg3[%add3A_52, %dma_start3A_82] : memref<2560x128xi32, #tpu.memory_space<hbm>> -> memref<40x128xi32, #tpu.memory_space<hbm>>
        %dma_start3A_84 = arith.constant 0 : i32
        %dma_start3A_85 = tpu.memref_slice %arg3[%add3A_52, %dma_start3A_84] : memref<2560x128xi32, #tpu.memory_space<hbm>> -> memref<40x128xi32, #tpu.memory_space<hbm>>
        tpu.enqueue_dma source(%dma_start3A_85 : memref<40x128xi32, #tpu.memory_space<hbm>>) target(%arg6 : memref<40x128xi32, #tpu.memory_space<vmem>>) target_semaphore(%run_scoped3A : memref<!tpu.dma_semaphore, #tpu.memory_space<semaphore_mem>>)
        %dma_wait3A_86 = arith.constant 0 : i32
        %dma_wait3A_87 = tpu.memref_slice %arg3[%add3A_52, %dma_wait3A_86] : memref<2560x128xi32, #tpu.memory_space<hbm>> -> memref<40x128xi32, #tpu.memory_space<hbm>>
        %dma_wait3A_88 = arith.constant 0 : i32
        %dma_wait3A_89 = tpu.memref_slice %arg3[%add3A_52, %dma_wait3A_88] : memref<2560x128xi32, #tpu.memory_space<hbm>> -> memref<40x128xi32, #tpu.memory_space<hbm>>
        tpu.wait_dma2 semaphore(%run_scoped3A : memref<!tpu.dma_semaphore, #tpu.memory_space<semaphore_mem>>) src(%dma_wait3A_89 : memref<40x128xi32, #tpu.memory_space<hbm>>) dst(%arg6 : memref<40x128xi32, #tpu.memory_space<vmem>>)
        tpu.yield
      }) : () -> ()
      %dma_start3A = arith.constant 0 : i32
      %dma_start3A_53 = arith.constant 0 : i32
      %dma_start3A_54 = tpu.memref_slice %arg5[%dma_start3A, %dma_start3A_53] : memref<40x128xi32, #tpu.memory_space<vmem>> -> memref<1x128xi32, #tpu.memory_space<vmem>>
      %dma_start3A_55 = tpu.memref_squeeze %dma_start3A_54 : memref<1x128xi32, #tpu.memory_space<vmem>> -> memref<128xi32, #tpu.memory_space<vmem>>
      %dma_start3A_56 = arith.constant 0 : i32
      %dma_start3A_57 = arith.constant 0 : i32
      %dma_start3A_58 = tpu.memref_slice %arg10[%dma_start3A_56, %dma_start3A_57] : memref<10240x128xf32, #tpu.memory_space<vmem_shared>> -> memref<10240x128xf32, #tpu.memory_space<vmem_shared>>
      tpu.enqueue_indirect_dma source(%arg7 : memref<128x128xf32, #tpu.memory_space<vmem>>) target(%dma_start3A_58 : memref<10240x128xf32, #tpu.memory_space<vmem_shared>>) offsets(%dma_start3A_55 : memref<128xi32, #tpu.memory_space<vmem>>) semaphore(%arg9 : memref<!tpu.dma_semaphore, #tpu.memory_space<semaphore_mem>>) {add = true}
      %dma_start3A_59 = arith.constant 0 : i32
      %dma_start3A_60 = arith.constant 0 : i32
      %dma_start3A_61 = tpu.memref_slice %arg6[%dma_start3A_59, %dma_start3A_60] : memref<40x128xi32, #tpu.memory_space<vmem>> -> memref<1x128xi32, #tpu.memory_space<vmem>>
      %dma_start3A_62 = tpu.memref_squeeze %dma_start3A_61 : memref<1x128xi32, #tpu.memory_space<vmem>> -> memref<128xi32, #tpu.memory_space<vmem>>
      %dma_start3A_63 = arith.constant 0 : i32
      %dma_start3A_64 = arith.constant 0 : i32
      %dma_start3A_65 = tpu.memref_slice %arg10[%dma_start3A_63, %dma_start3A_64] : memref<10240x128xf32, #tpu.memory_space<vmem_shared>> -> memref<10240x128xf32, #tpu.memory_space<vmem_shared>>
      tpu.enqueue_indirect_dma source(%arg8 : memref<128x128xf32, #tpu.memory_space<vmem>>) target(%dma_start3A_65 : memref<10240x128xf32, #tpu.memory_space<vmem_shared>>) offsets(%dma_start3A_62 : memref<128xi32, #tpu.memory_space<vmem>>) semaphore(%arg9 : memref<!tpu.dma_semaphore, #tpu.memory_space<semaphore_mem>>) {add = true}
      %scan3A_66 = arith.constant 0 : i32
      %scan3A_67 = arith.constant 39 : i32
      %scan3A_68 = arith.addi %scan3A_66, %scan3A_67 : i32
      %scan3A_69 = arith.constant 1 : i32
      scf.for %scan3A_82 = %scan3A_66 to %scan3A_68 step %scan3A_69  : i32 {
        %mul3A_83 = arith.constant 1 : i32
        %mul3A_84 = arith.muli %scan3A_82, %mul3A_83 : i32
        %add3A_85 = arith.constant 1 : i32
        %add3A_86 = arith.addi %add3A_85, %mul3A_84 : i32
        %dma_start3A_87 = arith.constant 0 : i32
        %dma_start3A_88 = tpu.memref_slice %arg5[%add3A_86, %dma_start3A_87] : memref<40x128xi32, #tpu.memory_space<vmem>> -> memref<1x128xi32, #tpu.memory_space<vmem>>
        %dma_start3A_89 = tpu.memref_squeeze %dma_start3A_88 : memref<1x128xi32, #tpu.memory_space<vmem>> -> memref<128xi32, #tpu.memory_space<vmem>>
        %dma_start3A_90 = arith.constant 0 : i32
        %dma_start3A_91 = arith.constant 0 : i32
        %dma_start3A_92 = tpu.memref_slice %arg10[%dma_start3A_90, %dma_start3A_91] : memref<10240x128xf32, #tpu.memory_space<vmem_shared>> -> memref<10240x128xf32, #tpu.memory_space<vmem_shared>>
        tpu.enqueue_indirect_dma source(%arg7 : memref<128x128xf32, #tpu.memory_space<vmem>>) target(%dma_start3A_92 : memref<10240x128xf32, #tpu.memory_space<vmem_shared>>) offsets(%dma_start3A_89 : memref<128xi32, #tpu.memory_space<vmem>>) semaphore(%arg9 : memref<!tpu.dma_semaphore, #tpu.memory_space<semaphore_mem>>) {add = true}
        %dma_start3A_93 = arith.constant 0 : i32
        %dma_start3A_94 = tpu.memref_slice %arg6[%add3A_86, %dma_start3A_93] : memref<40x128xi32, #tpu.memory_space<vmem>> -> memref<1x128xi32, #tpu.memory_space<vmem>>
        %dma_start3A_95 = tpu.memref_squeeze %dma_start3A_94 : memref<1x128xi32, #tpu.memory_space<vmem>> -> memref<128xi32, #tpu.memory_space<vmem>>
        %dma_start3A_96 = arith.constant 0 : i32
        %dma_start3A_97 = arith.constant 0 : i32
        %dma_start3A_98 = tpu.memref_slice %arg10[%dma_start3A_96, %dma_start3A_97] : memref<10240x128xf32, #tpu.memory_space<vmem_shared>> -> memref<10240x128xf32, #tpu.memory_space<vmem_shared>>
        tpu.enqueue_indirect_dma source(%arg8 : memref<128x128xf32, #tpu.memory_space<vmem>>) target(%dma_start3A_98 : memref<10240x128xf32, #tpu.memory_space<vmem_shared>>) offsets(%dma_start3A_95 : memref<128xi32, #tpu.memory_space<vmem>>) semaphore(%arg9 : memref<!tpu.dma_semaphore, #tpu.memory_space<semaphore_mem>>) {add = true}
        %dma_wait3A_99 = arith.constant 0 : i32
        %dma_wait3A_100 = arith.constant 0 : i32
        %dma_wait3A_101 = tpu.memref_slice %arg10[%dma_wait3A_99, %dma_wait3A_100] : memref<10240x128xf32, #tpu.memory_space<vmem_shared>> -> memref<128x128xf32, #tpu.memory_space<vmem_shared>>
        %dma_wait3A_102 = arith.constant 0 : i32
        %dma_wait3A_103 = arith.constant 0 : i32
        %dma_wait3A_104 = tpu.memref_slice %arg10[%dma_wait3A_102, %dma_wait3A_103] : memref<10240x128xf32, #tpu.memory_space<vmem_shared>> -> memref<128x128xf32, #tpu.memory_space<vmem_shared>>
        tpu.wait_dma2 semaphore(%arg9 : memref<!tpu.dma_semaphore, #tpu.memory_space<semaphore_mem>>) src(%arg7 : memref<128x128xf32, #tpu.memory_space<vmem>>) dst(%dma_wait3A_104 : memref<128x128xf32, #tpu.memory_space<vmem_shared>>)
        %dma_wait3A_105 = arith.constant 0 : i32
        %dma_wait3A_106 = arith.constant 0 : i32
        %dma_wait3A_107 = tpu.memref_slice %arg10[%dma_wait3A_105, %dma_wait3A_106] : memref<10240x128xf32, #tpu.memory_space<vmem_shared>> -> memref<128x128xf32, #tpu.memory_space<vmem_shared>>
        %dma_wait3A_108 = arith.constant 0 : i32
        %dma_wait3A_109 = arith.constant 0 : i32
        %dma_wait3A_110 = tpu.memref_slice %arg10[%dma_wait3A_108, %dma_wait3A_109] : memref<10240x128xf32, #tpu.memory_space<vmem_shared>> -> memref<128x128xf32, #tpu.memory_space<vmem_shared>>
        tpu.wait_dma2 semaphore(%arg9 : memref<!tpu.dma_semaphore, #tpu.memory_space<semaphore_mem>>) src(%arg8 : memref<128x128xf32, #tpu.memory_space<vmem>>) dst(%dma_wait3A_110 : memref<128x128xf32, #tpu.memory_space<vmem_shared>>)
      }
      %scan3A_70 = arith.constant 39 : i32
      %dma_wait3A = arith.constant 0 : i32
      %dma_wait3A_71 = arith.constant 0 : i32
      %dma_wait3A_72 = tpu.memref_slice %arg10[%dma_wait3A, %dma_wait3A_71] : memref<10240x128xf32, #tpu.memory_space<vmem_shared>> -> memref<128x128xf32, #tpu.memory_space<vmem_shared>>
      %dma_wait3A_73 = arith.constant 0 : i32
      %dma_wait3A_74 = arith.constant 0 : i32
      %dma_wait3A_75 = tpu.memref_slice %arg10[%dma_wait3A_73, %dma_wait3A_74] : memref<10240x128xf32, #tpu.memory_space<vmem_shared>> -> memref<128x128xf32, #tpu.memory_space<vmem_shared>>
      tpu.wait_dma2 semaphore(%arg9 : memref<!tpu.dma_semaphore, #tpu.memory_space<semaphore_mem>>) src(%arg7 : memref<128x128xf32, #tpu.memory_space<vmem>>) dst(%dma_wait3A_75 : memref<128x128xf32, #tpu.memory_space<vmem_shared>>)
      %dma_wait3A_76 = arith.constant 0 : i32
      %dma_wait3A_77 = arith.constant 0 : i32
      %dma_wait3A_78 = tpu.memref_slice %arg10[%dma_wait3A_76, %dma_wait3A_77] : memref<10240x128xf32, #tpu.memory_space<vmem_shared>> -> memref<128x128xf32, #tpu.memory_space<vmem_shared>>
      %dma_wait3A_79 = arith.constant 0 : i32
      %dma_wait3A_80 = arith.constant 0 : i32
      %dma_wait3A_81 = tpu.memref_slice %arg10[%dma_wait3A_79, %dma_wait3A_80] : memref<10240x128xf32, #tpu.memory_space<vmem_shared>> -> memref<128x128xf32, #tpu.memory_space<vmem_shared>>
      tpu.wait_dma2 semaphore(%arg9 : memref<!tpu.dma_semaphore, #tpu.memory_space<semaphore_mem>>) src(%arg8 : memref<128x128xf32, #tpu.memory_space<vmem>>) dst(%dma_wait3A_81 : memref<128x128xf32, #tpu.memory_space<vmem_shared>>)
    }
    %scan3A_28 = arith.constant 2 : i32
    %barrier3A_29 = arith.constant 0 : index
    tpu.barrier barrier_id(%barrier3A_29)
    %eq3A_30 = arith.constant 0 : i32
    %eq3A_31 = arith.cmpi eq, %arg0, %eq3A_30 : i32
    %convert_element_type3A = arith.extui %eq3A_31 : i1 to i32
    %cond3A = arith.constant 0 : i32
    %cond3A_32 = arith.cmpi ne, %convert_element_type3A, %cond3A : i32
    scf.if %cond3A_32 {
      %mul3A_38 = arith.constant 640 : i32
      %mul3A_39 = arith.muli %arg1, %mul3A_38 : i32
      %mul3A_40 = arith.constant 640 : i32
      %mul3A_41 = arith.muli %arg1, %mul3A_40 : i32
      %run_scoped3A = arith.constant 0 : i32
      "tpu.region"() ({
        %run_scoped3A_42 = tpu.sem_alloc : memref<!tpu.dma_semaphore, #tpu.memory_space<semaphore_mem>>
        %dma_start3A = arith.constant 0 : i32
        %dma_start3A_43 = arith.constant 0 : i32
        %dma_start3A_44 = tpu.memref_slice %arg4[%run_scoped3A, %dma_start3A, %dma_start3A_43] : memref<2x10240x128xf32, #tpu.memory_space<hbm>> -> memref<1x10240x128xf32, #tpu.memory_space<hbm>>
        %dma_start3A_45 = tpu.memref_squeeze %dma_start3A_44 : memref<1x10240x128xf32, #tpu.memory_space<hbm>> -> memref<10240x128xf32, #tpu.memory_space<hbm>>
        %dma_start3A_46 = arith.constant 0 : i32
        %dma_start3A_47 = tpu.memref_slice %dma_start3A_45[%mul3A_41, %dma_start3A_46] : memref<10240x128xf32, #tpu.memory_space<hbm>> -> memref<640x128xf32, #tpu.memory_space<hbm>>
        %dma_start3A_48 = arith.constant 0 : i32
        %dma_start3A_49 = tpu.memref_slice %arg10[%mul3A_39, %dma_start3A_48] : memref<10240x128xf32, #tpu.memory_space<vmem_shared>> -> memref<640x128xf32, #tpu.memory_space<vmem_shared>>
        tpu.enqueue_dma source(%dma_start3A_49 : memref<640x128xf32, #tpu.memory_space<vmem_shared>>) target(%dma_start3A_47 : memref<640x128xf32, #tpu.memory_space<hbm>>) target_semaphore(%run_scoped3A_42 : memref<!tpu.dma_semaphore, #tpu.memory_space<semaphore_mem>>)
        %dma_wait3A = arith.constant 0 : i32
        %dma_wait3A_50 = arith.constant 0 : i32
        %dma_wait3A_51 = tpu.memref_slice %arg4[%run_scoped3A, %dma_wait3A, %dma_wait3A_50] : memref<2x10240x128xf32, #tpu.memory_space<hbm>> -> memref<1x10240x128xf32, #tpu.memory_space<hbm>>
        %dma_wait3A_52 = tpu.memref_squeeze %dma_wait3A_51 : memref<1x10240x128xf32, #tpu.memory_space<hbm>> -> memref<10240x128xf32, #tpu.memory_space<hbm>>
        %dma_wait3A_53 = arith.constant 0 : i32
        %dma_wait3A_54 = tpu.memref_slice %dma_wait3A_52[%mul3A_41, %dma_wait3A_53] : memref<10240x128xf32, #tpu.memory_space<hbm>> -> memref<640x128xf32, #tpu.memory_space<hbm>>
        %dma_wait3A_55 = arith.constant 0 : i32
        %dma_wait3A_56 = tpu.memref_slice %arg10[%mul3A_39, %dma_wait3A_55] : memref<10240x128xf32, #tpu.memory_space<vmem_shared>> -> memref<640x128xf32, #tpu.memory_space<vmem_shared>>
        tpu.wait_dma2 semaphore(%run_scoped3A_42 : memref<!tpu.dma_semaphore, #tpu.memory_space<semaphore_mem>>) src(%dma_wait3A_56 : memref<640x128xf32, #tpu.memory_space<vmem_shared>>) dst(%dma_wait3A_54 : memref<640x128xf32, #tpu.memory_space<hbm>>)
        tpu.yield
      }) : () -> ()
    } else {
    }
    %eq3A_33 = arith.constant 1 : i32
    %eq3A_34 = arith.cmpi eq, %arg0, %eq3A_33 : i32
    %convert_element_type3A_35 = arith.extui %eq3A_34 : i1 to i32
    %cond3A_36 = arith.constant 0 : i32
    %cond3A_37 = arith.cmpi ne, %convert_element_type3A_35, %cond3A_36 : i32
    scf.if %cond3A_37 {
      %mul3A_38 = arith.constant 640 : i32
      %mul3A_39 = arith.muli %arg1, %mul3A_38 : i32
      %mul3A_40 = arith.constant 640 : i32
      %mul3A_41 = arith.muli %arg1, %mul3A_40 : i32
      %run_scoped3A = arith.constant 1 : i32
      "tpu.region"() ({
        %run_scoped3A_42 = tpu.sem_alloc : memref<!tpu.dma_semaphore, #tpu.memory_space<semaphore_mem>>
        %dma_start3A = arith.constant 0 : i32
        %dma_start3A_43 = arith.constant 0 : i32
        %dma_start3A_44 = tpu.memref_slice %arg4[%run_scoped3A, %dma_start3A, %dma_start3A_43] : memref<2x10240x128xf32, #tpu.memory_space<hbm>> -> memref<1x10240x128xf32, #tpu.memory_space<hbm>>
        %dma_start3A_45 = tpu.memref_squeeze %dma_start3A_44 : memref<1x10240x128xf32, #tpu.memory_space<hbm>> -> memref<10240x128xf32, #tpu.memory_space<hbm>>
        %dma_start3A_46 = arith.constant 0 : i32
        %dma_start3A_47 = tpu.memref_slice %dma_start3A_45[%mul3A_41, %dma_start3A_46] : memref<10240x128xf32, #tpu.memory_space<hbm>> -> memref<640x128xf32, #tpu.memory_space<hbm>>
        %dma_start3A_48 = arith.constant 0 : i32
        %dma_start3A_49 = tpu.memref_slice %arg10[%mul3A_39, %dma_start3A_48] : memref<10240x128xf32, #tpu.memory_space<vmem_shared>> -> memref<640x128xf32, #tpu.memory_space<vmem_shared>>
        tpu.enqueue_dma source(%dma_start3A_49 : memref<640x128xf32, #tpu.memory_space<vmem_shared>>) target(%dma_start3A_47 : memref<640x128xf32, #tpu.memory_space<hbm>>) target_semaphore(%run_scoped3A_42 : memref<!tpu.dma_semaphore, #tpu.memory_space<semaphore_mem>>)
        %dma_wait3A = arith.constant 0 : i32
        %dma_wait3A_50 = arith.constant 0 : i32
        %dma_wait3A_51 = tpu.memref_slice %arg4[%run_scoped3A, %dma_wait3A, %dma_wait3A_50] : memref<2x10240x128xf32, #tpu.memory_space<hbm>> -> memref<1x10240x128xf32, #tpu.memory_space<hbm>>
        %dma_wait3A_52 = tpu.memref_squeeze %dma_wait3A_51 : memref<1x10240x128xf32, #tpu.memory_space<hbm>> -> memref<10240x128xf32, #tpu.memory_space<hbm>>
        %dma_wait3A_53 = arith.constant 0 : i32
        %dma_wait3A_54 = tpu.memref_slice %dma_wait3A_52[%mul3A_41, %dma_wait3A_53] : memref<10240x128xf32, #tpu.memory_space<hbm>> -> memref<640x128xf32, #tpu.memory_space<hbm>>
        %dma_wait3A_55 = arith.constant 0 : i32
        %dma_wait3A_56 = tpu.memref_slice %arg10[%mul3A_39, %dma_wait3A_55] : memref<10240x128xf32, #tpu.memory_space<vmem_shared>> -> memref<640x128xf32, #tpu.memory_space<vmem_shared>>
        tpu.wait_dma2 semaphore(%run_scoped3A_42 : memref<!tpu.dma_semaphore, #tpu.memory_space<semaphore_mem>>) src(%dma_wait3A_56 : memref<640x128xf32, #tpu.memory_space<vmem_shared>>) dst(%dma_wait3A_54 : memref<640x128xf32, #tpu.memory_space<hbm>>)
        tpu.yield
      }) : () -> ()
    } else {
    }
    return
  }
}

#map = affine_map<(d0, d1) -> (0, 0)>
#map1 = affine_map<(d0, d1) -> (0, 0, 0)>
module attributes {stable_mosaic.version = 14 : i64} {
  func.func @_sc_degrees(%arg0: i32, %arg1: i32, %arg2: memref<2560x128xi32, #tpu.memory_space<hbm>>, %arg3: memref<2560x128xi32, #tpu.memory_space<hbm>>, %arg4: memref<2x10240x128xf32, #tpu.memory_space<hbm>>, %arg5: memref<40x128xi32, #tpu.memory_space<vmem>>, %arg6: memref<40x128xi32, #tpu.memory_space<vmem>>, %arg7: memref<128x128xf32, #tpu.memory_space<vmem>>, %arg8: memref<128x128xf32, #tpu.memory_space<vmem>>, %arg9: memref<!tpu.dma_semaphore, #tpu.memory_space<semaphore_mem>>, %arg10: memref<10240x128xf32, #tpu.memory_space<vmem_shared>>) attributes {dimension_semantics = [#tpu.dimension_semantics<core_parallel>, #tpu.dimension_semantics<subcore_parallel>], iteration_bounds = array<i64: 2, 16>, scalar_prefetch = 0 : i64, scratch_operands = 6 : i64, tpu.core_type = #tpu.core_type<sc_vector_subcore>, window_params = [{transform_indices = #map}, {transform_indices = #map}, {transform_indices = #map1}]} {
    %mul3A = arith.constant 16 : i32
    %mul3A_0 = arith.muli %arg0, %mul3A : i32
    %add3A = arith.addi %mul3A_0, %arg1 : i32
    %iota3A = tpu.iota {dimensions = array<i32: 0>} : vector<16xi32>
    %broadcast_in_dim3A = arith.constant 1.000000e+00 : f32
    %broadcast_in_dim3A_1 = vector.broadcast %broadcast_in_dim3A : f32 to vector<16xf32>
    %broadcast_in_dim3A_2 = arith.constant 0.000000e+00 : f32
    %broadcast_in_dim3A_3 = vector.broadcast %broadcast_in_dim3A_2 : f32 to vector<16xf32>
    %eq3A = arith.constant 0 : i32
    %eq3A_4 = vector.broadcast %eq3A : i32 to vector<16xi32>
    %eq3A_5 = arith.cmpi eq, %iota3A, %eq3A_4 : vector<16xi32>
    %select_n3A = arith.select %eq3A_5, %broadcast_in_dim3A_1, %broadcast_in_dim3A_3 : vector<16xi1>, vector<16xf32>
    %eq3A_6 = arith.constant 1 : i32
    %eq3A_7 = vector.broadcast %eq3A_6 : i32 to vector<16xi32>
    %eq3A_8 = arith.cmpi eq, %iota3A, %eq3A_7 : vector<16xi32>
    %select_n3A_9 = arith.select %eq3A_8, %broadcast_in_dim3A_1, %broadcast_in_dim3A_3 : vector<16xi1>, vector<16xf32>
    %scan3A = arith.constant 0 : i32
    %scan3A_10 = arith.constant 128 : i32
    %scan3A_11 = arith.addi %scan3A, %scan3A_10 : i32
    %scan3A_12 = arith.constant 1 : i32
    scf.for %scan3A_38 = %scan3A to %scan3A_11 step %scan3A_12  : i32 {
      %mul3A_39 = arith.constant 1 : i32
      %mul3A_40 = arith.muli %scan3A_38, %mul3A_39 : i32
      %add3A_41 = arith.constant 0 : i32
      %add3A_42 = arith.addi %add3A_41, %mul3A_40 : i32
      %scan3A_43 = arith.constant 0 : i32
      %scan3A_44 = arith.constant 8 : i32
      %scan3A_45 = arith.addi %scan3A_43, %scan3A_44 : i32
      %scan3A_46 = arith.constant 1 : i32
      scf.for %scan3A_48 = %scan3A_43 to %scan3A_45 step %scan3A_46  : i32 {
        %mul3A_49 = arith.constant 1 : i32
        %mul3A_50 = arith.muli %scan3A_48, %mul3A_49 : i32
        %add3A_51 = arith.constant 0 : i32
        %add3A_52 = arith.addi %add3A_51, %mul3A_50 : i32
        %mul3A_53 = arith.constant 16 : i32
        %mul3A_54 = arith.muli %add3A_52, %mul3A_53 : i32
        %swap3A = arith.index_cast %add3A_42 : i32 to index
        %swap3A_55 = arith.index_cast %mul3A_54 : i32 to index
        %swap3A_56 = tpu.vector_load %arg7[%swap3A, %swap3A_55] {strides = array<i32>} : memref<128x128xf32, #tpu.memory_space<vmem>>, vector<1x16xf32>,
        %swap3A_57 = vector.shape_cast %swap3A_56 : vector<1x16xf32> to vector<16xf32>
        %swap3A_58 = vector.shape_cast %broadcast_in_dim3A_3 : vector<16xf32> to vector<1x16xf32>
        tpu.vector_store %arg7[%swap3A, %swap3A_55], %swap3A_58 {strides = array<i32>} : memref<128x128xf32, #tpu.memory_space<vmem>>, vector<1x16xf32>,
        %mul3A_59 = arith.constant 16 : i32
        %mul3A_60 = arith.muli %add3A_52, %mul3A_59 : i32
        %swap3A_61 = arith.index_cast %add3A_42 : i32 to index
        %swap3A_62 = arith.index_cast %mul3A_60 : i32 to index
        %swap3A_63 = tpu.vector_load %arg8[%swap3A_61, %swap3A_62] {strides = array<i32>} : memref<128x128xf32, #tpu.memory_space<vmem>>, vector<1x16xf32>,
        %swap3A_64 = vector.shape_cast %swap3A_63 : vector<1x16xf32> to vector<16xf32>
        %swap3A_65 = vector.shape_cast %broadcast_in_dim3A_3 : vector<16xf32> to vector<1x16xf32>
        tpu.vector_store %arg8[%swap3A_61, %swap3A_62], %swap3A_65 {strides = array<i32>} : memref<128x128xf32, #tpu.memory_space<vmem>>, vector<1x16xf32>,
      }
      %scan3A_47 = arith.constant 8 : i32
    }
    %scan3A_13 = arith.constant 128 : i32
    %scan3A_14 = arith.constant 0 : i32
    %scan3A_15 = arith.constant 5 : i32
    %scan3A_16 = arith.addi %scan3A_14, %scan3A_15 : i32
    %scan3A_17 = arith.constant 1 : i32
    scf.for %scan3A_38 = %scan3A_14 to %scan3A_16 step %scan3A_17  : i32 {
      %mul3A_39 = arith.constant 1 : i32
      %mul3A_40 = arith.muli %scan3A_38, %mul3A_39 : i32
      %add3A_41 = arith.constant 0 : i32
      %add3A_42 = arith.addi %add3A_41, %mul3A_40 : i32
      %mul3A_43 = arith.constant 640 : i32
      %mul3A_44 = arith.muli %arg1, %mul3A_43 : i32
      %mul3A_45 = arith.constant 128 : i32
      %mul3A_46 = arith.muli %add3A_42, %mul3A_45 : i32
      %add3A_47 = arith.addi %mul3A_44, %mul3A_46 : i32
      "tpu.region"() ({
        %run_scoped3A = tpu.sem_alloc : memref<!tpu.dma_semaphore, #tpu.memory_space<semaphore_mem>>
        %dma_start3A = arith.constant 0 : i32
        %dma_start3A_48 = tpu.memref_slice %arg10[%add3A_47, %dma_start3A] : memref<10240x128xf32, #tpu.memory_space<vmem_shared>> -> memref<128x128xf32, #tpu.memory_space<vmem_shared>>
        %dma_start3A_49 = arith.constant 0 : i32
        %dma_start3A_50 = tpu.memref_slice %arg10[%add3A_47, %dma_start3A_49] : memref<10240x128xf32, #tpu.memory_space<vmem_shared>> -> memref<128x128xf32, #tpu.memory_space<vmem_shared>>
        tpu.enqueue_dma source(%arg7 : memref<128x128xf32, #tpu.memory_space<vmem>>) target(%dma_start3A_50 : memref<128x128xf32, #tpu.memory_space<vmem_shared>>) target_semaphore(%run_scoped3A : memref<!tpu.dma_semaphore, #tpu.memory_space<semaphore_mem>>)
        %dma_wait3A = arith.constant 0 : i32
        %dma_wait3A_51 = tpu.memref_slice %arg10[%add3A_47, %dma_wait3A] : memref<10240x128xf32, #tpu.memory_space<vmem_shared>> -> memref<128x128xf32, #tpu.memory_space<vmem_shared>>
        %dma_wait3A_52 = arith.constant 0 : i32
        %dma_wait3A_53 = tpu.memref_slice %arg10[%add3A_47, %dma_wait3A_52] : memref<10240x128xf32, #tpu.memory_space<vmem_shared>> -> memref<128x128xf32, #tpu.memory_space<vmem_shared>>
        tpu.wait_dma2 semaphore(%run_scoped3A : memref<!tpu.dma_semaphore, #tpu.memory_space<semaphore_mem>>) src(%arg7 : memref<128x128xf32, #tpu.memory_space<vmem>>) dst(%dma_wait3A_53 : memref<128x128xf32, #tpu.memory_space<vmem_shared>>)
        tpu.yield
      }) : () -> ()
    }
    %scan3A_18 = arith.constant 5 : i32
    %scan3A_19 = arith.constant 0 : i32
    %scan3A_20 = arith.constant 128 : i32
    %scan3A_21 = arith.addi %scan3A_19, %scan3A_20 : i32
    %scan3A_22 = arith.constant 1 : i32
    scf.for %scan3A_38 = %scan3A_19 to %scan3A_21 step %scan3A_22  : i32 {
      %mul3A_39 = arith.constant 1 : i32
      %mul3A_40 = arith.muli %scan3A_38, %mul3A_39 : i32
      %add3A_41 = arith.constant 0 : i32
      %add3A_42 = arith.addi %add3A_41, %mul3A_40 : i32
      %swap3A = arith.index_cast %add3A_42 : i32 to index
      %swap3A_43 = arith.constant 0 : index
      %swap3A_44 = tpu.vector_load %arg7[%swap3A, %swap3A_43] {strides = array<i32>} : memref<128x128xf32, #tpu.memory_space<vmem>>, vector<1x16xf32>,
      %swap3A_45 = vector.shape_cast %swap3A_44 : vector<1x16xf32> to vector<16xf32>
      %swap3A_46 = vector.shape_cast %select_n3A : vector<16xf32> to vector<1x16xf32>
      tpu.vector_store %arg7[%swap3A, %swap3A_43], %swap3A_46 {strides = array<i32>} : memref<128x128xf32, #tpu.memory_space<vmem>>, vector<1x16xf32>,
      %swap3A_47 = arith.index_cast %add3A_42 : i32 to index
      %swap3A_48 = arith.constant 0 : index
      %swap3A_49 = tpu.vector_load %arg8[%swap3A_47, %swap3A_48] {strides = array<i32>} : memref<128x128xf32, #tpu.memory_space<vmem>>, vector<1x16xf32>,
      %swap3A_50 = vector.shape_cast %swap3A_49 : vector<1x16xf32> to vector<16xf32>
      %swap3A_51 = vector.shape_cast %select_n3A_9 : vector<16xf32> to vector<1x16xf32>
      tpu.vector_store %arg8[%swap3A_47, %swap3A_48], %swap3A_51 {strides = array<i32>} : memref<128x128xf32, #tpu.memory_space<vmem>>, vector<1x16xf32>,
    }
    %scan3A_23 = arith.constant 128 : i32
    %barrier3A = arith.constant 0 : index
    tpu.barrier barrier_id(%barrier3A)
    %scan3A_24 = arith.constant 0 : i32
    %scan3A_25 = arith.constant 2 : i32
    %scan3A_26 = arith.addi %scan3A_24, %scan3A_25 : i32
    %scan3A_27 = arith.constant 1 : i32
    scf.for %scan3A_38 = %scan3A_24 to %scan3A_26 step %scan3A_27  : i32 {
      %mul3A_39 = arith.constant 1 : i32
      %mul3A_40 = arith.muli %scan3A_38, %mul3A_39 : i32
      %add3A_41 = arith.constant 0 : i32
      %add3A_42 = arith.addi %add3A_41, %mul3A_40 : i32
      %mul3A_43 = arith.constant 80 : i32
      %mul3A_44 = arith.muli %add3A, %mul3A_43 : i32
      %mul3A_45 = arith.constant 40 : i32
      %mul3A_46 = arith.muli %add3A_42, %mul3A_45 : i32
      %add3A_47 = arith.addi %mul3A_44, %mul3A_46 : i32
      "tpu.region"() ({
        %run_scoped3A = tpu.sem_alloc : memref<!tpu.dma_semaphore, #tpu.memory_space<semaphore_mem>>
        %dma_start3A_82 = arith.constant 0 : i32
        %dma_start3A_83 = tpu.memref_slice %arg2[%add3A_47, %dma_start3A_82] : memref<2560x128xi32, #tpu.memory_space<hbm>> -> memref<40x128xi32, #tpu.memory_space<hbm>>
        %dma_start3A_84 = arith.constant 0 : i32
        %dma_start3A_85 = tpu.memref_slice %arg2[%add3A_47, %dma_start3A_84] : memref<2560x128xi32, #tpu.memory_space<hbm>> -> memref<40x128xi32, #tpu.memory_space<hbm>>
        tpu.enqueue_dma source(%dma_start3A_85 : memref<40x128xi32, #tpu.memory_space<hbm>>) target(%arg5 : memref<40x128xi32, #tpu.memory_space<vmem>>) target_semaphore(%run_scoped3A : memref<!tpu.dma_semaphore, #tpu.memory_space<semaphore_mem>>)
        %dma_wait3A_86 = arith.constant 0 : i32
        %dma_wait3A_87 = tpu.memref_slice %arg2[%add3A_47, %dma_wait3A_86] : memref<2560x128xi32, #tpu.memory_space<hbm>> -> memref<40x128xi32, #tpu.memory_space<hbm>>
        %dma_wait3A_88 = arith.constant 0 : i32
        %dma_wait3A_89 = tpu.memref_slice %arg2[%add3A_47, %dma_wait3A_88] : memref<2560x128xi32, #tpu.memory_space<hbm>> -> memref<40x128xi32, #tpu.memory_space<hbm>>
        tpu.wait_dma2 semaphore(%run_scoped3A : memref<!tpu.dma_semaphore, #tpu.memory_space<semaphore_mem>>) src(%dma_wait3A_89 : memref<40x128xi32, #tpu.memory_space<hbm>>) dst(%arg5 : memref<40x128xi32, #tpu.memory_space<vmem>>)
        tpu.yield
      }) : () -> ()
      %mul3A_48 = arith.constant 80 : i32
      %mul3A_49 = arith.muli %add3A, %mul3A_48 : i32
      %mul3A_50 = arith.constant 40 : i32
      %mul3A_51 = arith.muli %add3A_42, %mul3A_50 : i32
      %add3A_52 = arith.addi %mul3A_49, %mul3A_51 : i32
      "tpu.region"() ({
        %run_scoped3A = tpu.sem_alloc : memref<!tpu.dma_semaphore, #tpu.memory_space<semaphore_mem>>
        %dma_start3A_82 = arith.constant 0 : i32
        %dma_start3A_83 = tpu.memref_slice %arg3[%add3A_52, %dma_start3A_82] : memref<2560x128xi32, #tpu.memory_space<hbm>> -> memref<40x128xi32, #tpu.memory_space<hbm>>
        %dma_start3A_84 = arith.constant 0 : i32
        %dma_start3A_85 = tpu.memref_slice %arg3[%add3A_52, %dma_start3A_84] : memref<2560x128xi32, #tpu.memory_space<hbm>> -> memref<40x128xi32, #tpu.memory_space<hbm>>
        tpu.enqueue_dma source(%dma_start3A_85 : memref<40x128xi32, #tpu.memory_space<hbm>>) target(%arg6 : memref<40x128xi32, #tpu.memory_space<vmem>>) target_semaphore(%run_scoped3A : memref<!tpu.dma_semaphore, #tpu.memory_space<semaphore_mem>>)
        %dma_wait3A_86 = arith.constant 0 : i32
        %dma_wait3A_87 = tpu.memref_slice %arg3[%add3A_52, %dma_wait3A_86] : memref<2560x128xi32, #tpu.memory_space<hbm>> -> memref<40x128xi32, #tpu.memory_space<hbm>>
        %dma_wait3A_88 = arith.constant 0 : i32
        %dma_wait3A_89 = tpu.memref_slice %arg3[%add3A_52, %dma_wait3A_88] : memref<2560x128xi32, #tpu.memory_space<hbm>> -> memref<40x128xi32, #tpu.memory_space<hbm>>
        tpu.wait_dma2 semaphore(%run_scoped3A : memref<!tpu.dma_semaphore, #tpu.memory_space<semaphore_mem>>) src(%dma_wait3A_89 : memref<40x128xi32, #tpu.memory_space<hbm>>) dst(%arg6 : memref<40x128xi32, #tpu.memory_space<vmem>>)
        tpu.yield
      }) : () -> ()
      %dma_start3A = arith.constant 0 : i32
      %dma_start3A_53 = arith.constant 0 : i32
      %dma_start3A_54 = tpu.memref_slice %arg5[%dma_start3A, %dma_start3A_53] : memref<40x128xi32, #tpu.memory_space<vmem>> -> memref<1x128xi32, #tpu.memory_space<vmem>>
      %dma_start3A_55 = tpu.memref_squeeze %dma_start3A_54 : memref<1x128xi32, #tpu.memory_space<vmem>> -> memref<128xi32, #tpu.memory_space<vmem>>
      %dma_start3A_56 = arith.constant 0 : i32
      %dma_start3A_57 = arith.constant 0 : i32
      %dma_start3A_58 = tpu.memref_slice %arg10[%dma_start3A_56, %dma_start3A_57] : memref<10240x128xf32, #tpu.memory_space<vmem_shared>> -> memref<10240x128xf32, #tpu.memory_space<vmem_shared>>
      tpu.enqueue_indirect_dma source(%arg7 : memref<128x128xf32, #tpu.memory_space<vmem>>) target(%dma_start3A_58 : memref<10240x128xf32, #tpu.memory_space<vmem_shared>>) offsets(%dma_start3A_55 : memref<128xi32, #tpu.memory_space<vmem>>) semaphore(%arg9 : memref<!tpu.dma_semaphore, #tpu.memory_space<semaphore_mem>>) {add = true}
      %dma_start3A_59 = arith.constant 0 : i32
      %dma_start3A_60 = arith.constant 0 : i32
      %dma_start3A_61 = tpu.memref_slice %arg6[%dma_start3A_59, %dma_start3A_60] : memref<40x128xi32, #tpu.memory_space<vmem>> -> memref<1x128xi32, #tpu.memory_space<vmem>>
      %dma_start3A_62 = tpu.memref_squeeze %dma_start3A_61 : memref<1x128xi32, #tpu.memory_space<vmem>> -> memref<128xi32, #tpu.memory_space<vmem>>
      %dma_start3A_63 = arith.constant 0 : i32
      %dma_start3A_64 = arith.constant 0 : i32
      %dma_start3A_65 = tpu.memref_slice %arg10[%dma_start3A_63, %dma_start3A_64] : memref<10240x128xf32, #tpu.memory_space<vmem_shared>> -> memref<10240x128xf32, #tpu.memory_space<vmem_shared>>
      tpu.enqueue_indirect_dma source(%arg8 : memref<128x128xf32, #tpu.memory_space<vmem>>) target(%dma_start3A_65 : memref<10240x128xf32, #tpu.memory_space<vmem_shared>>) offsets(%dma_start3A_62 : memref<128xi32, #tpu.memory_space<vmem>>) semaphore(%arg9 : memref<!tpu.dma_semaphore, #tpu.memory_space<semaphore_mem>>) {add = true}
      %scan3A_66 = arith.constant 0 : i32
      %scan3A_67 = arith.constant 39 : i32
      %scan3A_68 = arith.addi %scan3A_66, %scan3A_67 : i32
      %scan3A_69 = arith.constant 1 : i32
      scf.for %scan3A_82 = %scan3A_66 to %scan3A_68 step %scan3A_69  : i32 {
        %mul3A_83 = arith.constant 1 : i32
        %mul3A_84 = arith.muli %scan3A_82, %mul3A_83 : i32
        %add3A_85 = arith.constant 1 : i32
        %add3A_86 = arith.addi %add3A_85, %mul3A_84 : i32
        %dma_start3A_87 = arith.constant 0 : i32
        %dma_start3A_88 = tpu.memref_slice %arg5[%add3A_86, %dma_start3A_87] : memref<40x128xi32, #tpu.memory_space<vmem>> -> memref<1x128xi32, #tpu.memory_space<vmem>>
        %dma_start3A_89 = tpu.memref_squeeze %dma_start3A_88 : memref<1x128xi32, #tpu.memory_space<vmem>> -> memref<128xi32, #tpu.memory_space<vmem>>
        %dma_start3A_90 = arith.constant 0 : i32
        %dma_start3A_91 = arith.constant 0 : i32
        %dma_start3A_92 = tpu.memref_slice %arg10[%dma_start3A_90, %dma_start3A_91] : memref<10240x128xf32, #tpu.memory_space<vmem_shared>> -> memref<10240x128xf32, #tpu.memory_space<vmem_shared>>
        tpu.enqueue_indirect_dma source(%arg7 : memref<128x128xf32, #tpu.memory_space<vmem>>) target(%dma_start3A_92 : memref<10240x128xf32, #tpu.memory_space<vmem_shared>>) offsets(%dma_start3A_89 : memref<128xi32, #tpu.memory_space<vmem>>) semaphore(%arg9 : memref<!tpu.dma_semaphore, #tpu.memory_space<semaphore_mem>>) {add = true}
        %dma_start3A_93 = arith.constant 0 : i32
        %dma_start3A_94 = tpu.memref_slice %arg6[%add3A_86, %dma_start3A_93] : memref<40x128xi32, #tpu.memory_space<vmem>> -> memref<1x128xi32, #tpu.memory_space<vmem>>
        %dma_start3A_95 = tpu.memref_squeeze %dma_start3A_94 : memref<1x128xi32, #tpu.memory_space<vmem>> -> memref<128xi32, #tpu.memory_space<vmem>>
        %dma_start3A_96 = arith.constant 0 : i32
        %dma_start3A_97 = arith.constant 0 : i32
        %dma_start3A_98 = tpu.memref_slice %arg10[%dma_start3A_96, %dma_start3A_97] : memref<10240x128xf32, #tpu.memory_space<vmem_shared>> -> memref<10240x128xf32, #tpu.memory_space<vmem_shared>>
        tpu.enqueue_indirect_dma source(%arg8 : memref<128x128xf32, #tpu.memory_space<vmem>>) target(%dma_start3A_98 : memref<10240x128xf32, #tpu.memory_space<vmem_shared>>) offsets(%dma_start3A_95 : memref<128xi32, #tpu.memory_space<vmem>>) semaphore(%arg9 : memref<!tpu.dma_semaphore, #tpu.memory_space<semaphore_mem>>) {add = true}
        %dma_wait3A_99 = arith.constant 0 : i32
        %dma_wait3A_100 = arith.constant 0 : i32
        %dma_wait3A_101 = tpu.memref_slice %arg10[%dma_wait3A_99, %dma_wait3A_100] : memref<10240x128xf32, #tpu.memory_space<vmem_shared>> -> memref<128x128xf32, #tpu.memory_space<vmem_shared>>
        %dma_wait3A_102 = arith.constant 0 : i32
        %dma_wait3A_103 = arith.constant 0 : i32
        %dma_wait3A_104 = tpu.memref_slice %arg10[%dma_wait3A_102, %dma_wait3A_103] : memref<10240x128xf32, #tpu.memory_space<vmem_shared>> -> memref<128x128xf32, #tpu.memory_space<vmem_shared>>
        tpu.wait_dma2 semaphore(%arg9 : memref<!tpu.dma_semaphore, #tpu.memory_space<semaphore_mem>>) src(%arg7 : memref<128x128xf32, #tpu.memory_space<vmem>>) dst(%dma_wait3A_104 : memref<128x128xf32, #tpu.memory_space<vmem_shared>>)
        %dma_wait3A_105 = arith.constant 0 : i32
        %dma_wait3A_106 = arith.constant 0 : i32
        %dma_wait3A_107 = tpu.memref_slice %arg10[%dma_wait3A_105, %dma_wait3A_106] : memref<10240x128xf32, #tpu.memory_space<vmem_shared>> -> memref<128x128xf32, #tpu.memory_space<vmem_shared>>
        %dma_wait3A_108 = arith.constant 0 : i32
        %dma_wait3A_109 = arith.constant 0 : i32
        %dma_wait3A_110 = tpu.memref_slice %arg10[%dma_wait3A_108, %dma_wait3A_109] : memref<10240x128xf32, #tpu.memory_space<vmem_shared>> -> memref<128x128xf32, #tpu.memory_space<vmem_shared>>
        tpu.wait_dma2 semaphore(%arg9 : memref<!tpu.dma_semaphore, #tpu.memory_space<semaphore_mem>>) src(%arg8 : memref<128x128xf32, #tpu.memory_space<vmem>>) dst(%dma_wait3A_110 : memref<128x128xf32, #tpu.memory_space<vmem_shared>>)
      }
      %scan3A_70 = arith.constant 39 : i32
      %dma_wait3A = arith.constant 0 : i32
      %dma_wait3A_71 = arith.constant 0 : i32
      %dma_wait3A_72 = tpu.memref_slice %arg10[%dma_wait3A, %dma_wait3A_71] : memref<10240x128xf32, #tpu.memory_space<vmem_shared>> -> memref<128x128xf32, #tpu.memory_space<vmem_shared>>
      %dma_wait3A_73 = arith.constant 0 : i32
      %dma_wait3A_74 = arith.constant 0 : i32
      %dma_wait3A_75 = tpu.memref_slice %arg10[%dma_wait3A_73, %dma_wait3A_74] : memref<10240x128xf32, #tpu.memory_space<vmem_shared>> -> memref<128x128xf32, #tpu.memory_space<vmem_shared>>
      tpu.wait_dma2 semaphore(%arg9 : memref<!tpu.dma_semaphore, #tpu.memory_space<semaphore_mem>>) src(%arg7 : memref<128x128xf32, #tpu.memory_space<vmem>>) dst(%dma_wait3A_75 : memref<128x128xf32, #tpu.memory_space<vmem_shared>>)
      %dma_wait3A_76 = arith.constant 0 : i32
      %dma_wait3A_77 = arith.constant 0 : i32
      %dma_wait3A_78 = tpu.memref_slice %arg10[%dma_wait3A_76, %dma_wait3A_77] : memref<10240x128xf32, #tpu.memory_space<vmem_shared>> -> memref<128x128xf32, #tpu.memory_space<vmem_shared>>
      %dma_wait3A_79 = arith.constant 0 : i32
      %dma_wait3A_80 = arith.constant 0 : i32
      %dma_wait3A_81 = tpu.memref_slice %arg10[%dma_wait3A_79, %dma_wait3A_80] : memref<10240x128xf32, #tpu.memory_space<vmem_shared>> -> memref<128x128xf32, #tpu.memory_space<vmem_shared>>
      tpu.wait_dma2 semaphore(%arg9 : memref<!tpu.dma_semaphore, #tpu.memory_space<semaphore_mem>>) src(%arg8 : memref<128x128xf32, #tpu.memory_space<vmem>>) dst(%dma_wait3A_81 : memref<128x128xf32, #tpu.memory_space<vmem_shared>>)
    }
    %scan3A_28 = arith.constant 2 : i32
    %barrier3A_29 = arith.constant 0 : index
    tpu.barrier barrier_id(%barrier3A_29)
    %eq3A_30 = arith.constant 0 : i32
    %eq3A_31 = arith.cmpi eq, %arg0, %eq3A_30 : i32
    %convert_element_type3A = arith.extui %eq3A_31 : i1 to i32
    %cond3A = arith.constant 0 : i32
    %cond3A_32 = arith.cmpi ne, %convert_element_type3A, %cond3A : i32
    scf.if %cond3A_32 {
      %mul3A_38 = arith.constant 640 : i32
      %mul3A_39 = arith.muli %arg1, %mul3A_38 : i32
      %mul3A_40 = arith.constant 640 : i32
      %mul3A_41 = arith.muli %arg1, %mul3A_40 : i32
      %run_scoped3A = arith.constant 0 : i32
      "tpu.region"() ({
        %run_scoped3A_42 = tpu.sem_alloc : memref<!tpu.dma_semaphore, #tpu.memory_space<semaphore_mem>>
        %dma_start3A = arith.constant 0 : i32
        %dma_start3A_43 = arith.constant 0 : i32
        %dma_start3A_44 = tpu.memref_slice %arg4[%run_scoped3A, %dma_start3A, %dma_start3A_43] : memref<2x10240x128xf32, #tpu.memory_space<hbm>> -> memref<1x10240x128xf32, #tpu.memory_space<hbm>>
        %dma_start3A_45 = tpu.memref_squeeze %dma_start3A_44 : memref<1x10240x128xf32, #tpu.memory_space<hbm>> -> memref<10240x128xf32, #tpu.memory_space<hbm>>
        %dma_start3A_46 = arith.constant 0 : i32
        %dma_start3A_47 = tpu.memref_slice %dma_start3A_45[%mul3A_41, %dma_start3A_46] : memref<10240x128xf32, #tpu.memory_space<hbm>> -> memref<640x128xf32, #tpu.memory_space<hbm>>
        %dma_start3A_48 = arith.constant 0 : i32
        %dma_start3A_49 = tpu.memref_slice %arg10[%mul3A_39, %dma_start3A_48] : memref<10240x128xf32, #tpu.memory_space<vmem_shared>> -> memref<640x128xf32, #tpu.memory_space<vmem_shared>>
        tpu.enqueue_dma source(%dma_start3A_49 : memref<640x128xf32, #tpu.memory_space<vmem_shared>>) target(%dma_start3A_47 : memref<640x128xf32, #tpu.memory_space<hbm>>) target_semaphore(%run_scoped3A_42 : memref<!tpu.dma_semaphore, #tpu.memory_space<semaphore_mem>>)
        %dma_wait3A = arith.constant 0 : i32
        %dma_wait3A_50 = arith.constant 0 : i32
        %dma_wait3A_51 = tpu.memref_slice %arg4[%run_scoped3A, %dma_wait3A, %dma_wait3A_50] : memref<2x10240x128xf32, #tpu.memory_space<hbm>> -> memref<1x10240x128xf32, #tpu.memory_space<hbm>>
        %dma_wait3A_52 = tpu.memref_squeeze %dma_wait3A_51 : memref<1x10240x128xf32, #tpu.memory_space<hbm>> -> memref<10240x128xf32, #tpu.memory_space<hbm>>
        %dma_wait3A_53 = arith.constant 0 : i32
        %dma_wait3A_54 = tpu.memref_slice %dma_wait3A_52[%mul3A_41, %dma_wait3A_53] : memref<10240x128xf32, #tpu.memory_space<hbm>> -> memref<640x128xf32, #tpu.memory_space<hbm>>
        %dma_wait3A_55 = arith.constant 0 : i32
        %dma_wait3A_56 = tpu.memref_slice %arg10[%mul3A_39, %dma_wait3A_55] : memref<10240x128xf32, #tpu.memory_space<vmem_shared>> -> memref<640x128xf32, #tpu.memory_space<vmem_shared>>
        tpu.wait_dma2 semaphore(%run_scoped3A_42 : memref<!tpu.dma_semaphore, #tpu.memory_space<semaphore_mem>>) src(%dma_wait3A_56 : memref<640x128xf32, #tpu.memory_space<vmem_shared>>) dst(%dma_wait3A_54 : memref<640x128xf32, #tpu.memory_space<hbm>>)
        tpu.yield
      }) : () -> ()
    } else {
    }
    %eq3A_33 = arith.constant 1 : i32
    %eq3A_34 = arith.cmpi eq, %arg0, %eq3A_33 : i32
    %convert_element_type3A_35 = arith.extui %eq3A_34 : i1 to i32
    %cond3A_36 = arith.constant 0 : i32
    %cond3A_37 = arith.cmpi ne, %convert_element_type3A_35, %cond3A_36 : i32
    scf.if %cond3A_37 {
      %mul3A_38 = arith.constant 640 : i32
      %mul3A_39 = arith.muli %arg1, %mul3A_38 : i32
      %mul3A_40 = arith.constant 640 : i32
      %mul3A_41 = arith.muli %arg1, %mul3A_40 : i32
      %run_scoped3A = arith.constant 1 : i32
      "tpu.region"() ({
        %run_scoped3A_42 = tpu.sem_alloc : memref<!tpu.dma_semaphore, #tpu.memory_space<semaphore_mem>>
        %dma_start3A = arith.constant 0 : i32
        %dma_start3A_43 = arith.constant 0 : i32
        %dma_start3A_44 = tpu.memref_slice %arg4[%run_scoped3A, %dma_start3A, %dma_start3A_43] : memref<2x10240x128xf32, #tpu.memory_space<hbm>> -> memref<1x10240x128xf32, #tpu.memory_space<hbm>>
        %dma_start3A_45 = tpu.memref_squeeze %dma_start3A_44 : memref<1x10240x128xf32, #tpu.memory_space<hbm>> -> memref<10240x128xf32, #tpu.memory_space<hbm>>
        %dma_start3A_46 = arith.constant 0 : i32
        %dma_start3A_47 = tpu.memref_slice %dma_start3A_45[%mul3A_41, %dma_start3A_46] : memref<10240x128xf32, #tpu.memory_space<hbm>> -> memref<640x128xf32, #tpu.memory_space<hbm>>
        %dma_start3A_48 = arith.constant 0 : i32
        %dma_start3A_49 = tpu.memref_slice %arg10[%mul3A_39, %dma_start3A_48] : memref<10240x128xf32, #tpu.memory_space<vmem_shared>> -> memref<640x128xf32, #tpu.memory_space<vmem_shared>>
        tpu.enqueue_dma source(%dma_start3A_49 : memref<640x128xf32, #tpu.memory_space<vmem_shared>>) target(%dma_start3A_47 : memref<640x128xf32, #tpu.memory_space<hbm>>) target_semaphore(%run_scoped3A_42 : memref<!tpu.dma_semaphore, #tpu.memory_space<semaphore_mem>>)
        %dma_wait3A = arith.constant 0 : i32
        %dma_wait3A_50 = arith.constant 0 : i32
        %dma_wait3A_51 = tpu.memref_slice %arg4[%run_scoped3A, %dma_wait3A, %dma_wait3A_50] : memref<2x10240x128xf32, #tpu.memory_space<hbm>> -> memref<1x10240x128xf32, #tpu.memory_space<hbm>>
        %dma_wait3A_52 = tpu.memref_squeeze %dma_wait3A_51 : memref<1x10240x128xf32, #tpu.memory_space<hbm>> -> memref<10240x128xf32, #tpu.memory_space<hbm>>
        %dma_wait3A_53 = arith.constant 0 : i32
        %dma_wait3A_54 = tpu.memref_slice %dma_wait3A_52[%mul3A_41, %dma_wait3A_53] : memref<10240x128xf32, #tpu.memory_space<hbm>> -> memref<640x128xf32, #tpu.memory_space<hbm>>
        %dma_wait3A_55 = arith.constant 0 : i32
        %dma_wait3A_56 = tpu.memref_slice %arg10[%mul3A_39, %dma_wait3A_55] : memref<10240x128xf32, #tpu.memory_space<vmem_shared>> -> memref<640x128xf32, #tpu.memory_space<vmem_shared>>
        tpu.wait_dma2 semaphore(%run_scoped3A_42 : memref<!tpu.dma_semaphore, #tpu.memory_space<semaphore_mem>>) src(%dma_wait3A_56 : memref<640x128xf32, #tpu.memory_space<vmem_shared>>) dst(%dma_wait3A_54 : memref<640x128xf32, #tpu.memory_space<hbm>>)
        tpu.yield
      }) : () -> ()
    } else {
    }
    return
  }
}

#map = affine_map<(d0, d1) -> (0, 0)>
#map1 = affine_map<(d0, d1) -> (0, 0, 0)>
module attributes {stable_mosaic.version = 14 : i64} {
  func.func @_sc_aggregate(%arg0: i32, %arg1: i32, %arg2: memref<10240x128xf32, #tpu.memory_space<hbm>>, %arg3: memref<2560x128xi32, #tpu.memory_space<hbm>>, %arg4: memref<2560x128xi32, #tpu.memory_space<hbm>>, %arg5: memref<2x10240x128xf32, #tpu.memory_space<hbm>>, %arg6: memref<40x128xi32, #tpu.memory_space<vmem>>, %arg7: memref<40x128xi32, #tpu.memory_space<vmem>>, %arg8: memref<128x128xf32, #tpu.memory_space<vmem>>, %arg9: memref<128x128xf32, #tpu.memory_space<vmem>>, %arg10: memref<!tpu.dma_semaphore, #tpu.memory_space<semaphore_mem>>, %arg11: memref<!tpu.dma_semaphore, #tpu.memory_space<semaphore_mem>>, %arg12: memref<10240x128xf32, #tpu.memory_space<vmem_shared>>) attributes {dimension_semantics = [#tpu.dimension_semantics<core_parallel>, #tpu.dimension_semantics<subcore_parallel>], iteration_bounds = array<i64: 2, 16>, scalar_prefetch = 0 : i64, scratch_operands = 7 : i64, tpu.core_type = #tpu.core_type<sc_vector_subcore>, window_params = [{transform_indices = #map}, {transform_indices = #map}, {transform_indices = #map}, {transform_indices = #map1}]} {
    %mul3A = arith.constant 16 : i32
    %mul3A_0 = arith.muli %arg0, %mul3A : i32
    %add3A = arith.addi %mul3A_0, %arg1 : i32
    %broadcast_in_dim3A = arith.constant 0.000000e+00 : f32
    %broadcast_in_dim3A_1 = vector.broadcast %broadcast_in_dim3A : f32 to vector<16xf32>
    %scan3A = arith.constant 0 : i32
    %scan3A_2 = arith.constant 128 : i32
    %scan3A_3 = arith.addi %scan3A, %scan3A_2 : i32
    %scan3A_4 = arith.constant 1 : i32
    scf.for %scan3A_24 = %scan3A to %scan3A_3 step %scan3A_4  : i32 {
      %mul3A_25 = arith.constant 1 : i32
      %mul3A_26 = arith.muli %scan3A_24, %mul3A_25 : i32
      %add3A_27 = arith.constant 0 : i32
      %add3A_28 = arith.addi %add3A_27, %mul3A_26 : i32
      %scan3A_29 = arith.constant 0 : i32
      %scan3A_30 = arith.constant 8 : i32
      %scan3A_31 = arith.addi %scan3A_29, %scan3A_30 : i32
      %scan3A_32 = arith.constant 1 : i32
      scf.for %scan3A_34 = %scan3A_29 to %scan3A_31 step %scan3A_32  : i32 {
        %mul3A_35 = arith.constant 1 : i32
        %mul3A_36 = arith.muli %scan3A_34, %mul3A_35 : i32
        %add3A_37 = arith.constant 0 : i32
        %add3A_38 = arith.addi %add3A_37, %mul3A_36 : i32
        %mul3A_39 = arith.constant 16 : i32
        %mul3A_40 = arith.muli %add3A_38, %mul3A_39 : i32
        %swap3A = arith.index_cast %add3A_28 : i32 to index
        %swap3A_41 = arith.index_cast %mul3A_40 : i32 to index
        %swap3A_42 = tpu.vector_load %arg8[%swap3A, %swap3A_41] {strides = array<i32>} : memref<128x128xf32, #tpu.memory_space<vmem>>, vector<1x16xf32>,
        %swap3A_43 = vector.shape_cast %swap3A_42 : vector<1x16xf32> to vector<16xf32>
        %swap3A_44 = vector.shape_cast %broadcast_in_dim3A_1 : vector<16xf32> to vector<1x16xf32>
        tpu.vector_store %arg8[%swap3A, %swap3A_41], %swap3A_44 {strides = array<i32>} : memref<128x128xf32, #tpu.memory_space<vmem>>, vector<1x16xf32>,
      }
      %scan3A_33 = arith.constant 8 : i32
    }
    %scan3A_5 = arith.constant 128 : i32
    %scan3A_6 = arith.constant 0 : i32
    %scan3A_7 = arith.constant 5 : i32
    %scan3A_8 = arith.addi %scan3A_6, %scan3A_7 : i32
    %scan3A_9 = arith.constant 1 : i32
    scf.for %scan3A_24 = %scan3A_6 to %scan3A_8 step %scan3A_9  : i32 {
      %mul3A_25 = arith.constant 1 : i32
      %mul3A_26 = arith.muli %scan3A_24, %mul3A_25 : i32
      %add3A_27 = arith.constant 0 : i32
      %add3A_28 = arith.addi %add3A_27, %mul3A_26 : i32
      %mul3A_29 = arith.constant 640 : i32
      %mul3A_30 = arith.muli %arg1, %mul3A_29 : i32
      %mul3A_31 = arith.constant 128 : i32
      %mul3A_32 = arith.muli %add3A_28, %mul3A_31 : i32
      %add3A_33 = arith.addi %mul3A_30, %mul3A_32 : i32
      "tpu.region"() ({
        %run_scoped3A = tpu.sem_alloc : memref<!tpu.dma_semaphore, #tpu.memory_space<semaphore_mem>>
        %dma_start3A = arith.constant 0 : i32
        %dma_start3A_34 = tpu.memref_slice %arg12[%add3A_33, %dma_start3A] : memref<10240x128xf32, #tpu.memory_space<vmem_shared>> -> memref<128x128xf32, #tpu.memory_space<vmem_shared>>
        %dma_start3A_35 = arith.constant 0 : i32
        %dma_start3A_36 = tpu.memref_slice %arg12[%add3A_33, %dma_start3A_35] : memref<10240x128xf32, #tpu.memory_space<vmem_shared>> -> memref<128x128xf32, #tpu.memory_space<vmem_shared>>
        tpu.enqueue_dma source(%arg8 : memref<128x128xf32, #tpu.memory_space<vmem>>) target(%dma_start3A_36 : memref<128x128xf32, #tpu.memory_space<vmem_shared>>) target_semaphore(%run_scoped3A : memref<!tpu.dma_semaphore, #tpu.memory_space<semaphore_mem>>)
        %dma_wait3A = arith.constant 0 : i32
        %dma_wait3A_37 = tpu.memref_slice %arg12[%add3A_33, %dma_wait3A] : memref<10240x128xf32, #tpu.memory_space<vmem_shared>> -> memref<128x128xf32, #tpu.memory_space<vmem_shared>>
        %dma_wait3A_38 = arith.constant 0 : i32
        %dma_wait3A_39 = tpu.memref_slice %arg12[%add3A_33, %dma_wait3A_38] : memref<10240x128xf32, #tpu.memory_space<vmem_shared>> -> memref<128x128xf32, #tpu.memory_space<vmem_shared>>
        tpu.wait_dma2 semaphore(%run_scoped3A : memref<!tpu.dma_semaphore, #tpu.memory_space<semaphore_mem>>) src(%arg8 : memref<128x128xf32, #tpu.memory_space<vmem>>) dst(%dma_wait3A_39 : memref<128x128xf32, #tpu.memory_space<vmem_shared>>)
        tpu.yield
      }) : () -> ()
    }
    %scan3A_10 = arith.constant 5 : i32
    %barrier3A = arith.constant 0 : index
    tpu.barrier barrier_id(%barrier3A)
    %scan3A_11 = arith.constant 0 : i32
    %scan3A_12 = arith.constant 2 : i32
    %scan3A_13 = arith.addi %scan3A_11, %scan3A_12 : i32
    %scan3A_14 = arith.constant 1 : i32
    scf.for %scan3A_24 = %scan3A_11 to %scan3A_13 step %scan3A_14  : i32 {
      %mul3A_25 = arith.constant 1 : i32
      %mul3A_26 = arith.muli %scan3A_24, %mul3A_25 : i32
      %add3A_27 = arith.constant 0 : i32
      %add3A_28 = arith.addi %add3A_27, %mul3A_26 : i32
      %mul3A_29 = arith.constant 80 : i32
      %mul3A_30 = arith.muli %add3A, %mul3A_29 : i32
      %mul3A_31 = arith.constant 40 : i32
      %mul3A_32 = arith.muli %add3A_28, %mul3A_31 : i32
      %add3A_33 = arith.addi %mul3A_30, %mul3A_32 : i32
      "tpu.region"() ({
        %run_scoped3A = tpu.sem_alloc : memref<!tpu.dma_semaphore, #tpu.memory_space<semaphore_mem>>
        %dma_start3A_50 = arith.constant 0 : i32
        %dma_start3A_51 = tpu.memref_slice %arg3[%add3A_33, %dma_start3A_50] : memref<2560x128xi32, #tpu.memory_space<hbm>> -> memref<40x128xi32, #tpu.memory_space<hbm>>
        %dma_start3A_52 = arith.constant 0 : i32
        %dma_start3A_53 = tpu.memref_slice %arg3[%add3A_33, %dma_start3A_52] : memref<2560x128xi32, #tpu.memory_space<hbm>> -> memref<40x128xi32, #tpu.memory_space<hbm>>
        tpu.enqueue_dma source(%dma_start3A_53 : memref<40x128xi32, #tpu.memory_space<hbm>>) target(%arg6 : memref<40x128xi32, #tpu.memory_space<vmem>>) target_semaphore(%run_scoped3A : memref<!tpu.dma_semaphore, #tpu.memory_space<semaphore_mem>>)
        %dma_wait3A = arith.constant 0 : i32
        %dma_wait3A_54 = tpu.memref_slice %arg3[%add3A_33, %dma_wait3A] : memref<2560x128xi32, #tpu.memory_space<hbm>> -> memref<40x128xi32, #tpu.memory_space<hbm>>
        %dma_wait3A_55 = arith.constant 0 : i32
        %dma_wait3A_56 = tpu.memref_slice %arg3[%add3A_33, %dma_wait3A_55] : memref<2560x128xi32, #tpu.memory_space<hbm>> -> memref<40x128xi32, #tpu.memory_space<hbm>>
        tpu.wait_dma2 semaphore(%run_scoped3A : memref<!tpu.dma_semaphore, #tpu.memory_space<semaphore_mem>>) src(%dma_wait3A_56 : memref<40x128xi32, #tpu.memory_space<hbm>>) dst(%arg6 : memref<40x128xi32, #tpu.memory_space<vmem>>)
        tpu.yield
      }) : () -> ()
      %mul3A_34 = arith.constant 80 : i32
      %mul3A_35 = arith.muli %add3A, %mul3A_34 : i32
      %mul3A_36 = arith.constant 40 : i32
      %mul3A_37 = arith.muli %add3A_28, %mul3A_36 : i32
      %add3A_38 = arith.addi %mul3A_35, %mul3A_37 : i32
      "tpu.region"() ({
        %run_scoped3A = tpu.sem_alloc : memref<!tpu.dma_semaphore, #tpu.memory_space<semaphore_mem>>
        %dma_start3A_50 = arith.constant 0 : i32
        %dma_start3A_51 = tpu.memref_slice %arg4[%add3A_38, %dma_start3A_50] : memref<2560x128xi32, #tpu.memory_space<hbm>> -> memref<40x128xi32, #tpu.memory_space<hbm>>
        %dma_start3A_52 = arith.constant 0 : i32
        %dma_start3A_53 = tpu.memref_slice %arg4[%add3A_38, %dma_start3A_52] : memref<2560x128xi32, #tpu.memory_space<hbm>> -> memref<40x128xi32, #tpu.memory_space<hbm>>
        tpu.enqueue_dma source(%dma_start3A_53 : memref<40x128xi32, #tpu.memory_space<hbm>>) target(%arg7 : memref<40x128xi32, #tpu.memory_space<vmem>>) target_semaphore(%run_scoped3A : memref<!tpu.dma_semaphore, #tpu.memory_space<semaphore_mem>>)
        %dma_wait3A = arith.constant 0 : i32
        %dma_wait3A_54 = tpu.memref_slice %arg4[%add3A_38, %dma_wait3A] : memref<2560x128xi32, #tpu.memory_space<hbm>> -> memref<40x128xi32, #tpu.memory_space<hbm>>
        %dma_wait3A_55 = arith.constant 0 : i32
        %dma_wait3A_56 = tpu.memref_slice %arg4[%add3A_38, %dma_wait3A_55] : memref<2560x128xi32, #tpu.memory_space<hbm>> -> memref<40x128xi32, #tpu.memory_space<hbm>>
        tpu.wait_dma2 semaphore(%run_scoped3A : memref<!tpu.dma_semaphore, #tpu.memory_space<semaphore_mem>>) src(%dma_wait3A_56 : memref<40x128xi32, #tpu.memory_space<hbm>>) dst(%arg7 : memref<40x128xi32, #tpu.memory_space<vmem>>)
        tpu.yield
      }) : () -> ()
      %dma_start3A = arith.constant 0 : i32
      %dma_start3A_39 = arith.constant 0 : i32
      %dma_start3A_40 = tpu.memref_slice %arg6[%dma_start3A, %dma_start3A_39] : memref<40x128xi32, #tpu.memory_space<vmem>> -> memref<1x128xi32, #tpu.memory_space<vmem>>
      %dma_start3A_41 = tpu.memref_squeeze %dma_start3A_40 : memref<1x128xi32, #tpu.memory_space<vmem>> -> memref<128xi32, #tpu.memory_space<vmem>>
      %dma_start3A_42 = arith.constant 0 : i32
      %dma_start3A_43 = arith.constant 0 : i32
      %dma_start3A_44 = tpu.memref_slice %arg2[%dma_start3A_42, %dma_start3A_43] : memref<10240x128xf32, #tpu.memory_space<hbm>> -> memref<10240x128xf32, #tpu.memory_space<hbm>>
      tpu.enqueue_indirect_dma source(%dma_start3A_44 : memref<10240x128xf32, #tpu.memory_space<hbm>>) target(%arg8 : memref<128x128xf32, #tpu.memory_space<vmem>>) offsets(%dma_start3A_41 : memref<128xi32, #tpu.memory_space<vmem>>) semaphore(%arg10 : memref<!tpu.dma_semaphore, #tpu.memory_space<semaphore_mem>>)
      %scan3A_45 = arith.constant 0 : i32
      %scan3A_46 = arith.constant 20 : i32
      %scan3A_47 = arith.addi %scan3A_45, %scan3A_46 : i32
      %scan3A_48 = arith.constant 1 : i32
      scf.for %scan3A_50 = %scan3A_45 to %scan3A_47 step %scan3A_48  : i32 {
        %mul3A_51 = arith.constant 1 : i32
        %mul3A_52 = arith.muli %scan3A_50, %mul3A_51 : i32
        %add3A_53 = arith.constant 0 : i32
        %add3A_54 = arith.addi %add3A_53, %mul3A_52 : i32
        %mul3A_55 = arith.constant 2 : i32
        %mul3A_56 = arith.muli %mul3A_55, %add3A_54 : i32
        %add3A_57 = arith.constant 1 : i32
        %add3A_58 = arith.addi %mul3A_56, %add3A_57 : i32
        %dma_start3A_59 = arith.constant 0 : i32
        %dma_start3A_60 = tpu.memref_slice %arg6[%add3A_58, %dma_start3A_59] : memref<40x128xi32, #tpu.memory_space<vmem>> -> memref<1x128xi32, #tpu.memory_space<vmem>>
        %dma_start3A_61 = tpu.memref_squeeze %dma_start3A_60 : memref<1x128xi32, #tpu.memory_space<vmem>> -> memref<128xi32, #tpu.memory_space<vmem>>
        %dma_start3A_62 = arith.constant 0 : i32
        %dma_start3A_63 = arith.constant 0 : i32
        %dma_start3A_64 = tpu.memref_slice %arg2[%dma_start3A_62, %dma_start3A_63] : memref<10240x128xf32, #tpu.memory_space<hbm>> -> memref<10240x128xf32, #tpu.memory_space<hbm>>
        tpu.enqueue_indirect_dma source(%dma_start3A_64 : memref<10240x128xf32, #tpu.memory_space<hbm>>) target(%arg9 : memref<128x128xf32, #tpu.memory_space<vmem>>) offsets(%dma_start3A_61 : memref<128xi32, #tpu.memory_space<vmem>>) semaphore(%arg11 : memref<!tpu.dma_semaphore, #tpu.memory_space<semaphore_mem>>)
        %dma_wait3A = arith.constant 0 : i32
        %dma_wait3A_65 = arith.constant 0 : i32
        %dma_wait3A_66 = tpu.memref_slice %arg2[%dma_wait3A, %dma_wait3A_65] : memref<10240x128xf32, #tpu.memory_space<hbm>> -> memref<128x128xf32, #tpu.memory_space<hbm>>
        %dma_wait3A_67 = arith.constant 0 : i32
        %dma_wait3A_68 = arith.constant 0 : i32
        %dma_wait3A_69 = tpu.memref_slice %arg2[%dma_wait3A_67, %dma_wait3A_68] : memref<10240x128xf32, #tpu.memory_space<hbm>> -> memref<128x128xf32, #tpu.memory_space<hbm>>
        tpu.wait_dma2 semaphore(%arg10 : memref<!tpu.dma_semaphore, #tpu.memory_space<semaphore_mem>>) src(%dma_wait3A_69 : memref<128x128xf32, #tpu.memory_space<hbm>>) dst(%arg8 : memref<128x128xf32, #tpu.memory_space<vmem>>)
        "tpu.region"() ({
          %run_scoped3A = tpu.sem_alloc : memref<!tpu.dma_semaphore, #tpu.memory_space<semaphore_mem>>
          %dma_start3A_84 = arith.constant 0 : i32
          %dma_start3A_85 = tpu.memref_slice %arg7[%mul3A_56, %dma_start3A_84] : memref<40x128xi32, #tpu.memory_space<vmem>> -> memref<1x128xi32, #tpu.memory_space<vmem>>
          %dma_start3A_86 = tpu.memref_squeeze %dma_start3A_85 : memref<1x128xi32, #tpu.memory_space<vmem>> -> memref<128xi32, #tpu.memory_space<vmem>>
          %dma_start3A_87 = arith.constant 0 : i32
          %dma_start3A_88 = arith.constant 0 : i32
          %dma_start3A_89 = tpu.memref_slice %arg12[%dma_start3A_87, %dma_start3A_88] : memref<10240x128xf32, #tpu.memory_space<vmem_shared>> -> memref<10240x128xf32, #tpu.memory_space<vmem_shared>>
          tpu.enqueue_indirect_dma source(%arg8 : memref<128x128xf32, #tpu.memory_space<vmem>>) target(%dma_start3A_89 : memref<10240x128xf32, #tpu.memory_space<vmem_shared>>) offsets(%dma_start3A_86 : memref<128xi32, #tpu.memory_space<vmem>>) semaphore(%run_scoped3A : memref<!tpu.dma_semaphore, #tpu.memory_space<semaphore_mem>>) {add = true}
          %dma_wait3A_90 = arith.constant 0 : i32
          %dma_wait3A_91 = tpu.memref_slice %arg7[%mul3A_56, %dma_wait3A_90] : memref<40x128xi32, #tpu.memory_space<vmem>> -> memref<1x128xi32, #tpu.memory_space<vmem>>
          %dma_wait3A_92 = tpu.memref_squeeze %dma_wait3A_91 : memref<1x128xi32, #tpu.memory_space<vmem>> -> memref<128xi32, #tpu.memory_space<vmem>>
          %dma_wait3A_93 = arith.constant 0 : i32
          %dma_wait3A_94 = arith.constant 0 : i32
          %dma_wait3A_95 = tpu.memref_slice %arg12[%dma_wait3A_93, %dma_wait3A_94] : memref<10240x128xf32, #tpu.memory_space<vmem_shared>> -> memref<10240x128xf32, #tpu.memory_space<vmem_shared>>
          tpu.wait_indirect_dma semaphore(%run_scoped3A : memref<!tpu.dma_semaphore, #tpu.memory_space<semaphore_mem>>) src(%arg8 : memref<128x128xf32, #tpu.memory_space<vmem>>) dst(%dma_wait3A_95 : memref<10240x128xf32, #tpu.memory_space<vmem_shared>>)
          tpu.yield
        }) : () -> ()
        %add3A_70 = arith.constant 2 : i32
        %add3A_71 = arith.addi %mul3A_56, %add3A_70 : i32
        %lt3A = arith.constant 40 : i32
        %lt3A_72 = arith.cmpi slt, %add3A_71, %lt3A : i32
        %convert_element_type3A_73 = arith.extui %lt3A_72 : i1 to i32
        %cond3A_74 = arith.constant 0 : i32
        %cond3A_75 = arith.cmpi ne, %convert_element_type3A_73, %cond3A_74 : i32
        scf.if %cond3A_75 {
          %add3A_84 = arith.constant 2 : i32
          %add3A_85 = arith.addi %mul3A_56, %add3A_84 : i32
          %dma_start3A_86 = arith.constant 0 : i32
          %dma_start3A_87 = tpu.memref_slice %arg6[%add3A_85, %dma_start3A_86] : memref<40x128xi32, #tpu.memory_space<vmem>> -> memref<1x128xi32, #tpu.memory_space<vmem>>
          %dma_start3A_88 = tpu.memref_squeeze %dma_start3A_87 : memref<1x128xi32, #tpu.memory_space<vmem>> -> memref<128xi32, #tpu.memory_space<vmem>>
          %dma_start3A_89 = arith.constant 0 : i32
          %dma_start3A_90 = arith.constant 0 : i32
          %dma_start3A_91 = tpu.memref_slice %arg2[%dma_start3A_89, %dma_start3A_90] : memref<10240x128xf32, #tpu.memory_space<hbm>> -> memref<10240x128xf32, #tpu.memory_space<hbm>>
          tpu.enqueue_indirect_dma source(%dma_start3A_91 : memref<10240x128xf32, #tpu.memory_space<hbm>>) target(%arg8 : memref<128x128xf32, #tpu.memory_space<vmem>>) offsets(%dma_start3A_88 : memref<128xi32, #tpu.memory_space<vmem>>) semaphore(%arg10 : memref<!tpu.dma_semaphore, #tpu.memory_space<semaphore_mem>>)
        } else {
        }
        %dma_wait3A_76 = arith.constant 0 : i32
        %dma_wait3A_77 = arith.constant 0 : i32
        %dma_wait3A_78 = tpu.memref_slice %arg2[%dma_wait3A_76, %dma_wait3A_77] : memref<10240x128xf32, #tpu.memory_space<hbm>> -> memref<128x128xf32, #tpu.memory_space<hbm>>
        %dma_wait3A_79 = arith.constant 0 : i32
        %dma_wait3A_80 = arith.constant 0 : i32
        %dma_wait3A_81 = tpu.memref_slice %arg2[%dma_wait3A_79, %dma_wait3A_80] : memref<10240x128xf32, #tpu.memory_space<hbm>> -> memref<128x128xf32, #tpu.memory_space<hbm>>
        tpu.wait_dma2 semaphore(%arg11 : memref<!tpu.dma_semaphore, #tpu.memory_space<semaphore_mem>>) src(%dma_wait3A_81 : memref<128x128xf32, #tpu.memory_space<hbm>>) dst(%arg9 : memref<128x128xf32, #tpu.memory_space<vmem>>)
        %add3A_82 = arith.constant 1 : i32
        %add3A_83 = arith.addi %mul3A_56, %add3A_82 : i32
        "tpu.region"() ({
          %run_scoped3A = tpu.sem_alloc : memref<!tpu.dma_semaphore, #tpu.memory_space<semaphore_mem>>
          %dma_start3A_84 = arith.constant 0 : i32
          %dma_start3A_85 = tpu.memref_slice %arg7[%add3A_83, %dma_start3A_84] : memref<40x128xi32, #tpu.memory_space<vmem>> -> memref<1x128xi32, #tpu.memory_space<vmem>>
          %dma_start3A_86 = tpu.memref_squeeze %dma_start3A_85 : memref<1x128xi32, #tpu.memory_space<vmem>> -> memref<128xi32, #tpu.memory_space<vmem>>
          %dma_start3A_87 = arith.constant 0 : i32
          %dma_start3A_88 = arith.constant 0 : i32
          %dma_start3A_89 = tpu.memref_slice %arg12[%dma_start3A_87, %dma_start3A_88] : memref<10240x128xf32, #tpu.memory_space<vmem_shared>> -> memref<10240x128xf32, #tpu.memory_space<vmem_shared>>
          tpu.enqueue_indirect_dma source(%arg9 : memref<128x128xf32, #tpu.memory_space<vmem>>) target(%dma_start3A_89 : memref<10240x128xf32, #tpu.memory_space<vmem_shared>>) offsets(%dma_start3A_86 : memref<128xi32, #tpu.memory_space<vmem>>) semaphore(%run_scoped3A : memref<!tpu.dma_semaphore, #tpu.memory_space<semaphore_mem>>) {add = true}
          %dma_wait3A_90 = arith.constant 0 : i32
          %dma_wait3A_91 = tpu.memref_slice %arg7[%add3A_83, %dma_wait3A_90] : memref<40x128xi32, #tpu.memory_space<vmem>> -> memref<1x128xi32, #tpu.memory_space<vmem>>
          %dma_wait3A_92 = tpu.memref_squeeze %dma_wait3A_91 : memref<1x128xi32, #tpu.memory_space<vmem>> -> memref<128xi32, #tpu.memory_space<vmem>>
          %dma_wait3A_93 = arith.constant 0 : i32
          %dma_wait3A_94 = arith.constant 0 : i32
          %dma_wait3A_95 = tpu.memref_slice %arg12[%dma_wait3A_93, %dma_wait3A_94] : memref<10240x128xf32, #tpu.memory_space<vmem_shared>> -> memref<10240x128xf32, #tpu.memory_space<vmem_shared>>
          tpu.wait_indirect_dma semaphore(%run_scoped3A : memref<!tpu.dma_semaphore, #tpu.memory_space<semaphore_mem>>) src(%arg9 : memref<128x128xf32, #tpu.memory_space<vmem>>) dst(%dma_wait3A_95 : memref<10240x128xf32, #tpu.memory_space<vmem_shared>>)
          tpu.yield
        }) : () -> ()
      }
      %scan3A_49 = arith.constant 20 : i32
    }
    %scan3A_15 = arith.constant 2 : i32
    %barrier3A_16 = arith.constant 0 : index
    tpu.barrier barrier_id(%barrier3A_16)
    %eq3A = arith.constant 0 : i32
    %eq3A_17 = arith.cmpi eq, %arg0, %eq3A : i32
    %convert_element_type3A = arith.extui %eq3A_17 : i1 to i32
    %cond3A = arith.constant 0 : i32
    %cond3A_18 = arith.cmpi ne, %convert_element_type3A, %cond3A : i32
    scf.if %cond3A_18 {
      %mul3A_24 = arith.constant 640 : i32
      %mul3A_25 = arith.muli %arg1, %mul3A_24 : i32
      %mul3A_26 = arith.constant 640 : i32
      %mul3A_27 = arith.muli %arg1, %mul3A_26 : i32
      %run_scoped3A = arith.constant 0 : i32
      "tpu.region"() ({
        %run_scoped3A_28 = tpu.sem_alloc : memref<!tpu.dma_semaphore, #tpu.memory_space<semaphore_mem>>
        %dma_start3A = arith.constant 0 : i32
        %dma_start3A_29 = arith.constant 0 : i32
        %dma_start3A_30 = tpu.memref_slice %arg5[%run_scoped3A, %dma_start3A, %dma_start3A_29] : memref<2x10240x128xf32, #tpu.memory_space<hbm>> -> memref<1x10240x128xf32, #tpu.memory_space<hbm>>
        %dma_start3A_31 = tpu.memref_squeeze %dma_start3A_30 : memref<1x10240x128xf32, #tpu.memory_space<hbm>> -> memref<10240x128xf32, #tpu.memory_space<hbm>>
        %dma_start3A_32 = arith.constant 0 : i32
        %dma_start3A_33 = tpu.memref_slice %dma_start3A_31[%mul3A_27, %dma_start3A_32] : memref<10240x128xf32, #tpu.memory_space<hbm>> -> memref<640x128xf32, #tpu.memory_space<hbm>>
        %dma_start3A_34 = arith.constant 0 : i32
        %dma_start3A_35 = tpu.memref_slice %arg12[%mul3A_25, %dma_start3A_34] : memref<10240x128xf32, #tpu.memory_space<vmem_shared>> -> memref<640x128xf32, #tpu.memory_space<vmem_shared>>
        tpu.enqueue_dma source(%dma_start3A_35 : memref<640x128xf32, #tpu.memory_space<vmem_shared>>) target(%dma_start3A_33 : memref<640x128xf32, #tpu.memory_space<hbm>>) target_semaphore(%run_scoped3A_28 : memref<!tpu.dma_semaphore, #tpu.memory_space<semaphore_mem>>)
        %dma_wait3A = arith.constant 0 : i32
        %dma_wait3A_36 = arith.constant 0 : i32
        %dma_wait3A_37 = tpu.memref_slice %arg5[%run_scoped3A, %dma_wait3A, %dma_wait3A_36] : memref<2x10240x128xf32, #tpu.memory_space<hbm>> -> memref<1x10240x128xf32, #tpu.memory_space<hbm>>
        %dma_wait3A_38 = tpu.memref_squeeze %dma_wait3A_37 : memref<1x10240x128xf32, #tpu.memory_space<hbm>> -> memref<10240x128xf32, #tpu.memory_space<hbm>>
        %dma_wait3A_39 = arith.constant 0 : i32
        %dma_wait3A_40 = tpu.memref_slice %dma_wait3A_38[%mul3A_27, %dma_wait3A_39] : memref<10240x128xf32, #tpu.memory_space<hbm>> -> memref<640x128xf32, #tpu.memory_space<hbm>>
        %dma_wait3A_41 = arith.constant 0 : i32
        %dma_wait3A_42 = tpu.memref_slice %arg12[%mul3A_25, %dma_wait3A_41] : memref<10240x128xf32, #tpu.memory_space<vmem_shared>> -> memref<640x128xf32, #tpu.memory_space<vmem_shared>>
        tpu.wait_dma2 semaphore(%run_scoped3A_28 : memref<!tpu.dma_semaphore, #tpu.memory_space<semaphore_mem>>) src(%dma_wait3A_42 : memref<640x128xf32, #tpu.memory_space<vmem_shared>>) dst(%dma_wait3A_40 : memref<640x128xf32, #tpu.memory_space<hbm>>)
        tpu.yield
      }) : () -> ()
    } else {
    }
    %eq3A_19 = arith.constant 1 : i32
    %eq3A_20 = arith.cmpi eq, %arg0, %eq3A_19 : i32
    %convert_element_type3A_21 = arith.extui %eq3A_20 : i1 to i32
    %cond3A_22 = arith.constant 0 : i32
    %cond3A_23 = arith.cmpi ne, %convert_element_type3A_21, %cond3A_22 : i32
    scf.if %cond3A_23 {
      %mul3A_24 = arith.constant 640 : i32
      %mul3A_25 = arith.muli %arg1, %mul3A_24 : i32
      %mul3A_26 = arith.constant 640 : i32
      %mul3A_27 = arith.muli %arg1, %mul3A_26 : i32
      %run_scoped3A = arith.constant 1 : i32
      "tpu.region"() ({
        %run_scoped3A_28 = tpu.sem_alloc : memref<!tpu.dma_semaphore, #tpu.memory_space<semaphore_mem>>
        %dma_start3A = arith.constant 0 : i32
        %dma_start3A_29 = arith.constant 0 : i32
        %dma_start3A_30 = tpu.memref_slice %arg5[%run_scoped3A, %dma_start3A, %dma_start3A_29] : memref<2x10240x128xf32, #tpu.memory_space<hbm>> -> memref<1x10240x128xf32, #tpu.memory_space<hbm>>
        %dma_start3A_31 = tpu.memref_squeeze %dma_start3A_30 : memref<1x10240x128xf32, #tpu.memory_space<hbm>> -> memref<10240x128xf32, #tpu.memory_space<hbm>>
        %dma_start3A_32 = arith.constant 0 : i32
        %dma_start3A_33 = tpu.memref_slice %dma_start3A_31[%mul3A_27, %dma_start3A_32] : memref<10240x128xf32, #tpu.memory_space<hbm>> -> memref<640x128xf32, #tpu.memory_space<hbm>>
        %dma_start3A_34 = arith.constant 0 : i32
        %dma_start3A_35 = tpu.memref_slice %arg12[%mul3A_25, %dma_start3A_34] : memref<10240x128xf32, #tpu.memory_space<vmem_shared>> -> memref<640x128xf32, #tpu.memory_space<vmem_shared>>
        tpu.enqueue_dma source(%dma_start3A_35 : memref<640x128xf32, #tpu.memory_space<vmem_shared>>) target(%dma_start3A_33 : memref<640x128xf32, #tpu.memory_space<hbm>>) target_semaphore(%run_scoped3A_28 : memref<!tpu.dma_semaphore, #tpu.memory_space<semaphore_mem>>)
        %dma_wait3A = arith.constant 0 : i32
        %dma_wait3A_36 = arith.constant 0 : i32
        %dma_wait3A_37 = tpu.memref_slice %arg5[%run_scoped3A, %dma_wait3A, %dma_wait3A_36] : memref<2x10240x128xf32, #tpu.memory_space<hbm>> -> memref<1x10240x128xf32, #tpu.memory_space<hbm>>
        %dma_wait3A_38 = tpu.memref_squeeze %dma_wait3A_37 : memref<1x10240x128xf32, #tpu.memory_space<hbm>> -> memref<10240x128xf32, #tpu.memory_space<hbm>>
        %dma_wait3A_39 = arith.constant 0 : i32
        %dma_wait3A_40 = tpu.memref_slice %dma_wait3A_38[%mul3A_27, %dma_wait3A_39] : memref<10240x128xf32, #tpu.memory_space<hbm>> -> memref<640x128xf32, #tpu.memory_space<hbm>>
        %dma_wait3A_41 = arith.constant 0 : i32
        %dma_wait3A_42 = tpu.memref_slice %arg12[%mul3A_25, %dma_wait3A_41] : memref<10240x128xf32, #tpu.memory_space<vmem_shared>> -> memref<640x128xf32, #tpu.memory_space<vmem_shared>>
        tpu.wait_dma2 semaphore(%run_scoped3A_28 : memref<!tpu.dma_semaphore, #tpu.memory_space<semaphore_mem>>) src(%dma_wait3A_42 : memref<640x128xf32, #tpu.memory_space<vmem_shared>>) dst(%dma_wait3A_40 : memref<640x128xf32, #tpu.memory_space<hbm>>)
        tpu.yield
      }) : () -> ()
    } else {
    }
    return
  }
}

#map = affine_map<(d0, d1) -> (0, 0)>
#map1 = affine_map<(d0, d1) -> (0, 0, 0)>
module attributes {stable_mosaic.version = 14 : i64} {
  func.func @_sc_aggregate(%arg0: i32, %arg1: i32, %arg2: memref<10240x128xf32, #tpu.memory_space<hbm>>, %arg3: memref<2560x128xi32, #tpu.memory_space<hbm>>, %arg4: memref<2560x128xi32, #tpu.memory_space<hbm>>, %arg5: memref<2x10240x128xf32, #tpu.memory_space<hbm>>, %arg6: memref<40x128xi32, #tpu.memory_space<vmem>>, %arg7: memref<40x128xi32, #tpu.memory_space<vmem>>, %arg8: memref<128x128xf32, #tpu.memory_space<vmem>>, %arg9: memref<128x128xf32, #tpu.memory_space<vmem>>, %arg10: memref<!tpu.dma_semaphore, #tpu.memory_space<semaphore_mem>>, %arg11: memref<!tpu.dma_semaphore, #tpu.memory_space<semaphore_mem>>, %arg12: memref<10240x128xf32, #tpu.memory_space<vmem_shared>>) attributes {dimension_semantics = [#tpu.dimension_semantics<core_parallel>, #tpu.dimension_semantics<subcore_parallel>], iteration_bounds = array<i64: 2, 16>, scalar_prefetch = 0 : i64, scratch_operands = 7 : i64, tpu.core_type = #tpu.core_type<sc_vector_subcore>, window_params = [{transform_indices = #map}, {transform_indices = #map}, {transform_indices = #map}, {transform_indices = #map1}]} {
    %mul3A = arith.constant 16 : i32
    %mul3A_0 = arith.muli %arg0, %mul3A : i32
    %add3A = arith.addi %mul3A_0, %arg1 : i32
    %broadcast_in_dim3A = arith.constant 0.000000e+00 : f32
    %broadcast_in_dim3A_1 = vector.broadcast %broadcast_in_dim3A : f32 to vector<16xf32>
    %scan3A = arith.constant 0 : i32
    %scan3A_2 = arith.constant 128 : i32
    %scan3A_3 = arith.addi %scan3A, %scan3A_2 : i32
    %scan3A_4 = arith.constant 1 : i32
    scf.for %scan3A_24 = %scan3A to %scan3A_3 step %scan3A_4  : i32 {
      %mul3A_25 = arith.constant 1 : i32
      %mul3A_26 = arith.muli %scan3A_24, %mul3A_25 : i32
      %add3A_27 = arith.constant 0 : i32
      %add3A_28 = arith.addi %add3A_27, %mul3A_26 : i32
      %scan3A_29 = arith.constant 0 : i32
      %scan3A_30 = arith.constant 8 : i32
      %scan3A_31 = arith.addi %scan3A_29, %scan3A_30 : i32
      %scan3A_32 = arith.constant 1 : i32
      scf.for %scan3A_34 = %scan3A_29 to %scan3A_31 step %scan3A_32  : i32 {
        %mul3A_35 = arith.constant 1 : i32
        %mul3A_36 = arith.muli %scan3A_34, %mul3A_35 : i32
        %add3A_37 = arith.constant 0 : i32
        %add3A_38 = arith.addi %add3A_37, %mul3A_36 : i32
        %mul3A_39 = arith.constant 16 : i32
        %mul3A_40 = arith.muli %add3A_38, %mul3A_39 : i32
        %swap3A = arith.index_cast %add3A_28 : i32 to index
        %swap3A_41 = arith.index_cast %mul3A_40 : i32 to index
        %swap3A_42 = tpu.vector_load %arg8[%swap3A, %swap3A_41] {strides = array<i32>} : memref<128x128xf32, #tpu.memory_space<vmem>>, vector<1x16xf32>,
        %swap3A_43 = vector.shape_cast %swap3A_42 : vector<1x16xf32> to vector<16xf32>
        %swap3A_44 = vector.shape_cast %broadcast_in_dim3A_1 : vector<16xf32> to vector<1x16xf32>
        tpu.vector_store %arg8[%swap3A, %swap3A_41], %swap3A_44 {strides = array<i32>} : memref<128x128xf32, #tpu.memory_space<vmem>>, vector<1x16xf32>,
      }
      %scan3A_33 = arith.constant 8 : i32
    }
    %scan3A_5 = arith.constant 128 : i32
    %scan3A_6 = arith.constant 0 : i32
    %scan3A_7 = arith.constant 5 : i32
    %scan3A_8 = arith.addi %scan3A_6, %scan3A_7 : i32
    %scan3A_9 = arith.constant 1 : i32
    scf.for %scan3A_24 = %scan3A_6 to %scan3A_8 step %scan3A_9  : i32 {
      %mul3A_25 = arith.constant 1 : i32
      %mul3A_26 = arith.muli %scan3A_24, %mul3A_25 : i32
      %add3A_27 = arith.constant 0 : i32
      %add3A_28 = arith.addi %add3A_27, %mul3A_26 : i32
      %mul3A_29 = arith.constant 640 : i32
      %mul3A_30 = arith.muli %arg1, %mul3A_29 : i32
      %mul3A_31 = arith.constant 128 : i32
      %mul3A_32 = arith.muli %add3A_28, %mul3A_31 : i32
      %add3A_33 = arith.addi %mul3A_30, %mul3A_32 : i32
      "tpu.region"() ({
        %run_scoped3A = tpu.sem_alloc : memref<!tpu.dma_semaphore, #tpu.memory_space<semaphore_mem>>
        %dma_start3A = arith.constant 0 : i32
        %dma_start3A_34 = tpu.memref_slice %arg12[%add3A_33, %dma_start3A] : memref<10240x128xf32, #tpu.memory_space<vmem_shared>> -> memref<128x128xf32, #tpu.memory_space<vmem_shared>>
        %dma_start3A_35 = arith.constant 0 : i32
        %dma_start3A_36 = tpu.memref_slice %arg12[%add3A_33, %dma_start3A_35] : memref<10240x128xf32, #tpu.memory_space<vmem_shared>> -> memref<128x128xf32, #tpu.memory_space<vmem_shared>>
        tpu.enqueue_dma source(%arg8 : memref<128x128xf32, #tpu.memory_space<vmem>>) target(%dma_start3A_36 : memref<128x128xf32, #tpu.memory_space<vmem_shared>>) target_semaphore(%run_scoped3A : memref<!tpu.dma_semaphore, #tpu.memory_space<semaphore_mem>>)
        %dma_wait3A = arith.constant 0 : i32
        %dma_wait3A_37 = tpu.memref_slice %arg12[%add3A_33, %dma_wait3A] : memref<10240x128xf32, #tpu.memory_space<vmem_shared>> -> memref<128x128xf32, #tpu.memory_space<vmem_shared>>
        %dma_wait3A_38 = arith.constant 0 : i32
        %dma_wait3A_39 = tpu.memref_slice %arg12[%add3A_33, %dma_wait3A_38] : memref<10240x128xf32, #tpu.memory_space<vmem_shared>> -> memref<128x128xf32, #tpu.memory_space<vmem_shared>>
        tpu.wait_dma2 semaphore(%run_scoped3A : memref<!tpu.dma_semaphore, #tpu.memory_space<semaphore_mem>>) src(%arg8 : memref<128x128xf32, #tpu.memory_space<vmem>>) dst(%dma_wait3A_39 : memref<128x128xf32, #tpu.memory_space<vmem_shared>>)
        tpu.yield
      }) : () -> ()
    }
    %scan3A_10 = arith.constant 5 : i32
    %barrier3A = arith.constant 0 : index
    tpu.barrier barrier_id(%barrier3A)
    %scan3A_11 = arith.constant 0 : i32
    %scan3A_12 = arith.constant 2 : i32
    %scan3A_13 = arith.addi %scan3A_11, %scan3A_12 : i32
    %scan3A_14 = arith.constant 1 : i32
    scf.for %scan3A_24 = %scan3A_11 to %scan3A_13 step %scan3A_14  : i32 {
      %mul3A_25 = arith.constant 1 : i32
      %mul3A_26 = arith.muli %scan3A_24, %mul3A_25 : i32
      %add3A_27 = arith.constant 0 : i32
      %add3A_28 = arith.addi %add3A_27, %mul3A_26 : i32
      %mul3A_29 = arith.constant 80 : i32
      %mul3A_30 = arith.muli %add3A, %mul3A_29 : i32
      %mul3A_31 = arith.constant 40 : i32
      %mul3A_32 = arith.muli %add3A_28, %mul3A_31 : i32
      %add3A_33 = arith.addi %mul3A_30, %mul3A_32 : i32
      "tpu.region"() ({
        %run_scoped3A = tpu.sem_alloc : memref<!tpu.dma_semaphore, #tpu.memory_space<semaphore_mem>>
        %dma_start3A_50 = arith.constant 0 : i32
        %dma_start3A_51 = tpu.memref_slice %arg3[%add3A_33, %dma_start3A_50] : memref<2560x128xi32, #tpu.memory_space<hbm>> -> memref<40x128xi32, #tpu.memory_space<hbm>>
        %dma_start3A_52 = arith.constant 0 : i32
        %dma_start3A_53 = tpu.memref_slice %arg3[%add3A_33, %dma_start3A_52] : memref<2560x128xi32, #tpu.memory_space<hbm>> -> memref<40x128xi32, #tpu.memory_space<hbm>>
        tpu.enqueue_dma source(%dma_start3A_53 : memref<40x128xi32, #tpu.memory_space<hbm>>) target(%arg6 : memref<40x128xi32, #tpu.memory_space<vmem>>) target_semaphore(%run_scoped3A : memref<!tpu.dma_semaphore, #tpu.memory_space<semaphore_mem>>)
        %dma_wait3A = arith.constant 0 : i32
        %dma_wait3A_54 = tpu.memref_slice %arg3[%add3A_33, %dma_wait3A] : memref<2560x128xi32, #tpu.memory_space<hbm>> -> memref<40x128xi32, #tpu.memory_space<hbm>>
        %dma_wait3A_55 = arith.constant 0 : i32
        %dma_wait3A_56 = tpu.memref_slice %arg3[%add3A_33, %dma_wait3A_55] : memref<2560x128xi32, #tpu.memory_space<hbm>> -> memref<40x128xi32, #tpu.memory_space<hbm>>
        tpu.wait_dma2 semaphore(%run_scoped3A : memref<!tpu.dma_semaphore, #tpu.memory_space<semaphore_mem>>) src(%dma_wait3A_56 : memref<40x128xi32, #tpu.memory_space<hbm>>) dst(%arg6 : memref<40x128xi32, #tpu.memory_space<vmem>>)
        tpu.yield
      }) : () -> ()
      %mul3A_34 = arith.constant 80 : i32
      %mul3A_35 = arith.muli %add3A, %mul3A_34 : i32
      %mul3A_36 = arith.constant 40 : i32
      %mul3A_37 = arith.muli %add3A_28, %mul3A_36 : i32
      %add3A_38 = arith.addi %mul3A_35, %mul3A_37 : i32
      "tpu.region"() ({
        %run_scoped3A = tpu.sem_alloc : memref<!tpu.dma_semaphore, #tpu.memory_space<semaphore_mem>>
        %dma_start3A_50 = arith.constant 0 : i32
        %dma_start3A_51 = tpu.memref_slice %arg4[%add3A_38, %dma_start3A_50] : memref<2560x128xi32, #tpu.memory_space<hbm>> -> memref<40x128xi32, #tpu.memory_space<hbm>>
        %dma_start3A_52 = arith.constant 0 : i32
        %dma_start3A_53 = tpu.memref_slice %arg4[%add3A_38, %dma_start3A_52] : memref<2560x128xi32, #tpu.memory_space<hbm>> -> memref<40x128xi32, #tpu.memory_space<hbm>>
        tpu.enqueue_dma source(%dma_start3A_53 : memref<40x128xi32, #tpu.memory_space<hbm>>) target(%arg7 : memref<40x128xi32, #tpu.memory_space<vmem>>) target_semaphore(%run_scoped3A : memref<!tpu.dma_semaphore, #tpu.memory_space<semaphore_mem>>)
        %dma_wait3A = arith.constant 0 : i32
        %dma_wait3A_54 = tpu.memref_slice %arg4[%add3A_38, %dma_wait3A] : memref<2560x128xi32, #tpu.memory_space<hbm>> -> memref<40x128xi32, #tpu.memory_space<hbm>>
        %dma_wait3A_55 = arith.constant 0 : i32
        %dma_wait3A_56 = tpu.memref_slice %arg4[%add3A_38, %dma_wait3A_55] : memref<2560x128xi32, #tpu.memory_space<hbm>> -> memref<40x128xi32, #tpu.memory_space<hbm>>
        tpu.wait_dma2 semaphore(%run_scoped3A : memref<!tpu.dma_semaphore, #tpu.memory_space<semaphore_mem>>) src(%dma_wait3A_56 : memref<40x128xi32, #tpu.memory_space<hbm>>) dst(%arg7 : memref<40x128xi32, #tpu.memory_space<vmem>>)
        tpu.yield
      }) : () -> ()
      %dma_start3A = arith.constant 0 : i32
      %dma_start3A_39 = arith.constant 0 : i32
      %dma_start3A_40 = tpu.memref_slice %arg6[%dma_start3A, %dma_start3A_39] : memref<40x128xi32, #tpu.memory_space<vmem>> -> memref<1x128xi32, #tpu.memory_space<vmem>>
      %dma_start3A_41 = tpu.memref_squeeze %dma_start3A_40 : memref<1x128xi32, #tpu.memory_space<vmem>> -> memref<128xi32, #tpu.memory_space<vmem>>
      %dma_start3A_42 = arith.constant 0 : i32
      %dma_start3A_43 = arith.constant 0 : i32
      %dma_start3A_44 = tpu.memref_slice %arg2[%dma_start3A_42, %dma_start3A_43] : memref<10240x128xf32, #tpu.memory_space<hbm>> -> memref<10240x128xf32, #tpu.memory_space<hbm>>
      tpu.enqueue_indirect_dma source(%dma_start3A_44 : memref<10240x128xf32, #tpu.memory_space<hbm>>) target(%arg8 : memref<128x128xf32, #tpu.memory_space<vmem>>) offsets(%dma_start3A_41 : memref<128xi32, #tpu.memory_space<vmem>>) semaphore(%arg10 : memref<!tpu.dma_semaphore, #tpu.memory_space<semaphore_mem>>)
      %scan3A_45 = arith.constant 0 : i32
      %scan3A_46 = arith.constant 20 : i32
      %scan3A_47 = arith.addi %scan3A_45, %scan3A_46 : i32
      %scan3A_48 = arith.constant 1 : i32
      scf.for %scan3A_50 = %scan3A_45 to %scan3A_47 step %scan3A_48  : i32 {
        %mul3A_51 = arith.constant 1 : i32
        %mul3A_52 = arith.muli %scan3A_50, %mul3A_51 : i32
        %add3A_53 = arith.constant 0 : i32
        %add3A_54 = arith.addi %add3A_53, %mul3A_52 : i32
        %mul3A_55 = arith.constant 2 : i32
        %mul3A_56 = arith.muli %mul3A_55, %add3A_54 : i32
        %add3A_57 = arith.constant 1 : i32
        %add3A_58 = arith.addi %mul3A_56, %add3A_57 : i32
        %dma_start3A_59 = arith.constant 0 : i32
        %dma_start3A_60 = tpu.memref_slice %arg6[%add3A_58, %dma_start3A_59] : memref<40x128xi32, #tpu.memory_space<vmem>> -> memref<1x128xi32, #tpu.memory_space<vmem>>
        %dma_start3A_61 = tpu.memref_squeeze %dma_start3A_60 : memref<1x128xi32, #tpu.memory_space<vmem>> -> memref<128xi32, #tpu.memory_space<vmem>>
        %dma_start3A_62 = arith.constant 0 : i32
        %dma_start3A_63 = arith.constant 0 : i32
        %dma_start3A_64 = tpu.memref_slice %arg2[%dma_start3A_62, %dma_start3A_63] : memref<10240x128xf32, #tpu.memory_space<hbm>> -> memref<10240x128xf32, #tpu.memory_space<hbm>>
        tpu.enqueue_indirect_dma source(%dma_start3A_64 : memref<10240x128xf32, #tpu.memory_space<hbm>>) target(%arg9 : memref<128x128xf32, #tpu.memory_space<vmem>>) offsets(%dma_start3A_61 : memref<128xi32, #tpu.memory_space<vmem>>) semaphore(%arg11 : memref<!tpu.dma_semaphore, #tpu.memory_space<semaphore_mem>>)
        %dma_wait3A = arith.constant 0 : i32
        %dma_wait3A_65 = arith.constant 0 : i32
        %dma_wait3A_66 = tpu.memref_slice %arg2[%dma_wait3A, %dma_wait3A_65] : memref<10240x128xf32, #tpu.memory_space<hbm>> -> memref<128x128xf32, #tpu.memory_space<hbm>>
        %dma_wait3A_67 = arith.constant 0 : i32
        %dma_wait3A_68 = arith.constant 0 : i32
        %dma_wait3A_69 = tpu.memref_slice %arg2[%dma_wait3A_67, %dma_wait3A_68] : memref<10240x128xf32, #tpu.memory_space<hbm>> -> memref<128x128xf32, #tpu.memory_space<hbm>>
        tpu.wait_dma2 semaphore(%arg10 : memref<!tpu.dma_semaphore, #tpu.memory_space<semaphore_mem>>) src(%dma_wait3A_69 : memref<128x128xf32, #tpu.memory_space<hbm>>) dst(%arg8 : memref<128x128xf32, #tpu.memory_space<vmem>>)
        "tpu.region"() ({
          %run_scoped3A = tpu.sem_alloc : memref<!tpu.dma_semaphore, #tpu.memory_space<semaphore_mem>>
          %dma_start3A_84 = arith.constant 0 : i32
          %dma_start3A_85 = tpu.memref_slice %arg7[%mul3A_56, %dma_start3A_84] : memref<40x128xi32, #tpu.memory_space<vmem>> -> memref<1x128xi32, #tpu.memory_space<vmem>>
          %dma_start3A_86 = tpu.memref_squeeze %dma_start3A_85 : memref<1x128xi32, #tpu.memory_space<vmem>> -> memref<128xi32, #tpu.memory_space<vmem>>
          %dma_start3A_87 = arith.constant 0 : i32
          %dma_start3A_88 = arith.constant 0 : i32
          %dma_start3A_89 = tpu.memref_slice %arg12[%dma_start3A_87, %dma_start3A_88] : memref<10240x128xf32, #tpu.memory_space<vmem_shared>> -> memref<10240x128xf32, #tpu.memory_space<vmem_shared>>
          tpu.enqueue_indirect_dma source(%arg8 : memref<128x128xf32, #tpu.memory_space<vmem>>) target(%dma_start3A_89 : memref<10240x128xf32, #tpu.memory_space<vmem_shared>>) offsets(%dma_start3A_86 : memref<128xi32, #tpu.memory_space<vmem>>) semaphore(%run_scoped3A : memref<!tpu.dma_semaphore, #tpu.memory_space<semaphore_mem>>) {add = true}
          %dma_wait3A_90 = arith.constant 0 : i32
          %dma_wait3A_91 = tpu.memref_slice %arg7[%mul3A_56, %dma_wait3A_90] : memref<40x128xi32, #tpu.memory_space<vmem>> -> memref<1x128xi32, #tpu.memory_space<vmem>>
          %dma_wait3A_92 = tpu.memref_squeeze %dma_wait3A_91 : memref<1x128xi32, #tpu.memory_space<vmem>> -> memref<128xi32, #tpu.memory_space<vmem>>
          %dma_wait3A_93 = arith.constant 0 : i32
          %dma_wait3A_94 = arith.constant 0 : i32
          %dma_wait3A_95 = tpu.memref_slice %arg12[%dma_wait3A_93, %dma_wait3A_94] : memref<10240x128xf32, #tpu.memory_space<vmem_shared>> -> memref<10240x128xf32, #tpu.memory_space<vmem_shared>>
          tpu.wait_indirect_dma semaphore(%run_scoped3A : memref<!tpu.dma_semaphore, #tpu.memory_space<semaphore_mem>>) src(%arg8 : memref<128x128xf32, #tpu.memory_space<vmem>>) dst(%dma_wait3A_95 : memref<10240x128xf32, #tpu.memory_space<vmem_shared>>)
          tpu.yield
        }) : () -> ()
        %add3A_70 = arith.constant 2 : i32
        %add3A_71 = arith.addi %mul3A_56, %add3A_70 : i32
        %lt3A = arith.constant 40 : i32
        %lt3A_72 = arith.cmpi slt, %add3A_71, %lt3A : i32
        %convert_element_type3A_73 = arith.extui %lt3A_72 : i1 to i32
        %cond3A_74 = arith.constant 0 : i32
        %cond3A_75 = arith.cmpi ne, %convert_element_type3A_73, %cond3A_74 : i32
        scf.if %cond3A_75 {
          %add3A_84 = arith.constant 2 : i32
          %add3A_85 = arith.addi %mul3A_56, %add3A_84 : i32
          %dma_start3A_86 = arith.constant 0 : i32
          %dma_start3A_87 = tpu.memref_slice %arg6[%add3A_85, %dma_start3A_86] : memref<40x128xi32, #tpu.memory_space<vmem>> -> memref<1x128xi32, #tpu.memory_space<vmem>>
          %dma_start3A_88 = tpu.memref_squeeze %dma_start3A_87 : memref<1x128xi32, #tpu.memory_space<vmem>> -> memref<128xi32, #tpu.memory_space<vmem>>
          %dma_start3A_89 = arith.constant 0 : i32
          %dma_start3A_90 = arith.constant 0 : i32
          %dma_start3A_91 = tpu.memref_slice %arg2[%dma_start3A_89, %dma_start3A_90] : memref<10240x128xf32, #tpu.memory_space<hbm>> -> memref<10240x128xf32, #tpu.memory_space<hbm>>
          tpu.enqueue_indirect_dma source(%dma_start3A_91 : memref<10240x128xf32, #tpu.memory_space<hbm>>) target(%arg8 : memref<128x128xf32, #tpu.memory_space<vmem>>) offsets(%dma_start3A_88 : memref<128xi32, #tpu.memory_space<vmem>>) semaphore(%arg10 : memref<!tpu.dma_semaphore, #tpu.memory_space<semaphore_mem>>)
        } else {
        }
        %dma_wait3A_76 = arith.constant 0 : i32
        %dma_wait3A_77 = arith.constant 0 : i32
        %dma_wait3A_78 = tpu.memref_slice %arg2[%dma_wait3A_76, %dma_wait3A_77] : memref<10240x128xf32, #tpu.memory_space<hbm>> -> memref<128x128xf32, #tpu.memory_space<hbm>>
        %dma_wait3A_79 = arith.constant 0 : i32
        %dma_wait3A_80 = arith.constant 0 : i32
        %dma_wait3A_81 = tpu.memref_slice %arg2[%dma_wait3A_79, %dma_wait3A_80] : memref<10240x128xf32, #tpu.memory_space<hbm>> -> memref<128x128xf32, #tpu.memory_space<hbm>>
        tpu.wait_dma2 semaphore(%arg11 : memref<!tpu.dma_semaphore, #tpu.memory_space<semaphore_mem>>) src(%dma_wait3A_81 : memref<128x128xf32, #tpu.memory_space<hbm>>) dst(%arg9 : memref<128x128xf32, #tpu.memory_space<vmem>>)
        %add3A_82 = arith.constant 1 : i32
        %add3A_83 = arith.addi %mul3A_56, %add3A_82 : i32
        "tpu.region"() ({
          %run_scoped3A = tpu.sem_alloc : memref<!tpu.dma_semaphore, #tpu.memory_space<semaphore_mem>>
          %dma_start3A_84 = arith.constant 0 : i32
          %dma_start3A_85 = tpu.memref_slice %arg7[%add3A_83, %dma_start3A_84] : memref<40x128xi32, #tpu.memory_space<vmem>> -> memref<1x128xi32, #tpu.memory_space<vmem>>
          %dma_start3A_86 = tpu.memref_squeeze %dma_start3A_85 : memref<1x128xi32, #tpu.memory_space<vmem>> -> memref<128xi32, #tpu.memory_space<vmem>>
          %dma_start3A_87 = arith.constant 0 : i32
          %dma_start3A_88 = arith.constant 0 : i32
          %dma_start3A_89 = tpu.memref_slice %arg12[%dma_start3A_87, %dma_start3A_88] : memref<10240x128xf32, #tpu.memory_space<vmem_shared>> -> memref<10240x128xf32, #tpu.memory_space<vmem_shared>>
          tpu.enqueue_indirect_dma source(%arg9 : memref<128x128xf32, #tpu.memory_space<vmem>>) target(%dma_start3A_89 : memref<10240x128xf32, #tpu.memory_space<vmem_shared>>) offsets(%dma_start3A_86 : memref<128xi32, #tpu.memory_space<vmem>>) semaphore(%run_scoped3A : memref<!tpu.dma_semaphore, #tpu.memory_space<semaphore_mem>>) {add = true}
          %dma_wait3A_90 = arith.constant 0 : i32
          %dma_wait3A_91 = tpu.memref_slice %arg7[%add3A_83, %dma_wait3A_90] : memref<40x128xi32, #tpu.memory_space<vmem>> -> memref<1x128xi32, #tpu.memory_space<vmem>>
          %dma_wait3A_92 = tpu.memref_squeeze %dma_wait3A_91 : memref<1x128xi32, #tpu.memory_space<vmem>> -> memref<128xi32, #tpu.memory_space<vmem>>
          %dma_wait3A_93 = arith.constant 0 : i32
          %dma_wait3A_94 = arith.constant 0 : i32
          %dma_wait3A_95 = tpu.memref_slice %arg12[%dma_wait3A_93, %dma_wait3A_94] : memref<10240x128xf32, #tpu.memory_space<vmem_shared>> -> memref<10240x128xf32, #tpu.memory_space<vmem_shared>>
          tpu.wait_indirect_dma semaphore(%run_scoped3A : memref<!tpu.dma_semaphore, #tpu.memory_space<semaphore_mem>>) src(%arg9 : memref<128x128xf32, #tpu.memory_space<vmem>>) dst(%dma_wait3A_95 : memref<10240x128xf32, #tpu.memory_space<vmem_shared>>)
          tpu.yield
        }) : () -> ()
      }
      %scan3A_49 = arith.constant 20 : i32
    }
    %scan3A_15 = arith.constant 2 : i32
    %barrier3A_16 = arith.constant 0 : index
    tpu.barrier barrier_id(%barrier3A_16)
    %eq3A = arith.constant 0 : i32
    %eq3A_17 = arith.cmpi eq, %arg0, %eq3A : i32
    %convert_element_type3A = arith.extui %eq3A_17 : i1 to i32
    %cond3A = arith.constant 0 : i32
    %cond3A_18 = arith.cmpi ne, %convert_element_type3A, %cond3A : i32
    scf.if %cond3A_18 {
      %mul3A_24 = arith.constant 640 : i32
      %mul3A_25 = arith.muli %arg1, %mul3A_24 : i32
      %mul3A_26 = arith.constant 640 : i32
      %mul3A_27 = arith.muli %arg1, %mul3A_26 : i32
      %run_scoped3A = arith.constant 0 : i32
      "tpu.region"() ({
        %run_scoped3A_28 = tpu.sem_alloc : memref<!tpu.dma_semaphore, #tpu.memory_space<semaphore_mem>>
        %dma_start3A = arith.constant 0 : i32
        %dma_start3A_29 = arith.constant 0 : i32
        %dma_start3A_30 = tpu.memref_slice %arg5[%run_scoped3A, %dma_start3A, %dma_start3A_29] : memref<2x10240x128xf32, #tpu.memory_space<hbm>> -> memref<1x10240x128xf32, #tpu.memory_space<hbm>>
        %dma_start3A_31 = tpu.memref_squeeze %dma_start3A_30 : memref<1x10240x128xf32, #tpu.memory_space<hbm>> -> memref<10240x128xf32, #tpu.memory_space<hbm>>
        %dma_start3A_32 = arith.constant 0 : i32
        %dma_start3A_33 = tpu.memref_slice %dma_start3A_31[%mul3A_27, %dma_start3A_32] : memref<10240x128xf32, #tpu.memory_space<hbm>> -> memref<640x128xf32, #tpu.memory_space<hbm>>
        %dma_start3A_34 = arith.constant 0 : i32
        %dma_start3A_35 = tpu.memref_slice %arg12[%mul3A_25, %dma_start3A_34] : memref<10240x128xf32, #tpu.memory_space<vmem_shared>> -> memref<640x128xf32, #tpu.memory_space<vmem_shared>>
        tpu.enqueue_dma source(%dma_start3A_35 : memref<640x128xf32, #tpu.memory_space<vmem_shared>>) target(%dma_start3A_33 : memref<640x128xf32, #tpu.memory_space<hbm>>) target_semaphore(%run_scoped3A_28 : memref<!tpu.dma_semaphore, #tpu.memory_space<semaphore_mem>>)
        %dma_wait3A = arith.constant 0 : i32
        %dma_wait3A_36 = arith.constant 0 : i32
        %dma_wait3A_37 = tpu.memref_slice %arg5[%run_scoped3A, %dma_wait3A, %dma_wait3A_36] : memref<2x10240x128xf32, #tpu.memory_space<hbm>> -> memref<1x10240x128xf32, #tpu.memory_space<hbm>>
        %dma_wait3A_38 = tpu.memref_squeeze %dma_wait3A_37 : memref<1x10240x128xf32, #tpu.memory_space<hbm>> -> memref<10240x128xf32, #tpu.memory_space<hbm>>
        %dma_wait3A_39 = arith.constant 0 : i32
        %dma_wait3A_40 = tpu.memref_slice %dma_wait3A_38[%mul3A_27, %dma_wait3A_39] : memref<10240x128xf32, #tpu.memory_space<hbm>> -> memref<640x128xf32, #tpu.memory_space<hbm>>
        %dma_wait3A_41 = arith.constant 0 : i32
        %dma_wait3A_42 = tpu.memref_slice %arg12[%mul3A_25, %dma_wait3A_41] : memref<10240x128xf32, #tpu.memory_space<vmem_shared>> -> memref<640x128xf32, #tpu.memory_space<vmem_shared>>
        tpu.wait_dma2 semaphore(%run_scoped3A_28 : memref<!tpu.dma_semaphore, #tpu.memory_space<semaphore_mem>>) src(%dma_wait3A_42 : memref<640x128xf32, #tpu.memory_space<vmem_shared>>) dst(%dma_wait3A_40 : memref<640x128xf32, #tpu.memory_space<hbm>>)
        tpu.yield
      }) : () -> ()
    } else {
    }
    %eq3A_19 = arith.constant 1 : i32
    %eq3A_20 = arith.cmpi eq, %arg0, %eq3A_19 : i32
    %convert_element_type3A_21 = arith.extui %eq3A_20 : i1 to i32
    %cond3A_22 = arith.constant 0 : i32
    %cond3A_23 = arith.cmpi ne, %convert_element_type3A_21, %cond3A_22 : i32
    scf.if %cond3A_23 {
      %mul3A_24 = arith.constant 640 : i32
      %mul3A_25 = arith.muli %arg1, %mul3A_24 : i32
      %mul3A_26 = arith.constant 640 : i32
      %mul3A_27 = arith.muli %arg1, %mul3A_26 : i32
      %run_scoped3A = arith.constant 1 : i32
      "tpu.region"() ({
        %run_scoped3A_28 = tpu.sem_alloc : memref<!tpu.dma_semaphore, #tpu.memory_space<semaphore_mem>>
        %dma_start3A = arith.constant 0 : i32
        %dma_start3A_29 = arith.constant 0 : i32
        %dma_start3A_30 = tpu.memref_slice %arg5[%run_scoped3A, %dma_start3A, %dma_start3A_29] : memref<2x10240x128xf32, #tpu.memory_space<hbm>> -> memref<1x10240x128xf32, #tpu.memory_space<hbm>>
        %dma_start3A_31 = tpu.memref_squeeze %dma_start3A_30 : memref<1x10240x128xf32, #tpu.memory_space<hbm>> -> memref<10240x128xf32, #tpu.memory_space<hbm>>
        %dma_start3A_32 = arith.constant 0 : i32
        %dma_start3A_33 = tpu.memref_slice %dma_start3A_31[%mul3A_27, %dma_start3A_32] : memref<10240x128xf32, #tpu.memory_space<hbm>> -> memref<640x128xf32, #tpu.memory_space<hbm>>
        %dma_start3A_34 = arith.constant 0 : i32
        %dma_start3A_35 = tpu.memref_slice %arg12[%mul3A_25, %dma_start3A_34] : memref<10240x128xf32, #tpu.memory_space<vmem_shared>> -> memref<640x128xf32, #tpu.memory_space<vmem_shared>>
        tpu.enqueue_dma source(%dma_start3A_35 : memref<640x128xf32, #tpu.memory_space<vmem_shared>>) target(%dma_start3A_33 : memref<640x128xf32, #tpu.memory_space<hbm>>) target_semaphore(%run_scoped3A_28 : memref<!tpu.dma_semaphore, #tpu.memory_space<semaphore_mem>>)
        %dma_wait3A = arith.constant 0 : i32
        %dma_wait3A_36 = arith.constant 0 : i32
        %dma_wait3A_37 = tpu.memref_slice %arg5[%run_scoped3A, %dma_wait3A, %dma_wait3A_36] : memref<2x10240x128xf32, #tpu.memory_space<hbm>> -> memref<1x10240x128xf32, #tpu.memory_space<hbm>>
        %dma_wait3A_38 = tpu.memref_squeeze %dma_wait3A_37 : memref<1x10240x128xf32, #tpu.memory_space<hbm>> -> memref<10240x128xf32, #tpu.memory_space<hbm>>
        %dma_wait3A_39 = arith.constant 0 : i32
        %dma_wait3A_40 = tpu.memref_slice %dma_wait3A_38[%mul3A_27, %dma_wait3A_39] : memref<10240x128xf32, #tpu.memory_space<hbm>> -> memref<640x128xf32, #tpu.memory_space<hbm>>
        %dma_wait3A_41 = arith.constant 0 : i32
        %dma_wait3A_42 = tpu.memref_slice %arg12[%mul3A_25, %dma_wait3A_41] : memref<10240x128xf32, #tpu.memory_space<vmem_shared>> -> memref<640x128xf32, #tpu.memory_space<vmem_shared>>
        tpu.wait_dma2 semaphore(%run_scoped3A_28 : memref<!tpu.dma_semaphore, #tpu.memory_space<semaphore_mem>>) src(%dma_wait3A_42 : memref<640x128xf32, #tpu.memory_space<vmem_shared>>) dst(%dma_wait3A_40 : memref<640x128xf32, #tpu.memory_space<hbm>>)
        tpu.yield
      }) : () -> ()
    } else {
    }
    return
  }
}

#map = affine_map<(d0, d1) -> (0, 0)>
#map1 = affine_map<(d0, d1) -> (0, 0, 0)>
module attributes {stable_mosaic.version = 14 : i64} {
  func.func @_sc_aggregate(%arg0: i32, %arg1: i32, %arg2: memref<10240x128xf32, #tpu.memory_space<hbm>>, %arg3: memref<2560x128xi32, #tpu.memory_space<hbm>>, %arg4: memref<2560x128xi32, #tpu.memory_space<hbm>>, %arg5: memref<2x10240x128xf32, #tpu.memory_space<hbm>>, %arg6: memref<40x128xi32, #tpu.memory_space<vmem>>, %arg7: memref<40x128xi32, #tpu.memory_space<vmem>>, %arg8: memref<128x128xf32, #tpu.memory_space<vmem>>, %arg9: memref<128x128xf32, #tpu.memory_space<vmem>>, %arg10: memref<!tpu.dma_semaphore, #tpu.memory_space<semaphore_mem>>, %arg11: memref<!tpu.dma_semaphore, #tpu.memory_space<semaphore_mem>>, %arg12: memref<10240x128xf32, #tpu.memory_space<vmem_shared>>) attributes {dimension_semantics = [#tpu.dimension_semantics<core_parallel>, #tpu.dimension_semantics<subcore_parallel>], iteration_bounds = array<i64: 2, 16>, scalar_prefetch = 0 : i64, scratch_operands = 7 : i64, tpu.core_type = #tpu.core_type<sc_vector_subcore>, window_params = [{transform_indices = #map}, {transform_indices = #map}, {transform_indices = #map}, {transform_indices = #map1}]} {
    %mul3A = arith.constant 16 : i32
    %mul3A_0 = arith.muli %arg0, %mul3A : i32
    %add3A = arith.addi %mul3A_0, %arg1 : i32
    %broadcast_in_dim3A = arith.constant 0.000000e+00 : f32
    %broadcast_in_dim3A_1 = vector.broadcast %broadcast_in_dim3A : f32 to vector<16xf32>
    %scan3A = arith.constant 0 : i32
    %scan3A_2 = arith.constant 128 : i32
    %scan3A_3 = arith.addi %scan3A, %scan3A_2 : i32
    %scan3A_4 = arith.constant 1 : i32
    scf.for %scan3A_24 = %scan3A to %scan3A_3 step %scan3A_4  : i32 {
      %mul3A_25 = arith.constant 1 : i32
      %mul3A_26 = arith.muli %scan3A_24, %mul3A_25 : i32
      %add3A_27 = arith.constant 0 : i32
      %add3A_28 = arith.addi %add3A_27, %mul3A_26 : i32
      %scan3A_29 = arith.constant 0 : i32
      %scan3A_30 = arith.constant 8 : i32
      %scan3A_31 = arith.addi %scan3A_29, %scan3A_30 : i32
      %scan3A_32 = arith.constant 1 : i32
      scf.for %scan3A_34 = %scan3A_29 to %scan3A_31 step %scan3A_32  : i32 {
        %mul3A_35 = arith.constant 1 : i32
        %mul3A_36 = arith.muli %scan3A_34, %mul3A_35 : i32
        %add3A_37 = arith.constant 0 : i32
        %add3A_38 = arith.addi %add3A_37, %mul3A_36 : i32
        %mul3A_39 = arith.constant 16 : i32
        %mul3A_40 = arith.muli %add3A_38, %mul3A_39 : i32
        %swap3A = arith.index_cast %add3A_28 : i32 to index
        %swap3A_41 = arith.index_cast %mul3A_40 : i32 to index
        %swap3A_42 = tpu.vector_load %arg8[%swap3A, %swap3A_41] {strides = array<i32>} : memref<128x128xf32, #tpu.memory_space<vmem>>, vector<1x16xf32>,
        %swap3A_43 = vector.shape_cast %swap3A_42 : vector<1x16xf32> to vector<16xf32>
        %swap3A_44 = vector.shape_cast %broadcast_in_dim3A_1 : vector<16xf32> to vector<1x16xf32>
        tpu.vector_store %arg8[%swap3A, %swap3A_41], %swap3A_44 {strides = array<i32>} : memref<128x128xf32, #tpu.memory_space<vmem>>, vector<1x16xf32>,
      }
      %scan3A_33 = arith.constant 8 : i32
    }
    %scan3A_5 = arith.constant 128 : i32
    %scan3A_6 = arith.constant 0 : i32
    %scan3A_7 = arith.constant 5 : i32
    %scan3A_8 = arith.addi %scan3A_6, %scan3A_7 : i32
    %scan3A_9 = arith.constant 1 : i32
    scf.for %scan3A_24 = %scan3A_6 to %scan3A_8 step %scan3A_9  : i32 {
      %mul3A_25 = arith.constant 1 : i32
      %mul3A_26 = arith.muli %scan3A_24, %mul3A_25 : i32
      %add3A_27 = arith.constant 0 : i32
      %add3A_28 = arith.addi %add3A_27, %mul3A_26 : i32
      %mul3A_29 = arith.constant 640 : i32
      %mul3A_30 = arith.muli %arg1, %mul3A_29 : i32
      %mul3A_31 = arith.constant 128 : i32
      %mul3A_32 = arith.muli %add3A_28, %mul3A_31 : i32
      %add3A_33 = arith.addi %mul3A_30, %mul3A_32 : i32
      "tpu.region"() ({
        %run_scoped3A = tpu.sem_alloc : memref<!tpu.dma_semaphore, #tpu.memory_space<semaphore_mem>>
        %dma_start3A = arith.constant 0 : i32
        %dma_start3A_34 = tpu.memref_slice %arg12[%add3A_33, %dma_start3A] : memref<10240x128xf32, #tpu.memory_space<vmem_shared>> -> memref<128x128xf32, #tpu.memory_space<vmem_shared>>
        %dma_start3A_35 = arith.constant 0 : i32
        %dma_start3A_36 = tpu.memref_slice %arg12[%add3A_33, %dma_start3A_35] : memref<10240x128xf32, #tpu.memory_space<vmem_shared>> -> memref<128x128xf32, #tpu.memory_space<vmem_shared>>
        tpu.enqueue_dma source(%arg8 : memref<128x128xf32, #tpu.memory_space<vmem>>) target(%dma_start3A_36 : memref<128x128xf32, #tpu.memory_space<vmem_shared>>) target_semaphore(%run_scoped3A : memref<!tpu.dma_semaphore, #tpu.memory_space<semaphore_mem>>)
        %dma_wait3A = arith.constant 0 : i32
        %dma_wait3A_37 = tpu.memref_slice %arg12[%add3A_33, %dma_wait3A] : memref<10240x128xf32, #tpu.memory_space<vmem_shared>> -> memref<128x128xf32, #tpu.memory_space<vmem_shared>>
        %dma_wait3A_38 = arith.constant 0 : i32
        %dma_wait3A_39 = tpu.memref_slice %arg12[%add3A_33, %dma_wait3A_38] : memref<10240x128xf32, #tpu.memory_space<vmem_shared>> -> memref<128x128xf32, #tpu.memory_space<vmem_shared>>
        tpu.wait_dma2 semaphore(%run_scoped3A : memref<!tpu.dma_semaphore, #tpu.memory_space<semaphore_mem>>) src(%arg8 : memref<128x128xf32, #tpu.memory_space<vmem>>) dst(%dma_wait3A_39 : memref<128x128xf32, #tpu.memory_space<vmem_shared>>)
        tpu.yield
      }) : () -> ()
    }
    %scan3A_10 = arith.constant 5 : i32
    %barrier3A = arith.constant 0 : index
    tpu.barrier barrier_id(%barrier3A)
    %scan3A_11 = arith.constant 0 : i32
    %scan3A_12 = arith.constant 2 : i32
    %scan3A_13 = arith.addi %scan3A_11, %scan3A_12 : i32
    %scan3A_14 = arith.constant 1 : i32
    scf.for %scan3A_24 = %scan3A_11 to %scan3A_13 step %scan3A_14  : i32 {
      %mul3A_25 = arith.constant 1 : i32
      %mul3A_26 = arith.muli %scan3A_24, %mul3A_25 : i32
      %add3A_27 = arith.constant 0 : i32
      %add3A_28 = arith.addi %add3A_27, %mul3A_26 : i32
      %mul3A_29 = arith.constant 80 : i32
      %mul3A_30 = arith.muli %add3A, %mul3A_29 : i32
      %mul3A_31 = arith.constant 40 : i32
      %mul3A_32 = arith.muli %add3A_28, %mul3A_31 : i32
      %add3A_33 = arith.addi %mul3A_30, %mul3A_32 : i32
      "tpu.region"() ({
        %run_scoped3A = tpu.sem_alloc : memref<!tpu.dma_semaphore, #tpu.memory_space<semaphore_mem>>
        %dma_start3A_50 = arith.constant 0 : i32
        %dma_start3A_51 = tpu.memref_slice %arg3[%add3A_33, %dma_start3A_50] : memref<2560x128xi32, #tpu.memory_space<hbm>> -> memref<40x128xi32, #tpu.memory_space<hbm>>
        %dma_start3A_52 = arith.constant 0 : i32
        %dma_start3A_53 = tpu.memref_slice %arg3[%add3A_33, %dma_start3A_52] : memref<2560x128xi32, #tpu.memory_space<hbm>> -> memref<40x128xi32, #tpu.memory_space<hbm>>
        tpu.enqueue_dma source(%dma_start3A_53 : memref<40x128xi32, #tpu.memory_space<hbm>>) target(%arg6 : memref<40x128xi32, #tpu.memory_space<vmem>>) target_semaphore(%run_scoped3A : memref<!tpu.dma_semaphore, #tpu.memory_space<semaphore_mem>>)
        %dma_wait3A = arith.constant 0 : i32
        %dma_wait3A_54 = tpu.memref_slice %arg3[%add3A_33, %dma_wait3A] : memref<2560x128xi32, #tpu.memory_space<hbm>> -> memref<40x128xi32, #tpu.memory_space<hbm>>
        %dma_wait3A_55 = arith.constant 0 : i32
        %dma_wait3A_56 = tpu.memref_slice %arg3[%add3A_33, %dma_wait3A_55] : memref<2560x128xi32, #tpu.memory_space<hbm>> -> memref<40x128xi32, #tpu.memory_space<hbm>>
        tpu.wait_dma2 semaphore(%run_scoped3A : memref<!tpu.dma_semaphore, #tpu.memory_space<semaphore_mem>>) src(%dma_wait3A_56 : memref<40x128xi32, #tpu.memory_space<hbm>>) dst(%arg6 : memref<40x128xi32, #tpu.memory_space<vmem>>)
        tpu.yield
      }) : () -> ()
      %mul3A_34 = arith.constant 80 : i32
      %mul3A_35 = arith.muli %add3A, %mul3A_34 : i32
      %mul3A_36 = arith.constant 40 : i32
      %mul3A_37 = arith.muli %add3A_28, %mul3A_36 : i32
      %add3A_38 = arith.addi %mul3A_35, %mul3A_37 : i32
      "tpu.region"() ({
        %run_scoped3A = tpu.sem_alloc : memref<!tpu.dma_semaphore, #tpu.memory_space<semaphore_mem>>
        %dma_start3A_50 = arith.constant 0 : i32
        %dma_start3A_51 = tpu.memref_slice %arg4[%add3A_38, %dma_start3A_50] : memref<2560x128xi32, #tpu.memory_space<hbm>> -> memref<40x128xi32, #tpu.memory_space<hbm>>
        %dma_start3A_52 = arith.constant 0 : i32
        %dma_start3A_53 = tpu.memref_slice %arg4[%add3A_38, %dma_start3A_52] : memref<2560x128xi32, #tpu.memory_space<hbm>> -> memref<40x128xi32, #tpu.memory_space<hbm>>
        tpu.enqueue_dma source(%dma_start3A_53 : memref<40x128xi32, #tpu.memory_space<hbm>>) target(%arg7 : memref<40x128xi32, #tpu.memory_space<vmem>>) target_semaphore(%run_scoped3A : memref<!tpu.dma_semaphore, #tpu.memory_space<semaphore_mem>>)
        %dma_wait3A = arith.constant 0 : i32
        %dma_wait3A_54 = tpu.memref_slice %arg4[%add3A_38, %dma_wait3A] : memref<2560x128xi32, #tpu.memory_space<hbm>> -> memref<40x128xi32, #tpu.memory_space<hbm>>
        %dma_wait3A_55 = arith.constant 0 : i32
        %dma_wait3A_56 = tpu.memref_slice %arg4[%add3A_38, %dma_wait3A_55] : memref<2560x128xi32, #tpu.memory_space<hbm>> -> memref<40x128xi32, #tpu.memory_space<hbm>>
        tpu.wait_dma2 semaphore(%run_scoped3A : memref<!tpu.dma_semaphore, #tpu.memory_space<semaphore_mem>>) src(%dma_wait3A_56 : memref<40x128xi32, #tpu.memory_space<hbm>>) dst(%arg7 : memref<40x128xi32, #tpu.memory_space<vmem>>)
        tpu.yield
      }) : () -> ()
      %dma_start3A = arith.constant 0 : i32
      %dma_start3A_39 = arith.constant 0 : i32
      %dma_start3A_40 = tpu.memref_slice %arg6[%dma_start3A, %dma_start3A_39] : memref<40x128xi32, #tpu.memory_space<vmem>> -> memref<1x128xi32, #tpu.memory_space<vmem>>
      %dma_start3A_41 = tpu.memref_squeeze %dma_start3A_40 : memref<1x128xi32, #tpu.memory_space<vmem>> -> memref<128xi32, #tpu.memory_space<vmem>>
      %dma_start3A_42 = arith.constant 0 : i32
      %dma_start3A_43 = arith.constant 0 : i32
      %dma_start3A_44 = tpu.memref_slice %arg2[%dma_start3A_42, %dma_start3A_43] : memref<10240x128xf32, #tpu.memory_space<hbm>> -> memref<10240x128xf32, #tpu.memory_space<hbm>>
      tpu.enqueue_indirect_dma source(%dma_start3A_44 : memref<10240x128xf32, #tpu.memory_space<hbm>>) target(%arg8 : memref<128x128xf32, #tpu.memory_space<vmem>>) offsets(%dma_start3A_41 : memref<128xi32, #tpu.memory_space<vmem>>) semaphore(%arg10 : memref<!tpu.dma_semaphore, #tpu.memory_space<semaphore_mem>>)
      %scan3A_45 = arith.constant 0 : i32
      %scan3A_46 = arith.constant 20 : i32
      %scan3A_47 = arith.addi %scan3A_45, %scan3A_46 : i32
      %scan3A_48 = arith.constant 1 : i32
      scf.for %scan3A_50 = %scan3A_45 to %scan3A_47 step %scan3A_48  : i32 {
        %mul3A_51 = arith.constant 1 : i32
        %mul3A_52 = arith.muli %scan3A_50, %mul3A_51 : i32
        %add3A_53 = arith.constant 0 : i32
        %add3A_54 = arith.addi %add3A_53, %mul3A_52 : i32
        %mul3A_55 = arith.constant 2 : i32
        %mul3A_56 = arith.muli %mul3A_55, %add3A_54 : i32
        %add3A_57 = arith.constant 1 : i32
        %add3A_58 = arith.addi %mul3A_56, %add3A_57 : i32
        %dma_start3A_59 = arith.constant 0 : i32
        %dma_start3A_60 = tpu.memref_slice %arg6[%add3A_58, %dma_start3A_59] : memref<40x128xi32, #tpu.memory_space<vmem>> -> memref<1x128xi32, #tpu.memory_space<vmem>>
        %dma_start3A_61 = tpu.memref_squeeze %dma_start3A_60 : memref<1x128xi32, #tpu.memory_space<vmem>> -> memref<128xi32, #tpu.memory_space<vmem>>
        %dma_start3A_62 = arith.constant 0 : i32
        %dma_start3A_63 = arith.constant 0 : i32
        %dma_start3A_64 = tpu.memref_slice %arg2[%dma_start3A_62, %dma_start3A_63] : memref<10240x128xf32, #tpu.memory_space<hbm>> -> memref<10240x128xf32, #tpu.memory_space<hbm>>
        tpu.enqueue_indirect_dma source(%dma_start3A_64 : memref<10240x128xf32, #tpu.memory_space<hbm>>) target(%arg9 : memref<128x128xf32, #tpu.memory_space<vmem>>) offsets(%dma_start3A_61 : memref<128xi32, #tpu.memory_space<vmem>>) semaphore(%arg11 : memref<!tpu.dma_semaphore, #tpu.memory_space<semaphore_mem>>)
        %dma_wait3A = arith.constant 0 : i32
        %dma_wait3A_65 = arith.constant 0 : i32
        %dma_wait3A_66 = tpu.memref_slice %arg2[%dma_wait3A, %dma_wait3A_65] : memref<10240x128xf32, #tpu.memory_space<hbm>> -> memref<128x128xf32, #tpu.memory_space<hbm>>
        %dma_wait3A_67 = arith.constant 0 : i32
        %dma_wait3A_68 = arith.constant 0 : i32
        %dma_wait3A_69 = tpu.memref_slice %arg2[%dma_wait3A_67, %dma_wait3A_68] : memref<10240x128xf32, #tpu.memory_space<hbm>> -> memref<128x128xf32, #tpu.memory_space<hbm>>
        tpu.wait_dma2 semaphore(%arg10 : memref<!tpu.dma_semaphore, #tpu.memory_space<semaphore_mem>>) src(%dma_wait3A_69 : memref<128x128xf32, #tpu.memory_space<hbm>>) dst(%arg8 : memref<128x128xf32, #tpu.memory_space<vmem>>)
        "tpu.region"() ({
          %run_scoped3A = tpu.sem_alloc : memref<!tpu.dma_semaphore, #tpu.memory_space<semaphore_mem>>
          %dma_start3A_84 = arith.constant 0 : i32
          %dma_start3A_85 = tpu.memref_slice %arg7[%mul3A_56, %dma_start3A_84] : memref<40x128xi32, #tpu.memory_space<vmem>> -> memref<1x128xi32, #tpu.memory_space<vmem>>
          %dma_start3A_86 = tpu.memref_squeeze %dma_start3A_85 : memref<1x128xi32, #tpu.memory_space<vmem>> -> memref<128xi32, #tpu.memory_space<vmem>>
          %dma_start3A_87 = arith.constant 0 : i32
          %dma_start3A_88 = arith.constant 0 : i32
          %dma_start3A_89 = tpu.memref_slice %arg12[%dma_start3A_87, %dma_start3A_88] : memref<10240x128xf32, #tpu.memory_space<vmem_shared>> -> memref<10240x128xf32, #tpu.memory_space<vmem_shared>>
          tpu.enqueue_indirect_dma source(%arg8 : memref<128x128xf32, #tpu.memory_space<vmem>>) target(%dma_start3A_89 : memref<10240x128xf32, #tpu.memory_space<vmem_shared>>) offsets(%dma_start3A_86 : memref<128xi32, #tpu.memory_space<vmem>>) semaphore(%run_scoped3A : memref<!tpu.dma_semaphore, #tpu.memory_space<semaphore_mem>>) {add = true}
          %dma_wait3A_90 = arith.constant 0 : i32
          %dma_wait3A_91 = tpu.memref_slice %arg7[%mul3A_56, %dma_wait3A_90] : memref<40x128xi32, #tpu.memory_space<vmem>> -> memref<1x128xi32, #tpu.memory_space<vmem>>
          %dma_wait3A_92 = tpu.memref_squeeze %dma_wait3A_91 : memref<1x128xi32, #tpu.memory_space<vmem>> -> memref<128xi32, #tpu.memory_space<vmem>>
          %dma_wait3A_93 = arith.constant 0 : i32
          %dma_wait3A_94 = arith.constant 0 : i32
          %dma_wait3A_95 = tpu.memref_slice %arg12[%dma_wait3A_93, %dma_wait3A_94] : memref<10240x128xf32, #tpu.memory_space<vmem_shared>> -> memref<10240x128xf32, #tpu.memory_space<vmem_shared>>
          tpu.wait_indirect_dma semaphore(%run_scoped3A : memref<!tpu.dma_semaphore, #tpu.memory_space<semaphore_mem>>) src(%arg8 : memref<128x128xf32, #tpu.memory_space<vmem>>) dst(%dma_wait3A_95 : memref<10240x128xf32, #tpu.memory_space<vmem_shared>>)
          tpu.yield
        }) : () -> ()
        %add3A_70 = arith.constant 2 : i32
        %add3A_71 = arith.addi %mul3A_56, %add3A_70 : i32
        %lt3A = arith.constant 40 : i32
        %lt3A_72 = arith.cmpi slt, %add3A_71, %lt3A : i32
        %convert_element_type3A_73 = arith.extui %lt3A_72 : i1 to i32
        %cond3A_74 = arith.constant 0 : i32
        %cond3A_75 = arith.cmpi ne, %convert_element_type3A_73, %cond3A_74 : i32
        scf.if %cond3A_75 {
          %add3A_84 = arith.constant 2 : i32
          %add3A_85 = arith.addi %mul3A_56, %add3A_84 : i32
          %dma_start3A_86 = arith.constant 0 : i32
          %dma_start3A_87 = tpu.memref_slice %arg6[%add3A_85, %dma_start3A_86] : memref<40x128xi32, #tpu.memory_space<vmem>> -> memref<1x128xi32, #tpu.memory_space<vmem>>
          %dma_start3A_88 = tpu.memref_squeeze %dma_start3A_87 : memref<1x128xi32, #tpu.memory_space<vmem>> -> memref<128xi32, #tpu.memory_space<vmem>>
          %dma_start3A_89 = arith.constant 0 : i32
          %dma_start3A_90 = arith.constant 0 : i32
          %dma_start3A_91 = tpu.memref_slice %arg2[%dma_start3A_89, %dma_start3A_90] : memref<10240x128xf32, #tpu.memory_space<hbm>> -> memref<10240x128xf32, #tpu.memory_space<hbm>>
          tpu.enqueue_indirect_dma source(%dma_start3A_91 : memref<10240x128xf32, #tpu.memory_space<hbm>>) target(%arg8 : memref<128x128xf32, #tpu.memory_space<vmem>>) offsets(%dma_start3A_88 : memref<128xi32, #tpu.memory_space<vmem>>) semaphore(%arg10 : memref<!tpu.dma_semaphore, #tpu.memory_space<semaphore_mem>>)
        } else {
        }
        %dma_wait3A_76 = arith.constant 0 : i32
        %dma_wait3A_77 = arith.constant 0 : i32
        %dma_wait3A_78 = tpu.memref_slice %arg2[%dma_wait3A_76, %dma_wait3A_77] : memref<10240x128xf32, #tpu.memory_space<hbm>> -> memref<128x128xf32, #tpu.memory_space<hbm>>
        %dma_wait3A_79 = arith.constant 0 : i32
        %dma_wait3A_80 = arith.constant 0 : i32
        %dma_wait3A_81 = tpu.memref_slice %arg2[%dma_wait3A_79, %dma_wait3A_80] : memref<10240x128xf32, #tpu.memory_space<hbm>> -> memref<128x128xf32, #tpu.memory_space<hbm>>
        tpu.wait_dma2 semaphore(%arg11 : memref<!tpu.dma_semaphore, #tpu.memory_space<semaphore_mem>>) src(%dma_wait3A_81 : memref<128x128xf32, #tpu.memory_space<hbm>>) dst(%arg9 : memref<128x128xf32, #tpu.memory_space<vmem>>)
        %add3A_82 = arith.constant 1 : i32
        %add3A_83 = arith.addi %mul3A_56, %add3A_82 : i32
        "tpu.region"() ({
          %run_scoped3A = tpu.sem_alloc : memref<!tpu.dma_semaphore, #tpu.memory_space<semaphore_mem>>
          %dma_start3A_84 = arith.constant 0 : i32
          %dma_start3A_85 = tpu.memref_slice %arg7[%add3A_83, %dma_start3A_84] : memref<40x128xi32, #tpu.memory_space<vmem>> -> memref<1x128xi32, #tpu.memory_space<vmem>>
          %dma_start3A_86 = tpu.memref_squeeze %dma_start3A_85 : memref<1x128xi32, #tpu.memory_space<vmem>> -> memref<128xi32, #tpu.memory_space<vmem>>
          %dma_start3A_87 = arith.constant 0 : i32
          %dma_start3A_88 = arith.constant 0 : i32
          %dma_start3A_89 = tpu.memref_slice %arg12[%dma_start3A_87, %dma_start3A_88] : memref<10240x128xf32, #tpu.memory_space<vmem_shared>> -> memref<10240x128xf32, #tpu.memory_space<vmem_shared>>
          tpu.enqueue_indirect_dma source(%arg9 : memref<128x128xf32, #tpu.memory_space<vmem>>) target(%dma_start3A_89 : memref<10240x128xf32, #tpu.memory_space<vmem_shared>>) offsets(%dma_start3A_86 : memref<128xi32, #tpu.memory_space<vmem>>) semaphore(%run_scoped3A : memref<!tpu.dma_semaphore, #tpu.memory_space<semaphore_mem>>) {add = true}
          %dma_wait3A_90 = arith.constant 0 : i32
          %dma_wait3A_91 = tpu.memref_slice %arg7[%add3A_83, %dma_wait3A_90] : memref<40x128xi32, #tpu.memory_space<vmem>> -> memref<1x128xi32, #tpu.memory_space<vmem>>
          %dma_wait3A_92 = tpu.memref_squeeze %dma_wait3A_91 : memref<1x128xi32, #tpu.memory_space<vmem>> -> memref<128xi32, #tpu.memory_space<vmem>>
          %dma_wait3A_93 = arith.constant 0 : i32
          %dma_wait3A_94 = arith.constant 0 : i32
          %dma_wait3A_95 = tpu.memref_slice %arg12[%dma_wait3A_93, %dma_wait3A_94] : memref<10240x128xf32, #tpu.memory_space<vmem_shared>> -> memref<10240x128xf32, #tpu.memory_space<vmem_shared>>
          tpu.wait_indirect_dma semaphore(%run_scoped3A : memref<!tpu.dma_semaphore, #tpu.memory_space<semaphore_mem>>) src(%arg9 : memref<128x128xf32, #tpu.memory_space<vmem>>) dst(%dma_wait3A_95 : memref<10240x128xf32, #tpu.memory_space<vmem_shared>>)
          tpu.yield
        }) : () -> ()
      }
      %scan3A_49 = arith.constant 20 : i32
    }
    %scan3A_15 = arith.constant 2 : i32
    %barrier3A_16 = arith.constant 0 : index
    tpu.barrier barrier_id(%barrier3A_16)
    %eq3A = arith.constant 0 : i32
    %eq3A_17 = arith.cmpi eq, %arg0, %eq3A : i32
    %convert_element_type3A = arith.extui %eq3A_17 : i1 to i32
    %cond3A = arith.constant 0 : i32
    %cond3A_18 = arith.cmpi ne, %convert_element_type3A, %cond3A : i32
    scf.if %cond3A_18 {
      %mul3A_24 = arith.constant 640 : i32
      %mul3A_25 = arith.muli %arg1, %mul3A_24 : i32
      %mul3A_26 = arith.constant 640 : i32
      %mul3A_27 = arith.muli %arg1, %mul3A_26 : i32
      %run_scoped3A = arith.constant 0 : i32
      "tpu.region"() ({
        %run_scoped3A_28 = tpu.sem_alloc : memref<!tpu.dma_semaphore, #tpu.memory_space<semaphore_mem>>
        %dma_start3A = arith.constant 0 : i32
        %dma_start3A_29 = arith.constant 0 : i32
        %dma_start3A_30 = tpu.memref_slice %arg5[%run_scoped3A, %dma_start3A, %dma_start3A_29] : memref<2x10240x128xf32, #tpu.memory_space<hbm>> -> memref<1x10240x128xf32, #tpu.memory_space<hbm>>
        %dma_start3A_31 = tpu.memref_squeeze %dma_start3A_30 : memref<1x10240x128xf32, #tpu.memory_space<hbm>> -> memref<10240x128xf32, #tpu.memory_space<hbm>>
        %dma_start3A_32 = arith.constant 0 : i32
        %dma_start3A_33 = tpu.memref_slice %dma_start3A_31[%mul3A_27, %dma_start3A_32] : memref<10240x128xf32, #tpu.memory_space<hbm>> -> memref<640x128xf32, #tpu.memory_space<hbm>>
        %dma_start3A_34 = arith.constant 0 : i32
        %dma_start3A_35 = tpu.memref_slice %arg12[%mul3A_25, %dma_start3A_34] : memref<10240x128xf32, #tpu.memory_space<vmem_shared>> -> memref<640x128xf32, #tpu.memory_space<vmem_shared>>
        tpu.enqueue_dma source(%dma_start3A_35 : memref<640x128xf32, #tpu.memory_space<vmem_shared>>) target(%dma_start3A_33 : memref<640x128xf32, #tpu.memory_space<hbm>>) target_semaphore(%run_scoped3A_28 : memref<!tpu.dma_semaphore, #tpu.memory_space<semaphore_mem>>)
        %dma_wait3A = arith.constant 0 : i32
        %dma_wait3A_36 = arith.constant 0 : i32
        %dma_wait3A_37 = tpu.memref_slice %arg5[%run_scoped3A, %dma_wait3A, %dma_wait3A_36] : memref<2x10240x128xf32, #tpu.memory_space<hbm>> -> memref<1x10240x128xf32, #tpu.memory_space<hbm>>
        %dma_wait3A_38 = tpu.memref_squeeze %dma_wait3A_37 : memref<1x10240x128xf32, #tpu.memory_space<hbm>> -> memref<10240x128xf32, #tpu.memory_space<hbm>>
        %dma_wait3A_39 = arith.constant 0 : i32
        %dma_wait3A_40 = tpu.memref_slice %dma_wait3A_38[%mul3A_27, %dma_wait3A_39] : memref<10240x128xf32, #tpu.memory_space<hbm>> -> memref<640x128xf32, #tpu.memory_space<hbm>>
        %dma_wait3A_41 = arith.constant 0 : i32
        %dma_wait3A_42 = tpu.memref_slice %arg12[%mul3A_25, %dma_wait3A_41] : memref<10240x128xf32, #tpu.memory_space<vmem_shared>> -> memref<640x128xf32, #tpu.memory_space<vmem_shared>>
        tpu.wait_dma2 semaphore(%run_scoped3A_28 : memref<!tpu.dma_semaphore, #tpu.memory_space<semaphore_mem>>) src(%dma_wait3A_42 : memref<640x128xf32, #tpu.memory_space<vmem_shared>>) dst(%dma_wait3A_40 : memref<640x128xf32, #tpu.memory_space<hbm>>)
        tpu.yield
      }) : () -> ()
    } else {
    }
    %eq3A_19 = arith.constant 1 : i32
    %eq3A_20 = arith.cmpi eq, %arg0, %eq3A_19 : i32
    %convert_element_type3A_21 = arith.extui %eq3A_20 : i1 to i32
    %cond3A_22 = arith.constant 0 : i32
    %cond3A_23 = arith.cmpi ne, %convert_element_type3A_21, %cond3A_22 : i32
    scf.if %cond3A_23 {
      %mul3A_24 = arith.constant 640 : i32
      %mul3A_25 = arith.muli %arg1, %mul3A_24 : i32
      %mul3A_26 = arith.constant 640 : i32
      %mul3A_27 = arith.muli %arg1, %mul3A_26 : i32
      %run_scoped3A = arith.constant 1 : i32
      "tpu.region"() ({
        %run_scoped3A_28 = tpu.sem_alloc : memref<!tpu.dma_semaphore, #tpu.memory_space<semaphore_mem>>
        %dma_start3A = arith.constant 0 : i32
        %dma_start3A_29 = arith.constant 0 : i32
        %dma_start3A_30 = tpu.memref_slice %arg5[%run_scoped3A, %dma_start3A, %dma_start3A_29] : memref<2x10240x128xf32, #tpu.memory_space<hbm>> -> memref<1x10240x128xf32, #tpu.memory_space<hbm>>
        %dma_start3A_31 = tpu.memref_squeeze %dma_start3A_30 : memref<1x10240x128xf32, #tpu.memory_space<hbm>> -> memref<10240x128xf32, #tpu.memory_space<hbm>>
        %dma_start3A_32 = arith.constant 0 : i32
        %dma_start3A_33 = tpu.memref_slice %dma_start3A_31[%mul3A_27, %dma_start3A_32] : memref<10240x128xf32, #tpu.memory_space<hbm>> -> memref<640x128xf32, #tpu.memory_space<hbm>>
        %dma_start3A_34 = arith.constant 0 : i32
        %dma_start3A_35 = tpu.memref_slice %arg12[%mul3A_25, %dma_start3A_34] : memref<10240x128xf32, #tpu.memory_space<vmem_shared>> -> memref<640x128xf32, #tpu.memory_space<vmem_shared>>
        tpu.enqueue_dma source(%dma_start3A_35 : memref<640x128xf32, #tpu.memory_space<vmem_shared>>) target(%dma_start3A_33 : memref<640x128xf32, #tpu.memory_space<hbm>>) target_semaphore(%run_scoped3A_28 : memref<!tpu.dma_semaphore, #tpu.memory_space<semaphore_mem>>)
        %dma_wait3A = arith.constant 0 : i32
        %dma_wait3A_36 = arith.constant 0 : i32
        %dma_wait3A_37 = tpu.memref_slice %arg5[%run_scoped3A, %dma_wait3A, %dma_wait3A_36] : memref<2x10240x128xf32, #tpu.memory_space<hbm>> -> memref<1x10240x128xf32, #tpu.memory_space<hbm>>
        %dma_wait3A_38 = tpu.memref_squeeze %dma_wait3A_37 : memref<1x10240x128xf32, #tpu.memory_space<hbm>> -> memref<10240x128xf32, #tpu.memory_space<hbm>>
        %dma_wait3A_39 = arith.constant 0 : i32
        %dma_wait3A_40 = tpu.memref_slice %dma_wait3A_38[%mul3A_27, %dma_wait3A_39] : memref<10240x128xf32, #tpu.memory_space<hbm>> -> memref<640x128xf32, #tpu.memory_space<hbm>>
        %dma_wait3A_41 = arith.constant 0 : i32
        %dma_wait3A_42 = tpu.memref_slice %arg12[%mul3A_25, %dma_wait3A_41] : memref<10240x128xf32, #tpu.memory_space<vmem_shared>> -> memref<640x128xf32, #tpu.memory_space<vmem_shared>>
        tpu.wait_dma2 semaphore(%run_scoped3A_28 : memref<!tpu.dma_semaphore, #tpu.memory_space<semaphore_mem>>) src(%dma_wait3A_42 : memref<640x128xf32, #tpu.memory_space<vmem_shared>>) dst(%dma_wait3A_40 : memref<640x128xf32, #tpu.memory_space<hbm>>)
        tpu.yield
      }) : () -> ()
    } else {
    }
    return
  }
}

#map = affine_map<(d0, d1) -> (0, 0)>
#map1 = affine_map<(d0, d1) -> (0, 0, 0)>
module attributes {stable_mosaic.version = 14 : i64} {
  func.func @_sc_aggregate(%arg0: i32, %arg1: i32, %arg2: memref<10240x128xf32, #tpu.memory_space<hbm>>, %arg3: memref<2560x128xi32, #tpu.memory_space<hbm>>, %arg4: memref<2560x128xi32, #tpu.memory_space<hbm>>, %arg5: memref<2x10240x128xf32, #tpu.memory_space<hbm>>, %arg6: memref<40x128xi32, #tpu.memory_space<vmem>>, %arg7: memref<40x128xi32, #tpu.memory_space<vmem>>, %arg8: memref<128x128xf32, #tpu.memory_space<vmem>>, %arg9: memref<128x128xf32, #tpu.memory_space<vmem>>, %arg10: memref<!tpu.dma_semaphore, #tpu.memory_space<semaphore_mem>>, %arg11: memref<!tpu.dma_semaphore, #tpu.memory_space<semaphore_mem>>, %arg12: memref<10240x128xf32, #tpu.memory_space<vmem_shared>>) attributes {dimension_semantics = [#tpu.dimension_semantics<core_parallel>, #tpu.dimension_semantics<subcore_parallel>], iteration_bounds = array<i64: 2, 16>, scalar_prefetch = 0 : i64, scratch_operands = 7 : i64, tpu.core_type = #tpu.core_type<sc_vector_subcore>, window_params = [{transform_indices = #map}, {transform_indices = #map}, {transform_indices = #map}, {transform_indices = #map1}]} {
    %mul3A = arith.constant 16 : i32
    %mul3A_0 = arith.muli %arg0, %mul3A : i32
    %add3A = arith.addi %mul3A_0, %arg1 : i32
    %broadcast_in_dim3A = arith.constant 0.000000e+00 : f32
    %broadcast_in_dim3A_1 = vector.broadcast %broadcast_in_dim3A : f32 to vector<16xf32>
    %scan3A = arith.constant 0 : i32
    %scan3A_2 = arith.constant 128 : i32
    %scan3A_3 = arith.addi %scan3A, %scan3A_2 : i32
    %scan3A_4 = arith.constant 1 : i32
    scf.for %scan3A_24 = %scan3A to %scan3A_3 step %scan3A_4  : i32 {
      %mul3A_25 = arith.constant 1 : i32
      %mul3A_26 = arith.muli %scan3A_24, %mul3A_25 : i32
      %add3A_27 = arith.constant 0 : i32
      %add3A_28 = arith.addi %add3A_27, %mul3A_26 : i32
      %scan3A_29 = arith.constant 0 : i32
      %scan3A_30 = arith.constant 8 : i32
      %scan3A_31 = arith.addi %scan3A_29, %scan3A_30 : i32
      %scan3A_32 = arith.constant 1 : i32
      scf.for %scan3A_34 = %scan3A_29 to %scan3A_31 step %scan3A_32  : i32 {
        %mul3A_35 = arith.constant 1 : i32
        %mul3A_36 = arith.muli %scan3A_34, %mul3A_35 : i32
        %add3A_37 = arith.constant 0 : i32
        %add3A_38 = arith.addi %add3A_37, %mul3A_36 : i32
        %mul3A_39 = arith.constant 16 : i32
        %mul3A_40 = arith.muli %add3A_38, %mul3A_39 : i32
        %swap3A = arith.index_cast %add3A_28 : i32 to index
        %swap3A_41 = arith.index_cast %mul3A_40 : i32 to index
        %swap3A_42 = tpu.vector_load %arg8[%swap3A, %swap3A_41] {strides = array<i32>} : memref<128x128xf32, #tpu.memory_space<vmem>>, vector<1x16xf32>,
        %swap3A_43 = vector.shape_cast %swap3A_42 : vector<1x16xf32> to vector<16xf32>
        %swap3A_44 = vector.shape_cast %broadcast_in_dim3A_1 : vector<16xf32> to vector<1x16xf32>
        tpu.vector_store %arg8[%swap3A, %swap3A_41], %swap3A_44 {strides = array<i32>} : memref<128x128xf32, #tpu.memory_space<vmem>>, vector<1x16xf32>,
      }
      %scan3A_33 = arith.constant 8 : i32
    }
    %scan3A_5 = arith.constant 128 : i32
    %scan3A_6 = arith.constant 0 : i32
    %scan3A_7 = arith.constant 5 : i32
    %scan3A_8 = arith.addi %scan3A_6, %scan3A_7 : i32
    %scan3A_9 = arith.constant 1 : i32
    scf.for %scan3A_24 = %scan3A_6 to %scan3A_8 step %scan3A_9  : i32 {
      %mul3A_25 = arith.constant 1 : i32
      %mul3A_26 = arith.muli %scan3A_24, %mul3A_25 : i32
      %add3A_27 = arith.constant 0 : i32
      %add3A_28 = arith.addi %add3A_27, %mul3A_26 : i32
      %mul3A_29 = arith.constant 640 : i32
      %mul3A_30 = arith.muli %arg1, %mul3A_29 : i32
      %mul3A_31 = arith.constant 128 : i32
      %mul3A_32 = arith.muli %add3A_28, %mul3A_31 : i32
      %add3A_33 = arith.addi %mul3A_30, %mul3A_32 : i32
      "tpu.region"() ({
        %run_scoped3A = tpu.sem_alloc : memref<!tpu.dma_semaphore, #tpu.memory_space<semaphore_mem>>
        %dma_start3A = arith.constant 0 : i32
        %dma_start3A_34 = tpu.memref_slice %arg12[%add3A_33, %dma_start3A] : memref<10240x128xf32, #tpu.memory_space<vmem_shared>> -> memref<128x128xf32, #tpu.memory_space<vmem_shared>>
        %dma_start3A_35 = arith.constant 0 : i32
        %dma_start3A_36 = tpu.memref_slice %arg12[%add3A_33, %dma_start3A_35] : memref<10240x128xf32, #tpu.memory_space<vmem_shared>> -> memref<128x128xf32, #tpu.memory_space<vmem_shared>>
        tpu.enqueue_dma source(%arg8 : memref<128x128xf32, #tpu.memory_space<vmem>>) target(%dma_start3A_36 : memref<128x128xf32, #tpu.memory_space<vmem_shared>>) target_semaphore(%run_scoped3A : memref<!tpu.dma_semaphore, #tpu.memory_space<semaphore_mem>>)
        %dma_wait3A = arith.constant 0 : i32
        %dma_wait3A_37 = tpu.memref_slice %arg12[%add3A_33, %dma_wait3A] : memref<10240x128xf32, #tpu.memory_space<vmem_shared>> -> memref<128x128xf32, #tpu.memory_space<vmem_shared>>
        %dma_wait3A_38 = arith.constant 0 : i32
        %dma_wait3A_39 = tpu.memref_slice %arg12[%add3A_33, %dma_wait3A_38] : memref<10240x128xf32, #tpu.memory_space<vmem_shared>> -> memref<128x128xf32, #tpu.memory_space<vmem_shared>>
        tpu.wait_dma2 semaphore(%run_scoped3A : memref<!tpu.dma_semaphore, #tpu.memory_space<semaphore_mem>>) src(%arg8 : memref<128x128xf32, #tpu.memory_space<vmem>>) dst(%dma_wait3A_39 : memref<128x128xf32, #tpu.memory_space<vmem_shared>>)
        tpu.yield
      }) : () -> ()
    }
    %scan3A_10 = arith.constant 5 : i32
    %barrier3A = arith.constant 0 : index
    tpu.barrier barrier_id(%barrier3A)
    %scan3A_11 = arith.constant 0 : i32
    %scan3A_12 = arith.constant 2 : i32
    %scan3A_13 = arith.addi %scan3A_11, %scan3A_12 : i32
    %scan3A_14 = arith.constant 1 : i32
    scf.for %scan3A_24 = %scan3A_11 to %scan3A_13 step %scan3A_14  : i32 {
      %mul3A_25 = arith.constant 1 : i32
      %mul3A_26 = arith.muli %scan3A_24, %mul3A_25 : i32
      %add3A_27 = arith.constant 0 : i32
      %add3A_28 = arith.addi %add3A_27, %mul3A_26 : i32
      %mul3A_29 = arith.constant 80 : i32
      %mul3A_30 = arith.muli %add3A, %mul3A_29 : i32
      %mul3A_31 = arith.constant 40 : i32
      %mul3A_32 = arith.muli %add3A_28, %mul3A_31 : i32
      %add3A_33 = arith.addi %mul3A_30, %mul3A_32 : i32
      "tpu.region"() ({
        %run_scoped3A = tpu.sem_alloc : memref<!tpu.dma_semaphore, #tpu.memory_space<semaphore_mem>>
        %dma_start3A_50 = arith.constant 0 : i32
        %dma_start3A_51 = tpu.memref_slice %arg3[%add3A_33, %dma_start3A_50] : memref<2560x128xi32, #tpu.memory_space<hbm>> -> memref<40x128xi32, #tpu.memory_space<hbm>>
        %dma_start3A_52 = arith.constant 0 : i32
        %dma_start3A_53 = tpu.memref_slice %arg3[%add3A_33, %dma_start3A_52] : memref<2560x128xi32, #tpu.memory_space<hbm>> -> memref<40x128xi32, #tpu.memory_space<hbm>>
        tpu.enqueue_dma source(%dma_start3A_53 : memref<40x128xi32, #tpu.memory_space<hbm>>) target(%arg6 : memref<40x128xi32, #tpu.memory_space<vmem>>) target_semaphore(%run_scoped3A : memref<!tpu.dma_semaphore, #tpu.memory_space<semaphore_mem>>)
        %dma_wait3A = arith.constant 0 : i32
        %dma_wait3A_54 = tpu.memref_slice %arg3[%add3A_33, %dma_wait3A] : memref<2560x128xi32, #tpu.memory_space<hbm>> -> memref<40x128xi32, #tpu.memory_space<hbm>>
        %dma_wait3A_55 = arith.constant 0 : i32
        %dma_wait3A_56 = tpu.memref_slice %arg3[%add3A_33, %dma_wait3A_55] : memref<2560x128xi32, #tpu.memory_space<hbm>> -> memref<40x128xi32, #tpu.memory_space<hbm>>
        tpu.wait_dma2 semaphore(%run_scoped3A : memref<!tpu.dma_semaphore, #tpu.memory_space<semaphore_mem>>) src(%dma_wait3A_56 : memref<40x128xi32, #tpu.memory_space<hbm>>) dst(%arg6 : memref<40x128xi32, #tpu.memory_space<vmem>>)
        tpu.yield
      }) : () -> ()
      %mul3A_34 = arith.constant 80 : i32
      %mul3A_35 = arith.muli %add3A, %mul3A_34 : i32
      %mul3A_36 = arith.constant 40 : i32
      %mul3A_37 = arith.muli %add3A_28, %mul3A_36 : i32
      %add3A_38 = arith.addi %mul3A_35, %mul3A_37 : i32
      "tpu.region"() ({
        %run_scoped3A = tpu.sem_alloc : memref<!tpu.dma_semaphore, #tpu.memory_space<semaphore_mem>>
        %dma_start3A_50 = arith.constant 0 : i32
        %dma_start3A_51 = tpu.memref_slice %arg4[%add3A_38, %dma_start3A_50] : memref<2560x128xi32, #tpu.memory_space<hbm>> -> memref<40x128xi32, #tpu.memory_space<hbm>>
        %dma_start3A_52 = arith.constant 0 : i32
        %dma_start3A_53 = tpu.memref_slice %arg4[%add3A_38, %dma_start3A_52] : memref<2560x128xi32, #tpu.memory_space<hbm>> -> memref<40x128xi32, #tpu.memory_space<hbm>>
        tpu.enqueue_dma source(%dma_start3A_53 : memref<40x128xi32, #tpu.memory_space<hbm>>) target(%arg7 : memref<40x128xi32, #tpu.memory_space<vmem>>) target_semaphore(%run_scoped3A : memref<!tpu.dma_semaphore, #tpu.memory_space<semaphore_mem>>)
        %dma_wait3A = arith.constant 0 : i32
        %dma_wait3A_54 = tpu.memref_slice %arg4[%add3A_38, %dma_wait3A] : memref<2560x128xi32, #tpu.memory_space<hbm>> -> memref<40x128xi32, #tpu.memory_space<hbm>>
        %dma_wait3A_55 = arith.constant 0 : i32
        %dma_wait3A_56 = tpu.memref_slice %arg4[%add3A_38, %dma_wait3A_55] : memref<2560x128xi32, #tpu.memory_space<hbm>> -> memref<40x128xi32, #tpu.memory_space<hbm>>
        tpu.wait_dma2 semaphore(%run_scoped3A : memref<!tpu.dma_semaphore, #tpu.memory_space<semaphore_mem>>) src(%dma_wait3A_56 : memref<40x128xi32, #tpu.memory_space<hbm>>) dst(%arg7 : memref<40x128xi32, #tpu.memory_space<vmem>>)
        tpu.yield
      }) : () -> ()
      %dma_start3A = arith.constant 0 : i32
      %dma_start3A_39 = arith.constant 0 : i32
      %dma_start3A_40 = tpu.memref_slice %arg6[%dma_start3A, %dma_start3A_39] : memref<40x128xi32, #tpu.memory_space<vmem>> -> memref<1x128xi32, #tpu.memory_space<vmem>>
      %dma_start3A_41 = tpu.memref_squeeze %dma_start3A_40 : memref<1x128xi32, #tpu.memory_space<vmem>> -> memref<128xi32, #tpu.memory_space<vmem>>
      %dma_start3A_42 = arith.constant 0 : i32
      %dma_start3A_43 = arith.constant 0 : i32
      %dma_start3A_44 = tpu.memref_slice %arg2[%dma_start3A_42, %dma_start3A_43] : memref<10240x128xf32, #tpu.memory_space<hbm>> -> memref<10240x128xf32, #tpu.memory_space<hbm>>
      tpu.enqueue_indirect_dma source(%dma_start3A_44 : memref<10240x128xf32, #tpu.memory_space<hbm>>) target(%arg8 : memref<128x128xf32, #tpu.memory_space<vmem>>) offsets(%dma_start3A_41 : memref<128xi32, #tpu.memory_space<vmem>>) semaphore(%arg10 : memref<!tpu.dma_semaphore, #tpu.memory_space<semaphore_mem>>)
      %scan3A_45 = arith.constant 0 : i32
      %scan3A_46 = arith.constant 20 : i32
      %scan3A_47 = arith.addi %scan3A_45, %scan3A_46 : i32
      %scan3A_48 = arith.constant 1 : i32
      scf.for %scan3A_50 = %scan3A_45 to %scan3A_47 step %scan3A_48  : i32 {
        %mul3A_51 = arith.constant 1 : i32
        %mul3A_52 = arith.muli %scan3A_50, %mul3A_51 : i32
        %add3A_53 = arith.constant 0 : i32
        %add3A_54 = arith.addi %add3A_53, %mul3A_52 : i32
        %mul3A_55 = arith.constant 2 : i32
        %mul3A_56 = arith.muli %mul3A_55, %add3A_54 : i32
        %add3A_57 = arith.constant 1 : i32
        %add3A_58 = arith.addi %mul3A_56, %add3A_57 : i32
        %dma_start3A_59 = arith.constant 0 : i32
        %dma_start3A_60 = tpu.memref_slice %arg6[%add3A_58, %dma_start3A_59] : memref<40x128xi32, #tpu.memory_space<vmem>> -> memref<1x128xi32, #tpu.memory_space<vmem>>
        %dma_start3A_61 = tpu.memref_squeeze %dma_start3A_60 : memref<1x128xi32, #tpu.memory_space<vmem>> -> memref<128xi32, #tpu.memory_space<vmem>>
        %dma_start3A_62 = arith.constant 0 : i32
        %dma_start3A_63 = arith.constant 0 : i32
        %dma_start3A_64 = tpu.memref_slice %arg2[%dma_start3A_62, %dma_start3A_63] : memref<10240x128xf32, #tpu.memory_space<hbm>> -> memref<10240x128xf32, #tpu.memory_space<hbm>>
        tpu.enqueue_indirect_dma source(%dma_start3A_64 : memref<10240x128xf32, #tpu.memory_space<hbm>>) target(%arg9 : memref<128x128xf32, #tpu.memory_space<vmem>>) offsets(%dma_start3A_61 : memref<128xi32, #tpu.memory_space<vmem>>) semaphore(%arg11 : memref<!tpu.dma_semaphore, #tpu.memory_space<semaphore_mem>>)
        %dma_wait3A = arith.constant 0 : i32
        %dma_wait3A_65 = arith.constant 0 : i32
        %dma_wait3A_66 = tpu.memref_slice %arg2[%dma_wait3A, %dma_wait3A_65] : memref<10240x128xf32, #tpu.memory_space<hbm>> -> memref<128x128xf32, #tpu.memory_space<hbm>>
        %dma_wait3A_67 = arith.constant 0 : i32
        %dma_wait3A_68 = arith.constant 0 : i32
        %dma_wait3A_69 = tpu.memref_slice %arg2[%dma_wait3A_67, %dma_wait3A_68] : memref<10240x128xf32, #tpu.memory_space<hbm>> -> memref<128x128xf32, #tpu.memory_space<hbm>>
        tpu.wait_dma2 semaphore(%arg10 : memref<!tpu.dma_semaphore, #tpu.memory_space<semaphore_mem>>) src(%dma_wait3A_69 : memref<128x128xf32, #tpu.memory_space<hbm>>) dst(%arg8 : memref<128x128xf32, #tpu.memory_space<vmem>>)
        "tpu.region"() ({
          %run_scoped3A = tpu.sem_alloc : memref<!tpu.dma_semaphore, #tpu.memory_space<semaphore_mem>>
          %dma_start3A_84 = arith.constant 0 : i32
          %dma_start3A_85 = tpu.memref_slice %arg7[%mul3A_56, %dma_start3A_84] : memref<40x128xi32, #tpu.memory_space<vmem>> -> memref<1x128xi32, #tpu.memory_space<vmem>>
          %dma_start3A_86 = tpu.memref_squeeze %dma_start3A_85 : memref<1x128xi32, #tpu.memory_space<vmem>> -> memref<128xi32, #tpu.memory_space<vmem>>
          %dma_start3A_87 = arith.constant 0 : i32
          %dma_start3A_88 = arith.constant 0 : i32
          %dma_start3A_89 = tpu.memref_slice %arg12[%dma_start3A_87, %dma_start3A_88] : memref<10240x128xf32, #tpu.memory_space<vmem_shared>> -> memref<10240x128xf32, #tpu.memory_space<vmem_shared>>
          tpu.enqueue_indirect_dma source(%arg8 : memref<128x128xf32, #tpu.memory_space<vmem>>) target(%dma_start3A_89 : memref<10240x128xf32, #tpu.memory_space<vmem_shared>>) offsets(%dma_start3A_86 : memref<128xi32, #tpu.memory_space<vmem>>) semaphore(%run_scoped3A : memref<!tpu.dma_semaphore, #tpu.memory_space<semaphore_mem>>) {add = true}
          %dma_wait3A_90 = arith.constant 0 : i32
          %dma_wait3A_91 = tpu.memref_slice %arg7[%mul3A_56, %dma_wait3A_90] : memref<40x128xi32, #tpu.memory_space<vmem>> -> memref<1x128xi32, #tpu.memory_space<vmem>>
          %dma_wait3A_92 = tpu.memref_squeeze %dma_wait3A_91 : memref<1x128xi32, #tpu.memory_space<vmem>> -> memref<128xi32, #tpu.memory_space<vmem>>
          %dma_wait3A_93 = arith.constant 0 : i32
          %dma_wait3A_94 = arith.constant 0 : i32
          %dma_wait3A_95 = tpu.memref_slice %arg12[%dma_wait3A_93, %dma_wait3A_94] : memref<10240x128xf32, #tpu.memory_space<vmem_shared>> -> memref<10240x128xf32, #tpu.memory_space<vmem_shared>>
          tpu.wait_indirect_dma semaphore(%run_scoped3A : memref<!tpu.dma_semaphore, #tpu.memory_space<semaphore_mem>>) src(%arg8 : memref<128x128xf32, #tpu.memory_space<vmem>>) dst(%dma_wait3A_95 : memref<10240x128xf32, #tpu.memory_space<vmem_shared>>)
          tpu.yield
        }) : () -> ()
        %add3A_70 = arith.constant 2 : i32
        %add3A_71 = arith.addi %mul3A_56, %add3A_70 : i32
        %lt3A = arith.constant 40 : i32
        %lt3A_72 = arith.cmpi slt, %add3A_71, %lt3A : i32
        %convert_element_type3A_73 = arith.extui %lt3A_72 : i1 to i32
        %cond3A_74 = arith.constant 0 : i32
        %cond3A_75 = arith.cmpi ne, %convert_element_type3A_73, %cond3A_74 : i32
        scf.if %cond3A_75 {
          %add3A_84 = arith.constant 2 : i32
          %add3A_85 = arith.addi %mul3A_56, %add3A_84 : i32
          %dma_start3A_86 = arith.constant 0 : i32
          %dma_start3A_87 = tpu.memref_slice %arg6[%add3A_85, %dma_start3A_86] : memref<40x128xi32, #tpu.memory_space<vmem>> -> memref<1x128xi32, #tpu.memory_space<vmem>>
          %dma_start3A_88 = tpu.memref_squeeze %dma_start3A_87 : memref<1x128xi32, #tpu.memory_space<vmem>> -> memref<128xi32, #tpu.memory_space<vmem>>
          %dma_start3A_89 = arith.constant 0 : i32
          %dma_start3A_90 = arith.constant 0 : i32
          %dma_start3A_91 = tpu.memref_slice %arg2[%dma_start3A_89, %dma_start3A_90] : memref<10240x128xf32, #tpu.memory_space<hbm>> -> memref<10240x128xf32, #tpu.memory_space<hbm>>
          tpu.enqueue_indirect_dma source(%dma_start3A_91 : memref<10240x128xf32, #tpu.memory_space<hbm>>) target(%arg8 : memref<128x128xf32, #tpu.memory_space<vmem>>) offsets(%dma_start3A_88 : memref<128xi32, #tpu.memory_space<vmem>>) semaphore(%arg10 : memref<!tpu.dma_semaphore, #tpu.memory_space<semaphore_mem>>)
        } else {
        }
        %dma_wait3A_76 = arith.constant 0 : i32
        %dma_wait3A_77 = arith.constant 0 : i32
        %dma_wait3A_78 = tpu.memref_slice %arg2[%dma_wait3A_76, %dma_wait3A_77] : memref<10240x128xf32, #tpu.memory_space<hbm>> -> memref<128x128xf32, #tpu.memory_space<hbm>>
        %dma_wait3A_79 = arith.constant 0 : i32
        %dma_wait3A_80 = arith.constant 0 : i32
        %dma_wait3A_81 = tpu.memref_slice %arg2[%dma_wait3A_79, %dma_wait3A_80] : memref<10240x128xf32, #tpu.memory_space<hbm>> -> memref<128x128xf32, #tpu.memory_space<hbm>>
        tpu.wait_dma2 semaphore(%arg11 : memref<!tpu.dma_semaphore, #tpu.memory_space<semaphore_mem>>) src(%dma_wait3A_81 : memref<128x128xf32, #tpu.memory_space<hbm>>) dst(%arg9 : memref<128x128xf32, #tpu.memory_space<vmem>>)
        %add3A_82 = arith.constant 1 : i32
        %add3A_83 = arith.addi %mul3A_56, %add3A_82 : i32
        "tpu.region"() ({
          %run_scoped3A = tpu.sem_alloc : memref<!tpu.dma_semaphore, #tpu.memory_space<semaphore_mem>>
          %dma_start3A_84 = arith.constant 0 : i32
          %dma_start3A_85 = tpu.memref_slice %arg7[%add3A_83, %dma_start3A_84] : memref<40x128xi32, #tpu.memory_space<vmem>> -> memref<1x128xi32, #tpu.memory_space<vmem>>
          %dma_start3A_86 = tpu.memref_squeeze %dma_start3A_85 : memref<1x128xi32, #tpu.memory_space<vmem>> -> memref<128xi32, #tpu.memory_space<vmem>>
          %dma_start3A_87 = arith.constant 0 : i32
          %dma_start3A_88 = arith.constant 0 : i32
          %dma_start3A_89 = tpu.memref_slice %arg12[%dma_start3A_87, %dma_start3A_88] : memref<10240x128xf32, #tpu.memory_space<vmem_shared>> -> memref<10240x128xf32, #tpu.memory_space<vmem_shared>>
          tpu.enqueue_indirect_dma source(%arg9 : memref<128x128xf32, #tpu.memory_space<vmem>>) target(%dma_start3A_89 : memref<10240x128xf32, #tpu.memory_space<vmem_shared>>) offsets(%dma_start3A_86 : memref<128xi32, #tpu.memory_space<vmem>>) semaphore(%run_scoped3A : memref<!tpu.dma_semaphore, #tpu.memory_space<semaphore_mem>>) {add = true}
          %dma_wait3A_90 = arith.constant 0 : i32
          %dma_wait3A_91 = tpu.memref_slice %arg7[%add3A_83, %dma_wait3A_90] : memref<40x128xi32, #tpu.memory_space<vmem>> -> memref<1x128xi32, #tpu.memory_space<vmem>>
          %dma_wait3A_92 = tpu.memref_squeeze %dma_wait3A_91 : memref<1x128xi32, #tpu.memory_space<vmem>> -> memref<128xi32, #tpu.memory_space<vmem>>
          %dma_wait3A_93 = arith.constant 0 : i32
          %dma_wait3A_94 = arith.constant 0 : i32
          %dma_wait3A_95 = tpu.memref_slice %arg12[%dma_wait3A_93, %dma_wait3A_94] : memref<10240x128xf32, #tpu.memory_space<vmem_shared>> -> memref<10240x128xf32, #tpu.memory_space<vmem_shared>>
          tpu.wait_indirect_dma semaphore(%run_scoped3A : memref<!tpu.dma_semaphore, #tpu.memory_space<semaphore_mem>>) src(%arg9 : memref<128x128xf32, #tpu.memory_space<vmem>>) dst(%dma_wait3A_95 : memref<10240x128xf32, #tpu.memory_space<vmem_shared>>)
          tpu.yield
        }) : () -> ()
      }
      %scan3A_49 = arith.constant 20 : i32
    }
    %scan3A_15 = arith.constant 2 : i32
    %barrier3A_16 = arith.constant 0 : index
    tpu.barrier barrier_id(%barrier3A_16)
    %eq3A = arith.constant 0 : i32
    %eq3A_17 = arith.cmpi eq, %arg0, %eq3A : i32
    %convert_element_type3A = arith.extui %eq3A_17 : i1 to i32
    %cond3A = arith.constant 0 : i32
    %cond3A_18 = arith.cmpi ne, %convert_element_type3A, %cond3A : i32
    scf.if %cond3A_18 {
      %mul3A_24 = arith.constant 640 : i32
      %mul3A_25 = arith.muli %arg1, %mul3A_24 : i32
      %mul3A_26 = arith.constant 640 : i32
      %mul3A_27 = arith.muli %arg1, %mul3A_26 : i32
      %run_scoped3A = arith.constant 0 : i32
      "tpu.region"() ({
        %run_scoped3A_28 = tpu.sem_alloc : memref<!tpu.dma_semaphore, #tpu.memory_space<semaphore_mem>>
        %dma_start3A = arith.constant 0 : i32
        %dma_start3A_29 = arith.constant 0 : i32
        %dma_start3A_30 = tpu.memref_slice %arg5[%run_scoped3A, %dma_start3A, %dma_start3A_29] : memref<2x10240x128xf32, #tpu.memory_space<hbm>> -> memref<1x10240x128xf32, #tpu.memory_space<hbm>>
        %dma_start3A_31 = tpu.memref_squeeze %dma_start3A_30 : memref<1x10240x128xf32, #tpu.memory_space<hbm>> -> memref<10240x128xf32, #tpu.memory_space<hbm>>
        %dma_start3A_32 = arith.constant 0 : i32
        %dma_start3A_33 = tpu.memref_slice %dma_start3A_31[%mul3A_27, %dma_start3A_32] : memref<10240x128xf32, #tpu.memory_space<hbm>> -> memref<640x128xf32, #tpu.memory_space<hbm>>
        %dma_start3A_34 = arith.constant 0 : i32
        %dma_start3A_35 = tpu.memref_slice %arg12[%mul3A_25, %dma_start3A_34] : memref<10240x128xf32, #tpu.memory_space<vmem_shared>> -> memref<640x128xf32, #tpu.memory_space<vmem_shared>>
        tpu.enqueue_dma source(%dma_start3A_35 : memref<640x128xf32, #tpu.memory_space<vmem_shared>>) target(%dma_start3A_33 : memref<640x128xf32, #tpu.memory_space<hbm>>) target_semaphore(%run_scoped3A_28 : memref<!tpu.dma_semaphore, #tpu.memory_space<semaphore_mem>>)
        %dma_wait3A = arith.constant 0 : i32
        %dma_wait3A_36 = arith.constant 0 : i32
        %dma_wait3A_37 = tpu.memref_slice %arg5[%run_scoped3A, %dma_wait3A, %dma_wait3A_36] : memref<2x10240x128xf32, #tpu.memory_space<hbm>> -> memref<1x10240x128xf32, #tpu.memory_space<hbm>>
        %dma_wait3A_38 = tpu.memref_squeeze %dma_wait3A_37 : memref<1x10240x128xf32, #tpu.memory_space<hbm>> -> memref<10240x128xf32, #tpu.memory_space<hbm>>
        %dma_wait3A_39 = arith.constant 0 : i32
        %dma_wait3A_40 = tpu.memref_slice %dma_wait3A_38[%mul3A_27, %dma_wait3A_39] : memref<10240x128xf32, #tpu.memory_space<hbm>> -> memref<640x128xf32, #tpu.memory_space<hbm>>
        %dma_wait3A_41 = arith.constant 0 : i32
        %dma_wait3A_42 = tpu.memref_slice %arg12[%mul3A_25, %dma_wait3A_41] : memref<10240x128xf32, #tpu.memory_space<vmem_shared>> -> memref<640x128xf32, #tpu.memory_space<vmem_shared>>
        tpu.wait_dma2 semaphore(%run_scoped3A_28 : memref<!tpu.dma_semaphore, #tpu.memory_space<semaphore_mem>>) src(%dma_wait3A_42 : memref<640x128xf32, #tpu.memory_space<vmem_shared>>) dst(%dma_wait3A_40 : memref<640x128xf32, #tpu.memory_space<hbm>>)
        tpu.yield
      }) : () -> ()
    } else {
    }
    %eq3A_19 = arith.constant 1 : i32
    %eq3A_20 = arith.cmpi eq, %arg0, %eq3A_19 : i32
    %convert_element_type3A_21 = arith.extui %eq3A_20 : i1 to i32
    %cond3A_22 = arith.constant 0 : i32
    %cond3A_23 = arith.cmpi ne, %convert_element_type3A_21, %cond3A_22 : i32
    scf.if %cond3A_23 {
      %mul3A_24 = arith.constant 640 : i32
      %mul3A_25 = arith.muli %arg1, %mul3A_24 : i32
      %mul3A_26 = arith.constant 640 : i32
      %mul3A_27 = arith.muli %arg1, %mul3A_26 : i32
      %run_scoped3A = arith.constant 1 : i32
      "tpu.region"() ({
        %run_scoped3A_28 = tpu.sem_alloc : memref<!tpu.dma_semaphore, #tpu.memory_space<semaphore_mem>>
        %dma_start3A = arith.constant 0 : i32
        %dma_start3A_29 = arith.constant 0 : i32
        %dma_start3A_30 = tpu.memref_slice %arg5[%run_scoped3A, %dma_start3A, %dma_start3A_29] : memref<2x10240x128xf32, #tpu.memory_space<hbm>> -> memref<1x10240x128xf32, #tpu.memory_space<hbm>>
        %dma_start3A_31 = tpu.memref_squeeze %dma_start3A_30 : memref<1x10240x128xf32, #tpu.memory_space<hbm>> -> memref<10240x128xf32, #tpu.memory_space<hbm>>
        %dma_start3A_32 = arith.constant 0 : i32
        %dma_start3A_33 = tpu.memref_slice %dma_start3A_31[%mul3A_27, %dma_start3A_32] : memref<10240x128xf32, #tpu.memory_space<hbm>> -> memref<640x128xf32, #tpu.memory_space<hbm>>
        %dma_start3A_34 = arith.constant 0 : i32
        %dma_start3A_35 = tpu.memref_slice %arg12[%mul3A_25, %dma_start3A_34] : memref<10240x128xf32, #tpu.memory_space<vmem_shared>> -> memref<640x128xf32, #tpu.memory_space<vmem_shared>>
        tpu.enqueue_dma source(%dma_start3A_35 : memref<640x128xf32, #tpu.memory_space<vmem_shared>>) target(%dma_start3A_33 : memref<640x128xf32, #tpu.memory_space<hbm>>) target_semaphore(%run_scoped3A_28 : memref<!tpu.dma_semaphore, #tpu.memory_space<semaphore_mem>>)
        %dma_wait3A = arith.constant 0 : i32
        %dma_wait3A_36 = arith.constant 0 : i32
        %dma_wait3A_37 = tpu.memref_slice %arg5[%run_scoped3A, %dma_wait3A, %dma_wait3A_36] : memref<2x10240x128xf32, #tpu.memory_space<hbm>> -> memref<1x10240x128xf32, #tpu.memory_space<hbm>>
        %dma_wait3A_38 = tpu.memref_squeeze %dma_wait3A_37 : memref<1x10240x128xf32, #tpu.memory_space<hbm>> -> memref<10240x128xf32, #tpu.memory_space<hbm>>
        %dma_wait3A_39 = arith.constant 0 : i32
        %dma_wait3A_40 = tpu.memref_slice %dma_wait3A_38[%mul3A_27, %dma_wait3A_39] : memref<10240x128xf32, #tpu.memory_space<hbm>> -> memref<640x128xf32, #tpu.memory_space<hbm>>
        %dma_wait3A_41 = arith.constant 0 : i32
        %dma_wait3A_42 = tpu.memref_slice %arg12[%mul3A_25, %dma_wait3A_41] : memref<10240x128xf32, #tpu.memory_space<vmem_shared>> -> memref<640x128xf32, #tpu.memory_space<vmem_shared>>
        tpu.wait_dma2 semaphore(%run_scoped3A_28 : memref<!tpu.dma_semaphore, #tpu.memory_space<semaphore_mem>>) src(%dma_wait3A_42 : memref<640x128xf32, #tpu.memory_space<vmem_shared>>) dst(%dma_wait3A_40 : memref<640x128xf32, #tpu.memory_space<hbm>>)
        tpu.yield
      }) : () -> ()
    } else {
    }
    return
  }
}

#map = affine_map<(d0, d1) -> (0, 0)>
#map1 = affine_map<(d0, d1) -> (0, 0, 0)>
module attributes {stable_mosaic.version = 14 : i64} {
  func.func @_sc_aggregate(%arg0: i32, %arg1: i32, %arg2: memref<10240x128xf32, #tpu.memory_space<hbm>>, %arg3: memref<2560x128xi32, #tpu.memory_space<hbm>>, %arg4: memref<2560x128xi32, #tpu.memory_space<hbm>>, %arg5: memref<2x10240x128xf32, #tpu.memory_space<hbm>>, %arg6: memref<40x128xi32, #tpu.memory_space<vmem>>, %arg7: memref<40x128xi32, #tpu.memory_space<vmem>>, %arg8: memref<128x128xf32, #tpu.memory_space<vmem>>, %arg9: memref<128x128xf32, #tpu.memory_space<vmem>>, %arg10: memref<!tpu.dma_semaphore, #tpu.memory_space<semaphore_mem>>, %arg11: memref<!tpu.dma_semaphore, #tpu.memory_space<semaphore_mem>>, %arg12: memref<10240x128xf32, #tpu.memory_space<vmem_shared>>) attributes {dimension_semantics = [#tpu.dimension_semantics<core_parallel>, #tpu.dimension_semantics<subcore_parallel>], iteration_bounds = array<i64: 2, 16>, scalar_prefetch = 0 : i64, scratch_operands = 7 : i64, tpu.core_type = #tpu.core_type<sc_vector_subcore>, window_params = [{transform_indices = #map}, {transform_indices = #map}, {transform_indices = #map}, {transform_indices = #map1}]} {
    %mul3A = arith.constant 16 : i32
    %mul3A_0 = arith.muli %arg0, %mul3A : i32
    %add3A = arith.addi %mul3A_0, %arg1 : i32
    %broadcast_in_dim3A = arith.constant 0.000000e+00 : f32
    %broadcast_in_dim3A_1 = vector.broadcast %broadcast_in_dim3A : f32 to vector<16xf32>
    %scan3A = arith.constant 0 : i32
    %scan3A_2 = arith.constant 128 : i32
    %scan3A_3 = arith.addi %scan3A, %scan3A_2 : i32
    %scan3A_4 = arith.constant 1 : i32
    scf.for %scan3A_24 = %scan3A to %scan3A_3 step %scan3A_4  : i32 {
      %mul3A_25 = arith.constant 1 : i32
      %mul3A_26 = arith.muli %scan3A_24, %mul3A_25 : i32
      %add3A_27 = arith.constant 0 : i32
      %add3A_28 = arith.addi %add3A_27, %mul3A_26 : i32
      %scan3A_29 = arith.constant 0 : i32
      %scan3A_30 = arith.constant 8 : i32
      %scan3A_31 = arith.addi %scan3A_29, %scan3A_30 : i32
      %scan3A_32 = arith.constant 1 : i32
      scf.for %scan3A_34 = %scan3A_29 to %scan3A_31 step %scan3A_32  : i32 {
        %mul3A_35 = arith.constant 1 : i32
        %mul3A_36 = arith.muli %scan3A_34, %mul3A_35 : i32
        %add3A_37 = arith.constant 0 : i32
        %add3A_38 = arith.addi %add3A_37, %mul3A_36 : i32
        %mul3A_39 = arith.constant 16 : i32
        %mul3A_40 = arith.muli %add3A_38, %mul3A_39 : i32
        %swap3A = arith.index_cast %add3A_28 : i32 to index
        %swap3A_41 = arith.index_cast %mul3A_40 : i32 to index
        %swap3A_42 = tpu.vector_load %arg8[%swap3A, %swap3A_41] {strides = array<i32>} : memref<128x128xf32, #tpu.memory_space<vmem>>, vector<1x16xf32>,
        %swap3A_43 = vector.shape_cast %swap3A_42 : vector<1x16xf32> to vector<16xf32>
        %swap3A_44 = vector.shape_cast %broadcast_in_dim3A_1 : vector<16xf32> to vector<1x16xf32>
        tpu.vector_store %arg8[%swap3A, %swap3A_41], %swap3A_44 {strides = array<i32>} : memref<128x128xf32, #tpu.memory_space<vmem>>, vector<1x16xf32>,
      }
      %scan3A_33 = arith.constant 8 : i32
    }
    %scan3A_5 = arith.constant 128 : i32
    %scan3A_6 = arith.constant 0 : i32
    %scan3A_7 = arith.constant 5 : i32
    %scan3A_8 = arith.addi %scan3A_6, %scan3A_7 : i32
    %scan3A_9 = arith.constant 1 : i32
    scf.for %scan3A_24 = %scan3A_6 to %scan3A_8 step %scan3A_9  : i32 {
      %mul3A_25 = arith.constant 1 : i32
      %mul3A_26 = arith.muli %scan3A_24, %mul3A_25 : i32
      %add3A_27 = arith.constant 0 : i32
      %add3A_28 = arith.addi %add3A_27, %mul3A_26 : i32
      %mul3A_29 = arith.constant 640 : i32
      %mul3A_30 = arith.muli %arg1, %mul3A_29 : i32
      %mul3A_31 = arith.constant 128 : i32
      %mul3A_32 = arith.muli %add3A_28, %mul3A_31 : i32
      %add3A_33 = arith.addi %mul3A_30, %mul3A_32 : i32
      "tpu.region"() ({
        %run_scoped3A = tpu.sem_alloc : memref<!tpu.dma_semaphore, #tpu.memory_space<semaphore_mem>>
        %dma_start3A = arith.constant 0 : i32
        %dma_start3A_34 = tpu.memref_slice %arg12[%add3A_33, %dma_start3A] : memref<10240x128xf32, #tpu.memory_space<vmem_shared>> -> memref<128x128xf32, #tpu.memory_space<vmem_shared>>
        %dma_start3A_35 = arith.constant 0 : i32
        %dma_start3A_36 = tpu.memref_slice %arg12[%add3A_33, %dma_start3A_35] : memref<10240x128xf32, #tpu.memory_space<vmem_shared>> -> memref<128x128xf32, #tpu.memory_space<vmem_shared>>
        tpu.enqueue_dma source(%arg8 : memref<128x128xf32, #tpu.memory_space<vmem>>) target(%dma_start3A_36 : memref<128x128xf32, #tpu.memory_space<vmem_shared>>) target_semaphore(%run_scoped3A : memref<!tpu.dma_semaphore, #tpu.memory_space<semaphore_mem>>)
        %dma_wait3A = arith.constant 0 : i32
        %dma_wait3A_37 = tpu.memref_slice %arg12[%add3A_33, %dma_wait3A] : memref<10240x128xf32, #tpu.memory_space<vmem_shared>> -> memref<128x128xf32, #tpu.memory_space<vmem_shared>>
        %dma_wait3A_38 = arith.constant 0 : i32
        %dma_wait3A_39 = tpu.memref_slice %arg12[%add3A_33, %dma_wait3A_38] : memref<10240x128xf32, #tpu.memory_space<vmem_shared>> -> memref<128x128xf32, #tpu.memory_space<vmem_shared>>
        tpu.wait_dma2 semaphore(%run_scoped3A : memref<!tpu.dma_semaphore, #tpu.memory_space<semaphore_mem>>) src(%arg8 : memref<128x128xf32, #tpu.memory_space<vmem>>) dst(%dma_wait3A_39 : memref<128x128xf32, #tpu.memory_space<vmem_shared>>)
        tpu.yield
      }) : () -> ()
    }
    %scan3A_10 = arith.constant 5 : i32
    %barrier3A = arith.constant 0 : index
    tpu.barrier barrier_id(%barrier3A)
    %scan3A_11 = arith.constant 0 : i32
    %scan3A_12 = arith.constant 2 : i32
    %scan3A_13 = arith.addi %scan3A_11, %scan3A_12 : i32
    %scan3A_14 = arith.constant 1 : i32
    scf.for %scan3A_24 = %scan3A_11 to %scan3A_13 step %scan3A_14  : i32 {
      %mul3A_25 = arith.constant 1 : i32
      %mul3A_26 = arith.muli %scan3A_24, %mul3A_25 : i32
      %add3A_27 = arith.constant 0 : i32
      %add3A_28 = arith.addi %add3A_27, %mul3A_26 : i32
      %mul3A_29 = arith.constant 80 : i32
      %mul3A_30 = arith.muli %add3A, %mul3A_29 : i32
      %mul3A_31 = arith.constant 40 : i32
      %mul3A_32 = arith.muli %add3A_28, %mul3A_31 : i32
      %add3A_33 = arith.addi %mul3A_30, %mul3A_32 : i32
      "tpu.region"() ({
        %run_scoped3A = tpu.sem_alloc : memref<!tpu.dma_semaphore, #tpu.memory_space<semaphore_mem>>
        %dma_start3A_50 = arith.constant 0 : i32
        %dma_start3A_51 = tpu.memref_slice %arg3[%add3A_33, %dma_start3A_50] : memref<2560x128xi32, #tpu.memory_space<hbm>> -> memref<40x128xi32, #tpu.memory_space<hbm>>
        %dma_start3A_52 = arith.constant 0 : i32
        %dma_start3A_53 = tpu.memref_slice %arg3[%add3A_33, %dma_start3A_52] : memref<2560x128xi32, #tpu.memory_space<hbm>> -> memref<40x128xi32, #tpu.memory_space<hbm>>
        tpu.enqueue_dma source(%dma_start3A_53 : memref<40x128xi32, #tpu.memory_space<hbm>>) target(%arg6 : memref<40x128xi32, #tpu.memory_space<vmem>>) target_semaphore(%run_scoped3A : memref<!tpu.dma_semaphore, #tpu.memory_space<semaphore_mem>>)
        %dma_wait3A = arith.constant 0 : i32
        %dma_wait3A_54 = tpu.memref_slice %arg3[%add3A_33, %dma_wait3A] : memref<2560x128xi32, #tpu.memory_space<hbm>> -> memref<40x128xi32, #tpu.memory_space<hbm>>
        %dma_wait3A_55 = arith.constant 0 : i32
        %dma_wait3A_56 = tpu.memref_slice %arg3[%add3A_33, %dma_wait3A_55] : memref<2560x128xi32, #tpu.memory_space<hbm>> -> memref<40x128xi32, #tpu.memory_space<hbm>>
        tpu.wait_dma2 semaphore(%run_scoped3A : memref<!tpu.dma_semaphore, #tpu.memory_space<semaphore_mem>>) src(%dma_wait3A_56 : memref<40x128xi32, #tpu.memory_space<hbm>>) dst(%arg6 : memref<40x128xi32, #tpu.memory_space<vmem>>)
        tpu.yield
      }) : () -> ()
      %mul3A_34 = arith.constant 80 : i32
      %mul3A_35 = arith.muli %add3A, %mul3A_34 : i32
      %mul3A_36 = arith.constant 40 : i32
      %mul3A_37 = arith.muli %add3A_28, %mul3A_36 : i32
      %add3A_38 = arith.addi %mul3A_35, %mul3A_37 : i32
      "tpu.region"() ({
        %run_scoped3A = tpu.sem_alloc : memref<!tpu.dma_semaphore, #tpu.memory_space<semaphore_mem>>
        %dma_start3A_50 = arith.constant 0 : i32
        %dma_start3A_51 = tpu.memref_slice %arg4[%add3A_38, %dma_start3A_50] : memref<2560x128xi32, #tpu.memory_space<hbm>> -> memref<40x128xi32, #tpu.memory_space<hbm>>
        %dma_start3A_52 = arith.constant 0 : i32
        %dma_start3A_53 = tpu.memref_slice %arg4[%add3A_38, %dma_start3A_52] : memref<2560x128xi32, #tpu.memory_space<hbm>> -> memref<40x128xi32, #tpu.memory_space<hbm>>
        tpu.enqueue_dma source(%dma_start3A_53 : memref<40x128xi32, #tpu.memory_space<hbm>>) target(%arg7 : memref<40x128xi32, #tpu.memory_space<vmem>>) target_semaphore(%run_scoped3A : memref<!tpu.dma_semaphore, #tpu.memory_space<semaphore_mem>>)
        %dma_wait3A = arith.constant 0 : i32
        %dma_wait3A_54 = tpu.memref_slice %arg4[%add3A_38, %dma_wait3A] : memref<2560x128xi32, #tpu.memory_space<hbm>> -> memref<40x128xi32, #tpu.memory_space<hbm>>
        %dma_wait3A_55 = arith.constant 0 : i32
        %dma_wait3A_56 = tpu.memref_slice %arg4[%add3A_38, %dma_wait3A_55] : memref<2560x128xi32, #tpu.memory_space<hbm>> -> memref<40x128xi32, #tpu.memory_space<hbm>>
        tpu.wait_dma2 semaphore(%run_scoped3A : memref<!tpu.dma_semaphore, #tpu.memory_space<semaphore_mem>>) src(%dma_wait3A_56 : memref<40x128xi32, #tpu.memory_space<hbm>>) dst(%arg7 : memref<40x128xi32, #tpu.memory_space<vmem>>)
        tpu.yield
      }) : () -> ()
      %dma_start3A = arith.constant 0 : i32
      %dma_start3A_39 = arith.constant 0 : i32
      %dma_start3A_40 = tpu.memref_slice %arg6[%dma_start3A, %dma_start3A_39] : memref<40x128xi32, #tpu.memory_space<vmem>> -> memref<1x128xi32, #tpu.memory_space<vmem>>
      %dma_start3A_41 = tpu.memref_squeeze %dma_start3A_40 : memref<1x128xi32, #tpu.memory_space<vmem>> -> memref<128xi32, #tpu.memory_space<vmem>>
      %dma_start3A_42 = arith.constant 0 : i32
      %dma_start3A_43 = arith.constant 0 : i32
      %dma_start3A_44 = tpu.memref_slice %arg2[%dma_start3A_42, %dma_start3A_43] : memref<10240x128xf32, #tpu.memory_space<hbm>> -> memref<10240x128xf32, #tpu.memory_space<hbm>>
      tpu.enqueue_indirect_dma source(%dma_start3A_44 : memref<10240x128xf32, #tpu.memory_space<hbm>>) target(%arg8 : memref<128x128xf32, #tpu.memory_space<vmem>>) offsets(%dma_start3A_41 : memref<128xi32, #tpu.memory_space<vmem>>) semaphore(%arg10 : memref<!tpu.dma_semaphore, #tpu.memory_space<semaphore_mem>>)
      %scan3A_45 = arith.constant 0 : i32
      %scan3A_46 = arith.constant 20 : i32
      %scan3A_47 = arith.addi %scan3A_45, %scan3A_46 : i32
      %scan3A_48 = arith.constant 1 : i32
      scf.for %scan3A_50 = %scan3A_45 to %scan3A_47 step %scan3A_48  : i32 {
        %mul3A_51 = arith.constant 1 : i32
        %mul3A_52 = arith.muli %scan3A_50, %mul3A_51 : i32
        %add3A_53 = arith.constant 0 : i32
        %add3A_54 = arith.addi %add3A_53, %mul3A_52 : i32
        %mul3A_55 = arith.constant 2 : i32
        %mul3A_56 = arith.muli %mul3A_55, %add3A_54 : i32
        %add3A_57 = arith.constant 1 : i32
        %add3A_58 = arith.addi %mul3A_56, %add3A_57 : i32
        %dma_start3A_59 = arith.constant 0 : i32
        %dma_start3A_60 = tpu.memref_slice %arg6[%add3A_58, %dma_start3A_59] : memref<40x128xi32, #tpu.memory_space<vmem>> -> memref<1x128xi32, #tpu.memory_space<vmem>>
        %dma_start3A_61 = tpu.memref_squeeze %dma_start3A_60 : memref<1x128xi32, #tpu.memory_space<vmem>> -> memref<128xi32, #tpu.memory_space<vmem>>
        %dma_start3A_62 = arith.constant 0 : i32
        %dma_start3A_63 = arith.constant 0 : i32
        %dma_start3A_64 = tpu.memref_slice %arg2[%dma_start3A_62, %dma_start3A_63] : memref<10240x128xf32, #tpu.memory_space<hbm>> -> memref<10240x128xf32, #tpu.memory_space<hbm>>
        tpu.enqueue_indirect_dma source(%dma_start3A_64 : memref<10240x128xf32, #tpu.memory_space<hbm>>) target(%arg9 : memref<128x128xf32, #tpu.memory_space<vmem>>) offsets(%dma_start3A_61 : memref<128xi32, #tpu.memory_space<vmem>>) semaphore(%arg11 : memref<!tpu.dma_semaphore, #tpu.memory_space<semaphore_mem>>)
        %dma_wait3A = arith.constant 0 : i32
        %dma_wait3A_65 = arith.constant 0 : i32
        %dma_wait3A_66 = tpu.memref_slice %arg2[%dma_wait3A, %dma_wait3A_65] : memref<10240x128xf32, #tpu.memory_space<hbm>> -> memref<128x128xf32, #tpu.memory_space<hbm>>
        %dma_wait3A_67 = arith.constant 0 : i32
        %dma_wait3A_68 = arith.constant 0 : i32
        %dma_wait3A_69 = tpu.memref_slice %arg2[%dma_wait3A_67, %dma_wait3A_68] : memref<10240x128xf32, #tpu.memory_space<hbm>> -> memref<128x128xf32, #tpu.memory_space<hbm>>
        tpu.wait_dma2 semaphore(%arg10 : memref<!tpu.dma_semaphore, #tpu.memory_space<semaphore_mem>>) src(%dma_wait3A_69 : memref<128x128xf32, #tpu.memory_space<hbm>>) dst(%arg8 : memref<128x128xf32, #tpu.memory_space<vmem>>)
        "tpu.region"() ({
          %run_scoped3A = tpu.sem_alloc : memref<!tpu.dma_semaphore, #tpu.memory_space<semaphore_mem>>
          %dma_start3A_84 = arith.constant 0 : i32
          %dma_start3A_85 = tpu.memref_slice %arg7[%mul3A_56, %dma_start3A_84] : memref<40x128xi32, #tpu.memory_space<vmem>> -> memref<1x128xi32, #tpu.memory_space<vmem>>
          %dma_start3A_86 = tpu.memref_squeeze %dma_start3A_85 : memref<1x128xi32, #tpu.memory_space<vmem>> -> memref<128xi32, #tpu.memory_space<vmem>>
          %dma_start3A_87 = arith.constant 0 : i32
          %dma_start3A_88 = arith.constant 0 : i32
          %dma_start3A_89 = tpu.memref_slice %arg12[%dma_start3A_87, %dma_start3A_88] : memref<10240x128xf32, #tpu.memory_space<vmem_shared>> -> memref<10240x128xf32, #tpu.memory_space<vmem_shared>>
          tpu.enqueue_indirect_dma source(%arg8 : memref<128x128xf32, #tpu.memory_space<vmem>>) target(%dma_start3A_89 : memref<10240x128xf32, #tpu.memory_space<vmem_shared>>) offsets(%dma_start3A_86 : memref<128xi32, #tpu.memory_space<vmem>>) semaphore(%run_scoped3A : memref<!tpu.dma_semaphore, #tpu.memory_space<semaphore_mem>>) {add = true}
          %dma_wait3A_90 = arith.constant 0 : i32
          %dma_wait3A_91 = tpu.memref_slice %arg7[%mul3A_56, %dma_wait3A_90] : memref<40x128xi32, #tpu.memory_space<vmem>> -> memref<1x128xi32, #tpu.memory_space<vmem>>
          %dma_wait3A_92 = tpu.memref_squeeze %dma_wait3A_91 : memref<1x128xi32, #tpu.memory_space<vmem>> -> memref<128xi32, #tpu.memory_space<vmem>>
          %dma_wait3A_93 = arith.constant 0 : i32
          %dma_wait3A_94 = arith.constant 0 : i32
          %dma_wait3A_95 = tpu.memref_slice %arg12[%dma_wait3A_93, %dma_wait3A_94] : memref<10240x128xf32, #tpu.memory_space<vmem_shared>> -> memref<10240x128xf32, #tpu.memory_space<vmem_shared>>
          tpu.wait_indirect_dma semaphore(%run_scoped3A : memref<!tpu.dma_semaphore, #tpu.memory_space<semaphore_mem>>) src(%arg8 : memref<128x128xf32, #tpu.memory_space<vmem>>) dst(%dma_wait3A_95 : memref<10240x128xf32, #tpu.memory_space<vmem_shared>>)
          tpu.yield
        }) : () -> ()
        %add3A_70 = arith.constant 2 : i32
        %add3A_71 = arith.addi %mul3A_56, %add3A_70 : i32
        %lt3A = arith.constant 40 : i32
        %lt3A_72 = arith.cmpi slt, %add3A_71, %lt3A : i32
        %convert_element_type3A_73 = arith.extui %lt3A_72 : i1 to i32
        %cond3A_74 = arith.constant 0 : i32
        %cond3A_75 = arith.cmpi ne, %convert_element_type3A_73, %cond3A_74 : i32
        scf.if %cond3A_75 {
          %add3A_84 = arith.constant 2 : i32
          %add3A_85 = arith.addi %mul3A_56, %add3A_84 : i32
          %dma_start3A_86 = arith.constant 0 : i32
          %dma_start3A_87 = tpu.memref_slice %arg6[%add3A_85, %dma_start3A_86] : memref<40x128xi32, #tpu.memory_space<vmem>> -> memref<1x128xi32, #tpu.memory_space<vmem>>
          %dma_start3A_88 = tpu.memref_squeeze %dma_start3A_87 : memref<1x128xi32, #tpu.memory_space<vmem>> -> memref<128xi32, #tpu.memory_space<vmem>>
          %dma_start3A_89 = arith.constant 0 : i32
          %dma_start3A_90 = arith.constant 0 : i32
          %dma_start3A_91 = tpu.memref_slice %arg2[%dma_start3A_89, %dma_start3A_90] : memref<10240x128xf32, #tpu.memory_space<hbm>> -> memref<10240x128xf32, #tpu.memory_space<hbm>>
          tpu.enqueue_indirect_dma source(%dma_start3A_91 : memref<10240x128xf32, #tpu.memory_space<hbm>>) target(%arg8 : memref<128x128xf32, #tpu.memory_space<vmem>>) offsets(%dma_start3A_88 : memref<128xi32, #tpu.memory_space<vmem>>) semaphore(%arg10 : memref<!tpu.dma_semaphore, #tpu.memory_space<semaphore_mem>>)
        } else {
        }
        %dma_wait3A_76 = arith.constant 0 : i32
        %dma_wait3A_77 = arith.constant 0 : i32
        %dma_wait3A_78 = tpu.memref_slice %arg2[%dma_wait3A_76, %dma_wait3A_77] : memref<10240x128xf32, #tpu.memory_space<hbm>> -> memref<128x128xf32, #tpu.memory_space<hbm>>
        %dma_wait3A_79 = arith.constant 0 : i32
        %dma_wait3A_80 = arith.constant 0 : i32
        %dma_wait3A_81 = tpu.memref_slice %arg2[%dma_wait3A_79, %dma_wait3A_80] : memref<10240x128xf32, #tpu.memory_space<hbm>> -> memref<128x128xf32, #tpu.memory_space<hbm>>
        tpu.wait_dma2 semaphore(%arg11 : memref<!tpu.dma_semaphore, #tpu.memory_space<semaphore_mem>>) src(%dma_wait3A_81 : memref<128x128xf32, #tpu.memory_space<hbm>>) dst(%arg9 : memref<128x128xf32, #tpu.memory_space<vmem>>)
        %add3A_82 = arith.constant 1 : i32
        %add3A_83 = arith.addi %mul3A_56, %add3A_82 : i32
        "tpu.region"() ({
          %run_scoped3A = tpu.sem_alloc : memref<!tpu.dma_semaphore, #tpu.memory_space<semaphore_mem>>
          %dma_start3A_84 = arith.constant 0 : i32
          %dma_start3A_85 = tpu.memref_slice %arg7[%add3A_83, %dma_start3A_84] : memref<40x128xi32, #tpu.memory_space<vmem>> -> memref<1x128xi32, #tpu.memory_space<vmem>>
          %dma_start3A_86 = tpu.memref_squeeze %dma_start3A_85 : memref<1x128xi32, #tpu.memory_space<vmem>> -> memref<128xi32, #tpu.memory_space<vmem>>
          %dma_start3A_87 = arith.constant 0 : i32
          %dma_start3A_88 = arith.constant 0 : i32
          %dma_start3A_89 = tpu.memref_slice %arg12[%dma_start3A_87, %dma_start3A_88] : memref<10240x128xf32, #tpu.memory_space<vmem_shared>> -> memref<10240x128xf32, #tpu.memory_space<vmem_shared>>
          tpu.enqueue_indirect_dma source(%arg9 : memref<128x128xf32, #tpu.memory_space<vmem>>) target(%dma_start3A_89 : memref<10240x128xf32, #tpu.memory_space<vmem_shared>>) offsets(%dma_start3A_86 : memref<128xi32, #tpu.memory_space<vmem>>) semaphore(%run_scoped3A : memref<!tpu.dma_semaphore, #tpu.memory_space<semaphore_mem>>) {add = true}
          %dma_wait3A_90 = arith.constant 0 : i32
          %dma_wait3A_91 = tpu.memref_slice %arg7[%add3A_83, %dma_wait3A_90] : memref<40x128xi32, #tpu.memory_space<vmem>> -> memref<1x128xi32, #tpu.memory_space<vmem>>
          %dma_wait3A_92 = tpu.memref_squeeze %dma_wait3A_91 : memref<1x128xi32, #tpu.memory_space<vmem>> -> memref<128xi32, #tpu.memory_space<vmem>>
          %dma_wait3A_93 = arith.constant 0 : i32
          %dma_wait3A_94 = arith.constant 0 : i32
          %dma_wait3A_95 = tpu.memref_slice %arg12[%dma_wait3A_93, %dma_wait3A_94] : memref<10240x128xf32, #tpu.memory_space<vmem_shared>> -> memref<10240x128xf32, #tpu.memory_space<vmem_shared>>
          tpu.wait_indirect_dma semaphore(%run_scoped3A : memref<!tpu.dma_semaphore, #tpu.memory_space<semaphore_mem>>) src(%arg9 : memref<128x128xf32, #tpu.memory_space<vmem>>) dst(%dma_wait3A_95 : memref<10240x128xf32, #tpu.memory_space<vmem_shared>>)
          tpu.yield
        }) : () -> ()
      }
      %scan3A_49 = arith.constant 20 : i32
    }
    %scan3A_15 = arith.constant 2 : i32
    %barrier3A_16 = arith.constant 0 : index
    tpu.barrier barrier_id(%barrier3A_16)
    %eq3A = arith.constant 0 : i32
    %eq3A_17 = arith.cmpi eq, %arg0, %eq3A : i32
    %convert_element_type3A = arith.extui %eq3A_17 : i1 to i32
    %cond3A = arith.constant 0 : i32
    %cond3A_18 = arith.cmpi ne, %convert_element_type3A, %cond3A : i32
    scf.if %cond3A_18 {
      %mul3A_24 = arith.constant 640 : i32
      %mul3A_25 = arith.muli %arg1, %mul3A_24 : i32
      %mul3A_26 = arith.constant 640 : i32
      %mul3A_27 = arith.muli %arg1, %mul3A_26 : i32
      %run_scoped3A = arith.constant 0 : i32
      "tpu.region"() ({
        %run_scoped3A_28 = tpu.sem_alloc : memref<!tpu.dma_semaphore, #tpu.memory_space<semaphore_mem>>
        %dma_start3A = arith.constant 0 : i32
        %dma_start3A_29 = arith.constant 0 : i32
        %dma_start3A_30 = tpu.memref_slice %arg5[%run_scoped3A, %dma_start3A, %dma_start3A_29] : memref<2x10240x128xf32, #tpu.memory_space<hbm>> -> memref<1x10240x128xf32, #tpu.memory_space<hbm>>
        %dma_start3A_31 = tpu.memref_squeeze %dma_start3A_30 : memref<1x10240x128xf32, #tpu.memory_space<hbm>> -> memref<10240x128xf32, #tpu.memory_space<hbm>>
        %dma_start3A_32 = arith.constant 0 : i32
        %dma_start3A_33 = tpu.memref_slice %dma_start3A_31[%mul3A_27, %dma_start3A_32] : memref<10240x128xf32, #tpu.memory_space<hbm>> -> memref<640x128xf32, #tpu.memory_space<hbm>>
        %dma_start3A_34 = arith.constant 0 : i32
        %dma_start3A_35 = tpu.memref_slice %arg12[%mul3A_25, %dma_start3A_34] : memref<10240x128xf32, #tpu.memory_space<vmem_shared>> -> memref<640x128xf32, #tpu.memory_space<vmem_shared>>
        tpu.enqueue_dma source(%dma_start3A_35 : memref<640x128xf32, #tpu.memory_space<vmem_shared>>) target(%dma_start3A_33 : memref<640x128xf32, #tpu.memory_space<hbm>>) target_semaphore(%run_scoped3A_28 : memref<!tpu.dma_semaphore, #tpu.memory_space<semaphore_mem>>)
        %dma_wait3A = arith.constant 0 : i32
        %dma_wait3A_36 = arith.constant 0 : i32
        %dma_wait3A_37 = tpu.memref_slice %arg5[%run_scoped3A, %dma_wait3A, %dma_wait3A_36] : memref<2x10240x128xf32, #tpu.memory_space<hbm>> -> memref<1x10240x128xf32, #tpu.memory_space<hbm>>
        %dma_wait3A_38 = tpu.memref_squeeze %dma_wait3A_37 : memref<1x10240x128xf32, #tpu.memory_space<hbm>> -> memref<10240x128xf32, #tpu.memory_space<hbm>>
        %dma_wait3A_39 = arith.constant 0 : i32
        %dma_wait3A_40 = tpu.memref_slice %dma_wait3A_38[%mul3A_27, %dma_wait3A_39] : memref<10240x128xf32, #tpu.memory_space<hbm>> -> memref<640x128xf32, #tpu.memory_space<hbm>>
        %dma_wait3A_41 = arith.constant 0 : i32
        %dma_wait3A_42 = tpu.memref_slice %arg12[%mul3A_25, %dma_wait3A_41] : memref<10240x128xf32, #tpu.memory_space<vmem_shared>> -> memref<640x128xf32, #tpu.memory_space<vmem_shared>>
        tpu.wait_dma2 semaphore(%run_scoped3A_28 : memref<!tpu.dma_semaphore, #tpu.memory_space<semaphore_mem>>) src(%dma_wait3A_42 : memref<640x128xf32, #tpu.memory_space<vmem_shared>>) dst(%dma_wait3A_40 : memref<640x128xf32, #tpu.memory_space<hbm>>)
        tpu.yield
      }) : () -> ()
    } else {
    }
    %eq3A_19 = arith.constant 1 : i32
    %eq3A_20 = arith.cmpi eq, %arg0, %eq3A_19 : i32
    %convert_element_type3A_21 = arith.extui %eq3A_20 : i1 to i32
    %cond3A_22 = arith.constant 0 : i32
    %cond3A_23 = arith.cmpi ne, %convert_element_type3A_21, %cond3A_22 : i32
    scf.if %cond3A_23 {
      %mul3A_24 = arith.constant 640 : i32
      %mul3A_25 = arith.muli %arg1, %mul3A_24 : i32
      %mul3A_26 = arith.constant 640 : i32
      %mul3A_27 = arith.muli %arg1, %mul3A_26 : i32
      %run_scoped3A = arith.constant 1 : i32
      "tpu.region"() ({
        %run_scoped3A_28 = tpu.sem_alloc : memref<!tpu.dma_semaphore, #tpu.memory_space<semaphore_mem>>
        %dma_start3A = arith.constant 0 : i32
        %dma_start3A_29 = arith.constant 0 : i32
        %dma_start3A_30 = tpu.memref_slice %arg5[%run_scoped3A, %dma_start3A, %dma_start3A_29] : memref<2x10240x128xf32, #tpu.memory_space<hbm>> -> memref<1x10240x128xf32, #tpu.memory_space<hbm>>
        %dma_start3A_31 = tpu.memref_squeeze %dma_start3A_30 : memref<1x10240x128xf32, #tpu.memory_space<hbm>> -> memref<10240x128xf32, #tpu.memory_space<hbm>>
        %dma_start3A_32 = arith.constant 0 : i32
        %dma_start3A_33 = tpu.memref_slice %dma_start3A_31[%mul3A_27, %dma_start3A_32] : memref<10240x128xf32, #tpu.memory_space<hbm>> -> memref<640x128xf32, #tpu.memory_space<hbm>>
        %dma_start3A_34 = arith.constant 0 : i32
        %dma_start3A_35 = tpu.memref_slice %arg12[%mul3A_25, %dma_start3A_34] : memref<10240x128xf32, #tpu.memory_space<vmem_shared>> -> memref<640x128xf32, #tpu.memory_space<vmem_shared>>
        tpu.enqueue_dma source(%dma_start3A_35 : memref<640x128xf32, #tpu.memory_space<vmem_shared>>) target(%dma_start3A_33 : memref<640x128xf32, #tpu.memory_space<hbm>>) target_semaphore(%run_scoped3A_28 : memref<!tpu.dma_semaphore, #tpu.memory_space<semaphore_mem>>)
        %dma_wait3A = arith.constant 0 : i32
        %dma_wait3A_36 = arith.constant 0 : i32
        %dma_wait3A_37 = tpu.memref_slice %arg5[%run_scoped3A, %dma_wait3A, %dma_wait3A_36] : memref<2x10240x128xf32, #tpu.memory_space<hbm>> -> memref<1x10240x128xf32, #tpu.memory_space<hbm>>
        %dma_wait3A_38 = tpu.memref_squeeze %dma_wait3A_37 : memref<1x10240x128xf32, #tpu.memory_space<hbm>> -> memref<10240x128xf32, #tpu.memory_space<hbm>>
        %dma_wait3A_39 = arith.constant 0 : i32
        %dma_wait3A_40 = tpu.memref_slice %dma_wait3A_38[%mul3A_27, %dma_wait3A_39] : memref<10240x128xf32, #tpu.memory_space<hbm>> -> memref<640x128xf32, #tpu.memory_space<hbm>>
        %dma_wait3A_41 = arith.constant 0 : i32
        %dma_wait3A_42 = tpu.memref_slice %arg12[%mul3A_25, %dma_wait3A_41] : memref<10240x128xf32, #tpu.memory_space<vmem_shared>> -> memref<640x128xf32, #tpu.memory_space<vmem_shared>>
        tpu.wait_dma2 semaphore(%run_scoped3A_28 : memref<!tpu.dma_semaphore, #tpu.memory_space<semaphore_mem>>) src(%dma_wait3A_42 : memref<640x128xf32, #tpu.memory_space<vmem_shared>>) dst(%dma_wait3A_40 : memref<640x128xf32, #tpu.memory_space<hbm>>)
        tpu.yield
      }) : () -> ()
    } else {
    }
    return
  }
}

#map = affine_map<(d0, d1) -> (0, 0)>
#map1 = affine_map<(d0, d1) -> (0, 0, 0)>
module attributes {stable_mosaic.version = 14 : i64} {
  func.func @_sc_aggregate(%arg0: i32, %arg1: i32, %arg2: memref<10240x128xf32, #tpu.memory_space<hbm>>, %arg3: memref<2560x128xi32, #tpu.memory_space<hbm>>, %arg4: memref<2560x128xi32, #tpu.memory_space<hbm>>, %arg5: memref<2x10240x128xf32, #tpu.memory_space<hbm>>, %arg6: memref<40x128xi32, #tpu.memory_space<vmem>>, %arg7: memref<40x128xi32, #tpu.memory_space<vmem>>, %arg8: memref<128x128xf32, #tpu.memory_space<vmem>>, %arg9: memref<128x128xf32, #tpu.memory_space<vmem>>, %arg10: memref<!tpu.dma_semaphore, #tpu.memory_space<semaphore_mem>>, %arg11: memref<!tpu.dma_semaphore, #tpu.memory_space<semaphore_mem>>, %arg12: memref<10240x128xf32, #tpu.memory_space<vmem_shared>>) attributes {dimension_semantics = [#tpu.dimension_semantics<core_parallel>, #tpu.dimension_semantics<subcore_parallel>], iteration_bounds = array<i64: 2, 16>, scalar_prefetch = 0 : i64, scratch_operands = 7 : i64, tpu.core_type = #tpu.core_type<sc_vector_subcore>, window_params = [{transform_indices = #map}, {transform_indices = #map}, {transform_indices = #map}, {transform_indices = #map1}]} {
    %mul3A = arith.constant 16 : i32
    %mul3A_0 = arith.muli %arg0, %mul3A : i32
    %add3A = arith.addi %mul3A_0, %arg1 : i32
    %broadcast_in_dim3A = arith.constant 0.000000e+00 : f32
    %broadcast_in_dim3A_1 = vector.broadcast %broadcast_in_dim3A : f32 to vector<16xf32>
    %scan3A = arith.constant 0 : i32
    %scan3A_2 = arith.constant 128 : i32
    %scan3A_3 = arith.addi %scan3A, %scan3A_2 : i32
    %scan3A_4 = arith.constant 1 : i32
    scf.for %scan3A_24 = %scan3A to %scan3A_3 step %scan3A_4  : i32 {
      %mul3A_25 = arith.constant 1 : i32
      %mul3A_26 = arith.muli %scan3A_24, %mul3A_25 : i32
      %add3A_27 = arith.constant 0 : i32
      %add3A_28 = arith.addi %add3A_27, %mul3A_26 : i32
      %scan3A_29 = arith.constant 0 : i32
      %scan3A_30 = arith.constant 8 : i32
      %scan3A_31 = arith.addi %scan3A_29, %scan3A_30 : i32
      %scan3A_32 = arith.constant 1 : i32
      scf.for %scan3A_34 = %scan3A_29 to %scan3A_31 step %scan3A_32  : i32 {
        %mul3A_35 = arith.constant 1 : i32
        %mul3A_36 = arith.muli %scan3A_34, %mul3A_35 : i32
        %add3A_37 = arith.constant 0 : i32
        %add3A_38 = arith.addi %add3A_37, %mul3A_36 : i32
        %mul3A_39 = arith.constant 16 : i32
        %mul3A_40 = arith.muli %add3A_38, %mul3A_39 : i32
        %swap3A = arith.index_cast %add3A_28 : i32 to index
        %swap3A_41 = arith.index_cast %mul3A_40 : i32 to index
        %swap3A_42 = tpu.vector_load %arg8[%swap3A, %swap3A_41] {strides = array<i32>} : memref<128x128xf32, #tpu.memory_space<vmem>>, vector<1x16xf32>,
        %swap3A_43 = vector.shape_cast %swap3A_42 : vector<1x16xf32> to vector<16xf32>
        %swap3A_44 = vector.shape_cast %broadcast_in_dim3A_1 : vector<16xf32> to vector<1x16xf32>
        tpu.vector_store %arg8[%swap3A, %swap3A_41], %swap3A_44 {strides = array<i32>} : memref<128x128xf32, #tpu.memory_space<vmem>>, vector<1x16xf32>,
      }
      %scan3A_33 = arith.constant 8 : i32
    }
    %scan3A_5 = arith.constant 128 : i32
    %scan3A_6 = arith.constant 0 : i32
    %scan3A_7 = arith.constant 5 : i32
    %scan3A_8 = arith.addi %scan3A_6, %scan3A_7 : i32
    %scan3A_9 = arith.constant 1 : i32
    scf.for %scan3A_24 = %scan3A_6 to %scan3A_8 step %scan3A_9  : i32 {
      %mul3A_25 = arith.constant 1 : i32
      %mul3A_26 = arith.muli %scan3A_24, %mul3A_25 : i32
      %add3A_27 = arith.constant 0 : i32
      %add3A_28 = arith.addi %add3A_27, %mul3A_26 : i32
      %mul3A_29 = arith.constant 640 : i32
      %mul3A_30 = arith.muli %arg1, %mul3A_29 : i32
      %mul3A_31 = arith.constant 128 : i32
      %mul3A_32 = arith.muli %add3A_28, %mul3A_31 : i32
      %add3A_33 = arith.addi %mul3A_30, %mul3A_32 : i32
      "tpu.region"() ({
        %run_scoped3A = tpu.sem_alloc : memref<!tpu.dma_semaphore, #tpu.memory_space<semaphore_mem>>
        %dma_start3A = arith.constant 0 : i32
        %dma_start3A_34 = tpu.memref_slice %arg12[%add3A_33, %dma_start3A] : memref<10240x128xf32, #tpu.memory_space<vmem_shared>> -> memref<128x128xf32, #tpu.memory_space<vmem_shared>>
        %dma_start3A_35 = arith.constant 0 : i32
        %dma_start3A_36 = tpu.memref_slice %arg12[%add3A_33, %dma_start3A_35] : memref<10240x128xf32, #tpu.memory_space<vmem_shared>> -> memref<128x128xf32, #tpu.memory_space<vmem_shared>>
        tpu.enqueue_dma source(%arg8 : memref<128x128xf32, #tpu.memory_space<vmem>>) target(%dma_start3A_36 : memref<128x128xf32, #tpu.memory_space<vmem_shared>>) target_semaphore(%run_scoped3A : memref<!tpu.dma_semaphore, #tpu.memory_space<semaphore_mem>>)
        %dma_wait3A = arith.constant 0 : i32
        %dma_wait3A_37 = tpu.memref_slice %arg12[%add3A_33, %dma_wait3A] : memref<10240x128xf32, #tpu.memory_space<vmem_shared>> -> memref<128x128xf32, #tpu.memory_space<vmem_shared>>
        %dma_wait3A_38 = arith.constant 0 : i32
        %dma_wait3A_39 = tpu.memref_slice %arg12[%add3A_33, %dma_wait3A_38] : memref<10240x128xf32, #tpu.memory_space<vmem_shared>> -> memref<128x128xf32, #tpu.memory_space<vmem_shared>>
        tpu.wait_dma2 semaphore(%run_scoped3A : memref<!tpu.dma_semaphore, #tpu.memory_space<semaphore_mem>>) src(%arg8 : memref<128x128xf32, #tpu.memory_space<vmem>>) dst(%dma_wait3A_39 : memref<128x128xf32, #tpu.memory_space<vmem_shared>>)
        tpu.yield
      }) : () -> ()
    }
    %scan3A_10 = arith.constant 5 : i32
    %barrier3A = arith.constant 0 : index
    tpu.barrier barrier_id(%barrier3A)
    %scan3A_11 = arith.constant 0 : i32
    %scan3A_12 = arith.constant 2 : i32
    %scan3A_13 = arith.addi %scan3A_11, %scan3A_12 : i32
    %scan3A_14 = arith.constant 1 : i32
    scf.for %scan3A_24 = %scan3A_11 to %scan3A_13 step %scan3A_14  : i32 {
      %mul3A_25 = arith.constant 1 : i32
      %mul3A_26 = arith.muli %scan3A_24, %mul3A_25 : i32
      %add3A_27 = arith.constant 0 : i32
      %add3A_28 = arith.addi %add3A_27, %mul3A_26 : i32
      %mul3A_29 = arith.constant 80 : i32
      %mul3A_30 = arith.muli %add3A, %mul3A_29 : i32
      %mul3A_31 = arith.constant 40 : i32
      %mul3A_32 = arith.muli %add3A_28, %mul3A_31 : i32
      %add3A_33 = arith.addi %mul3A_30, %mul3A_32 : i32
      "tpu.region"() ({
        %run_scoped3A = tpu.sem_alloc : memref<!tpu.dma_semaphore, #tpu.memory_space<semaphore_mem>>
        %dma_start3A_50 = arith.constant 0 : i32
        %dma_start3A_51 = tpu.memref_slice %arg3[%add3A_33, %dma_start3A_50] : memref<2560x128xi32, #tpu.memory_space<hbm>> -> memref<40x128xi32, #tpu.memory_space<hbm>>
        %dma_start3A_52 = arith.constant 0 : i32
        %dma_start3A_53 = tpu.memref_slice %arg3[%add3A_33, %dma_start3A_52] : memref<2560x128xi32, #tpu.memory_space<hbm>> -> memref<40x128xi32, #tpu.memory_space<hbm>>
        tpu.enqueue_dma source(%dma_start3A_53 : memref<40x128xi32, #tpu.memory_space<hbm>>) target(%arg6 : memref<40x128xi32, #tpu.memory_space<vmem>>) target_semaphore(%run_scoped3A : memref<!tpu.dma_semaphore, #tpu.memory_space<semaphore_mem>>)
        %dma_wait3A = arith.constant 0 : i32
        %dma_wait3A_54 = tpu.memref_slice %arg3[%add3A_33, %dma_wait3A] : memref<2560x128xi32, #tpu.memory_space<hbm>> -> memref<40x128xi32, #tpu.memory_space<hbm>>
        %dma_wait3A_55 = arith.constant 0 : i32
        %dma_wait3A_56 = tpu.memref_slice %arg3[%add3A_33, %dma_wait3A_55] : memref<2560x128xi32, #tpu.memory_space<hbm>> -> memref<40x128xi32, #tpu.memory_space<hbm>>
        tpu.wait_dma2 semaphore(%run_scoped3A : memref<!tpu.dma_semaphore, #tpu.memory_space<semaphore_mem>>) src(%dma_wait3A_56 : memref<40x128xi32, #tpu.memory_space<hbm>>) dst(%arg6 : memref<40x128xi32, #tpu.memory_space<vmem>>)
        tpu.yield
      }) : () -> ()
      %mul3A_34 = arith.constant 80 : i32
      %mul3A_35 = arith.muli %add3A, %mul3A_34 : i32
      %mul3A_36 = arith.constant 40 : i32
      %mul3A_37 = arith.muli %add3A_28, %mul3A_36 : i32
      %add3A_38 = arith.addi %mul3A_35, %mul3A_37 : i32
      "tpu.region"() ({
        %run_scoped3A = tpu.sem_alloc : memref<!tpu.dma_semaphore, #tpu.memory_space<semaphore_mem>>
        %dma_start3A_50 = arith.constant 0 : i32
        %dma_start3A_51 = tpu.memref_slice %arg4[%add3A_38, %dma_start3A_50] : memref<2560x128xi32, #tpu.memory_space<hbm>> -> memref<40x128xi32, #tpu.memory_space<hbm>>
        %dma_start3A_52 = arith.constant 0 : i32
        %dma_start3A_53 = tpu.memref_slice %arg4[%add3A_38, %dma_start3A_52] : memref<2560x128xi32, #tpu.memory_space<hbm>> -> memref<40x128xi32, #tpu.memory_space<hbm>>
        tpu.enqueue_dma source(%dma_start3A_53 : memref<40x128xi32, #tpu.memory_space<hbm>>) target(%arg7 : memref<40x128xi32, #tpu.memory_space<vmem>>) target_semaphore(%run_scoped3A : memref<!tpu.dma_semaphore, #tpu.memory_space<semaphore_mem>>)
        %dma_wait3A = arith.constant 0 : i32
        %dma_wait3A_54 = tpu.memref_slice %arg4[%add3A_38, %dma_wait3A] : memref<2560x128xi32, #tpu.memory_space<hbm>> -> memref<40x128xi32, #tpu.memory_space<hbm>>
        %dma_wait3A_55 = arith.constant 0 : i32
        %dma_wait3A_56 = tpu.memref_slice %arg4[%add3A_38, %dma_wait3A_55] : memref<2560x128xi32, #tpu.memory_space<hbm>> -> memref<40x128xi32, #tpu.memory_space<hbm>>
        tpu.wait_dma2 semaphore(%run_scoped3A : memref<!tpu.dma_semaphore, #tpu.memory_space<semaphore_mem>>) src(%dma_wait3A_56 : memref<40x128xi32, #tpu.memory_space<hbm>>) dst(%arg7 : memref<40x128xi32, #tpu.memory_space<vmem>>)
        tpu.yield
      }) : () -> ()
      %dma_start3A = arith.constant 0 : i32
      %dma_start3A_39 = arith.constant 0 : i32
      %dma_start3A_40 = tpu.memref_slice %arg6[%dma_start3A, %dma_start3A_39] : memref<40x128xi32, #tpu.memory_space<vmem>> -> memref<1x128xi32, #tpu.memory_space<vmem>>
      %dma_start3A_41 = tpu.memref_squeeze %dma_start3A_40 : memref<1x128xi32, #tpu.memory_space<vmem>> -> memref<128xi32, #tpu.memory_space<vmem>>
      %dma_start3A_42 = arith.constant 0 : i32
      %dma_start3A_43 = arith.constant 0 : i32
      %dma_start3A_44 = tpu.memref_slice %arg2[%dma_start3A_42, %dma_start3A_43] : memref<10240x128xf32, #tpu.memory_space<hbm>> -> memref<10240x128xf32, #tpu.memory_space<hbm>>
      tpu.enqueue_indirect_dma source(%dma_start3A_44 : memref<10240x128xf32, #tpu.memory_space<hbm>>) target(%arg8 : memref<128x128xf32, #tpu.memory_space<vmem>>) offsets(%dma_start3A_41 : memref<128xi32, #tpu.memory_space<vmem>>) semaphore(%arg10 : memref<!tpu.dma_semaphore, #tpu.memory_space<semaphore_mem>>)
      %scan3A_45 = arith.constant 0 : i32
      %scan3A_46 = arith.constant 20 : i32
      %scan3A_47 = arith.addi %scan3A_45, %scan3A_46 : i32
      %scan3A_48 = arith.constant 1 : i32
      scf.for %scan3A_50 = %scan3A_45 to %scan3A_47 step %scan3A_48  : i32 {
        %mul3A_51 = arith.constant 1 : i32
        %mul3A_52 = arith.muli %scan3A_50, %mul3A_51 : i32
        %add3A_53 = arith.constant 0 : i32
        %add3A_54 = arith.addi %add3A_53, %mul3A_52 : i32
        %mul3A_55 = arith.constant 2 : i32
        %mul3A_56 = arith.muli %mul3A_55, %add3A_54 : i32
        %add3A_57 = arith.constant 1 : i32
        %add3A_58 = arith.addi %mul3A_56, %add3A_57 : i32
        %dma_start3A_59 = arith.constant 0 : i32
        %dma_start3A_60 = tpu.memref_slice %arg6[%add3A_58, %dma_start3A_59] : memref<40x128xi32, #tpu.memory_space<vmem>> -> memref<1x128xi32, #tpu.memory_space<vmem>>
        %dma_start3A_61 = tpu.memref_squeeze %dma_start3A_60 : memref<1x128xi32, #tpu.memory_space<vmem>> -> memref<128xi32, #tpu.memory_space<vmem>>
        %dma_start3A_62 = arith.constant 0 : i32
        %dma_start3A_63 = arith.constant 0 : i32
        %dma_start3A_64 = tpu.memref_slice %arg2[%dma_start3A_62, %dma_start3A_63] : memref<10240x128xf32, #tpu.memory_space<hbm>> -> memref<10240x128xf32, #tpu.memory_space<hbm>>
        tpu.enqueue_indirect_dma source(%dma_start3A_64 : memref<10240x128xf32, #tpu.memory_space<hbm>>) target(%arg9 : memref<128x128xf32, #tpu.memory_space<vmem>>) offsets(%dma_start3A_61 : memref<128xi32, #tpu.memory_space<vmem>>) semaphore(%arg11 : memref<!tpu.dma_semaphore, #tpu.memory_space<semaphore_mem>>)
        %dma_wait3A = arith.constant 0 : i32
        %dma_wait3A_65 = arith.constant 0 : i32
        %dma_wait3A_66 = tpu.memref_slice %arg2[%dma_wait3A, %dma_wait3A_65] : memref<10240x128xf32, #tpu.memory_space<hbm>> -> memref<128x128xf32, #tpu.memory_space<hbm>>
        %dma_wait3A_67 = arith.constant 0 : i32
        %dma_wait3A_68 = arith.constant 0 : i32
        %dma_wait3A_69 = tpu.memref_slice %arg2[%dma_wait3A_67, %dma_wait3A_68] : memref<10240x128xf32, #tpu.memory_space<hbm>> -> memref<128x128xf32, #tpu.memory_space<hbm>>
        tpu.wait_dma2 semaphore(%arg10 : memref<!tpu.dma_semaphore, #tpu.memory_space<semaphore_mem>>) src(%dma_wait3A_69 : memref<128x128xf32, #tpu.memory_space<hbm>>) dst(%arg8 : memref<128x128xf32, #tpu.memory_space<vmem>>)
        "tpu.region"() ({
          %run_scoped3A = tpu.sem_alloc : memref<!tpu.dma_semaphore, #tpu.memory_space<semaphore_mem>>
          %dma_start3A_84 = arith.constant 0 : i32
          %dma_start3A_85 = tpu.memref_slice %arg7[%mul3A_56, %dma_start3A_84] : memref<40x128xi32, #tpu.memory_space<vmem>> -> memref<1x128xi32, #tpu.memory_space<vmem>>
          %dma_start3A_86 = tpu.memref_squeeze %dma_start3A_85 : memref<1x128xi32, #tpu.memory_space<vmem>> -> memref<128xi32, #tpu.memory_space<vmem>>
          %dma_start3A_87 = arith.constant 0 : i32
          %dma_start3A_88 = arith.constant 0 : i32
          %dma_start3A_89 = tpu.memref_slice %arg12[%dma_start3A_87, %dma_start3A_88] : memref<10240x128xf32, #tpu.memory_space<vmem_shared>> -> memref<10240x128xf32, #tpu.memory_space<vmem_shared>>
          tpu.enqueue_indirect_dma source(%arg8 : memref<128x128xf32, #tpu.memory_space<vmem>>) target(%dma_start3A_89 : memref<10240x128xf32, #tpu.memory_space<vmem_shared>>) offsets(%dma_start3A_86 : memref<128xi32, #tpu.memory_space<vmem>>) semaphore(%run_scoped3A : memref<!tpu.dma_semaphore, #tpu.memory_space<semaphore_mem>>) {add = true}
          %dma_wait3A_90 = arith.constant 0 : i32
          %dma_wait3A_91 = tpu.memref_slice %arg7[%mul3A_56, %dma_wait3A_90] : memref<40x128xi32, #tpu.memory_space<vmem>> -> memref<1x128xi32, #tpu.memory_space<vmem>>
          %dma_wait3A_92 = tpu.memref_squeeze %dma_wait3A_91 : memref<1x128xi32, #tpu.memory_space<vmem>> -> memref<128xi32, #tpu.memory_space<vmem>>
          %dma_wait3A_93 = arith.constant 0 : i32
          %dma_wait3A_94 = arith.constant 0 : i32
          %dma_wait3A_95 = tpu.memref_slice %arg12[%dma_wait3A_93, %dma_wait3A_94] : memref<10240x128xf32, #tpu.memory_space<vmem_shared>> -> memref<10240x128xf32, #tpu.memory_space<vmem_shared>>
          tpu.wait_indirect_dma semaphore(%run_scoped3A : memref<!tpu.dma_semaphore, #tpu.memory_space<semaphore_mem>>) src(%arg8 : memref<128x128xf32, #tpu.memory_space<vmem>>) dst(%dma_wait3A_95 : memref<10240x128xf32, #tpu.memory_space<vmem_shared>>)
          tpu.yield
        }) : () -> ()
        %add3A_70 = arith.constant 2 : i32
        %add3A_71 = arith.addi %mul3A_56, %add3A_70 : i32
        %lt3A = arith.constant 40 : i32
        %lt3A_72 = arith.cmpi slt, %add3A_71, %lt3A : i32
        %convert_element_type3A_73 = arith.extui %lt3A_72 : i1 to i32
        %cond3A_74 = arith.constant 0 : i32
        %cond3A_75 = arith.cmpi ne, %convert_element_type3A_73, %cond3A_74 : i32
        scf.if %cond3A_75 {
          %add3A_84 = arith.constant 2 : i32
          %add3A_85 = arith.addi %mul3A_56, %add3A_84 : i32
          %dma_start3A_86 = arith.constant 0 : i32
          %dma_start3A_87 = tpu.memref_slice %arg6[%add3A_85, %dma_start3A_86] : memref<40x128xi32, #tpu.memory_space<vmem>> -> memref<1x128xi32, #tpu.memory_space<vmem>>
          %dma_start3A_88 = tpu.memref_squeeze %dma_start3A_87 : memref<1x128xi32, #tpu.memory_space<vmem>> -> memref<128xi32, #tpu.memory_space<vmem>>
          %dma_start3A_89 = arith.constant 0 : i32
          %dma_start3A_90 = arith.constant 0 : i32
          %dma_start3A_91 = tpu.memref_slice %arg2[%dma_start3A_89, %dma_start3A_90] : memref<10240x128xf32, #tpu.memory_space<hbm>> -> memref<10240x128xf32, #tpu.memory_space<hbm>>
          tpu.enqueue_indirect_dma source(%dma_start3A_91 : memref<10240x128xf32, #tpu.memory_space<hbm>>) target(%arg8 : memref<128x128xf32, #tpu.memory_space<vmem>>) offsets(%dma_start3A_88 : memref<128xi32, #tpu.memory_space<vmem>>) semaphore(%arg10 : memref<!tpu.dma_semaphore, #tpu.memory_space<semaphore_mem>>)
        } else {
        }
        %dma_wait3A_76 = arith.constant 0 : i32
        %dma_wait3A_77 = arith.constant 0 : i32
        %dma_wait3A_78 = tpu.memref_slice %arg2[%dma_wait3A_76, %dma_wait3A_77] : memref<10240x128xf32, #tpu.memory_space<hbm>> -> memref<128x128xf32, #tpu.memory_space<hbm>>
        %dma_wait3A_79 = arith.constant 0 : i32
        %dma_wait3A_80 = arith.constant 0 : i32
        %dma_wait3A_81 = tpu.memref_slice %arg2[%dma_wait3A_79, %dma_wait3A_80] : memref<10240x128xf32, #tpu.memory_space<hbm>> -> memref<128x128xf32, #tpu.memory_space<hbm>>
        tpu.wait_dma2 semaphore(%arg11 : memref<!tpu.dma_semaphore, #tpu.memory_space<semaphore_mem>>) src(%dma_wait3A_81 : memref<128x128xf32, #tpu.memory_space<hbm>>) dst(%arg9 : memref<128x128xf32, #tpu.memory_space<vmem>>)
        %add3A_82 = arith.constant 1 : i32
        %add3A_83 = arith.addi %mul3A_56, %add3A_82 : i32
        "tpu.region"() ({
          %run_scoped3A = tpu.sem_alloc : memref<!tpu.dma_semaphore, #tpu.memory_space<semaphore_mem>>
          %dma_start3A_84 = arith.constant 0 : i32
          %dma_start3A_85 = tpu.memref_slice %arg7[%add3A_83, %dma_start3A_84] : memref<40x128xi32, #tpu.memory_space<vmem>> -> memref<1x128xi32, #tpu.memory_space<vmem>>
          %dma_start3A_86 = tpu.memref_squeeze %dma_start3A_85 : memref<1x128xi32, #tpu.memory_space<vmem>> -> memref<128xi32, #tpu.memory_space<vmem>>
          %dma_start3A_87 = arith.constant 0 : i32
          %dma_start3A_88 = arith.constant 0 : i32
          %dma_start3A_89 = tpu.memref_slice %arg12[%dma_start3A_87, %dma_start3A_88] : memref<10240x128xf32, #tpu.memory_space<vmem_shared>> -> memref<10240x128xf32, #tpu.memory_space<vmem_shared>>
          tpu.enqueue_indirect_dma source(%arg9 : memref<128x128xf32, #tpu.memory_space<vmem>>) target(%dma_start3A_89 : memref<10240x128xf32, #tpu.memory_space<vmem_shared>>) offsets(%dma_start3A_86 : memref<128xi32, #tpu.memory_space<vmem>>) semaphore(%run_scoped3A : memref<!tpu.dma_semaphore, #tpu.memory_space<semaphore_mem>>) {add = true}
          %dma_wait3A_90 = arith.constant 0 : i32
          %dma_wait3A_91 = tpu.memref_slice %arg7[%add3A_83, %dma_wait3A_90] : memref<40x128xi32, #tpu.memory_space<vmem>> -> memref<1x128xi32, #tpu.memory_space<vmem>>
          %dma_wait3A_92 = tpu.memref_squeeze %dma_wait3A_91 : memref<1x128xi32, #tpu.memory_space<vmem>> -> memref<128xi32, #tpu.memory_space<vmem>>
          %dma_wait3A_93 = arith.constant 0 : i32
          %dma_wait3A_94 = arith.constant 0 : i32
          %dma_wait3A_95 = tpu.memref_slice %arg12[%dma_wait3A_93, %dma_wait3A_94] : memref<10240x128xf32, #tpu.memory_space<vmem_shared>> -> memref<10240x128xf32, #tpu.memory_space<vmem_shared>>
          tpu.wait_indirect_dma semaphore(%run_scoped3A : memref<!tpu.dma_semaphore, #tpu.memory_space<semaphore_mem>>) src(%arg9 : memref<128x128xf32, #tpu.memory_space<vmem>>) dst(%dma_wait3A_95 : memref<10240x128xf32, #tpu.memory_space<vmem_shared>>)
          tpu.yield
        }) : () -> ()
      }
      %scan3A_49 = arith.constant 20 : i32
    }
    %scan3A_15 = arith.constant 2 : i32
    %barrier3A_16 = arith.constant 0 : index
    tpu.barrier barrier_id(%barrier3A_16)
    %eq3A = arith.constant 0 : i32
    %eq3A_17 = arith.cmpi eq, %arg0, %eq3A : i32
    %convert_element_type3A = arith.extui %eq3A_17 : i1 to i32
    %cond3A = arith.constant 0 : i32
    %cond3A_18 = arith.cmpi ne, %convert_element_type3A, %cond3A : i32
    scf.if %cond3A_18 {
      %mul3A_24 = arith.constant 640 : i32
      %mul3A_25 = arith.muli %arg1, %mul3A_24 : i32
      %mul3A_26 = arith.constant 640 : i32
      %mul3A_27 = arith.muli %arg1, %mul3A_26 : i32
      %run_scoped3A = arith.constant 0 : i32
      "tpu.region"() ({
        %run_scoped3A_28 = tpu.sem_alloc : memref<!tpu.dma_semaphore, #tpu.memory_space<semaphore_mem>>
        %dma_start3A = arith.constant 0 : i32
        %dma_start3A_29 = arith.constant 0 : i32
        %dma_start3A_30 = tpu.memref_slice %arg5[%run_scoped3A, %dma_start3A, %dma_start3A_29] : memref<2x10240x128xf32, #tpu.memory_space<hbm>> -> memref<1x10240x128xf32, #tpu.memory_space<hbm>>
        %dma_start3A_31 = tpu.memref_squeeze %dma_start3A_30 : memref<1x10240x128xf32, #tpu.memory_space<hbm>> -> memref<10240x128xf32, #tpu.memory_space<hbm>>
        %dma_start3A_32 = arith.constant 0 : i32
        %dma_start3A_33 = tpu.memref_slice %dma_start3A_31[%mul3A_27, %dma_start3A_32] : memref<10240x128xf32, #tpu.memory_space<hbm>> -> memref<640x128xf32, #tpu.memory_space<hbm>>
        %dma_start3A_34 = arith.constant 0 : i32
        %dma_start3A_35 = tpu.memref_slice %arg12[%mul3A_25, %dma_start3A_34] : memref<10240x128xf32, #tpu.memory_space<vmem_shared>> -> memref<640x128xf32, #tpu.memory_space<vmem_shared>>
        tpu.enqueue_dma source(%dma_start3A_35 : memref<640x128xf32, #tpu.memory_space<vmem_shared>>) target(%dma_start3A_33 : memref<640x128xf32, #tpu.memory_space<hbm>>) target_semaphore(%run_scoped3A_28 : memref<!tpu.dma_semaphore, #tpu.memory_space<semaphore_mem>>)
        %dma_wait3A = arith.constant 0 : i32
        %dma_wait3A_36 = arith.constant 0 : i32
        %dma_wait3A_37 = tpu.memref_slice %arg5[%run_scoped3A, %dma_wait3A, %dma_wait3A_36] : memref<2x10240x128xf32, #tpu.memory_space<hbm>> -> memref<1x10240x128xf32, #tpu.memory_space<hbm>>
        %dma_wait3A_38 = tpu.memref_squeeze %dma_wait3A_37 : memref<1x10240x128xf32, #tpu.memory_space<hbm>> -> memref<10240x128xf32, #tpu.memory_space<hbm>>
        %dma_wait3A_39 = arith.constant 0 : i32
        %dma_wait3A_40 = tpu.memref_slice %dma_wait3A_38[%mul3A_27, %dma_wait3A_39] : memref<10240x128xf32, #tpu.memory_space<hbm>> -> memref<640x128xf32, #tpu.memory_space<hbm>>
        %dma_wait3A_41 = arith.constant 0 : i32
        %dma_wait3A_42 = tpu.memref_slice %arg12[%mul3A_25, %dma_wait3A_41] : memref<10240x128xf32, #tpu.memory_space<vmem_shared>> -> memref<640x128xf32, #tpu.memory_space<vmem_shared>>
        tpu.wait_dma2 semaphore(%run_scoped3A_28 : memref<!tpu.dma_semaphore, #tpu.memory_space<semaphore_mem>>) src(%dma_wait3A_42 : memref<640x128xf32, #tpu.memory_space<vmem_shared>>) dst(%dma_wait3A_40 : memref<640x128xf32, #tpu.memory_space<hbm>>)
        tpu.yield
      }) : () -> ()
    } else {
    }
    %eq3A_19 = arith.constant 1 : i32
    %eq3A_20 = arith.cmpi eq, %arg0, %eq3A_19 : i32
    %convert_element_type3A_21 = arith.extui %eq3A_20 : i1 to i32
    %cond3A_22 = arith.constant 0 : i32
    %cond3A_23 = arith.cmpi ne, %convert_element_type3A_21, %cond3A_22 : i32
    scf.if %cond3A_23 {
      %mul3A_24 = arith.constant 640 : i32
      %mul3A_25 = arith.muli %arg1, %mul3A_24 : i32
      %mul3A_26 = arith.constant 640 : i32
      %mul3A_27 = arith.muli %arg1, %mul3A_26 : i32
      %run_scoped3A = arith.constant 1 : i32
      "tpu.region"() ({
        %run_scoped3A_28 = tpu.sem_alloc : memref<!tpu.dma_semaphore, #tpu.memory_space<semaphore_mem>>
        %dma_start3A = arith.constant 0 : i32
        %dma_start3A_29 = arith.constant 0 : i32
        %dma_start3A_30 = tpu.memref_slice %arg5[%run_scoped3A, %dma_start3A, %dma_start3A_29] : memref<2x10240x128xf32, #tpu.memory_space<hbm>> -> memref<1x10240x128xf32, #tpu.memory_space<hbm>>
        %dma_start3A_31 = tpu.memref_squeeze %dma_start3A_30 : memref<1x10240x128xf32, #tpu.memory_space<hbm>> -> memref<10240x128xf32, #tpu.memory_space<hbm>>
        %dma_start3A_32 = arith.constant 0 : i32
        %dma_start3A_33 = tpu.memref_slice %dma_start3A_31[%mul3A_27, %dma_start3A_32] : memref<10240x128xf32, #tpu.memory_space<hbm>> -> memref<640x128xf32, #tpu.memory_space<hbm>>
        %dma_start3A_34 = arith.constant 0 : i32
        %dma_start3A_35 = tpu.memref_slice %arg12[%mul3A_25, %dma_start3A_34] : memref<10240x128xf32, #tpu.memory_space<vmem_shared>> -> memref<640x128xf32, #tpu.memory_space<vmem_shared>>
        tpu.enqueue_dma source(%dma_start3A_35 : memref<640x128xf32, #tpu.memory_space<vmem_shared>>) target(%dma_start3A_33 : memref<640x128xf32, #tpu.memory_space<hbm>>) target_semaphore(%run_scoped3A_28 : memref<!tpu.dma_semaphore, #tpu.memory_space<semaphore_mem>>)
        %dma_wait3A = arith.constant 0 : i32
        %dma_wait3A_36 = arith.constant 0 : i32
        %dma_wait3A_37 = tpu.memref_slice %arg5[%run_scoped3A, %dma_wait3A, %dma_wait3A_36] : memref<2x10240x128xf32, #tpu.memory_space<hbm>> -> memref<1x10240x128xf32, #tpu.memory_space<hbm>>
        %dma_wait3A_38 = tpu.memref_squeeze %dma_wait3A_37 : memref<1x10240x128xf32, #tpu.memory_space<hbm>> -> memref<10240x128xf32, #tpu.memory_space<hbm>>
        %dma_wait3A_39 = arith.constant 0 : i32
        %dma_wait3A_40 = tpu.memref_slice %dma_wait3A_38[%mul3A_27, %dma_wait3A_39] : memref<10240x128xf32, #tpu.memory_space<hbm>> -> memref<640x128xf32, #tpu.memory_space<hbm>>
        %dma_wait3A_41 = arith.constant 0 : i32
        %dma_wait3A_42 = tpu.memref_slice %arg12[%mul3A_25, %dma_wait3A_41] : memref<10240x128xf32, #tpu.memory_space<vmem_shared>> -> memref<640x128xf32, #tpu.memory_space<vmem_shared>>
        tpu.wait_dma2 semaphore(%run_scoped3A_28 : memref<!tpu.dma_semaphore, #tpu.memory_space<semaphore_mem>>) src(%dma_wait3A_42 : memref<640x128xf32, #tpu.memory_space<vmem_shared>>) dst(%dma_wait3A_40 : memref<640x128xf32, #tpu.memory_space<hbm>>)
        tpu.yield
      }) : () -> ()
    } else {
    }
    return
  }
}

module attributes {stable_mosaic.version = 14 : i64} {
  func.func @_prep_body(%arg0: memref<10240x128xf32, #tpu.memory_space<vmem>>, %arg1: memref<2x10240x128xf32, #tpu.memory_space<vmem>>, %arg2: memref<10240x128xf32, #tpu.memory_space<vmem>>, %arg3: memref<2x10240xf32, #tpu.memory_space<vmem>>) attributes {dimension_semantics = [], scalar_prefetch = 0 : i64, scratch_operands = 0 : i64, tpu.core_type = #tpu.core_type<tc>} {
    %get3A = arith.constant 0 : index
    %get3A_0 = arith.constant 0 : index
    %get3A_1 = arith.constant 0 : index
    %get3A_2 = vector.load %arg1[%get3A, %get3A_0, %get3A_1] : memref<2x10240x128xf32, #tpu.memory_space<vmem>>, vector<1x10240x128xf32>
    %get3A_3 = vector.shape_cast %get3A_2 : vector<1x10240x128xf32> to vector<10240x128xf32>
    %get3A_4 = arith.constant 1 : index
    %get3A_5 = arith.constant 0 : index
    %get3A_6 = arith.constant 0 : index
    %get3A_7 = vector.load %arg1[%get3A_4, %get3A_5, %get3A_6] : memref<2x10240x128xf32, #tpu.memory_space<vmem>>, vector<1x10240x128xf32>
    %get3A_8 = vector.shape_cast %get3A_7 : vector<1x10240x128xf32> to vector<10240x128xf32>
    %add3A = arith.addf %get3A_3, %get3A_8 : vector<10240x128xf32>
    %slice3A = vector.extract_strided_slice %add3A {offsets = [0, 0], sizes = [10240, 1], strides = [1, 1]} : vector<10240x128xf32> to vector<10240x1xf32>
    %squeeze3A = vector.shape_cast %slice3A : vector<10240x1xf32> to vector<10240xf32>
    %max3A = arith.constant 1.000000e+00 : f32
    %max3A_9 = vector.broadcast %max3A : f32 to vector<10240xf32>
    %max3A_10 = arith.maximumf %squeeze3A, %max3A_9 : vector<10240xf32>
    %rsqrt3A = math.rsqrt %max3A_10 : vector<10240xf32>
    %slice3A_11 = vector.extract_strided_slice %add3A {offsets = [0, 1], sizes = [10240, 1], strides = [1, 1]} : vector<10240x128xf32> to vector<10240x1xf32>
    %squeeze3A_12 = vector.shape_cast %slice3A_11 : vector<10240x1xf32> to vector<10240xf32>
    %max3A_13 = arith.constant 1.000000e+00 : f32
    %max3A_14 = vector.broadcast %max3A_13 : f32 to vector<10240xf32>
    %max3A_15 = arith.maximumf %squeeze3A_12, %max3A_14 : vector<10240xf32>
    %rsqrt3A_16 = math.rsqrt %max3A_15 : vector<10240xf32>
    %swap3A = arith.constant 0 : index
    %swap3A_17 = arith.constant 0 : index
    %swap3A_18 = vector.load %arg3[%swap3A, %swap3A_17] : memref<2x10240xf32, #tpu.memory_space<vmem>>, vector<1x10240xf32>
    %swap3A_19 = vector.shape_cast %swap3A_18 : vector<1x10240xf32> to vector<10240xf32>
    %swap3A_20 = vector.shape_cast %rsqrt3A_16 : vector<10240xf32> to vector<1x10240xf32>
    tpu.vector_store %arg3[%swap3A, %swap3A_17], %swap3A_20 {strides = array<i32>} : memref<2x10240xf32, #tpu.memory_space<vmem>>, vector<1x10240xf32>,
    %swap3A_21 = arith.constant 1 : index
    %swap3A_22 = arith.constant 0 : index
    %swap3A_23 = vector.load %arg3[%swap3A_21, %swap3A_22] : memref<2x10240xf32, #tpu.memory_space<vmem>>, vector<1x10240xf32>
    %swap3A_24 = vector.shape_cast %swap3A_23 : vector<1x10240xf32> to vector<10240xf32>
    %swap3A_25 = vector.shape_cast %rsqrt3A : vector<10240xf32> to vector<1x10240xf32>
    tpu.vector_store %arg3[%swap3A_21, %swap3A_22], %swap3A_25 {strides = array<i32>} : memref<2x10240xf32, #tpu.memory_space<vmem>>, vector<1x10240xf32>,
    %get3A_26 = arith.constant 0 : index
    %get3A_27 = arith.constant 0 : index
    %get3A_28 = vector.load %arg0[%get3A_26, %get3A_27] : memref<10240x128xf32, #tpu.memory_space<vmem>>, vector<10240x128xf32>
    %broadcast_in_dim3A = vector.shape_cast %rsqrt3A : vector<10240xf32> to vector<10240x1xf32>
    %mul3A = vector.broadcast %broadcast_in_dim3A : vector<10240x1xf32> to vector<10240x128xf32>
    %mul3A_29 = arith.mulf %get3A_28, %mul3A : vector<10240x128xf32>
    %swap3A_30 = arith.constant 0 : index
    %swap3A_31 = arith.constant 0 : index
    %swap3A_32 = vector.load %arg2[%swap3A_30, %swap3A_31] : memref<10240x128xf32, #tpu.memory_space<vmem>>, vector<10240x128xf32>
    tpu.vector_store %arg2[%swap3A_30, %swap3A_31], %mul3A_29 {strides = array<i32>} : memref<10240x128xf32, #tpu.memory_space<vmem>>, vector<10240x128xf32>,
    return
  }
}

module attributes {stable_mosaic.version = 14 : i64} {
  func.func @_layer_body(%arg0: i32, %arg1: memref<2x1024x128xf32, #tpu.memory_space<vmem>>, %arg2: memref<2x1024xf32, #tpu.memory_space<vmem>>, %arg3: memref<128x128xf32, #tpu.memory_space<vmem>>, %arg4: memref<1x128xf32, #tpu.memory_space<vmem>>, %arg5: memref<1024x128xf32, #tpu.memory_space<vmem>>) attributes {dimension_semantics = [#tpu.dimension_semantics<arbitrary>], iteration_bounds = array<i64: 10>, scalar_prefetch = 0 : i64, scratch_operands = 0 : i64, tpu.core_type = #tpu.core_type<tc>, window_params = [{transform_indices = @transform_0, window_bounds = array<i64: 2, 1024, 128>}, {transform_indices = @transform_1, window_bounds = array<i64: 2, 1024>}, {pipeline_mode = #tpu.pipeline_mode<synchronous>, transform_indices = @transform_2, window_bounds = array<i64: 128, 128>}, {pipeline_mode = #tpu.pipeline_mode<synchronous>, transform_indices = @transform_3, window_bounds = array<i64: 1, 128>}, {transform_indices = @transform_4, window_bounds = array<i64: 1024, 128>}]} {
    %get3A = arith.constant 0 : index
    %get3A_0 = arith.constant 0 : index
    %get3A_1 = arith.constant 0 : index
    %get3A_2 = vector.load %arg1[%get3A, %get3A_0, %get3A_1] : memref<2x1024x128xf32, #tpu.memory_space<vmem>>, vector<1x1024x128xf32>
    %get3A_3 = vector.shape_cast %get3A_2 : vector<1x1024x128xf32> to vector<1024x128xf32>
    %get3A_4 = arith.constant 1 : index
    %get3A_5 = arith.constant 0 : index
    %get3A_6 = arith.constant 0 : index
    %get3A_7 = vector.load %arg1[%get3A_4, %get3A_5, %get3A_6] : memref<2x1024x128xf32, #tpu.memory_space<vmem>>, vector<1x1024x128xf32>
    %get3A_8 = vector.shape_cast %get3A_7 : vector<1x1024x128xf32> to vector<1024x128xf32>
    %add3A = arith.addf %get3A_3, %get3A_8 : vector<1024x128xf32>
    %get3A_9 = arith.constant 0 : index
    %get3A_10 = arith.constant 0 : index
    %get3A_11 = vector.load %arg2[%get3A_9, %get3A_10] : memref<2x1024xf32, #tpu.memory_space<vmem>>, vector<1x1024xf32>
    %get3A_12 = vector.shape_cast %get3A_11 : vector<1x1024xf32> to vector<1024xf32>
    %broadcast_in_dim3A = vector.shape_cast %get3A_12 : vector<1024xf32> to vector<1024x1xf32>
    %mul3A = vector.broadcast %broadcast_in_dim3A : vector<1024x1xf32> to vector<1024x128xf32>
    %mul3A_13 = arith.mulf %add3A, %mul3A : vector<1024x128xf32>
    %get3A_14 = arith.constant 0 : index
    %get3A_15 = arith.constant 0 : index
    %get3A_16 = vector.load %arg3[%get3A_14, %get3A_15] : memref<128x128xf32, #tpu.memory_space<vmem>>, vector<128x128xf32>
    %dot_general3A = arith.constant dense<0.000000e+00> : vector<1024x128xf32>
    %dot_general3A_17 = tpu.matmul %mul3A_13, %get3A_16, %dot_general3A {dimension_numbers = #tpu.dot_dimension_numbers<[1], [0], [0], [1], [0, 0, 1, 1], [], []>, transpose_lhs_hint = false} : vector<1024x128xf32>, vector<128x128xf32>, vector<1024x128xf32> -> vector<1024x128xf32>
    %get3A_18 = arith.constant 0 : index
    %get3A_19 = arith.constant 0 : index
    %get3A_20 = vector.load %arg4[%get3A_18, %get3A_19] : memref<1x128xf32, #tpu.memory_space<vmem>>, vector<1x128xf32>
    %get3A_21 = vector.shape_cast %get3A_20 : vector<1x128xf32> to vector<128xf32>
    %broadcast_in_dim3A_22 = vector.shape_cast %get3A_21 : vector<128xf32> to vector<1x128xf32>
    %add3A_23 = vector.broadcast %broadcast_in_dim3A_22 : vector<1x128xf32> to vector<1024x128xf32>
    %add3A_24 = arith.addf %dot_general3A_17, %add3A_23 : vector<1024x128xf32>
    %max3A = arith.constant 0.000000e+00 : f32
    %max3A_25 = vector.broadcast %max3A : f32 to vector<1024x128xf32>
    %max3A_26 = arith.maximumf %add3A_24, %max3A_25 : vector<1024x128xf32>
    %get3A_27 = arith.constant 1 : index
    %get3A_28 = arith.constant 0 : index
    %get3A_29 = vector.load %arg2[%get3A_27, %get3A_28] : memref<2x1024xf32, #tpu.memory_space<vmem>>, vector<1x1024xf32>
    %get3A_30 = vector.shape_cast %get3A_29 : vector<1x1024xf32> to vector<1024xf32>
    %broadcast_in_dim3A_31 = vector.shape_cast %get3A_30 : vector<1024xf32> to vector<1024x1xf32>
    %mul3A_32 = vector.broadcast %broadcast_in_dim3A_31 : vector<1024x1xf32> to vector<1024x128xf32>
    %mul3A_33 = arith.mulf %max3A_26, %mul3A_32 : vector<1024x128xf32>
    %swap3A = arith.constant 0 : index
    %swap3A_34 = arith.constant 0 : index
    %swap3A_35 = vector.load %arg5[%swap3A, %swap3A_34] : memref<1024x128xf32, #tpu.memory_space<vmem>>, vector<1024x128xf32>
    tpu.vector_store %arg5[%swap3A, %swap3A_34], %mul3A_33 {strides = array<i32>} : memref<1024x128xf32, #tpu.memory_space<vmem>>, vector<1024x128xf32>,
    return
  }
  func.func @transform_0(%arg0: i32) -> (i32, i32, i32) {
    %c0_i32 = arith.constant 0 : i32
    %c0_i32_0 = arith.constant 0 : i32
    %c0_i32_1 = arith.constant 0 : i32
    return %c0_i32, %arg0, %c0_i32_0 : i32, i32, i32
  }
  func.func @transform_1(%arg0: i32) -> (i32, i32) {
    %c0_i32 = arith.constant 0 : i32
    %c0_i32_0 = arith.constant 0 : i32
    return %c0_i32, %arg0 : i32, i32
  }
  func.func @transform_2(%arg0: i32) -> (i32, i32) {
    %c0_i32 = arith.constant 0 : i32
    %c0_i32_0 = arith.constant 0 : i32
    %c0_i32_1 = arith.constant 0 : i32
    return %c0_i32, %c0_i32_0 : i32, i32
  }
  func.func @transform_3(%arg0: i32) -> (i32, i32) {
    %c0_i32 = arith.constant 0 : i32
    %c0_i32_0 = arith.constant 0 : i32
    %c0_i32_1 = arith.constant 0 : i32
    return %c0_i32, %c0_i32_0 : i32, i32
  }
  func.func @transform_4(%arg0: i32) -> (i32, i32) {
    %c0_i32 = arith.constant 0 : i32
    %c0_i32_0 = arith.constant 0 : i32
    return %arg0, %c0_i32 : i32, i32
  }
}

module attributes {stable_mosaic.version = 14 : i64} {
  func.func @_final_body(%arg0: i32, %arg1: memref<2x1024x128xf32, #tpu.memory_space<vmem>>, %arg2: memref<2x1024xf32, #tpu.memory_space<vmem>>, %arg3: memref<128x128xf32, #tpu.memory_space<vmem>>, %arg4: memref<1x128xf32, #tpu.memory_space<vmem>>, %arg5: memref<8x128xf32, #tpu.memory_space<vmem>>) attributes {dimension_semantics = [#tpu.dimension_semantics<arbitrary>], iteration_bounds = array<i64: 10>, scalar_prefetch = 0 : i64, scratch_operands = 0 : i64, tpu.core_type = #tpu.core_type<tc>, window_params = [{transform_indices = @transform_0, window_bounds = array<i64: 2, 1024, 128>}, {transform_indices = @transform_1, window_bounds = array<i64: 2, 1024>}, {pipeline_mode = #tpu.pipeline_mode<synchronous>, transform_indices = @transform_2, window_bounds = array<i64: 128, 128>}, {pipeline_mode = #tpu.pipeline_mode<synchronous>, transform_indices = @transform_3, window_bounds = array<i64: 1, 128>}, {pipeline_mode = #tpu.pipeline_mode<synchronous>, transform_indices = @transform_4, window_bounds = array<i64: 8, 128>}]} {
    %get3A = arith.constant 0 : index
    %get3A_0 = arith.constant 0 : index
    %get3A_1 = arith.constant 0 : index
    %get3A_2 = vector.load %arg1[%get3A, %get3A_0, %get3A_1] : memref<2x1024x128xf32, #tpu.memory_space<vmem>>, vector<1x1024x128xf32>
    %get3A_3 = vector.shape_cast %get3A_2 : vector<1x1024x128xf32> to vector<1024x128xf32>
    %get3A_4 = arith.constant 1 : index
    %get3A_5 = arith.constant 0 : index
    %get3A_6 = arith.constant 0 : index
    %get3A_7 = vector.load %arg1[%get3A_4, %get3A_5, %get3A_6] : memref<2x1024x128xf32, #tpu.memory_space<vmem>>, vector<1x1024x128xf32>
    %get3A_8 = vector.shape_cast %get3A_7 : vector<1x1024x128xf32> to vector<1024x128xf32>
    %add3A = arith.addf %get3A_3, %get3A_8 : vector<1024x128xf32>
    %get3A_9 = arith.constant 0 : index
    %get3A_10 = arith.constant 0 : index
    %get3A_11 = vector.load %arg2[%get3A_9, %get3A_10] : memref<2x1024xf32, #tpu.memory_space<vmem>>, vector<1x1024xf32>
    %get3A_12 = vector.shape_cast %get3A_11 : vector<1x1024xf32> to vector<1024xf32>
    %broadcast_in_dim3A = vector.shape_cast %get3A_12 : vector<1024xf32> to vector<1024x1xf32>
    %mul3A = vector.broadcast %broadcast_in_dim3A : vector<1024x1xf32> to vector<1024x128xf32>
    %mul3A_13 = arith.mulf %add3A, %mul3A : vector<1024x128xf32>
    %get3A_14 = arith.constant 0 : index
    %get3A_15 = arith.constant 0 : index
    %get3A_16 = vector.load %arg3[%get3A_14, %get3A_15] : memref<128x128xf32, #tpu.memory_space<vmem>>, vector<128x128xf32>
    %dot_general3A = arith.constant dense<0.000000e+00> : vector<1024x128xf32>
    %dot_general3A_17 = tpu.matmul %mul3A_13, %get3A_16, %dot_general3A {dimension_numbers = #tpu.dot_dimension_numbers<[1], [0], [0], [1], [0, 0, 1, 1], [], []>, transpose_lhs_hint = false} : vector<1024x128xf32>, vector<128x128xf32>, vector<1024x128xf32> -> vector<1024x128xf32>
    %get3A_18 = arith.constant 0 : index
    %get3A_19 = arith.constant 0 : index
    %get3A_20 = vector.load %arg4[%get3A_18, %get3A_19] : memref<1x128xf32, #tpu.memory_space<vmem>>, vector<1x128xf32>
    %get3A_21 = vector.shape_cast %get3A_20 : vector<1x128xf32> to vector<128xf32>
    %broadcast_in_dim3A_22 = vector.shape_cast %get3A_21 : vector<128xf32> to vector<1x128xf32>
    %add3A_23 = vector.broadcast %broadcast_in_dim3A_22 : vector<1x128xf32> to vector<1024x128xf32>
    %add3A_24 = arith.addf %dot_general3A_17, %add3A_23 : vector<1024x128xf32>
    %max3A = arith.constant 0.000000e+00 : f32
    %max3A_25 = vector.broadcast %max3A : f32 to vector<1024x128xf32>
    %max3A_26 = arith.maximumf %add3A_24, %max3A_25 : vector<1024x128xf32>
    %mul3A_27 = arith.constant 1024 : i32
    %mul3A_28 = arith.muli %arg0, %mul3A_27 : i32
    %iota3A = tpu.iota {dimensions = array<i32: 0>} : vector<1024x128xi32>
    %add3A_29 = vector.broadcast %mul3A_28 : i32 to vector<1024x128xi32>
    %add3A_30 = arith.addi %add3A_29, %iota3A : vector<1024x128xi32>
    %lt3A = arith.constant 10000 : i32
    %lt3A_31 = vector.broadcast %lt3A : i32 to vector<1024x128xi32>
    %lt3A_32 = arith.cmpi slt, %add3A_30, %lt3A_31 : vector<1024x128xi32>
    %jit3A = arith.constant 0.000000e+00 : f32
    %broadcast_in_dim3A_33 = vector.broadcast %jit3A : f32 to vector<1024x128xf32>
    %select_n3A = arith.select %lt3A_32, %max3A_26, %broadcast_in_dim3A_33 : vector<1024x128xi1>, vector<1024x128xf32>
    %reshape3A = vector.shape_cast %select_n3A : vector<1024x128xf32> to vector<128x8x128xf32>
    %reduce_sum3A = arith.constant dense<0.000000e+00> : vector<8x128xf32>
    %reduce_sum3A_34 = vector.multi_reduction <add>, %reshape3A, %reduce_sum3A [0] : vector<128x8x128xf32> to vector<8x128xf32>
    %eq3A = arith.constant 0 : i32
    %eq3A_35 = arith.cmpi eq, %arg0, %eq3A : i32
    %convert_element_type3A = arith.extui %eq3A_35 : i1 to i32
    %cond3A = arith.constant 0 : i32
    %cond3A_36 = arith.cmpi ne, %convert_element_type3A, %cond3A : i32
    scf.if %cond3A_36 {
      %swap3A = arith.constant 0 : index
      %swap3A_41 = arith.constant 0 : index
      %swap3A_42 = vector.load %arg5[%swap3A, %swap3A_41] : memref<8x128xf32, #tpu.memory_space<vmem>>, vector<8x128xf32>
      tpu.vector_store %arg5[%swap3A, %swap3A_41], %reduce_sum3A_34 {strides = array<i32>} : memref<8x128xf32, #tpu.memory_space<vmem>>, vector<8x128xf32>,
    } else {
    }
    %ne3A = arith.constant 0 : i32
    %ne3A_37 = arith.cmpi ne, %arg0, %ne3A : i32
    %convert_element_type3A_38 = arith.extui %ne3A_37 : i1 to i32
    %cond3A_39 = arith.constant 0 : i32
    %cond3A_40 = arith.cmpi ne, %convert_element_type3A_38, %cond3A_39 : i32
    scf.if %cond3A_40 {
      %get3A_41 = arith.constant 0 : index
      %get3A_42 = arith.constant 0 : index
      %get3A_43 = vector.load %arg5[%get3A_41, %get3A_42] : memref<8x128xf32, #tpu.memory_space<vmem>>, vector<8x128xf32>
      %add3A_44 = arith.addf %get3A_43, %reduce_sum3A_34 : vector<8x128xf32>
      %swap3A = arith.constant 0 : index
      %swap3A_45 = arith.constant 0 : index
      %swap3A_46 = vector.load %arg5[%swap3A, %swap3A_45] : memref<8x128xf32, #tpu.memory_space<vmem>>, vector<8x128xf32>
      tpu.vector_store %arg5[%swap3A, %swap3A_45], %add3A_44 {strides = array<i32>} : memref<8x128xf32, #tpu.memory_space<vmem>>, vector<8x128xf32>,
    } else {
    }
    return
  }
  func.func @transform_0(%arg0: i32) -> (i32, i32, i32) {
    %c0_i32 = arith.constant 0 : i32
    %c0_i32_0 = arith.constant 0 : i32
    %c0_i32_1 = arith.constant 0 : i32
    return %c0_i32, %arg0, %c0_i32_0 : i32, i32, i32
  }
  func.func @transform_1(%arg0: i32) -> (i32, i32) {
    %c0_i32 = arith.constant 0 : i32
    %c0_i32_0 = arith.constant 0 : i32
    return %c0_i32, %arg0 : i32, i32
  }
  func.func @transform_2(%arg0: i32) -> (i32, i32) {
    %c0_i32 = arith.constant 0 : i32
    %c0_i32_0 = arith.constant 0 : i32
    %c0_i32_1 = arith.constant 0 : i32
    return %c0_i32, %c0_i32_0 : i32, i32
  }
  func.func @transform_3(%arg0: i32) -> (i32, i32) {
    %c0_i32 = arith.constant 0 : i32
    %c0_i32_0 = arith.constant 0 : i32
    %c0_i32_1 = arith.constant 0 : i32
    return %c0_i32, %c0_i32_0 : i32, i32
  }
  func.func @transform_4(%arg0: i32) -> (i32, i32) {
    %c0_i32 = arith.constant 0 : i32
    %c0_i32_0 = arith.constant 0 : i32
    %c0_i32_1 = arith.constant 0 : i32
    return %c0_i32, %c0_i32_0 : i32, i32
  }
}

module attributes {stable_mosaic.version = 14 : i64} {
  func.func @_head_body(%arg0: memref<8x128xf32, #tpu.memory_space<vmem>>, %arg1: memref<8x128xf32, #tpu.memory_space<vmem>>, %arg2: memref<128x128xf32, #tpu.memory_space<vmem>>, %arg3: memref<128x128xf32, #tpu.memory_space<vmem>>, %arg4: memref<1x128xf32, #tpu.memory_space<vmem>>, %arg5: memref<1x128xf32, #tpu.memory_space<vmem>>, %arg6: memref<1x1xf32, #tpu.memory_space<vmem>>, %arg7: memref<1x1xf32, #tpu.memory_space<vmem>>) attributes {dimension_semantics = [], scalar_prefetch = 0 : i64, scratch_operands = 0 : i64, tpu.core_type = #tpu.core_type<tc>} {
    %get3A = arith.constant 0 : index
    %get3A_0 = arith.constant 0 : index
    %get3A_1 = vector.load %arg0[%get3A, %get3A_0] : memref<8x128xf32, #tpu.memory_space<vmem>>, vector<8x128xf32>
    %reduce_sum3A = arith.constant dense<0.000000e+00> : vector<128xf32>
    %reduce_sum3A_2 = vector.multi_reduction <add>, %get3A_1, %reduce_sum3A [0] : vector<8x128xf32> to vector<128xf32>
    %broadcast_in_dim3A = vector.shape_cast %reduce_sum3A_2 : vector<128xf32> to vector<1x128xf32>
    %get3A_3 = arith.constant 0 : index
    %get3A_4 = arith.constant 0 : index
    %get3A_5 = vector.load %arg1[%get3A_3, %get3A_4] : memref<8x128xf32, #tpu.memory_space<vmem>>, vector<8x128xf32>
    %reduce_sum3A_6 = arith.constant dense<0.000000e+00> : vector<128xf32>
    %reduce_sum3A_7 = vector.multi_reduction <add>, %get3A_5, %reduce_sum3A_6 [0] : vector<8x128xf32> to vector<128xf32>
    %broadcast_in_dim3A_8 = vector.shape_cast %reduce_sum3A_7 : vector<128xf32> to vector<1x128xf32>
    %get3A_9 = arith.constant 0 : index
    %get3A_10 = arith.constant 0 : index
    %get3A_11 = vector.load %arg2[%get3A_9, %get3A_10] : memref<128x128xf32, #tpu.memory_space<vmem>>, vector<128x128xf32>
    %dot_general3A = arith.constant dense<0.000000e+00> : vector<1x128xf32>
    %dot_general3A_12 = tpu.matmul %broadcast_in_dim3A, %get3A_11, %dot_general3A {dimension_numbers = #tpu.dot_dimension_numbers<[1], [0], [0], [1], [0, 0, 1, 1], [], []>, transpose_lhs_hint = false} : vector<1x128xf32>, vector<128x128xf32>, vector<1x128xf32> -> vector<1x128xf32>
    %get3A_13 = arith.constant 0 : index
    %get3A_14 = arith.constant 0 : index
    %get3A_15 = vector.load %arg3[%get3A_13, %get3A_14] : memref<128x128xf32, #tpu.memory_space<vmem>>, vector<128x128xf32>
    %dot_general3A_16 = arith.constant dense<0.000000e+00> : vector<1x128xf32>
    %dot_general3A_17 = tpu.matmul %broadcast_in_dim3A_8, %get3A_15, %dot_general3A_16 {dimension_numbers = #tpu.dot_dimension_numbers<[1], [0], [0], [1], [0, 0, 1, 1], [], []>, transpose_lhs_hint = false} : vector<1x128xf32>, vector<128x128xf32>, vector<1x128xf32> -> vector<1x128xf32>
    %add3A = arith.addf %dot_general3A_12, %dot_general3A_17 : vector<1x128xf32>
    %get3A_18 = arith.constant 0 : index
    %get3A_19 = arith.constant 0 : index
    %get3A_20 = vector.load %arg4[%get3A_18, %get3A_19] : memref<1x128xf32, #tpu.memory_space<vmem>>, vector<1x128xf32>
    %add3A_21 = arith.addf %add3A, %get3A_20 : vector<1x128xf32>
    %max3A = arith.constant 0.000000e+00 : f32
    %max3A_22 = vector.broadcast %max3A : f32 to vector<1x128xf32>
    %max3A_23 = arith.maximumf %add3A_21, %max3A_22 : vector<1x128xf32>
    %get3A_24 = arith.constant 0 : index
    %get3A_25 = arith.constant 0 : index
    %get3A_26 = vector.load %arg5[%get3A_24, %get3A_25] : memref<1x128xf32, #tpu.memory_space<vmem>>, vector<1x128xf32>
    %mul3A = arith.mulf %max3A_23, %get3A_26 : vector<1x128xf32>
    %reduce_sum3A_27 = arith.constant dense<0.000000e+00> : vector<1xf32>
    %reduce_sum3A_28 = vector.multi_reduction <add>, %mul3A, %reduce_sum3A_27 [1] : vector<1x128xf32> to vector<1xf32>
    %broadcast_in_dim3A_29 = vector.shape_cast %reduce_sum3A_28 : vector<1xf32> to vector<1x1xf32>
    %get3A_30 = arith.constant 0 : index
    %get3A_31 = arith.constant 0 : index
    %get3A_32 = vector.load %arg6[%get3A_30, %get3A_31] : memref<1x1xf32, #tpu.memory_space<vmem>>, vector<1x1xf32>
    %add3A_33 = arith.addf %broadcast_in_dim3A_29, %get3A_32 : vector<1x1xf32>
    %swap3A = arith.constant 0 : index
    %swap3A_34 = arith.constant 0 : index
    %swap3A_35 = vector.load %arg7[%swap3A, %swap3A_34] : memref<1x1xf32, #tpu.memory_space<vmem>>, vector<1x1xf32>
    tpu.vector_store %arg7[%swap3A, %swap3A_34], %add3A_33 {strides = array<i32>} : memref<1x1xf32, #tpu.memory_space<vmem>>, vector<1x1xf32>,
    return
  }
}

</mosaic_0001>

<sc_bundles>
// kernel: kernel.19.cloned.1.call-start
scs
__scs_entry_jumppad:
0x0: {  	(pc) =	sbr.rel $0x88, $3  }
0x1: {  	(tag) =	ssettag $0x0;
	lr =	simm.s32 $0x1  }
0x2: {  	[smem:$0x3F93] =	sst lr;
	_ =	strace $0xD0000000  }
0x3: {  	_ = 	snop  }
0x4: {  	_ = 	snop  }
0x5: {  	_ = 	snop  }
0x6: {  	_ = 	snop  }
0x7: {  	_ = 	snop  }
__scs_overlays_trampoline_lowered:
0x8: {  	[smem:$0x3FA2] =	sst s0  }
0x9: {  	[smem:$0x3FA3] =	sst s1  }
0xa: {  	[smem:$0x3FA4] =	sst s2  }
0xb: {  	[smem:$0x3FA5] =	sst s3  }
0xc: {  	[smem:$0x3FA6] =	sst s4  }
0xd: {  	[smem:$0x3FA7] =	sst s5  }
0xe: {  	[smem:$0x3FA8] =	sst s6  }
0xf: {  	[smem:$0x3FA9] =	sst s7  }
0x10: {  	[smem:$0x3FAA] =	sst s8  }
0x11: {  	[smem:$0x3FAB] =	sst s9;
	s0 =	simm.s32 @!p0 $0x0  }
0x12: {  	s1 =	sld [smem:$0x3F91];
	s0 =	simm.s32 @p0 $0x1  }
0x13: {  	[smem:$0x3FAC] =	sst s0;
	s0 =	simm.s32 @!p1 $0x0  }
0x14: {  	s2 =	sld [smem:$0x3F90];
	s0 =	simm.s32 @p1 $0x1  }
0x15: {  	[smem:$0x3FAD] =	sst s0;
	s0 =	simm.s32 @!p2 $0x0  }
0x16: {  	s3 =	sld [smem:$0x3FDB];
	s0 =	simm.s32 @p2 $0x1  }
0x17: {  	s4 =	simm.s32 $0x1BF5;
	[smem:$0x3FAF] =	sst s0  }
0x18: {  	s0 =	sld [smem:$0x3F92];
	_ =	swait.ge [sflag:s4], $0x0  }
0x19: {  	s7 =	sld [smem:$0x3F93]  }
0x1a: {  	s8 =	sadd.s32 $0xFFFFE003, lr  }
0x1b: {  	s9 =	sadd.s32 $0xFFFFFEF7, lr;
	s5 =	simm.s32 $0xFFFFFFFF;
	p2 =	slt.u32 s8, $0xFFFFF086  }
0x1c: {  	p1 =	slt.u32 s9, $0xF7A;
	s5 =	simm.s32 @!p2 $0x0  }
0x1d: {  	s5 =	simm.s32 @p1 $0x1;
	p0 =	seq.s32 s7, s2  }
0x1e: {  	s7 =	smul.u32 @!p0 $0xF7A, s2;
	p2 =	seq.s32 @!p0 s5, $0x0  }
0x1f: {  	s9 =	smul.u32 $0xF7A, s1;
	s8 =	simm.s32 @!p0 $0x1BF5;
	p2 =	por !p2, p0  }
0x20: {  	[sflag:s8] =	ssyncset.s32 @!p0 $0xFFFFF086;
	s6 =	sadd.s32 @!p0 s3, s7;
	s7 =	simm.s32 @!p0 $0x108  }
0x21: {  	s3 =	sadd.s32 s3, s9;
	s6 =	sadd.s32 @!p0 $0x88, s6;
	s7 =	simm.s32 @p2 $0x1082  }
0x22: {  	[simem:s7], [sflag:s8] =	dma.local @!p0 [hbm:s6], $0xF7A  }
0x23: {  	s9 =	sor.u32 $0xD0000000, s2;
	s6 =	simm.s32 $0x108;
	_ =	swait.ge @!p0 [sflag:s8], $0x0  }
0x24: {  	s3 =	sadd.s32 $0x88, s3;
	s6 =	simm.s32 @!p1 $0x1082;
	[sflag:s4] =	ssyncset.s32 $0xFFFFF086  }
0x25: {  	[simem:s6], [sflag:s4] =	dma.local [hbm:s3], $0xF7A  }
0x26: {  	[smem:$0x3F93] =	sst s1;
	(tag) =	ssettag s2;
	_ =	strace s9  }
0x27: {  	s1 =	sld [smem:$0x3FA3]  }
0x28: {  	s2 =	sld [smem:$0x3FA4]  }
0x29: {  	s4 =	sld [smem:$0x3FA6]  }
0x2a: {  	p0 =	seq.s32 s5, $0x0;
	s5 =	sld [smem:$0x3FA7]  }
0x2b: {  	s6 =	sld [smem:$0x3FA8]  }
0x2c: {  	s7 =	sld [smem:$0x3FA9]  }
0x2d: {  	s3 =	simm.s32 $0x108;
	s8 =	sld [smem:$0x3FAA]  }
0x2e: {  	s3 =	simm.s32 @!p0 $0x1082;
	s9 =	sld [smem:$0x3FAB]  }
0x2f: {  	lr =	sadd.s32 s0, s3;
	s0 =	sld [smem:$0x3FA2]  }
0x30: {  	s3 =	sld [smem:$0x3FA5]  }
0x31: {  	[smem:$0x3FAE] =	sst s10  }
0x32: {  	s10 =	sld [smem:$0x3FAC];
	_ =	sdelay $0x3  }
0x33: {  	p0 =	seq.s32 s10, $0x1;
	s10 =	sld [smem:$0x3FAE];
	_ =	sdelay $0x3  }
0x34: {  	[smem:$0x3FAE] =	sst s10  }
0x35: {  	s10 =	sld [smem:$0x3FAD];
	_ =	sdelay $0x3  }
0x36: {  	p1 =	seq.s32 s10, $0x1;
	s10 =	sld [smem:$0x3FAE];
	_ =	sdelay $0x3  }
0x37: {  	[smem:$0x3FAE] =	sst s10  }
0x38: {  	s10 =	sld [smem:$0x3FAF]  }
0x39: {  	_ = 	snop;
	(pc) =	sbr.ind lr, $3  }
0x3a: {  	_ = 	snop  }
0x3b: {  	_ = 	snop  }
0x3c: {  	p2 =	seq.s32 s10, $0x1;
	s10 =	sld [smem:$0x3FAE]  }
0x3d: {  	_ =	shalt  }
0x3e: {  	_ =	shalt  }
0x3f: {  	_ =	shalt  }
0x40: {  	_ =	shalt  }
0x41: {  	_ =	shalt  }
0x42: {  	_ =	shalt  }
0x43: {  	_ =	shalt  }
0x44: {  	_ =	shalt  }
0x45: {  	_ =	shalt  }
0x46: {  	_ =	shalt  }
0x47: {  	_ =	shalt  }
0x48: {  	_ =	shalt  }
0x49: {  	_ =	shalt  }
0x4a: {  	_ =	shalt  }
0x4b: {  	_ =	shalt  }
0x4c: {  	_ =	shalt  }
0x4d: {  	_ =	shalt  }
0x4e: {  	_ =	shalt  }
0x4f: {  	_ =	shalt  }
0x50: {  	_ =	shalt  }
0x51: {  	_ =	shalt  }
0x52: {  	_ =	shalt  }
0x53: {  	_ =	shalt  }
0x54: {  	_ =	shalt  }
0x55: {  	_ =	shalt  }
0x56: {  	_ =	shalt  }
0x57: {  	_ =	shalt  }
0x58: {  	_ =	shalt  }
0x59: {  	_ =	shalt  }
0x5a: {  	_ =	shalt  }
0x5b: {  	_ =	shalt  }
0x5c: {  	_ =	shalt  }
0x5d: {  	_ =	shalt  }
0x5e: {  	_ =	shalt  }
0x5f: {  	_ =	shalt  }
0x60: {  	_ =	shalt  }
0x61: {  	_ =	shalt  }
0x62: {  	_ =	shalt  }
0x63: {  	_ =	shalt  }
0x64: {  	_ =	shalt  }
0x65: {  	_ =	shalt  }
0x66: {  	_ =	shalt  }
0x67: {  	_ =	shalt  }
0x68: {  	_ =	shalt  }
0x69: {  	_ =	shalt  }
0x6a: {  	_ =	shalt  }
0x6b: {  	_ =	shalt  }
0x6c: {  	_ =	shalt  }
0x6d: {  	_ =	shalt  }
0x6e: {  	_ =	shalt  }
0x6f: {  	_ =	shalt  }
0x70: {  	_ =	shalt  }
0x71: {  	_ =	shalt  }
0x72: {  	_ =	shalt  }
0x73: {  	_ =	shalt  }
0x74: {  	_ =	shalt  }
0x75: {  	_ =	shalt  }
0x76: {  	_ =	shalt  }
0x77: {  	_ =	shalt  }
0x78: {  	_ =	shalt  }
0x79: {  	_ =	shalt  }
0x7a: {  	_ =	shalt  }
0x7b: {  	_ =	shalt  }
0x7c: {  	_ =	shalt  }
0x7d: {  	_ =	shalt  }
0x7e: {  	_ =	shalt  }
0x7f: {  	_ =	shalt  }
0x80: {  	_ =	shalt  }
0x81: {  	_ =	shalt  }
0x82: {  	_ =	shalt  }
0x83: {  	_ =	shalt  }
0x84: {  	_ =	shalt  }
0x85: {  	_ =	shalt  }
0x86: {  	_ =	shalt  }
0x87: {  	_ =	shalt  }
.Lfunc_end0:
.L_simem_size_0:
called_computation_lowered:
.L_overlay_start_0:
0x88: {  	s2 =	sld [smem:$0x3FD9]  }
0x89: {  	s3 =	sld [smem:$0x3FFE];
	_ =	sdelay $0x1  }
0x8a: {  	s1 =	srdreg.scid  }
0x8b: {  	s0 =	sand.u32 $0x1, s1  }
0x8c: {  	s17 =	sshll.u32 s0, $0xA;
	s2 =	sadd.s32 s3, s2  }
0x8d: {  	s2 =	sadd.s32 s2, s17  }
0x8e: {  	[smem:$0x3FBA] =	sst s2  }
0x8f: {  	_ = 	snop  }
0x90: {  	(tm) =	ssettm $0x1  }
0x91: {  	s18 =	sld [smem:$0x3FFB];
	_ =	sdelay $0x3  }
0x92: {  	_ =	strace s18  }
0x93: {  	s2 =	sld [smem:$0x3FFC];
	_ =	sdelay $0x3  }
0x94: {  	_ =	strace s2  }
0x95: {  	s2 =	sld [smem:$0x3FFD];
	_ =	sdelay $0x3  }
0x96: {  	_ =	strace s2  }
0x97: {  	_ =	strace $0x8FFFFFFF  }
0x98: {  	s19 =	sld [smem:$0x3FDB];
	_ =	sdelay $0x1  }
0x99: {  	s20 =	simm.s32 $_scs_section_size  }
0x9a: {  	s4 =	simm.s32 $_size__tile_overlayer_lowered;
	s5 =	simm.s32 $_tile_overlayer_lowered  }
0x9b: {  	s6 =	simm.s32 $0x1BFF;
	s21 =	sshll.u32 s5, $0x1;
	s3 =	sadd.s32 s20, s19  }
0x9c: {  	s22 =	simm.s32 $0x0;
	s4 =	sshll.u32 s4, $0x1;
	s5 =	sadd.s32 s21, s3  }
0x9d: {  	[timem:s22], [sflag:s6] =	dma.local [hbm:s5], s4  }
0x9e: {  	_ =	swait.ge [sflag:s6], s4  }
0x9f: {  	s4 =	ssub.s32 $0x0, s4;
	[sflag:s6] =	ssyncset.done $0x0  }
0xa0: {  	[sflag:s6] =	ssyncadd.s32 s4;
	_ =	sdelay $0x1  }
0xa1: {  	s23 =	simm.s32 $0x1B8B  }
0xa2: {  	_ =	swait.ge [sflag:s23], $0x1  }
0xa3: {  	[sflag:s23] =	ssyncset.done $0x0  }
0xa4: {  	[sflag:s23] =	ssyncadd.s32 $0xFFFFFFFF  }
0xa5: {  	s4 =	sld [smem:$0x0]  }
0xa6: {  	s5 =	sand.u32 $0xFFFFFFFE, s1  }
0xa7: {  	p0 =	sne.s32 s1, s5  }
0xa8: {  	s5 =	sshll.u32 @p0 s5, $0xE  }
0xa9: {  	s5 =	sadd.s32 @p0 $0x11B8D, s5;
	s6 =	sshll.u32 @p0 s4, $0x11  }
0xaa: {  	s5 =	sor.u32 @p0 s6, s5  }
0xab: {  	[sflag:s5] =	ssyncadd.remote.s32 @p0 $0x1;
	_ =	sdelay $0x1  }
0xac: {  	s5 =	simm.s32 @p0 $0x1B8D  }
0xad: {  	_ =	swait.eq @p0 [sflag:s5], $0x1  }
0xae: {  	[sflag:s5] =	ssyncadd.s32 @p0 $0xFFFFFFFF  }
0xaf: {  	s6 =	sshll.u32 @!p0 s1, $0xE  }
0xb0: {  	s6 =	sor.u32 @!p0 $0x4000, s6;
	s5 =	simm.s32 @!p0 $0x1B8D  }
0xb1: {  	s4 =	sshll.u32 @!p0 s4, $0x11;
	s6 =	sadd.s32 @!p0 $0x11B8D, s6;
	_ =	swait.eq @!p0 [sflag:s5], $0x1  }
0xb2: {  	s4 =	sor.u32 @!p0 s4, s6;
	[sflag:s5] =	ssyncadd.s32 @!p0 $0xFFFFFFFF  }
0xb3: {  	s25 =	simm.s32 $0x1B8E;
	s24 =	sld [smem:$0x3FFE];
	[sflag:s4] =	ssyncadd.remote.s32 @!p0 $0x1  }
0xb4: {  	s26 =	simm.s32 $execute0_lowered;
	[smem:$0x3FD2] =	sst s25  }
0xb5: {  	s5 =	sshll.u32 s26, $0x1;
	_ =	strace $0x80000049;
	[dreg:$0x1] =	wrdreg $0xFFFFFFFF  }
0xb6: {  	s28 =	simm.s32 $_size_execute0_lowered;
	s3 =	sadd.s32 s3, s5;
	[dreg:$0x0] =	wrdreg $0x0  }
0xb7: {  	s5 =	sshll.u32 s28, $0x1;
	[dreg:$0x2] =	wrdreg s3  }
0xb8: {  	[dreg:$0x3] =	wrdreg s5  }
0xb9: {  	[dreg:$0x4] =	wrdreg $0xC0  }
0xba: {  	_ =	task [dreg:s22], $0x5FFFF  }
0xbb: {  	[dreg:$0x1] =	wrdreg $0xFFFFFFFF  }
0xbc: {  	[dreg:$0x0] =	wrdreg $0x60  }
0xbd: {  	[dreg:$0x2] =	wrdreg s24  }
0xbe: {  	[dreg:$0x3] =	wrdreg $0xA8000  }
0xbf: {  	[dreg:$0x4] =	wrdreg $0x9  }
0xc0: {  	_ =	task.clear_ibuf [dreg:s22], $0x5FFFF;
	_ =	strace $0x90000049  }
0xc1: {  	s29 =	simm.s32 $0x9;
	_ =	strace $0x8000004B  }
0xc2: {  	_ =	swait.ge [sflag:s29], $0x1  }
0xc3: {  	[sflag:s29] =	ssyncadd.s32 $0xFFFFFFFF  }
0xc4: {  	_ =	strace $0x9000004B  }
0xc5: {  	_ =	sfence  }
0xc6: {  	s30 =	sld [smem:$0x0];
	_ =	sdelay $0x2  }
0xc7: {  	s31 =	sshll.u32 s1, $0xD;
	s1 =	sshrl.u32 s1, $0x2  }
0xc8: {  	s4 =	sand.u32 $0x4000, s31;
	s1 =	sadd.s32 s1, s30  }
0xc9: {  	s0 =	sor.u32 s4, s0;
	s1 =	sshll.u32 s1, $0x11  }
0xca: {  	s0 =	sor.u32 s1, s0  }
0xcb: {  	s0 =	sadd.s32 $0x8F2B, s0  }
0xcc: {  	[sflag:s0] =	ssyncadd.remote.s32 $0x1  }
0xcd: {  	_ =	sfence.sel $0xFFFF  }
0xce: {  	[dreg:$0x0] =	wrdreg $0xFFFFFFFF;
	(pc) =	sbr.abs _section_cstart, $3  }
0xcf: {  	[dreg:$0x1] =	wrdreg $0xFFFFFFFF  }
0xd0: {  	_ =	task.clear_ibuf [dreg:s22], $0x2FFFF;
	_ =	strace $0x9FFFFFFF  }
0xd1: {  	(tm) =	ssettm $0x7FFFFFFF  }
tec
execute0_lowered:
.L_overlay_start_1:
0x0: {  	(tag) =	ssettag $0x1  }
0x1: {  	s6 =	rddreg [dreg:$0x0]  }
0x2: {  	s1 =	rddreg [dreg:$0x1]  }
0x3: {  	s0 =	rddreg [dreg:$0x2];
	s3 =	simm.s32 $0x0;
	s2 =	stileid.u32  }
0x4: {  	s4 =	srdreg.scid;
	s16 =	simm.s32 $0x2;
	s17 =	simm.s32 $0x1400  }
0x5: {  	s18 =	simm.s32 $0x80;
	s19 =	simm.s32 $0x6800;
	[smem:$0x7FF] =	sst s3  }
0x6: {  	s13 =	sadd.s32 $0x23200, s6;
	s20 =	smul.u32 $0x2800, s2;
	s5 =	sand.u32 $0x1, s4  }
0x7: {  	s14 =	sadd.s32 $0x19200, s6;
	s7 =	smul.u32 $0x50000, s2;
	s21 =	sadd.s32 $0xA5200, s6  }
0x8: {  	_ =	strace $0x8000004A;
	s4 =	ssub.s32 $0x2, s5;
	s10 =	sshll.u32 s5, $0x4  }
0x9: {  	p0 =	seq.s32 s5, $0x1;
	s8 =	sadd.s32 s20, s6;
	s9 =	sshrl.u32 s4, $0x1  }
0xa: {  	s10 =	sor.u32 s2, s10;
	s31 =	sshrl.u32 s7, $0x2;
	s21 =	sadd.s32 @p0 s20, s21  }
0xb: {  	s20 =	simm.s32 $0x1;
	s9 =	ssub.s32 s4, s9;
	s4 =	sadd.s32 s31, s1  }
0xc: {  	s5 =	sadd.s32 $0x7D200, s8;
	s12 =	smul.u32 $0x500, s10;
	s6 =	smax.u32 s9, $0x1  }
0xd: {  	s7 =	sadd.s32 $0x4000, s4;
	s8 =	sadd.s32 $0x8000, s4;
	s9 =	sadd.s32 $0xC000, s4  }
0xe: {  	s10 =	sadd.s32 $0x10000, s4;
	s5 =	smov.u32 @p0 s21;
	s21 =	simm.s32 $0x0  }
0xf: {  	v0 =	vimm.f32 $0.0e+00;
	vm0 =	vcmask $0x300;
	vm1 =	vcmask $0x704;
	s11 =	sadd.s32 s13, s12;
	s15 =	sadd.s32 $0x280, s12;
	s12 =	sadd.s32 s14, s12  }
0x10: {  	v1 =	vsel vm0, $0x3F800000, v0;
	v2 =	vsel vm1, $0x3F800000, v0;
	s13 =	sadd.s32 s13, s15;
	s14 =	sadd.s32 s14, s15;
	s15 =	simm.s32 $0x2800  }
.LBB2_1:
0x11: {  	s22 =	simm.s32 $0x0;
	s23 =	simm.s32 $0x200  }
.LBB2_2:
0x12: {  	p0 =	sne.s32 s23, $0xFE00;
	[tilespmem:s22+$0x6870] =	vst v0  }
0x13: {  	[tilespmem:s22+$0x2800] =	vst v0  }
0x14: {  	[tilespmem:s22+$0x6800] =	vst v0  }
0x15: {  	[tilespmem:s22+$0x2810] =	vst v0  }
0x16: {  	[tilespmem:s22+$0x6810] =	vst v0  }
0x17: {  	[tilespmem:s22+$0x2820] =	vst v0  }
0x18: {  	[tilespmem:s22+$0x6820] =	vst v0  }
0x19: {  	[tilespmem:s22+$0x2830] =	vst v0  }
0x1a: {  	[tilespmem:s22+$0x6830] =	vst v0  }
0x1b: {  	[tilespmem:s22+$0x2840] =	vst v0  }
0x1c: {  	[tilespmem:s22+$0x6840] =	vst v0  }
.Ltmp0:
0x1d: {  	[tilespmem:s22+$0x2850] =	vst v0;
	(pc) =	sbr.rel @p0 .LBB2_2-.Ltmp0, $4  }
0x1e: {  	[tilespmem:s22+$0x6850] =	vst v0  }
0x1f: {  	[tilespmem:s22+$0x2860] =	vst v0  }
0x20: {  	[tilespmem:s22+$0x6860] =	vst v0  }
0x21: {  	[tilespmem:s22+$0x2870] =	vst v0;
	s22 =	sshra.s32 s23, $0x2;
	s23 =	sadd.s32 $0x200, s23  }
0x22: {  	[tilespmem:s22+$0x6870] =	vst v0  }
0x23: {  	[tilespmem:s22+$0x2800] =	vst v0  }
0x24: {  	[tilespmem:s22+$0x6800] =	vst v0  }
0x25: {  	[tilespmem:s22+$0x2810] =	vst v0  }
0x26: {  	[tilespmem:s22+$0x6810] =	vst v0  }
0x27: {  	[tilespmem:s22+$0x2820] =	vst v0  }
0x28: {  	[tilespmem:s22+$0x6820] =	vst v0  }
0x29: {  	[tilespmem:s22+$0x2830] =	vst v0  }
0x2a: {  	[tilespmem:s22+$0x6830] =	vst v0  }
0x2b: {  	[tilespmem:s22+$0x2840] =	vst v0  }
0x2c: {  	[tilespmem:s22+$0x6840] =	vst v0  }
0x2d: {  	[tilespmem:s22+$0x2850] =	vst v0  }
0x2e: {  	[tilespmem:s22+$0x6850] =	vst v0  }
0x2f: {  	[tilespmem:s22+$0x2860] =	vst v0  }
0x30: {  	[tilespmem:s22+$0x6860] =	vst v0  }
0x31: {  	[tilespmem:s22+$0x2870] =	vst v0  }
0x32: {  	[spmem:s4] =	stream.linear.scatter [tilespmem:s15], [sflag:$0x2], $0x4000, $0x38;
	[tilespmem:$0x1E800] =	vst v63  }
0x33: {  	_ =	swait.ge [sflag:s16], $0x4000  }
0x34: {  	[sflag:s16] =	ssyncset.done $0x0  }
0x35: {  	[sflag:s16] =	ssyncadd.s32 $0xFFFFC000  }
0x36: {  	[spmem:s7] =	stream.linear.scatter [tilespmem:s15], [sflag:$0x2], $0x4000, $0x38;
	[tilespmem:$0x1E800] =	vst v63  }
0x37: {  	_ =	swait.ge [sflag:s16], $0x4000  }
0x38: {  	[sflag:s16] =	ssyncset.done $0x0  }
0x39: {  	[sflag:s16] =	ssyncadd.s32 $0xFFFFC000  }
0x3a: {  	[spmem:s8] =	stream.linear.scatter [tilespmem:s15], [sflag:$0x2], $0x4000, $0x38;
	[tilespmem:$0x1E800] =	vst v63  }
0x3b: {  	_ =	swait.ge [sflag:s16], $0x4000  }
0x3c: {  	[sflag:s16] =	ssyncset.done $0x0  }
0x3d: {  	[sflag:s16] =	ssyncadd.s32 $0xFFFFC000  }
0x3e: {  	[spmem:s9] =	stream.linear.scatter [tilespmem:s15], [sflag:$0x2], $0x4000, $0x38;
	[tilespmem:$0x1E800] =	vst v63  }
0x3f: {  	_ =	swait.ge [sflag:s16], $0x4000  }
0x40: {  	[sflag:s16] =	ssyncset.done $0x0  }
0x41: {  	[sflag:s16] =	ssyncadd.s32 $0xFFFFC000  }
0x42: {  	[spmem:s10] =	stream.linear.scatter [tilespmem:s15], [sflag:$0x2], $0x4000, $0x38;
	[tilespmem:$0x1E800] =	vst v63  }
0x43: {  	_ =	swait.ge [sflag:s16], $0x4000  }
0x44: {  	[sflag:s16] =	ssyncset.done $0x0  }
0x45: {  	s22 =	simm.s32 $0x200;
	s23 =	simm.s32 $0x0;
	[sflag:s16] =	ssyncadd.s32 $0xFFFFC000  }
.LBB2_4:
0x46: {  	p0 =	sne.s32 s22, $0xFE00;
	[tilespmem:s23+$0x2800] =	vst v1;
	s24 =	smov.u32 s22;
	s22 =	sadd.s32 $0x200, s22  }
.Ltmp1:
0x47: {  	[tilespmem:s23+$0x6800] =	vst v2;
	(pc) =	sbr.rel @p0 .LBB2_4-.Ltmp1, $2  }
0x48: {  	_ =	sdelay $0x2  }
0x49: {  	s23 =	sshra.s32 s24, $0x2  }
0x4a: {  	[tilespmem:s23+$0x2800] =	vst v1  }
0x4b: {  	[tilespmem:s23+$0x6800] =	vst v2  }
0x4c: {  	[bflag:$0x0] =	sbarrier.arrive $0xFFFF  }
0x4d: {  	[tilespmem:s3], [sflag:$0x2] =	stream.linear.gather [hbm4b:s11+s3], $0x1400, $0x38;
	[tilespmem:$0x1E800] =	vst v63  }
0x4e: {  	_ =	swait.ge [sflag:s16], $0x1400  }
0x4f: {  	[sflag:s16] =	ssyncset.done $0x0  }
0x50: {  	[sflag:s16] =	ssyncadd.s32 $0xFFFFEC00  }
0x51: {  	[tilespmem:s17], [sflag:$0x2] =	stream.linear.gather [hbm4b:s12+s3], $0x1400, $0x38;
	[tilespmem:$0x1E800] =	vst v63  }
0x52: {  	_ =	swait.ge [sflag:s16], $0x1400  }
0x53: {  	[sflag:s16] =	ssyncset.done $0x0  }
0x54: {  	[sflag:s16] =	ssyncadd.s32 $0xFFFFEC00  }
0x55: {  	[spmem:s1] =	stream.indirect.scatter.add.f32 [tilespmem:s15], [sflag:$0x1], $0x80, s3, s18, $0xb8;
	[tilespmem:$0x1E800] =	vst v63  }
0x56: {  	_ = 	snop  }
0x57: {  	[spmem:s1] =	stream.indirect.scatter.add.f32 [tilespmem:s19], [sflag:$0x1], $0x80, s17, s18, $0xb8;
	[tilespmem:$0x1E800] =	vst v63  }
0x58: {  	s22 =	simm.s32 $0x80  }
0x59: {  	[spmem:s1] =	stream.indirect.scatter.add.f32 [tilespmem:s15], [sflag:$0x1], $0x80, s22, s18, $0xb8;
	[tilespmem:$0x1E800] =	vst v63  }
0x5a: {  	s31 =	simm.s32 $0x1480  }
0x5b: {  	[spmem:s1] =	stream.indirect.scatter.add.f32 [tilespmem:s19], [sflag:$0x1], $0x80, s31, s18, $0xb8;
	[tilespmem:$0x1E800] =	vst v63  }
0x5c: {  	_ =	swait.ge [sflag:s20], $0x4000  }
0x5d: {  	[sflag:s20] =	ssyncset.done $0x0  }
0x5e: {  	[sflag:s20] =	ssyncadd.s32 $0xFFFFC000  }
0x5f: {  	_ =	swait.ge [sflag:s20], $0x4000  }
0x60: {  	s23 =	simm.s32 $0x600;
	s22 =	simm.s32 $0x400;
	[sflag:s20] =	ssyncset.done $0x0  }
.LBB2_6:
0x61: {  	s24 =	sshra.s32 s22, $0x2  }
0x62: {  	[sflag:s20] =	ssyncadd.s32 $0xFFFFC000;
	s22 =	smov.u32 s23;
	s25 =	sadd.s32 $0x200, s23  }
0x63: {  	[spmem:s1] =	stream.indirect.scatter.add.f32 [tilespmem:s15], [sflag:$0x1], $0x80, s24, s18, $0xb8;
	[tilespmem:$0x1E800] =	vst v63  }
0x64: {  	p0 =	sne.s32 s23, $0x4E00;
	s23 =	sadd.s32 $0x1400, s24  }
0x65: {  	[spmem:s1] =	stream.indirect.scatter.add.f32 [tilespmem:s19], [sflag:$0x1], $0x80, s23, s18, $0xb8;
	[tilespmem:$0x1E800] =	vst v63  }
.Ltmp2:
0x66: {  	_ =	swait.ge [sflag:s20], $0x4000;
	(pc) =	sbr.rel @p0 .LBB2_6-.Ltmp2, $4  }
0x67: {  	[sflag:s20] =	ssyncset.done $0x0  }
0x68: {  	[sflag:s20] =	ssyncadd.s32 $0xFFFFC000  }
0x69: {  	_ =	swait.ge [sflag:s20], $0x4000  }
0x6a: {  	s23 =	smov.u32 s25;
	[sflag:s20] =	ssyncset.done $0x0  }
0x6b: {  	s22 =	sshra.s32 s22, $0x2;
	[sflag:s20] =	ssyncadd.s32 $0xFFFFC000  }
0x6c: {  	[spmem:s1] =	stream.indirect.scatter.add.f32 [tilespmem:s15], [sflag:$0x1], $0x80, s22, s18, $0xb8;
	[tilespmem:$0x1E800] =	vst v63  }
0x6d: {  	s22 =	sadd.s32 $0x1400, s22  }
0x6e: {  	[spmem:s1] =	stream.indirect.scatter.add.f32 [tilespmem:s19], [sflag:$0x1], $0x80, s22, s18, $0xb8;
	[tilespmem:$0x1E800] =	vst v63  }
0x6f: {  	_ =	swait.ge [sflag:s20], $0x4000  }
0x70: {  	[sflag:s20] =	ssyncset.done $0x0  }
0x71: {  	[sflag:s20] =	ssyncadd.s32 $0xFFFFC000  }
0x72: {  	_ =	swait.ge [sflag:s20], $0x4000  }
0x73: {  	[sflag:s20] =	ssyncset.done $0x0  }
0x74: {  	[sflag:s20] =	ssyncadd.s32 $0xFFFFC000  }
0x75: {  	_ =	swait.ge [sflag:s20], $0x4000  }
0x76: {  	[sflag:s20] =	ssyncset.done $0x0  }
0x77: {  	[sflag:s20] =	ssyncadd.s32 $0xFFFFC000  }
0x78: {  	_ =	swait.ge [sflag:s20], $0x4000  }
0x79: {  	[sflag:s20] =	ssyncset.done $0x0  }
0x7a: {  	[sflag:s20] =	ssyncadd.s32 $0xFFFFC000  }
0x7b: {  	[tilespmem:s3], [sflag:$0x2] =	stream.linear.gather [hbm4b:s13+s3], $0x1400, $0x38;
	[tilespmem:$0x1E800] =	vst v63  }
0x7c: {  	_ =	swait.ge [sflag:s16], $0x1400  }
0x7d: {  	[sflag:s16] =	ssyncset.done $0x0  }
0x7e: {  	[sflag:s16] =	ssyncadd.s32 $0xFFFFEC00  }
0x7f: {  	[tilespmem:s17], [sflag:$0x2] =	stream.linear.gather [hbm4b:s14+s3], $0x1400, $0x38;
	[tilespmem:$0x1E800] =	vst v63  }
0x80: {  	_ =	swait.ge [sflag:s16], $0x1400  }
0x81: {  	[sflag:s16] =	ssyncset.done $0x0  }
0x82: {  	[sflag:s16] =	ssyncadd.s32 $0xFFFFEC00  }
0x83: {  	[spmem:s1] =	stream.indirect.scatter.add.f32 [tilespmem:s15], [sflag:$0x1], $0x80, s3, s18, $0xb8;
	[tilespmem:$0x1E800] =	vst v63  }
0x84: {  	_ = 	snop  }
0x85: {  	[spmem:s1] =	stream.indirect.scatter.add.f32 [tilespmem:s19], [sflag:$0x1], $0x80, s17, s18, $0xb8;
	[tilespmem:$0x1E800] =	vst v63  }
0x86: {  	s30 =	simm.s32 $0x80  }
0x87: {  	[spmem:s1] =	stream.indirect.scatter.add.f32 [tilespmem:s15], [sflag:$0x1], $0x80, s30, s18, $0xb8;
	[tilespmem:$0x1E800] =	vst v63  }
0x88: {  	s31 =	simm.s32 $0x1480  }
0x89: {  	[spmem:s1] =	stream.indirect.scatter.add.f32 [tilespmem:s19], [sflag:$0x1], $0x80, s31, s18, $0xb8;
	[tilespmem:$0x1E800] =	vst v63  }
0x8a: {  	_ =	swait.ge [sflag:s20], $0x4000  }
0x8b: {  	[sflag:s20] =	ssyncset.done $0x0  }
0x8c: {  	[sflag:s20] =	ssyncadd.s32 $0xFFFFC000  }
0x8d: {  	_ =	swait.ge [sflag:s20], $0x4000  }
0x8e: {  	s23 =	simm.s32 $0x600;
	s22 =	simm.s32 $0x400;
	[sflag:s20] =	ssyncset.done $0x0  }
.LBB2_8:
0x8f: {  	s24 =	sshra.s32 s22, $0x2  }
0x90: {  	[sflag:s20] =	ssyncadd.s32 $0xFFFFC000;
	s22 =	smov.u32 s23;
	s25 =	sadd.s32 $0x200, s23  }
0x91: {  	[spmem:s1] =	stream.indirect.scatter.add.f32 [tilespmem:s15], [sflag:$0x1], $0x80, s24, s18, $0xb8;
	[tilespmem:$0x1E800] =	vst v63  }
0x92: {  	p0 =	sne.s32 s23, $0x4E00;
	s23 =	sadd.s32 $0x1400, s24  }
0x93: {  	[spmem:s1] =	stream.indirect.scatter.add.f32 [tilespmem:s19], [sflag:$0x1], $0x80, s23, s18, $0xb8;
	[tilespmem:$0x1E800] =	vst v63  }
.Ltmp3:
0x94: {  	_ =	swait.ge [sflag:s20], $0x4000;
	(pc) =	sbr.rel @p0 .LBB2_8-.Ltmp3, $4  }
0x95: {  	[sflag:s20] =	ssyncset.done $0x0  }
0x96: {  	[sflag:s20] =	ssyncadd.s32 $0xFFFFC000  }
0x97: {  	_ =	swait.ge [sflag:s20], $0x4000  }
0x98: {  	s23 =	smov.u32 s25;
	[sflag:s20] =	ssyncset.done $0x0  }
0x99: {  	s22 =	sshra.s32 s22, $0x2;
	[sflag:s20] =	ssyncadd.s32 $0xFFFFC000  }
0x9a: {  	[spmem:s1] =	stream.indirect.scatter.add.f32 [tilespmem:s15], [sflag:$0x1], $0x80, s22, s18, $0xb8;
	[tilespmem:$0x1E800] =	vst v63  }
0x9b: {  	s22 =	sadd.s32 $0x1400, s22  }
0x9c: {  	[spmem:s1] =	stream.indirect.scatter.add.f32 [tilespmem:s19], [sflag:$0x1], $0x80, s22, s18, $0xb8;
	[tilespmem:$0x1E800] =	vst v63  }
0x9d: {  	_ =	swait.ge [sflag:s20], $0x4000  }
0x9e: {  	[sflag:s20] =	ssyncset.done $0x0  }
0x9f: {  	[sflag:s20] =	ssyncadd.s32 $0xFFFFC000  }
0xa0: {  	_ =	swait.ge [sflag:s20], $0x4000  }
0xa1: {  	[sflag:s20] =	ssyncset.done $0x0  }
0xa2: {  	[sflag:s20] =	ssyncadd.s32 $0xFFFFC000  }
0xa3: {  	_ =	swait.ge [sflag:s20], $0x4000  }
0xa4: {  	[sflag:s20] =	ssyncset.done $0x0  }
0xa5: {  	[sflag:s20] =	ssyncadd.s32 $0xFFFFC000  }
0xa6: {  	_ =	swait.ge [sflag:s20], $0x4000  }
0xa7: {  	s31 =	sshll.u32 s2, $0x6;
	s21 =	sadd.s32 $0x1, s21;
	[sflag:s20] =	ssyncset.done $0x0  }
0xa8: {  	s23 =	sshrl.u32 s4, $0x3;
	p0 =	sne.s32 s21, s6;
	[sflag:s20] =	ssyncadd.s32 $0xFFFFC000  }
.Ltmp4:
0xa9: {  	s22 =	sor.u32 $0x1C02, s31;
	[bflag:$0x0] =	sbarrier.arrive $0xFFFF;
	(pc) =	sbr.rel @p0 .LBB2_1-.Ltmp4, $4  }
0xaa: {  	[hbm:s5], [sflag:s22] =	dma.local [spmem:s23], $0x2800  }
0xab: {  	_ =	swait.ge [sflag:s16], $0x2800  }
0xac: {  	[sflag:s16] =	ssyncset.done $0x0  }
0xad: {  	[sflag:s16] =	ssyncadd.s32 $0xFFFFD800  }
0xae: {  	_ =	sfence.sel $0x180000  }
0xaf: {  	[bflag:$0x0] =	sbarrier.arrive $0xFFFF  }
0xb0: {  	p0 =	sne.s32 s2, $0x0;
	_ =	strace $0x9000004A  }
0xb1: {  	s0 =	sadd.s32 @!p0 $0x100000, s0;
	[bflag:$0x2] =	sbarrier.arrive $0xFFFF  }
0xb2: {  	[sflag:s0] =	ssyncadd.tile.s32 @!p0 $0x1;
	_ =	shalt  }
.Lfunc_end2:
_tile_overlayer_lowered:
.L_overlay_start_2:
0xb3: {  	(tag) =	ssettag $0x2  }
0xb4: {  	s0 =	rddreg [dreg:$0x0];
	s2 =	stileid.u32  }
0xb5: {  	s1 =	rddreg [dreg:$0x1];
	p0 =	sne.s32 s2, $0x0  }
0xb6: {  	s3 =	rddreg [dreg:$0x2];
	[bflag:$0x3] =	sbarrier.arrive $0xFFFF;
	s2 =	simm.s32 @!p0 $0x1C02  }
0xb7: {  	[timem:s3], [sflag:s2] =	dma.local @!p0 [hbm:s0], s1  }
0xb8: {  	s0 =	simm.s32 @!p0 $0x2  }
0xb9: {  	_ =	swait.ge @!p0 [sflag:s0], s1  }
0xba: {  	s1 =	ssub.s32 @!p0 $0x0, s1;
	[sflag:s0] =	ssyncset.done @!p0 $0x0  }
0xbb: {  	[sflag:s0] =	ssyncadd.s32 @!p0 s1  }
0xbc: {  	[bflag:$0x3] =	sbarrier.arrive $0xFFFF  }
0xbd: {  	_ =	shalt  }

// kernel: kernel.22.cloned.1.call-start
scs
__scs_entry_jumppad:
0x0: {  	(pc) =	sbr.rel $0x88, $3  }
0x1: {  	(tag) =	ssettag $0x0;
	lr =	simm.s32 $0x1  }
0x2: {  	[smem:$0x3F93] =	sst lr;
	_ =	strace $0xD0000000  }
0x3: {  	_ = 	snop  }
0x4: {  	_ = 	snop  }
0x5: {  	_ = 	snop  }
0x6: {  	_ = 	snop  }
0x7: {  	_ = 	snop  }
__scs_overlays_trampoline_lowered:
0x8: {  	[smem:$0x3FA2] =	sst s0  }
0x9: {  	[smem:$0x3FA3] =	sst s1  }
0xa: {  	[smem:$0x3FA4] =	sst s2  }
0xb: {  	[smem:$0x3FA5] =	sst s3  }
0xc: {  	[smem:$0x3FA6] =	sst s4  }
0xd: {  	[smem:$0x3FA7] =	sst s5  }
0xe: {  	[smem:$0x3FA8] =	sst s6  }
0xf: {  	[smem:$0x3FA9] =	sst s7  }
0x10: {  	[smem:$0x3FAA] =	sst s8  }
0x11: {  	[smem:$0x3FAB] =	sst s9;
	s0 =	simm.s32 @!p0 $0x0  }
0x12: {  	s1 =	sld [smem:$0x3F91];
	s0 =	simm.s32 @p0 $0x1  }
0x13: {  	[smem:$0x3FAC] =	sst s0;
	s0 =	simm.s32 @!p1 $0x0  }
0x14: {  	s2 =	sld [smem:$0x3F90];
	s0 =	simm.s32 @p1 $0x1  }
0x15: {  	[smem:$0x3FAD] =	sst s0;
	s0 =	simm.s32 @!p2 $0x0  }
0x16: {  	s3 =	sld [smem:$0x3FDB];
	s0 =	simm.s32 @p2 $0x1  }
0x17: {  	s4 =	simm.s32 $0x1BF5;
	[smem:$0x3FAF] =	sst s0  }
0x18: {  	s0 =	sld [smem:$0x3F92];
	_ =	swait.ge [sflag:s4], $0x0  }
0x19: {  	s7 =	sld [smem:$0x3F93]  }
0x1a: {  	s8 =	sadd.s32 $0xFFFFE003, lr  }
0x1b: {  	s9 =	sadd.s32 $0xFFFFFEF7, lr;
	s5 =	simm.s32 $0xFFFFFFFF;
	p2 =	slt.u32 s8, $0xFFFFF086  }
0x1c: {  	p1 =	slt.u32 s9, $0xF7A;
	s5 =	simm.s32 @!p2 $0x0  }
0x1d: {  	s5 =	simm.s32 @p1 $0x1;
	p0 =	seq.s32 s7, s2  }
0x1e: {  	s7 =	smul.u32 @!p0 $0xF7A, s2;
	p2 =	seq.s32 @!p0 s5, $0x0  }
0x1f: {  	s9 =	smul.u32 $0xF7A, s1;
	s8 =	simm.s32 @!p0 $0x1BF5;
	p2 =	por !p2, p0  }
0x20: {  	[sflag:s8] =	ssyncset.s32 @!p0 $0xFFFFF086;
	s6 =	sadd.s32 @!p0 s3, s7;
	s7 =	simm.s32 @!p0 $0x108  }
0x21: {  	s3 =	sadd.s32 s3, s9;
	s6 =	sadd.s32 @!p0 $0x88, s6;
	s7 =	simm.s32 @p2 $0x1082  }
0x22: {  	[simem:s7], [sflag:s8] =	dma.local @!p0 [hbm:s6], $0xF7A  }
0x23: {  	s9 =	sor.u32 $0xD0000000, s2;
	s6 =	simm.s32 $0x108;
	_ =	swait.ge @!p0 [sflag:s8], $0x0  }
0x24: {  	s3 =	sadd.s32 $0x88, s3;
	s6 =	simm.s32 @!p1 $0x1082;
	[sflag:s4] =	ssyncset.s32 $0xFFFFF086  }
0x25: {  	[simem:s6], [sflag:s4] =	dma.local [hbm:s3], $0xF7A  }
0x26: {  	[smem:$0x3F93] =	sst s1;
	(tag) =	ssettag s2;
	_ =	strace s9  }
0x27: {  	s1 =	sld [smem:$0x3FA3]  }
0x28: {  	s2 =	sld [smem:$0x3FA4]  }
0x29: {  	s4 =	sld [smem:$0x3FA6]  }
0x2a: {  	p0 =	seq.s32 s5, $0x0;
	s5 =	sld [smem:$0x3FA7]  }
0x2b: {  	s6 =	sld [smem:$0x3FA8]  }
0x2c: {  	s7 =	sld [smem:$0x3FA9]  }
0x2d: {  	s3 =	simm.s32 $0x108;
	s8 =	sld [smem:$0x3FAA]  }
0x2e: {  	s3 =	simm.s32 @!p0 $0x1082;
	s9 =	sld [smem:$0x3FAB]  }
0x2f: {  	lr =	sadd.s32 s0, s3;
	s0 =	sld [smem:$0x3FA2]  }
0x30: {  	s3 =	sld [smem:$0x3FA5]  }
0x31: {  	[smem:$0x3FAE] =	sst s10  }
0x32: {  	s10 =	sld [smem:$0x3FAC];
	_ =	sdelay $0x3  }
0x33: {  	p0 =	seq.s32 s10, $0x1;
	s10 =	sld [smem:$0x3FAE];
	_ =	sdelay $0x3  }
0x34: {  	[smem:$0x3FAE] =	sst s10  }
0x35: {  	s10 =	sld [smem:$0x3FAD];
	_ =	sdelay $0x3  }
0x36: {  	p1 =	seq.s32 s10, $0x1;
	s10 =	sld [smem:$0x3FAE];
	_ =	sdelay $0x3  }
0x37: {  	[smem:$0x3FAE] =	sst s10  }
0x38: {  	s10 =	sld [smem:$0x3FAF]  }
0x39: {  	_ = 	snop;
	(pc) =	sbr.ind lr, $3  }
0x3a: {  	_ = 	snop  }
0x3b: {  	_ = 	snop  }
0x3c: {  	p2 =	seq.s32 s10, $0x1;
	s10 =	sld [smem:$0x3FAE]  }
0x3d: {  	_ =	shalt  }
0x3e: {  	_ =	shalt  }
0x3f: {  	_ =	shalt  }
0x40: {  	_ =	shalt  }
0x41: {  	_ =	shalt  }
0x42: {  	_ =	shalt  }
0x43: {  	_ =	shalt  }
0x44: {  	_ =	shalt  }
0x45: {  	_ =	shalt  }
0x46: {  	_ =	shalt  }
0x47: {  	_ =	shalt  }
0x48: {  	_ =	shalt  }
0x49: {  	_ =	shalt  }
0x4a: {  	_ =	shalt  }
0x4b: {  	_ =	shalt  }
0x4c: {  	_ =	shalt  }
0x4d: {  	_ =	shalt  }
0x4e: {  	_ =	shalt  }
0x4f: {  	_ =	shalt  }
0x50: {  	_ =	shalt  }
0x51: {  	_ =	shalt  }
0x52: {  	_ =	shalt  }
0x53: {  	_ =	shalt  }
0x54: {  	_ =	shalt  }
0x55: {  	_ =	shalt  }
0x56: {  	_ =	shalt  }
0x57: {  	_ =	shalt  }
0x58: {  	_ =	shalt  }
0x59: {  	_ =	shalt  }
0x5a: {  	_ =	shalt  }
0x5b: {  	_ =	shalt  }
0x5c: {  	_ =	shalt  }
0x5d: {  	_ =	shalt  }
0x5e: {  	_ =	shalt  }
0x5f: {  	_ =	shalt  }
0x60: {  	_ =	shalt  }
0x61: {  	_ =	shalt  }
0x62: {  	_ =	shalt  }
0x63: {  	_ =	shalt  }
0x64: {  	_ =	shalt  }
0x65: {  	_ =	shalt  }
0x66: {  	_ =	shalt  }
0x67: {  	_ =	shalt  }
0x68: {  	_ =	shalt  }
0x69: {  	_ =	shalt  }
0x6a: {  	_ =	shalt  }
0x6b: {  	_ =	shalt  }
0x6c: {  	_ =	shalt  }
0x6d: {  	_ =	shalt  }
0x6e: {  	_ =	shalt  }
0x6f: {  	_ =	shalt  }
0x70: {  	_ =	shalt  }
0x71: {  	_ =	shalt  }
0x72: {  	_ =	shalt  }
0x73: {  	_ =	shalt  }
0x74: {  	_ =	shalt  }
0x75: {  	_ =	shalt  }
0x76: {  	_ =	shalt  }
0x77: {  	_ =	shalt  }
0x78: {  	_ =	shalt  }
0x79: {  	_ =	shalt  }
0x7a: {  	_ =	shalt  }
0x7b: {  	_ =	shalt  }
0x7c: {  	_ =	shalt  }
0x7d: {  	_ =	shalt  }
0x7e: {  	_ =	shalt  }
0x7f: {  	_ =	shalt  }
0x80: {  	_ =	shalt  }
0x81: {  	_ =	shalt  }
0x82: {  	_ =	shalt  }
0x83: {  	_ =	shalt  }
0x84: {  	_ =	shalt  }
0x85: {  	_ =	shalt  }
0x86: {  	_ =	shalt  }
0x87: {  	_ =	shalt  }
.Lfunc_end0:
.L_simem_size_0:
called_computation.1_lowered:
.L_overlay_start_0:
0x88: {  	s2 =	sld [smem:$0x3FD9]  }
0x89: {  	s3 =	sld [smem:$0x3FFE];
	_ =	sdelay $0x1  }
0x8a: {  	s1 =	srdreg.scid  }
0x8b: {  	s0 =	sand.u32 $0x1, s1  }
0x8c: {  	s16 =	sshll.u32 s0, $0xA;
	s2 =	sadd.s32 s3, s2  }
0x8d: {  	s2 =	sadd.s32 s2, s16  }
0x8e: {  	[smem:$0x3FBA] =	sst s2  }
0x8f: {  	_ = 	snop  }
0x90: {  	(tm) =	ssettm $0x1  }
0x91: {  	s17 =	sld [smem:$0x3FFB];
	_ =	sdelay $0x3  }
0x92: {  	_ =	strace s17  }
0x93: {  	s2 =	sld [smem:$0x3FFC];
	_ =	sdelay $0x3  }
0x94: {  	_ =	strace s2  }
0x95: {  	s2 =	sld [smem:$0x3FFD];
	_ =	sdelay $0x3  }
0x96: {  	_ =	strace s2  }
0x97: {  	_ =	strace $0x8FFFFFFF  }
0x98: {  	s18 =	sld [smem:$0x3FDB];
	_ =	sdelay $0x1  }
0x99: {  	s19 =	simm.s32 $_scs_section_size  }
0x9a: {  	s4 =	simm.s32 $_size__tile_overlayer_lowered;
	s5 =	simm.s32 $_tile_overlayer_lowered  }
0x9b: {  	s22 =	simm.s32 $0x1BFF;
	s21 =	sshll.u32 s5, $0x1;
	s2 =	sadd.s32 s19, s18  }
0x9c: {  	s6 =	simm.s32 $0x0;
	s20 =	sshll.u32 s4, $0x1;
	s4 =	sadd.s32 s21, s2  }
0x9d: {  	[timem:s6], [sflag:s22] =	dma.local [hbm:s4], s20  }
0x9e: {  	_ =	swait.ge [sflag:s22], s20  }
0x9f: {  	s3 =	ssub.s32 $0x0, s20;
	[sflag:s22] =	ssyncset.done $0x0  }
0xa0: {  	[sflag:s22] =	ssyncadd.s32 s3;
	_ =	sdelay $0x1  }
0xa1: {  	s23 =	simm.s32 $0x1B8B  }
0xa2: {  	_ =	swait.ge [sflag:s23], $0x1  }
0xa3: {  	[sflag:s23] =	ssyncset.done $0x0  }
0xa4: {  	s25 =	simm.s32 $0x1B8E;
	s24 =	sld [smem:$0x3FFE];
	[sflag:s23] =	ssyncadd.s32 $0xFFFFFFFF  }
0xa5: {  	s26 =	simm.s32 $execute0_lowered;
	[smem:$0x3FD2] =	sst s25  }
0xa6: {  	s4 =	sshll.u32 s26, $0x1;
	_ =	strace $0x80000046;
	[dreg:$0x1] =	wrdreg $0xFFFFFFFF  }
0xa7: {  	s28 =	simm.s32 $_size_execute0_lowered;
	s2 =	sadd.s32 s2, s4;
	[dreg:$0x0] =	wrdreg $0x0  }
0xa8: {  	s4 =	sshll.u32 s28, $0x1;
	[dreg:$0x2] =	wrdreg s2  }
0xa9: {  	[dreg:$0x3] =	wrdreg s4  }
0xaa: {  	[dreg:$0x4] =	wrdreg $0xC0  }
0xab: {  	_ =	task [dreg:s6], $0x5FFFF  }
0xac: {  	[dreg:$0x1] =	wrdreg $0xFFFFFFFF  }
0xad: {  	[dreg:$0x0] =	wrdreg $0x60  }
0xae: {  	[dreg:$0x2] =	wrdreg s24  }
0xaf: {  	[dreg:$0x3] =	wrdreg $0xA8000  }
0xb0: {  	[dreg:$0x4] =	wrdreg $0xA  }
0xb1: {  	_ =	task.clear_ibuf [dreg:s6], $0x5FFFF;
	_ =	strace $0x90000046  }
0xb2: {  	s29 =	simm.s32 $0xA;
	_ =	strace $0x80000048  }
0xb3: {  	_ =	swait.ge [sflag:s29], $0x1  }
0xb4: {  	[sflag:s29] =	ssyncadd.s32 $0xFFFFFFFF  }
0xb5: {  	_ =	strace $0x90000048  }
0xb6: {  	_ =	sfence  }
0xb7: {  	s30 =	sld [smem:$0x0];
	_ =	sdelay $0x2  }
0xb8: {  	s31 =	sshll.u32 s1, $0xD;
	s1 =	sshrl.u32 s1, $0x2  }
0xb9: {  	s3 =	sand.u32 $0x4000, s31;
	s1 =	sadd.s32 s1, s30  }
0xba: {  	s0 =	sor.u32 s3, s0;
	s1 =	sshll.u32 s1, $0x11  }
0xbb: {  	s0 =	sor.u32 s1, s0  }
0xbc: {  	s0 =	sadd.s32 $0x8F2B, s0  }
0xbd: {  	[sflag:s0] =	ssyncadd.remote.s32 $0x1  }
0xbe: {  	_ =	sfence.sel $0xFFFF  }
0xbf: {  	[dreg:$0x0] =	wrdreg $0xFFFFFFFF;
	(pc) =	sbr.abs _section_cstart, $3  }
0xc0: {  	[dreg:$0x1] =	wrdreg $0xFFFFFFFF  }
0xc1: {  	_ =	task.clear_ibuf [dreg:s6], $0x2FFFF;
	_ =	strace $0x9FFFFFFF  }
0xc2: {  	(tm) =	ssettm $0x7FFFFFFF  }
0xc3: {  	_ =	shalt  }
tec
execute0_lowered:
.L_overlay_start_1:
0x0: {  	(tag) =	ssettag $0x1  }
0x1: {  	s6 =	rddreg [dreg:$0x0]  }
0x2: {  	s1 =	rddreg [dreg:$0x1]  }
0x3: {  	s0 =	rddreg [dreg:$0x2];
	s3 =	simm.s32 $0x0;
	s2 =	stileid.u32  }
0x4: {  	s4 =	srdreg.scid;
	s16 =	simm.s32 $0x2;
	s17 =	simm.s32 $0x1400  }
0x5: {  	s18 =	simm.s32 $0x80;
	s19 =	simm.s32 $0x6800;
	[smem:$0x7FF] =	sst s3  }
0x6: {  	s13 =	sadd.s32 $0xF200, s6;
	s20 =	smul.u32 $0x2800, s2;
	s5 =	sand.u32 $0x1, s4  }
0x7: {  	s14 =	sadd.s32 $0x5200, s6;
	s7 =	smul.u32 $0x50000, s2;
	s21 =	sadd.s32 $0x55200, s6  }
0x8: {  	_ =	strace $0x80000047;
	s4 =	ssub.s32 $0x2, s5;
	s10 =	sshll.u32 s5, $0x4  }
0x9: {  	p0 =	seq.s32 s5, $0x1;
	s8 =	sadd.s32 s20, s6;
	s9 =	sshrl.u32 s4, $0x1  }
0xa: {  	s10 =	sor.u32 s2, s10;
	s31 =	sshrl.u32 s7, $0x2;
	s21 =	sadd.s32 @p0 s20, s21  }
0xb: {  	s20 =	simm.s32 $0x1;
	s9 =	ssub.s32 s4, s9;
	s4 =	sadd.s32 s31, s1  }
0xc: {  	s5 =	sadd.s32 $0x2D200, s8;
	s12 =	smul.u32 $0x500, s10;
	s6 =	smax.u32 s9, $0x1  }
0xd: {  	s7 =	sadd.s32 $0x4000, s4;
	s8 =	sadd.s32 $0x8000, s4;
	s9 =	sadd.s32 $0xC000, s4  }
0xe: {  	s10 =	sadd.s32 $0x10000, s4;
	s5 =	smov.u32 @p0 s21;
	s21 =	simm.s32 $0x0  }
0xf: {  	v0 =	vimm.f32 $0.0e+00;
	vm0 =	vcmask $0x300;
	vm1 =	vcmask $0x704;
	s11 =	sadd.s32 s13, s12;
	s15 =	sadd.s32 $0x280, s12;
	s12 =	sadd.s32 s14, s12  }
0x10: {  	v1 =	vsel vm0, $0x3F800000, v0;
	v2 =	vsel vm1, $0x3F800000, v0;
	s13 =	sadd.s32 s13, s15;
	s14 =	sadd.s32 s14, s15;
	s15 =	simm.s32 $0x2800  }
.LBB2_1:
0x11: {  	s22 =	simm.s32 $0x0;
	s23 =	simm.s32 $0x200  }
.LBB2_2:
0x12: {  	p0 =	sne.s32 s23, $0xFE00;
	[tilespmem:s22+$0x6870] =	vst v0  }
0x13: {  	[tilespmem:s22+$0x2800] =	vst v0  }
0x14: {  	[tilespmem:s22+$0x6800] =	vst v0  }
0x15: {  	[tilespmem:s22+$0x2810] =	vst v0  }
0x16: {  	[tilespmem:s22+$0x6810] =	vst v0  }
0x17: {  	[tilespmem:s22+$0x2820] =	vst v0  }
0x18: {  	[tilespmem:s22+$0x6820] =	vst v0  }
0x19: {  	[tilespmem:s22+$0x2830] =	vst v0  }
0x1a: {  	[tilespmem:s22+$0x6830] =	vst v0  }
0x1b: {  	[tilespmem:s22+$0x2840] =	vst v0  }
0x1c: {  	[tilespmem:s22+$0x6840] =	vst v0  }
.Ltmp0:
0x1d: {  	[tilespmem:s22+$0x2850] =	vst v0;
	(pc) =	sbr.rel @p0 .LBB2_2-.Ltmp0, $4  }
0x1e: {  	[tilespmem:s22+$0x6850] =	vst v0  }
0x1f: {  	[tilespmem:s22+$0x2860] =	vst v0  }
0x20: {  	[tilespmem:s22+$0x6860] =	vst v0  }
0x21: {  	[tilespmem:s22+$0x2870] =	vst v0;
	s22 =	sshra.s32 s23, $0x2;
	s23 =	sadd.s32 $0x200, s23  }
0x22: {  	[tilespmem:s22+$0x6870] =	vst v0  }
0x23: {  	[tilespmem:s22+$0x2800] =	vst v0  }
0x24: {  	[tilespmem:s22+$0x6800] =	vst v0  }
0x25: {  	[tilespmem:s22+$0x2810] =	vst v0  }
0x26: {  	[tilespmem:s22+$0x6810] =	vst v0  }
0x27: {  	[tilespmem:s22+$0x2820] =	vst v0  }
0x28: {  	[tilespmem:s22+$0x6820] =	vst v0  }
0x29: {  	[tilespmem:s22+$0x2830] =	vst v0  }
0x2a: {  	[tilespmem:s22+$0x6830] =	vst v0  }
0x2b: {  	[tilespmem:s22+$0x2840] =	vst v0  }
0x2c: {  	[tilespmem:s22+$0x6840] =	vst v0  }
0x2d: {  	[tilespmem:s22+$0x2850] =	vst v0  }
0x2e: {  	[tilespmem:s22+$0x6850] =	vst v0  }
0x2f: {  	[tilespmem:s22+$0x2860] =	vst v0  }
0x30: {  	[tilespmem:s22+$0x6860] =	vst v0  }
0x31: {  	[tilespmem:s22+$0x2870] =	vst v0  }
0x32: {  	[spmem:s4] =	stream.linear.scatter [tilespmem:s15], [sflag:$0x2], $0x4000, $0x38;
	[tilespmem:$0x1E800] =	vst v63  }
0x33: {  	_ =	swait.ge [sflag:s16], $0x4000  }
0x34: {  	[sflag:s16] =	ssyncset.done $0x0  }
0x35: {  	[sflag:s16] =	ssyncadd.s32 $0xFFFFC000  }
0x36: {  	[spmem:s7] =	stream.linear.scatter [tilespmem:s15], [sflag:$0x2], $0x4000, $0x38;
	[tilespmem:$0x1E800] =	vst v63  }
0x37: {  	_ =	swait.ge [sflag:s16], $0x4000  }
0x38: {  	[sflag:s16] =	ssyncset.done $0x0  }
0x39: {  	[sflag:s16] =	ssyncadd.s32 $0xFFFFC000  }
0x3a: {  	[spmem:s8] =	stream.linear.scatter [tilespmem:s15], [sflag:$0x2], $0x4000, $0x38;
	[tilespmem:$0x1E800] =	vst v63  }
0x3b: {  	_ =	swait.ge [sflag:s16], $0x4000  }
0x3c: {  	[sflag:s16] =	ssyncset.done $0x0  }
0x3d: {  	[sflag:s16] =	ssyncadd.s32 $0xFFFFC000  }
0x3e: {  	[spmem:s9] =	stream.linear.scatter [tilespmem:s15], [sflag:$0x2], $0x4000, $0x38;
	[tilespmem:$0x1E800] =	vst v63  }
0x3f: {  	_ =	swait.ge [sflag:s16], $0x4000  }
0x40: {  	[sflag:s16] =	ssyncset.done $0x0  }
0x41: {  	[sflag:s16] =	ssyncadd.s32 $0xFFFFC000  }
0x42: {  	[spmem:s10] =	stream.linear.scatter [tilespmem:s15], [sflag:$0x2], $0x4000, $0x38;
	[tilespmem:$0x1E800] =	vst v63  }
0x43: {  	_ =	swait.ge [sflag:s16], $0x4000  }
0x44: {  	[sflag:s16] =	ssyncset.done $0x0  }
0x45: {  	s22 =	simm.s32 $0x200;
	s23 =	simm.s32 $0x0;
	[sflag:s16] =	ssyncadd.s32 $0xFFFFC000  }
.LBB2_4:
0x46: {  	p0 =	sne.s32 s22, $0xFE00;
	[tilespmem:s23+$0x2800] =	vst v1;
	s24 =	smov.u32 s22;
	s22 =	sadd.s32 $0x200, s22  }
.Ltmp1:
0x47: {  	[tilespmem:s23+$0x6800] =	vst v2;
	(pc) =	sbr.rel @p0 .LBB2_4-.Ltmp1, $2  }
0x48: {  	_ =	sdelay $0x2  }
0x49: {  	s23 =	sshra.s32 s24, $0x2  }
0x4a: {  	[tilespmem:s23+$0x2800] =	vst v1  }
0x4b: {  	[tilespmem:s23+$0x6800] =	vst v2  }
0x4c: {  	[bflag:$0x0] =	sbarrier.arrive $0xFFFF  }
0x4d: {  	[tilespmem:s3], [sflag:$0x2] =	stream.linear.gather [hbm4b:s11+s3], $0x1400, $0x38;
	[tilespmem:$0x1E800] =	vst v63  }
0x4e: {  	_ =	swait.ge [sflag:s16], $0x1400  }
0x4f: {  	[sflag:s16] =	ssyncset.done $0x0  }
0x50: {  	[sflag:s16] =	ssyncadd.s32 $0xFFFFEC00  }
0x51: {  	[tilespmem:s17], [sflag:$0x2] =	stream.linear.gather [hbm4b:s12+s3], $0x1400, $0x38;
	[tilespmem:$0x1E800] =	vst v63  }
0x52: {  	_ =	swait.ge [sflag:s16], $0x1400  }
0x53: {  	[sflag:s16] =	ssyncset.done $0x0  }
0x54: {  	[sflag:s16] =	ssyncadd.s32 $0xFFFFEC00  }
0x55: {  	[spmem:s1] =	stream.indirect.scatter.add.f32 [tilespmem:s15], [sflag:$0x1], $0x80, s3, s18, $0xb8;
	[tilespmem:$0x1E800] =	vst v63  }
0x56: {  	_ = 	snop  }
0x57: {  	[spmem:s1] =	stream.indirect.scatter.add.f32 [tilespmem:s19], [sflag:$0x1], $0x80, s17, s18, $0xb8;
	[tilespmem:$0x1E800] =	vst v63  }
0x58: {  	s22 =	simm.s32 $0x80  }
0x59: {  	[spmem:s1] =	stream.indirect.scatter.add.f32 [tilespmem:s15], [sflag:$0x1], $0x80, s22, s18, $0xb8;
	[tilespmem:$0x1E800] =	vst v63  }
0x5a: {  	s31 =	simm.s32 $0x1480  }
0x5b: {  	[spmem:s1] =	stream.indirect.scatter.add.f32 [tilespmem:s19], [sflag:$0x1], $0x80, s31, s18, $0xb8;
	[tilespmem:$0x1E800] =	vst v63  }
0x5c: {  	_ =	swait.ge [sflag:s20], $0x4000  }
0x5d: {  	[sflag:s20] =	ssyncset.done $0x0  }
0x5e: {  	[sflag:s20] =	ssyncadd.s32 $0xFFFFC000  }
0x5f: {  	_ =	swait.ge [sflag:s20], $0x4000  }
0x60: {  	s23 =	simm.s32 $0x600;
	s22 =	simm.s32 $0x400;
	[sflag:s20] =	ssyncset.done $0x0  }
.LBB2_6:
0x61: {  	s24 =	sshra.s32 s22, $0x2  }
0x62: {  	[sflag:s20] =	ssyncadd.s32 $0xFFFFC000;
	s22 =	smov.u32 s23;
	s25 =	sadd.s32 $0x200, s23  }
0x63: {  	[spmem:s1] =	stream.indirect.scatter.add.f32 [tilespmem:s15], [sflag:$0x1], $0x80, s24, s18, $0xb8;
	[tilespmem:$0x1E800] =	vst v63  }
0x64: {  	p0 =	sne.s32 s23, $0x4E00;
	s23 =	sadd.s32 $0x1400, s24  }
0x65: {  	[spmem:s1] =	stream.indirect.scatter.add.f32 [tilespmem:s19], [sflag:$0x1], $0x80, s23, s18, $0xb8;
	[tilespmem:$0x1E800] =	vst v63  }
.Ltmp2:
0x66: {  	_ =	swait.ge [sflag:s20], $0x4000;
	(pc) =	sbr.rel @p0 .LBB2_6-.Ltmp2, $4  }
0x67: {  	[sflag:s20] =	ssyncset.done $0x0  }
0x68: {  	[sflag:s20] =	ssyncadd.s32 $0xFFFFC000  }
0x69: {  	_ =	swait.ge [sflag:s20], $0x4000  }
0x6a: {  	s23 =	smov.u32 s25;
	[sflag:s20] =	ssyncset.done $0x0  }
0x6b: {  	s22 =	sshra.s32 s22, $0x2;
	[sflag:s20] =	ssyncadd.s32 $0xFFFFC000  }
0x6c: {  	[spmem:s1] =	stream.indirect.scatter.add.f32 [tilespmem:s15], [sflag:$0x1], $0x80, s22, s18, $0xb8;
	[tilespmem:$0x1E800] =	vst v63  }
0x6d: {  	s22 =	sadd.s32 $0x1400, s22  }
0x6e: {  	[spmem:s1] =	stream.indirect.scatter.add.f32 [tilespmem:s19], [sflag:$0x1], $0x80, s22, s18, $0xb8;
	[tilespmem:$0x1E800] =	vst v63  }
0x6f: {  	_ =	swait.ge [sflag:s20], $0x4000  }
0x70: {  	[sflag:s20] =	ssyncset.done $0x0  }
0x71: {  	[sflag:s20] =	ssyncadd.s32 $0xFFFFC000  }
0x72: {  	_ =	swait.ge [sflag:s20], $0x4000  }
0x73: {  	[sflag:s20] =	ssyncset.done $0x0  }
0x74: {  	[sflag:s20] =	ssyncadd.s32 $0xFFFFC000  }
0x75: {  	_ =	swait.ge [sflag:s20], $0x4000  }
0x76: {  	[sflag:s20] =	ssyncset.done $0x0  }
0x77: {  	[sflag:s20] =	ssyncadd.s32 $0xFFFFC000  }
0x78: {  	_ =	swait.ge [sflag:s20], $0x4000  }
0x79: {  	[sflag:s20] =	ssyncset.done $0x0  }
0x7a: {  	[sflag:s20] =	ssyncadd.s32 $0xFFFFC000  }
0x7b: {  	[tilespmem:s3], [sflag:$0x2] =	stream.linear.gather [hbm4b:s13+s3], $0x1400, $0x38;
	[tilespmem:$0x1E800] =	vst v63  }
0x7c: {  	_ =	swait.ge [sflag:s16], $0x1400  }
0x7d: {  	[sflag:s16] =	ssyncset.done $0x0  }
0x7e: {  	[sflag:s16] =	ssyncadd.s32 $0xFFFFEC00  }
0x7f: {  	[tilespmem:s17], [sflag:$0x2] =	stream.linear.gather [hbm4b:s14+s3], $0x1400, $0x38;
	[tilespmem:$0x1E800] =	vst v63  }
0x80: {  	_ =	swait.ge [sflag:s16], $0x1400  }
0x81: {  	[sflag:s16] =	ssyncset.done $0x0  }
0x82: {  	[sflag:s16] =	ssyncadd.s32 $0xFFFFEC00  }
0x83: {  	[spmem:s1] =	stream.indirect.scatter.add.f32 [tilespmem:s15], [sflag:$0x1], $0x80, s3, s18, $0xb8;
	[tilespmem:$0x1E800] =	vst v63  }
0x84: {  	_ = 	snop  }
0x85: {  	[spmem:s1] =	stream.indirect.scatter.add.f32 [tilespmem:s19], [sflag:$0x1], $0x80, s17, s18, $0xb8;
	[tilespmem:$0x1E800] =	vst v63  }
0x86: {  	s30 =	simm.s32 $0x80  }
0x87: {  	[spmem:s1] =	stream.indirect.scatter.add.f32 [tilespmem:s15], [sflag:$0x1], $0x80, s30, s18, $0xb8;
	[tilespmem:$0x1E800] =	vst v63  }
0x88: {  	s31 =	simm.s32 $0x1480  }
0x89: {  	[spmem:s1] =	stream.indirect.scatter.add.f32 [tilespmem:s19], [sflag:$0x1], $0x80, s31, s18, $0xb8;
	[tilespmem:$0x1E800] =	vst v63  }
0x8a: {  	_ =	swait.ge [sflag:s20], $0x4000  }
0x8b: {  	[sflag:s20] =	ssyncset.done $0x0  }
0x8c: {  	[sflag:s20] =	ssyncadd.s32 $0xFFFFC000  }
0x8d: {  	_ =	swait.ge [sflag:s20], $0x4000  }
0x8e: {  	s23 =	simm.s32 $0x600;
	s22 =	simm.s32 $0x400;
	[sflag:s20] =	ssyncset.done $0x0  }
.LBB2_8:
0x8f: {  	s24 =	sshra.s32 s22, $0x2  }
0x90: {  	[sflag:s20] =	ssyncadd.s32 $0xFFFFC000;
	s22 =	smov.u32 s23;
	s25 =	sadd.s32 $0x200, s23  }
0x91: {  	[spmem:s1] =	stream.indirect.scatter.add.f32 [tilespmem:s15], [sflag:$0x1], $0x80, s24, s18, $0xb8;
	[tilespmem:$0x1E800] =	vst v63  }
0x92: {  	p0 =	sne.s32 s23, $0x4E00;
	s23 =	sadd.s32 $0x1400, s24  }
0x93: {  	[spmem:s1] =	stream.indirect.scatter.add.f32 [tilespmem:s19], [sflag:$0x1], $0x80, s23, s18, $0xb8;
	[tilespmem:$0x1E800] =	vst v63  }
.Ltmp3:
0x94: {  	_ =	swait.ge [sflag:s20], $0x4000;
	(pc) =	sbr.rel @p0 .LBB2_8-.Ltmp3, $4  }
0x95: {  	[sflag:s20] =	ssyncset.done $0x0  }
0x96: {  	[sflag:s20] =	ssyncadd.s32 $0xFFFFC000  }
0x97: {  	_ =	swait.ge [sflag:s20], $0x4000  }
0x98: {  	s23 =	smov.u32 s25;
	[sflag:s20] =	ssyncset.done $0x0  }
0x99: {  	s22 =	sshra.s32 s22, $0x2;
	[sflag:s20] =	ssyncadd.s32 $0xFFFFC000  }
0x9a: {  	[spmem:s1] =	stream.indirect.scatter.add.f32 [tilespmem:s15], [sflag:$0x1], $0x80, s22, s18, $0xb8;
	[tilespmem:$0x1E800] =	vst v63  }
0x9b: {  	s22 =	sadd.s32 $0x1400, s22  }
0x9c: {  	[spmem:s1] =	stream.indirect.scatter.add.f32 [tilespmem:s19], [sflag:$0x1], $0x80, s22, s18, $0xb8;
	[tilespmem:$0x1E800] =	vst v63  }
0x9d: {  	_ =	swait.ge [sflag:s20], $0x4000  }
0x9e: {  	[sflag:s20] =	ssyncset.done $0x0  }
0x9f: {  	[sflag:s20] =	ssyncadd.s32 $0xFFFFC000  }
0xa0: {  	_ =	swait.ge [sflag:s20], $0x4000  }
0xa1: {  	[sflag:s20] =	ssyncset.done $0x0  }
0xa2: {  	[sflag:s20] =	ssyncadd.s32 $0xFFFFC000  }
0xa3: {  	_ =	swait.ge [sflag:s20], $0x4000  }
0xa4: {  	[sflag:s20] =	ssyncset.done $0x0  }
0xa5: {  	[sflag:s20] =	ssyncadd.s32 $0xFFFFC000  }
0xa6: {  	_ =	swait.ge [sflag:s20], $0x4000  }
0xa7: {  	s31 =	sshll.u32 s2, $0x6;
	s21 =	sadd.s32 $0x1, s21;
	[sflag:s20] =	ssyncset.done $0x0  }
0xa8: {  	s23 =	sshrl.u32 s4, $0x3;
	p0 =	sne.s32 s21, s6;
	[sflag:s20] =	ssyncadd.s32 $0xFFFFC000  }
.Ltmp4:
0xa9: {  	s22 =	sor.u32 $0x1C02, s31;
	[bflag:$0x0] =	sbarrier.arrive $0xFFFF;
	(pc) =	sbr.rel @p0 .LBB2_1-.Ltmp4, $4  }
0xaa: {  	[hbm:s5], [sflag:s22] =	dma.local [spmem:s23], $0x2800  }
0xab: {  	_ =	swait.ge [sflag:s16], $0x2800  }
0xac: {  	[sflag:s16] =	ssyncset.done $0x0  }
0xad: {  	[sflag:s16] =	ssyncadd.s32 $0xFFFFD800  }
0xae: {  	_ =	sfence.sel $0x180000  }
0xaf: {  	[bflag:$0x0] =	sbarrier.arrive $0xFFFF  }
0xb0: {  	p0 =	sne.s32 s2, $0x0;
	_ =	strace $0x90000047  }
0xb1: {  	s0 =	sadd.s32 @!p0 $0x100000, s0;
	[bflag:$0x2] =	sbarrier.arrive $0xFFFF  }
0xb2: {  	[sflag:s0] =	ssyncadd.tile.s32 @!p0 $0x1;
	_ =	shalt  }
.Lfunc_end2:
_tile_overlayer_lowered:
.L_overlay_start_2:
0xb3: {  	(tag) =	ssettag $0x2  }
0xb4: {  	s0 =	rddreg [dreg:$0x0];
	s2 =	stileid.u32  }
0xb5: {  	s1 =	rddreg [dreg:$0x1];
	p0 =	sne.s32 s2, $0x0  }
0xb6: {  	s3 =	rddreg [dreg:$0x2];
	[bflag:$0x3] =	sbarrier.arrive $0xFFFF;
	s2 =	simm.s32 @!p0 $0x1C02  }
0xb7: {  	[timem:s3], [sflag:s2] =	dma.local @!p0 [hbm:s0], s1  }
0xb8: {  	s0 =	simm.s32 @!p0 $0x2  }
0xb9: {  	_ =	swait.ge @!p0 [sflag:s0], s1  }
0xba: {  	s1 =	ssub.s32 @!p0 $0x0, s1;
	[sflag:s0] =	ssyncset.done @!p0 $0x0  }
0xbb: {  	[sflag:s0] =	ssyncadd.s32 @!p0 s1  }
0xbc: {  	[bflag:$0x3] =	sbarrier.arrive $0xFFFF  }
0xbd: {  	_ =	shalt  }

// kernel: kernel.25.cloned.1.call-start
scs
__scs_entry_jumppad:
0x0: {  	(pc) =	sbr.rel $0x88, $3  }
0x1: {  	(tag) =	ssettag $0x0;
	lr =	simm.s32 $0x1  }
0x2: {  	[smem:$0x3F93] =	sst lr;
	_ =	strace $0xD0000000  }
0x3: {  	_ = 	snop  }
0x4: {  	_ = 	snop  }
0x5: {  	_ = 	snop  }
0x6: {  	_ = 	snop  }
0x7: {  	_ = 	snop  }
__scs_overlays_trampoline_lowered:
0x8: {  	[smem:$0x3FA2] =	sst s0  }
0x9: {  	[smem:$0x3FA3] =	sst s1  }
0xa: {  	[smem:$0x3FA4] =	sst s2  }
0xb: {  	[smem:$0x3FA5] =	sst s3  }
0xc: {  	[smem:$0x3FA6] =	sst s4  }
0xd: {  	[smem:$0x3FA7] =	sst s5  }
0xe: {  	[smem:$0x3FA8] =	sst s6  }
0xf: {  	[smem:$0x3FA9] =	sst s7  }
0x10: {  	[smem:$0x3FAA] =	sst s8  }
0x11: {  	[smem:$0x3FAB] =	sst s9;
	s0 =	simm.s32 @!p0 $0x0  }
0x12: {  	s1 =	sld [smem:$0x3F91];
	s0 =	simm.s32 @p0 $0x1  }
0x13: {  	[smem:$0x3FAC] =	sst s0;
	s0 =	simm.s32 @!p1 $0x0  }
0x14: {  	s2 =	sld [smem:$0x3F90];
	s0 =	simm.s32 @p1 $0x1  }
0x15: {  	[smem:$0x3FAD] =	sst s0;
	s0 =	simm.s32 @!p2 $0x0  }
0x16: {  	s3 =	sld [smem:$0x3FDB];
	s0 =	simm.s32 @p2 $0x1  }
0x17: {  	s4 =	simm.s32 $0x1BF5;
	[smem:$0x3FAF] =	sst s0  }
0x18: {  	s0 =	sld [smem:$0x3F92];
	_ =	swait.ge [sflag:s4], $0x0  }
0x19: {  	s7 =	sld [smem:$0x3F93]  }
0x1a: {  	s8 =	sadd.s32 $0xFFFFE003, lr  }
0x1b: {  	s9 =	sadd.s32 $0xFFFFFEF7, lr;
	s5 =	simm.s32 $0xFFFFFFFF;
	p2 =	slt.u32 s8, $0xFFFFF086  }
0x1c: {  	p1 =	slt.u32 s9, $0xF7A;
	s5 =	simm.s32 @!p2 $0x0  }
0x1d: {  	s5 =	simm.s32 @p1 $0x1;
	p0 =	seq.s32 s7, s2  }
0x1e: {  	s7 =	smul.u32 @!p0 $0xF7A, s2;
	p2 =	seq.s32 @!p0 s5, $0x0  }
0x1f: {  	s9 =	smul.u32 $0xF7A, s1;
	s8 =	simm.s32 @!p0 $0x1BF5;
	p2 =	por !p2, p0  }
0x20: {  	[sflag:s8] =	ssyncset.s32 @!p0 $0xFFFFF086;
	s6 =	sadd.s32 @!p0 s3, s7;
	s7 =	simm.s32 @!p0 $0x108  }
0x21: {  	s3 =	sadd.s32 s3, s9;
	s6 =	sadd.s32 @!p0 $0x88, s6;
	s7 =	simm.s32 @p2 $0x1082  }
0x22: {  	[simem:s7], [sflag:s8] =	dma.local @!p0 [hbm:s6], $0xF7A  }
0x23: {  	s9 =	sor.u32 $0xD0000000, s2;
	s6 =	simm.s32 $0x108;
	_ =	swait.ge @!p0 [sflag:s8], $0x0  }
0x24: {  	s3 =	sadd.s32 $0x88, s3;
	s6 =	simm.s32 @!p1 $0x1082;
	[sflag:s4] =	ssyncset.s32 $0xFFFFF086  }
0x25: {  	[simem:s6], [sflag:s4] =	dma.local [hbm:s3], $0xF7A  }
0x26: {  	[smem:$0x3F93] =	sst s1;
	(tag) =	ssettag s2;
	_ =	strace s9  }
0x27: {  	s1 =	sld [smem:$0x3FA3]  }
0x28: {  	s2 =	sld [smem:$0x3FA4]  }
0x29: {  	s4 =	sld [smem:$0x3FA6]  }
0x2a: {  	p0 =	seq.s32 s5, $0x0;
	s5 =	sld [smem:$0x3FA7]  }
0x2b: {  	s6 =	sld [smem:$0x3FA8]  }
0x2c: {  	s7 =	sld [smem:$0x3FA9]  }
0x2d: {  	s3 =	simm.s32 $0x108;
	s8 =	sld [smem:$0x3FAA]  }
0x2e: {  	s3 =	simm.s32 @!p0 $0x1082;
	s9 =	sld [smem:$0x3FAB]  }
0x2f: {  	lr =	sadd.s32 s0, s3;
	s0 =	sld [smem:$0x3FA2]  }
0x30: {  	s3 =	sld [smem:$0x3FA5]  }
0x31: {  	[smem:$0x3FAE] =	sst s10  }
0x32: {  	s10 =	sld [smem:$0x3FAC];
	_ =	sdelay $0x3  }
0x33: {  	p0 =	seq.s32 s10, $0x1;
	s10 =	sld [smem:$0x3FAE];
	_ =	sdelay $0x3  }
0x34: {  	[smem:$0x3FAE] =	sst s10  }
0x35: {  	s10 =	sld [smem:$0x3FAD];
	_ =	sdelay $0x3  }
0x36: {  	p1 =	seq.s32 s10, $0x1;
	s10 =	sld [smem:$0x3FAE];
	_ =	sdelay $0x3  }
0x37: {  	[smem:$0x3FAE] =	sst s10  }
0x38: {  	s10 =	sld [smem:$0x3FAF]  }
0x39: {  	_ = 	snop;
	(pc) =	sbr.ind lr, $3  }
0x3a: {  	_ = 	snop  }
0x3b: {  	_ = 	snop  }
0x3c: {  	p2 =	seq.s32 s10, $0x1;
	s10 =	sld [smem:$0x3FAE]  }
0x3d: {  	_ =	shalt  }
0x3e: {  	_ =	shalt  }
0x3f: {  	_ =	shalt  }
0x40: {  	_ =	shalt  }
0x41: {  	_ =	shalt  }
0x42: {  	_ =	shalt  }
0x43: {  	_ =	shalt  }
0x44: {  	_ =	shalt  }
0x45: {  	_ =	shalt  }
0x46: {  	_ =	shalt  }
0x47: {  	_ =	shalt  }
0x48: {  	_ =	shalt  }
0x49: {  	_ =	shalt  }
0x4a: {  	_ =	shalt  }
0x4b: {  	_ =	shalt  }
0x4c: {  	_ =	shalt  }
0x4d: {  	_ =	shalt  }
0x4e: {  	_ =	shalt  }
0x4f: {  	_ =	shalt  }
0x50: {  	_ =	shalt  }
0x51: {  	_ =	shalt  }
0x52: {  	_ =	shalt  }
0x53: {  	_ =	shalt  }
0x54: {  	_ =	shalt  }
0x55: {  	_ =	shalt  }
0x56: {  	_ =	shalt  }
0x57: {  	_ =	shalt  }
0x58: {  	_ =	shalt  }
0x59: {  	_ =	shalt  }
0x5a: {  	_ =	shalt  }
0x5b: {  	_ =	shalt  }
0x5c: {  	_ =	shalt  }
0x5d: {  	_ =	shalt  }
0x5e: {  	_ =	shalt  }
0x5f: {  	_ =	shalt  }
0x60: {  	_ =	shalt  }
0x61: {  	_ =	shalt  }
0x62: {  	_ =	shalt  }
0x63: {  	_ =	shalt  }
0x64: {  	_ =	shalt  }
0x65: {  	_ =	shalt  }
0x66: {  	_ =	shalt  }
0x67: {  	_ =	shalt  }
0x68: {  	_ =	shalt  }
0x69: {  	_ =	shalt  }
0x6a: {  	_ =	shalt  }
0x6b: {  	_ =	shalt  }
0x6c: {  	_ =	shalt  }
0x6d: {  	_ =	shalt  }
0x6e: {  	_ =	shalt  }
0x6f: {  	_ =	shalt  }
0x70: {  	_ =	shalt  }
0x71: {  	_ =	shalt  }
0x72: {  	_ =	shalt  }
0x73: {  	_ =	shalt  }
0x74: {  	_ =	shalt  }
0x75: {  	_ =	shalt  }
0x76: {  	_ =	shalt  }
0x77: {  	_ =	shalt  }
0x78: {  	_ =	shalt  }
0x79: {  	_ =	shalt  }
0x7a: {  	_ =	shalt  }
0x7b: {  	_ =	shalt  }
0x7c: {  	_ =	shalt  }
0x7d: {  	_ =	shalt  }
0x7e: {  	_ =	shalt  }
0x7f: {  	_ =	shalt  }
0x80: {  	_ =	shalt  }
0x81: {  	_ =	shalt  }
0x82: {  	_ =	shalt  }
0x83: {  	_ =	shalt  }
0x84: {  	_ =	shalt  }
0x85: {  	_ =	shalt  }
0x86: {  	_ =	shalt  }
0x87: {  	_ =	shalt  }
.Lfunc_end0:
.L_simem_size_0:
called_computation.2_lowered:
.L_overlay_start_0:
0x88: {  	s2 =	sld [smem:$0x3FD9]  }
0x89: {  	s3 =	sld [smem:$0x3FFE];
	_ =	sdelay $0x1  }
0x8a: {  	s1 =	srdreg.scid  }
0x8b: {  	s0 =	sand.u32 $0x1, s1  }
0x8c: {  	s17 =	sshll.u32 s0, $0xA;
	s2 =	sadd.s32 s3, s2  }
0x8d: {  	s2 =	sadd.s32 s2, s17  }
0x8e: {  	[smem:$0x3FBA] =	sst s2  }
0x8f: {  	_ = 	snop  }
0x90: {  	(tm) =	ssettm $0x1  }
0x91: {  	s18 =	sld [smem:$0x3FFB];
	_ =	sdelay $0x3  }
0x92: {  	_ =	strace s18  }
0x93: {  	s2 =	sld [smem:$0x3FFC];
	_ =	sdelay $0x3  }
0x94: {  	_ =	strace s2  }
0x95: {  	s2 =	sld [smem:$0x3FFD];
	_ =	sdelay $0x3  }
0x96: {  	_ =	strace s2  }
0x97: {  	_ =	strace $0x8FFFFFFF  }
0x98: {  	s19 =	sld [smem:$0x3FDB];
	_ =	sdelay $0x1  }
0x99: {  	s20 =	simm.s32 $_scs_section_size  }
0x9a: {  	s4 =	simm.s32 $_size__tile_overlayer_lowered;
	s5 =	simm.s32 $_tile_overlayer_lowered  }
0x9b: {  	s6 =	simm.s32 $0x1BFF;
	s21 =	sshll.u32 s5, $0x1;
	s3 =	sadd.s32 s20, s19  }
0x9c: {  	s22 =	simm.s32 $0x0;
	s4 =	sshll.u32 s4, $0x1;
	s5 =	sadd.s32 s21, s3  }
0x9d: {  	[timem:s22], [sflag:s6] =	dma.local [hbm:s5], s4  }
0x9e: {  	_ =	swait.ge [sflag:s6], s4  }
0x9f: {  	s4 =	ssub.s32 $0x0, s4;
	[sflag:s6] =	ssyncset.done $0x0  }
0xa0: {  	[sflag:s6] =	ssyncadd.s32 s4;
	_ =	sdelay $0x1  }
0xa1: {  	s23 =	simm.s32 $0x1B8B  }
0xa2: {  	_ =	swait.ge [sflag:s23], $0x1  }
0xa3: {  	[sflag:s23] =	ssyncset.done $0x0  }
0xa4: {  	[sflag:s23] =	ssyncadd.s32 $0xFFFFFFFF  }
0xa5: {  	s4 =	sld [smem:$0x0]  }
0xa6: {  	s5 =	sand.u32 $0xFFFFFFFE, s1  }
0xa7: {  	p0 =	sne.s32 s1, s5  }
0xa8: {  	s5 =	sshll.u32 @p0 s5, $0xE  }
0xa9: {  	s5 =	sadd.s32 @p0 $0x11B8D, s5;
	s6 =	sshll.u32 @p0 s4, $0x11  }
0xaa: {  	s5 =	sor.u32 @p0 s6, s5  }
0xab: {  	[sflag:s5] =	ssyncadd.remote.s32 @p0 $0x1;
	_ =	sdelay $0x1  }
0xac: {  	s5 =	simm.s32 @p0 $0x1B8D  }
0xad: {  	_ =	swait.eq @p0 [sflag:s5], $0x1  }
0xae: {  	[sflag:s5] =	ssyncadd.s32 @p0 $0xFFFFFFFF  }
0xaf: {  	s6 =	sshll.u32 @!p0 s1, $0xE  }
0xb0: {  	s6 =	sor.u32 @!p0 $0x4000, s6;
	s5 =	simm.s32 @!p0 $0x1B8D  }
0xb1: {  	s4 =	sshll.u32 @!p0 s4, $0x11;
	s6 =	sadd.s32 @!p0 $0x11B8D, s6;
	_ =	swait.eq @!p0 [sflag:s5], $0x1  }
0xb2: {  	s4 =	sor.u32 @!p0 s4, s6;
	[sflag:s5] =	ssyncadd.s32 @!p0 $0xFFFFFFFF  }
0xb3: {  	s25 =	simm.s32 $0x1B8E;
	s24 =	sld [smem:$0x3FFE];
	[sflag:s4] =	ssyncadd.remote.s32 @!p0 $0x1  }
0xb4: {  	s26 =	simm.s32 $execute0_lowered;
	[smem:$0x3FD2] =	sst s25  }
0xb5: {  	s5 =	sshll.u32 s26, $0x1;
	_ =	strace $0x8000004F;
	[dreg:$0x1] =	wrdreg $0xFFFFFFFF  }
0xb6: {  	s28 =	simm.s32 $_size_execute0_lowered;
	s3 =	sadd.s32 s3, s5;
	[dreg:$0x0] =	wrdreg $0x0  }
0xb7: {  	s5 =	sshll.u32 s28, $0x1;
	[dreg:$0x2] =	wrdreg s3  }
0xb8: {  	[dreg:$0x3] =	wrdreg s5  }
0xb9: {  	[dreg:$0x4] =	wrdreg $0xC0  }
0xba: {  	_ =	task [dreg:s22], $0x5FFFF  }
0xbb: {  	[dreg:$0x1] =	wrdreg $0xFFFFFFFF  }
0xbc: {  	[dreg:$0x0] =	wrdreg $0x60  }
0xbd: {  	[dreg:$0x2] =	wrdreg s24  }
0xbe: {  	[dreg:$0x3] =	wrdreg $0xA8000  }
0xbf: {  	[dreg:$0x4] =	wrdreg $0x9  }
0xc0: {  	_ =	task.clear_ibuf [dreg:s22], $0x5FFFF;
	_ =	strace $0x9000004F  }
0xc1: {  	s29 =	simm.s32 $0x9;
	_ =	strace $0x80000051  }
0xc2: {  	_ =	swait.ge [sflag:s29], $0x1  }
0xc3: {  	[sflag:s29] =	ssyncadd.s32 $0xFFFFFFFF  }
0xc4: {  	_ =	strace $0x90000051  }
0xc5: {  	_ =	sfence  }
0xc6: {  	s30 =	sld [smem:$0x0];
	_ =	sdelay $0x2  }
0xc7: {  	s31 =	sshll.u32 s1, $0xD;
	s1 =	sshrl.u32 s1, $0x2  }
0xc8: {  	s4 =	sand.u32 $0x4000, s31;
	s1 =	sadd.s32 s1, s30  }
0xc9: {  	s0 =	sor.u32 s4, s0;
	s1 =	sshll.u32 s1, $0x11  }
0xca: {  	s0 =	sor.u32 s1, s0  }
0xcb: {  	s0 =	sadd.s32 $0x8F2B, s0  }
0xcc: {  	[sflag:s0] =	ssyncadd.remote.s32 $0x1  }
0xcd: {  	_ =	sfence.sel $0xFFFF  }
0xce: {  	[dreg:$0x0] =	wrdreg $0xFFFFFFFF;
	(pc) =	sbr.abs _section_cstart, $3  }
0xcf: {  	[dreg:$0x1] =	wrdreg $0xFFFFFFFF  }
0xd0: {  	_ =	task.clear_ibuf [dreg:s22], $0x2FFFF;
	_ =	strace $0x9FFFFFFF  }
0xd1: {  	(tm) =	ssettm $0x7FFFFFFF  }
tec
execute0_lowered:
.L_overlay_start_1:
0x0: {  	(tag) =	ssettag $0x1  }
0x1: {  	s7 =	rddreg [dreg:$0x0]  }
0x2: {  	s1 =	rddreg [dreg:$0x1]  }
0x3: {  	s0 =	rddreg [dreg:$0x2]  }
0x4: {  	s3 =	simm.s32 $0x0;
	s2 =	stileid.u32;
	s5 =	srdreg.scid  }
0x5: {  	s17 =	simm.s32 $0x3;
	s18 =	simm.s32 $0x1400;
	s19 =	simm.s32 $0x80  }
0x6: {  	s20 =	simm.s32 $0x6800;
	s21 =	simm.s32 $0x1;
	s22 =	simm.s32 $0x2  }
0x7: {  	s23 =	simm.s32 $0x1380;
	[smem:$0x7FF] =	sst s3;
	s4 =	sadd.s32 $0x55200, s7  }
0x8: {  	s14 =	sadd.s32 $0x23200, s7;
	s24 =	smul.u32 $0x2800, s2;
	s6 =	sand.u32 $0x1, s5  }
0x9: {  	s15 =	sadd.s32 $0x19200, s7;
	s8 =	smul.u32 $0x50000, s2;
	s25 =	sadd.s32 $0xA5200, s7  }
0xa: {  	_ =	strace $0x80000050;
	s5 =	ssub.s32 $0x2, s6;
	s11 =	sshll.u32 s6, $0x4  }
0xb: {  	p0 =	seq.s32 s6, $0x1;
	s9 =	sadd.s32 s24, s7;
	s10 =	sshrl.u32 s5, $0x1  }
0xc: {  	s11 =	sor.u32 s2, s11;
	s31 =	sshrl.u32 s8, $0x2;
	s25 =	sadd.s32 @p0 s24, s25  }
0xd: {  	s24 =	simm.s32 $0x2700;
	s10 =	ssub.s32 s5, s10;
	s5 =	sadd.s32 s31, s1  }
0xe: {  	s6 =	sadd.s32 $0x7D200, s9;
	s13 =	smul.u32 $0x500, s11;
	s7 =	smax.u32 s10, $0x1  }
0xf: {  	s8 =	sadd.s32 $0x4000, s5;
	s9 =	sadd.s32 $0x8000, s5;
	s10 =	sadd.s32 $0xC000, s5  }
0x10: {  	s11 =	sadd.s32 $0x10000, s5;
	s6 =	smov.u32 @p0 s25;
	s25 =	simm.s32 $0x2780  }
0x11: {  	s12 =	sadd.s32 s14, s13;
	s16 =	sadd.s32 $0x280, s13;
	s13 =	sadd.s32 s15, s13  }
0x12: {  	v0 =	vimm.f32 $0.0e+00;
	s14 =	sadd.s32 s14, s16;
	s15 =	sadd.s32 s15, s16;
	s16 =	simm.s32 $0x2800  }
.LBB2_1:
0x13: {  	s26 =	simm.s32 $0x0;
	s28 =	simm.s32 $0x200  }
.LBB2_2:
0x14: {  	p0 =	sne.s32 s28, $0xFE00;
	[tilespmem:s26+$0x2870] =	vst v0  }
0x15: {  	[tilespmem:s26+$0x2800] =	vst v0  }
0x16: {  	[tilespmem:s26+$0x2810] =	vst v0  }
.Ltmp0:
0x17: {  	[tilespmem:s26+$0x2820] =	vst v0;
	(pc) =	sbr.rel @p0 .LBB2_2-.Ltmp0, $4  }
0x18: {  	[tilespmem:s26+$0x2830] =	vst v0  }
0x19: {  	[tilespmem:s26+$0x2840] =	vst v0  }
0x1a: {  	[tilespmem:s26+$0x2850] =	vst v0  }
0x1b: {  	[tilespmem:s26+$0x2860] =	vst v0;
	s26 =	sshra.s32 s28, $0x2;
	s28 =	sadd.s32 $0x200, s28  }
0x1c: {  	[tilespmem:s26+$0x2870] =	vst v0  }
0x1d: {  	[tilespmem:s26+$0x2800] =	vst v0  }
0x1e: {  	[tilespmem:s26+$0x2810] =	vst v0  }
0x1f: {  	[tilespmem:s26+$0x2820] =	vst v0  }
0x20: {  	[tilespmem:s26+$0x2830] =	vst v0  }
0x21: {  	[tilespmem:s26+$0x2840] =	vst v0  }
0x22: {  	[tilespmem:s26+$0x2850] =	vst v0  }
0x23: {  	[tilespmem:s26+$0x2860] =	vst v0  }
0x24: {  	[spmem:s5] =	stream.linear.scatter [tilespmem:s16], [sflag:$0x3], $0x4000, $0x38;
	[tilespmem:$0x1E800] =	vst v63  }
0x25: {  	_ =	swait.ge [sflag:s17], $0x4000  }
0x26: {  	[sflag:s17] =	ssyncset.done $0x0  }
0x27: {  	[sflag:s17] =	ssyncadd.s32 $0xFFFFC000  }
0x28: {  	[spmem:s8] =	stream.linear.scatter [tilespmem:s16], [sflag:$0x3], $0x4000, $0x38;
	[tilespmem:$0x1E800] =	vst v63  }
0x29: {  	_ =	swait.ge [sflag:s17], $0x4000  }
0x2a: {  	[sflag:s17] =	ssyncset.done $0x0  }
0x2b: {  	[sflag:s17] =	ssyncadd.s32 $0xFFFFC000  }
0x2c: {  	[spmem:s9] =	stream.linear.scatter [tilespmem:s16], [sflag:$0x3], $0x4000, $0x38;
	[tilespmem:$0x1E800] =	vst v63  }
0x2d: {  	_ =	swait.ge [sflag:s17], $0x4000  }
0x2e: {  	[sflag:s17] =	ssyncset.done $0x0  }
0x2f: {  	[sflag:s17] =	ssyncadd.s32 $0xFFFFC000  }
0x30: {  	[spmem:s10] =	stream.linear.scatter [tilespmem:s16], [sflag:$0x3], $0x4000, $0x38;
	[tilespmem:$0x1E800] =	vst v63  }
0x31: {  	_ =	swait.ge [sflag:s17], $0x4000  }
0x32: {  	[sflag:s17] =	ssyncset.done $0x0  }
0x33: {  	[sflag:s17] =	ssyncadd.s32 $0xFFFFC000  }
0x34: {  	[spmem:s11] =	stream.linear.scatter [tilespmem:s16], [sflag:$0x3], $0x4000, $0x38;
	[tilespmem:$0x1E800] =	vst v63  }
0x35: {  	_ =	swait.ge [sflag:s17], $0x4000  }
0x36: {  	[sflag:s17] =	ssyncset.done $0x0  }
0x37: {  	[sflag:s17] =	ssyncadd.s32 $0xFFFFC000  }
0x38: {  	s30 =	simm.s32 $0x0;
	[bflag:$0x0] =	sbarrier.arrive $0xFFFF  }
0x39: {  	[tilespmem:s30], [sflag:$0x3] =	stream.linear.gather [hbm4b:s12+s30], $0x1400, $0x38;
	[tilespmem:$0x1E800] =	vst v63  }
0x3a: {  	_ =	swait.ge [sflag:s17], $0x1400  }
0x3b: {  	[sflag:s17] =	ssyncset.done $0x0  }
0x3c: {  	[sflag:s17] =	ssyncadd.s32 $0xFFFFEC00  }
0x3d: {  	[tilespmem:s18], [sflag:$0x3] =	stream.linear.gather [hbm4b:s13+s30], $0x1400, $0x38;
	[tilespmem:$0x1E800] =	vst v63  }
0x3e: {  	_ =	swait.ge [sflag:s17], $0x1400  }
0x3f: {  	[sflag:s17] =	ssyncset.done $0x0  }
0x40: {  	[sflag:s17] =	ssyncadd.s32 $0xFFFFEC00  }
0x41: {  	[tilespmem:s16], [sflag:$0x1] =	stream.indirect.gather [hbm4b:s4+s19], $0x80, s30, s19, $0xb8;
	[tilespmem:$0x1E800] =	vst v63  }
0x42: {  	s31 =	simm.s32 $0x80  }
0x43: {  	[tilespmem:s20], [sflag:$0x2] =	stream.indirect.gather [hbm4b:s4+s19], $0x80, s31, s19, $0xb8;
	[tilespmem:$0x1E800] =	vst v63  }
0x44: {  	_ =	swait.ge [sflag:s21], $0x4000  }
0x45: {  	[sflag:s21] =	ssyncset.done $0x0  }
0x46: {  	s29 =	simm.s32 $0x1400;
	[sflag:s21] =	ssyncadd.s32 $0xFFFFC000  }
0x47: {  	[spmem:s1] =	stream.indirect.scatter.add.f32 [tilespmem:s16], [sflag:$0x3], $0x80, s29, s19, $0xb8;
	[tilespmem:$0x1E800] =	vst v63  }
0x48: {  	_ =	swait.ge [sflag:s17], $0x4000  }
0x49: {  	[sflag:s17] =	ssyncset.done $0x0  }
0x4a: {  	s30 =	simm.s32 $0x100;
	[sflag:s17] =	ssyncadd.s32 $0xFFFFC000  }
0x4b: {  	[tilespmem:s16], [sflag:$0x1] =	stream.indirect.gather [hbm4b:s4+s19], $0x80, s30, s19, $0xb8;
	[tilespmem:$0x1E800] =	vst v63  }
0x4c: {  	_ =	swait.ge [sflag:s22], $0x4000  }
0x4d: {  	[sflag:s22] =	ssyncset.done $0x0  }
0x4e: {  	s31 =	simm.s32 $0x1480;
	[sflag:s22] =	ssyncadd.s32 $0xFFFFC000  }
0x4f: {  	[spmem:s1] =	stream.indirect.scatter.add.f32 [tilespmem:s20], [sflag:$0x3], $0x80, s31, s19, $0xb8;
	[tilespmem:$0x1E800] =	vst v63  }
0x50: {  	_ =	swait.ge [sflag:s17], $0x4000  }
0x51: {  	s28 =	simm.s32 $0x800;
	s26 =	simm.s32 $0x100;
	[sflag:s17] =	ssyncset.done $0x0  }
.LBB2_4:
0x52: {  	s29 =	sadd.s32 $0x80, s26  }
0x53: {  	[sflag:s17] =	ssyncadd.s32 $0xFFFFC000;
	s30 =	smov.u32 s28;
	s31 =	sadd.s32 $0x400, s28  }
0x54: {  	[tilespmem:s20], [sflag:$0x2] =	stream.indirect.gather [hbm4b:s4+s19], $0x80, s29, s19, $0xb8;
	[tilespmem:$0x1E800] =	vst v63  }
0x55: {  	p0 =	sne.s32 s28, $0x4800;
	_ =	swait.ge [sflag:s21], $0x4000  }
0x56: {  	[sflag:s21] =	ssyncset.done $0x0  }
0x57: {  	s28 =	sadd.s32 $0x1400, s26;
	[sflag:s21] =	ssyncadd.s32 $0xFFFFC000  }
0x58: {  	[spmem:s1] =	stream.indirect.scatter.add.f32 [tilespmem:s16], [sflag:$0x3], $0x80, s28, s19, $0xb8;
	[tilespmem:$0x1E800] =	vst v63  }
0x59: {  	_ =	swait.ge [sflag:s17], $0x4000  }
0x5a: {  	[sflag:s17] =	ssyncset.done $0x0  }
0x5b: {  	s28 =	sadd.s32 $0x100, s26;
	[sflag:s17] =	ssyncadd.s32 $0xFFFFC000  }
0x5c: {  	[tilespmem:s16], [sflag:$0x1] =	stream.indirect.gather [hbm4b:s4+s19], $0x80, s28, s19, $0xb8;
	[tilespmem:$0x1E800] =	vst v63  }
0x5d: {  	_ =	swait.ge [sflag:s22], $0x4000  }
.Ltmp1:
0x5e: {  	[sflag:s22] =	ssyncset.done $0x0;
	(pc) =	sbr.rel @p0 .LBB2_4-.Ltmp1, $4  }
0x5f: {  	s26 =	sadd.s32 $0x1480, s26;
	[sflag:s22] =	ssyncadd.s32 $0xFFFFC000  }
0x60: {  	[spmem:s1] =	stream.indirect.scatter.add.f32 [tilespmem:s20], [sflag:$0x3], $0x80, s26, s19, $0xb8;
	[tilespmem:$0x1E800] =	vst v63  }
0x61: {  	_ =	swait.ge [sflag:s17], $0x4000  }
0x62: {  	s28 =	smov.u32 s31;
	s26 =	sshra.s32 s30, $0x2;
	[sflag:s17] =	ssyncset.done $0x0  }
0x63: {  	s28 =	sadd.s32 $0x80, s26;
	[sflag:s17] =	ssyncadd.s32 $0xFFFFC000  }
0x64: {  	[tilespmem:s20], [sflag:$0x2] =	stream.indirect.gather [hbm4b:s4+s19], $0x80, s28, s19, $0xb8;
	[tilespmem:$0x1E800] =	vst v63  }
0x65: {  	_ =	swait.ge [sflag:s21], $0x4000  }
0x66: {  	[sflag:s21] =	ssyncset.done $0x0  }
0x67: {  	s28 =	sadd.s32 $0x1400, s26;
	[sflag:s21] =	ssyncadd.s32 $0xFFFFC000  }
0x68: {  	[spmem:s1] =	stream.indirect.scatter.add.f32 [tilespmem:s16], [sflag:$0x3], $0x80, s28, s19, $0xb8;
	[tilespmem:$0x1E800] =	vst v63  }
0x69: {  	_ =	swait.ge [sflag:s17], $0x4000  }
0x6a: {  	[sflag:s17] =	ssyncset.done $0x0  }
0x6b: {  	s28 =	sadd.s32 $0x100, s26;
	[sflag:s17] =	ssyncadd.s32 $0xFFFFC000  }
0x6c: {  	[tilespmem:s16], [sflag:$0x1] =	stream.indirect.gather [hbm4b:s4+s19], $0x80, s28, s19, $0xb8;
	[tilespmem:$0x1E800] =	vst v63  }
0x6d: {  	_ =	swait.ge [sflag:s22], $0x4000  }
0x6e: {  	[sflag:s22] =	ssyncset.done $0x0  }
0x6f: {  	s29 =	sadd.s32 $0x1480, s26;
	[sflag:s22] =	ssyncadd.s32 $0xFFFFC000  }
0x70: {  	[spmem:s1] =	stream.indirect.scatter.add.f32 [tilespmem:s20], [sflag:$0x3], $0x80, s29, s19, $0xb8;
	[tilespmem:$0x1E800] =	vst v63  }
0x71: {  	_ =	swait.ge [sflag:s17], $0x4000  }
0x72: {  	[sflag:s17] =	ssyncset.done $0x0  }
0x73: {  	[sflag:s17] =	ssyncadd.s32 $0xFFFFC000  }
0x74: {  	[tilespmem:s20], [sflag:$0x2] =	stream.indirect.gather [hbm4b:s4+s19], $0x80, s23, s19, $0xb8;
	[tilespmem:$0x1E800] =	vst v63  }
0x75: {  	_ =	swait.ge [sflag:s21], $0x4000  }
0x76: {  	[sflag:s21] =	ssyncset.done $0x0  }
0x77: {  	[sflag:s21] =	ssyncadd.s32 $0xFFFFC000  }
0x78: {  	[spmem:s1] =	stream.indirect.scatter.add.f32 [tilespmem:s16], [sflag:$0x3], $0x80, s24, s19, $0xb8;
	[tilespmem:$0x1E800] =	vst v63  }
0x79: {  	_ =	swait.ge [sflag:s17], $0x4000  }
0x7a: {  	[sflag:s17] =	ssyncset.done $0x0  }
0x7b: {  	[sflag:s17] =	ssyncadd.s32 $0xFFFFC000  }
0x7c: {  	_ =	swait.ge [sflag:s22], $0x4000  }
0x7d: {  	[sflag:s22] =	ssyncset.done $0x0  }
0x7e: {  	[sflag:s22] =	ssyncadd.s32 $0xFFFFC000  }
0x7f: {  	[spmem:s1] =	stream.indirect.scatter.add.f32 [tilespmem:s20], [sflag:$0x3], $0x80, s25, s19, $0xb8;
	[tilespmem:$0x1E800] =	vst v63  }
0x80: {  	_ =	swait.ge [sflag:s17], $0x4000  }
0x81: {  	[sflag:s17] =	ssyncset.done $0x0  }
0x82: {  	s30 =	simm.s32 $0x0;
	[sflag:s17] =	ssyncadd.s32 $0xFFFFC000  }
0x83: {  	[tilespmem:s30], [sflag:$0x3] =	stream.linear.gather [hbm4b:s14+s30], $0x1400, $0x38;
	[tilespmem:$0x1E800] =	vst v63  }
0x84: {  	_ =	swait.ge [sflag:s17], $0x1400  }
0x85: {  	[sflag:s17] =	ssyncset.done $0x0  }
0x86: {  	[sflag:s17] =	ssyncadd.s32 $0xFFFFEC00  }
0x87: {  	[tilespmem:s18], [sflag:$0x3] =	stream.linear.gather [hbm4b:s15+s30], $0x1400, $0x38;
	[tilespmem:$0x1E800] =	vst v63  }
0x88: {  	_ =	swait.ge [sflag:s17], $0x1400  }
0x89: {  	[sflag:s17] =	ssyncset.done $0x0  }
0x8a: {  	[sflag:s17] =	ssyncadd.s32 $0xFFFFEC00  }
0x8b: {  	[tilespmem:s16], [sflag:$0x1] =	stream.indirect.gather [hbm4b:s4+s19], $0x80, s30, s19, $0xb8;
	[tilespmem:$0x1E800] =	vst v63  }
0x8c: {  	s31 =	simm.s32 $0x80  }
0x8d: {  	[tilespmem:s20], [sflag:$0x2] =	stream.indirect.gather [hbm4b:s4+s19], $0x80, s31, s19, $0xb8;
	[tilespmem:$0x1E800] =	vst v63  }
0x8e: {  	_ =	swait.ge [sflag:s21], $0x4000  }
0x8f: {  	[sflag:s21] =	ssyncset.done $0x0  }
0x90: {  	s29 =	simm.s32 $0x1400;
	[sflag:s21] =	ssyncadd.s32 $0xFFFFC000  }
0x91: {  	[spmem:s1] =	stream.indirect.scatter.add.f32 [tilespmem:s16], [sflag:$0x3], $0x80, s29, s19, $0xb8;
	[tilespmem:$0x1E800] =	vst v63  }
0x92: {  	_ =	swait.ge [sflag:s17], $0x4000  }
0x93: {  	[sflag:s17] =	ssyncset.done $0x0  }
0x94: {  	s30 =	simm.s32 $0x100;
	[sflag:s17] =	ssyncadd.s32 $0xFFFFC000  }
0x95: {  	[tilespmem:s16], [sflag:$0x1] =	stream.indirect.gather [hbm4b:s4+s19], $0x80, s30, s19, $0xb8;
	[tilespmem:$0x1E800] =	vst v63  }
0x96: {  	_ =	swait.ge [sflag:s22], $0x4000  }
0x97: {  	[sflag:s22] =	ssyncset.done $0x0  }
0x98: {  	s31 =	simm.s32 $0x1480;
	[sflag:s22] =	ssyncadd.s32 $0xFFFFC000  }
0x99: {  	[spmem:s1] =	stream.indirect.scatter.add.f32 [tilespmem:s20], [sflag:$0x3], $0x80, s31, s19, $0xb8;
	[tilespmem:$0x1E800] =	vst v63  }
0x9a: {  	_ =	swait.ge [sflag:s17], $0x4000  }
0x9b: {  	s26 =	simm.s32 $0x100;
	s28 =	simm.s32 $0x800;
	[sflag:s17] =	ssyncset.done $0x0  }
.LBB2_6:
0x9c: {  	s29 =	sadd.s32 $0x80, s26  }
0x9d: {  	[sflag:s17] =	ssyncadd.s32 $0xFFFFC000;
	s30 =	smov.u32 s28;
	s31 =	sadd.s32 $0x400, s28  }
0x9e: {  	[tilespmem:s20], [sflag:$0x2] =	stream.indirect.gather [hbm4b:s4+s19], $0x80, s29, s19, $0xb8;
	[tilespmem:$0x1E800] =	vst v63  }
0x9f: {  	p0 =	sne.s32 s28, $0x4800;
	_ =	swait.ge [sflag:s21], $0x4000  }
0xa0: {  	[sflag:s21] =	ssyncset.done $0x0  }
0xa1: {  	s28 =	sadd.s32 $0x1400, s26;
	[sflag:s21] =	ssyncadd.s32 $0xFFFFC000  }
0xa2: {  	[spmem:s1] =	stream.indirect.scatter.add.f32 [tilespmem:s16], [sflag:$0x3], $0x80, s28, s19, $0xb8;
	[tilespmem:$0x1E800] =	vst v63  }
0xa3: {  	_ =	swait.ge [sflag:s17], $0x4000  }
0xa4: {  	[sflag:s17] =	ssyncset.done $0x0  }
0xa5: {  	s28 =	sadd.s32 $0x100, s26;
	[sflag:s17] =	ssyncadd.s32 $0xFFFFC000  }
0xa6: {  	[tilespmem:s16], [sflag:$0x1] =	stream.indirect.gather [hbm4b:s4+s19], $0x80, s28, s19, $0xb8;
	[tilespmem:$0x1E800] =	vst v63  }
0xa7: {  	_ =	swait.ge [sflag:s22], $0x4000  }
.Ltmp2:
0xa8: {  	[sflag:s22] =	ssyncset.done $0x0;
	(pc) =	sbr.rel @p0 .LBB2_6-.Ltmp2, $4  }
0xa9: {  	s26 =	sadd.s32 $0x1480, s26;
	[sflag:s22] =	ssyncadd.s32 $0xFFFFC000  }
0xaa: {  	[spmem:s1] =	stream.indirect.scatter.add.f32 [tilespmem:s20], [sflag:$0x3], $0x80, s26, s19, $0xb8;
	[tilespmem:$0x1E800] =	vst v63  }
0xab: {  	_ =	swait.ge [sflag:s17], $0x4000  }
0xac: {  	s28 =	smov.u32 s31;
	s26 =	sshra.s32 s30, $0x2;
	[sflag:s17] =	ssyncset.done $0x0  }
0xad: {  	s28 =	sadd.s32 $0x80, s26;
	[sflag:s17] =	ssyncadd.s32 $0xFFFFC000  }
0xae: {  	[tilespmem:s20], [sflag:$0x2] =	stream.indirect.gather [hbm4b:s4+s19], $0x80, s28, s19, $0xb8;
	[tilespmem:$0x1E800] =	vst v63  }
0xaf: {  	_ =	swait.ge [sflag:s21], $0x4000  }
0xb0: {  	[sflag:s21] =	ssyncset.done $0x0  }
0xb1: {  	s30 =	sadd.s32 $0x1400, s26;
	[sflag:s21] =	ssyncadd.s32 $0xFFFFC000  }
0xb2: {  	[spmem:s1] =	stream.indirect.scatter.add.f32 [tilespmem:s16], [sflag:$0x3], $0x80, s30, s19, $0xb8;
	[tilespmem:$0x1E800] =	vst v63  }
0xb3: {  	_ =	swait.ge [sflag:s17], $0x4000  }
0xb4: {  	[sflag:s17] =	ssyncset.done $0x0  }
0xb5: {  	s31 =	sadd.s32 $0x100, s26;
	[sflag:s17] =	ssyncadd.s32 $0xFFFFC000  }
0xb6: {  	[tilespmem:s16], [sflag:$0x1] =	stream.indirect.gather [hbm4b:s4+s19], $0x80, s31, s19, $0xb8;
	[tilespmem:$0x1E800] =	vst v63  }
0xb7: {  	_ =	swait.ge [sflag:s22], $0x4000  }
0xb8: {  	[sflag:s22] =	ssyncset.done $0x0  }
0xb9: {  	s29 =	sadd.s32 $0x1480, s26;
	[sflag:s22] =	ssyncadd.s32 $0xFFFFC000  }
0xba: {  	[spmem:s1] =	stream.indirect.scatter.add.f32 [tilespmem:s20], [sflag:$0x3], $0x80, s29, s19, $0xb8;
	[tilespmem:$0x1E800] =	vst v63  }
0xbb: {  	_ =	swait.ge [sflag:s17], $0x4000  }
0xbc: {  	[sflag:s17] =	ssyncset.done $0x0  }
0xbd: {  	[sflag:s17] =	ssyncadd.s32 $0xFFFFC000  }
0xbe: {  	[tilespmem:s20], [sflag:$0x2] =	stream.indirect.gather [hbm4b:s4+s19], $0x80, s23, s19, $0xb8;
	[tilespmem:$0x1E800] =	vst v63  }
0xbf: {  	_ =	swait.ge [sflag:s21], $0x4000  }
0xc0: {  	[sflag:s21] =	ssyncset.done $0x0  }
0xc1: {  	[sflag:s21] =	ssyncadd.s32 $0xFFFFC000  }
0xc2: {  	[spmem:s1] =	stream.indirect.scatter.add.f32 [tilespmem:s16], [sflag:$0x3], $0x80, s24, s19, $0xb8;
	[tilespmem:$0x1E800] =	vst v63  }
0xc3: {  	_ =	swait.ge [sflag:s17], $0x4000  }
0xc4: {  	[sflag:s17] =	ssyncset.done $0x0  }
0xc5: {  	[sflag:s17] =	ssyncadd.s32 $0xFFFFC000  }
0xc6: {  	_ =	swait.ge [sflag:s22], $0x4000  }
0xc7: {  	[sflag:s22] =	ssyncset.done $0x0  }
0xc8: {  	[sflag:s22] =	ssyncadd.s32 $0xFFFFC000  }
0xc9: {  	[spmem:s1] =	stream.indirect.scatter.add.f32 [tilespmem:s20], [sflag:$0x3], $0x80, s25, s19, $0xb8;
	[tilespmem:$0x1E800] =	vst v63  }
0xca: {  	_ =	swait.ge [sflag:s17], $0x4000  }
0xcb: {  	s3 =	sadd.s32 $0x1, s3;
	s30 =	sshll.u32 s2, $0x6;
	[sflag:s17] =	ssyncset.done $0x0  }
0xcc: {  	p0 =	sne.s32 s3, s7;
	s26 =	sor.u32 $0x1C03, s30;
	[sflag:s17] =	ssyncadd.s32 $0xFFFFC000  }
.Ltmp3:
0xcd: {  	s31 =	sshrl.u32 s5, $0x3;
	[bflag:$0x0] =	sbarrier.arrive $0xFFFF;
	(pc) =	sbr.rel @p0 .LBB2_1-.Ltmp3, $4  }
0xce: {  	[hbm:s6], [sflag:s26] =	dma.local [spmem:s31], $0x2800  }
0xcf: {  	_ =	swait.ge [sflag:s17], $0x2800  }
0xd0: {  	[sflag:s17] =	ssyncset.done $0x0  }
0xd1: {  	[sflag:s17] =	ssyncadd.s32 $0xFFFFD800  }
0xd2: {  	_ =	sfence.sel $0x180000  }
0xd3: {  	[bflag:$0x0] =	sbarrier.arrive $0xFFFF  }
0xd4: {  	p0 =	sne.s32 s2, $0x0;
	_ =	strace $0x90000050  }
0xd5: {  	s0 =	sadd.s32 @!p0 $0x100000, s0;
	[bflag:$0x2] =	sbarrier.arrive $0xFFFF  }
0xd6: {  	[sflag:s0] =	ssyncadd.tile.s32 @!p0 $0x1;
	_ =	shalt  }
.Lfunc_end2:
_tile_overlayer_lowered:
.L_overlay_start_2:
0xd7: {  	(tag) =	ssettag $0x2  }
0xd8: {  	s0 =	rddreg [dreg:$0x0];
	s2 =	stileid.u32  }
0xd9: {  	s1 =	rddreg [dreg:$0x1];
	p0 =	sne.s32 s2, $0x0  }
0xda: {  	s3 =	rddreg [dreg:$0x2];
	[bflag:$0x3] =	sbarrier.arrive $0xFFFF;
	s2 =	simm.s32 @!p0 $0x1C03  }
0xdb: {  	[timem:s3], [sflag:s2] =	dma.local @!p0 [hbm:s0], s1  }
0xdc: {  	s0 =	simm.s32 @!p0 $0x3  }
0xdd: {  	_ =	swait.ge @!p0 [sflag:s0], s1  }
0xde: {  	s1 =	ssub.s32 @!p0 $0x0, s1;
	[sflag:s0] =	ssyncset.done @!p0 $0x0  }
0xdf: {  	[sflag:s0] =	ssyncadd.s32 @!p0 s1  }
0xe0: {  	[bflag:$0x3] =	sbarrier.arrive $0xFFFF  }
0xe1: {  	_ =	shalt  }

// kernel: kernel.28.cloned.1.call-start
scs
__scs_entry_jumppad:
0x0: {  	(pc) =	sbr.rel $0x88, $3  }
0x1: {  	(tag) =	ssettag $0x0;
	lr =	simm.s32 $0x1  }
0x2: {  	[smem:$0x3F93] =	sst lr;
	_ =	strace $0xD0000000  }
0x3: {  	_ = 	snop  }
0x4: {  	_ = 	snop  }
0x5: {  	_ = 	snop  }
0x6: {  	_ = 	snop  }
0x7: {  	_ = 	snop  }
__scs_overlays_trampoline_lowered:
0x8: {  	[smem:$0x3FA2] =	sst s0  }
0x9: {  	[smem:$0x3FA3] =	sst s1  }
0xa: {  	[smem:$0x3FA4] =	sst s2  }
0xb: {  	[smem:$0x3FA5] =	sst s3  }
0xc: {  	[smem:$0x3FA6] =	sst s4  }
0xd: {  	[smem:$0x3FA7] =	sst s5  }
0xe: {  	[smem:$0x3FA8] =	sst s6  }
0xf: {  	[smem:$0x3FA9] =	sst s7  }
0x10: {  	[smem:$0x3FAA] =	sst s8  }
0x11: {  	[smem:$0x3FAB] =	sst s9;
	s0 =	simm.s32 @!p0 $0x0  }
0x12: {  	s1 =	sld [smem:$0x3F91];
	s0 =	simm.s32 @p0 $0x1  }
0x13: {  	[smem:$0x3FAC] =	sst s0;
	s0 =	simm.s32 @!p1 $0x0  }
0x14: {  	s2 =	sld [smem:$0x3F90];
	s0 =	simm.s32 @p1 $0x1  }
0x15: {  	[smem:$0x3FAD] =	sst s0;
	s0 =	simm.s32 @!p2 $0x0  }
0x16: {  	s3 =	sld [smem:$0x3FDB];
	s0 =	simm.s32 @p2 $0x1  }
0x17: {  	s4 =	simm.s32 $0x1BF5;
	[smem:$0x3FAF] =	sst s0  }
0x18: {  	s0 =	sld [smem:$0x3F92];
	_ =	swait.ge [sflag:s4], $0x0  }
0x19: {  	s7 =	sld [smem:$0x3F93]  }
0x1a: {  	s8 =	sadd.s32 $0xFFFFE003, lr  }
0x1b: {  	s9 =	sadd.s32 $0xFFFFFEF7, lr;
	s5 =	simm.s32 $0xFFFFFFFF;
	p2 =	slt.u32 s8, $0xFFFFF086  }
0x1c: {  	p1 =	slt.u32 s9, $0xF7A;
	s5 =	simm.s32 @!p2 $0x0  }
0x1d: {  	s5 =	simm.s32 @p1 $0x1;
	p0 =	seq.s32 s7, s2  }
0x1e: {  	s7 =	smul.u32 @!p0 $0xF7A, s2;
	p2 =	seq.s32 @!p0 s5, $0x0  }
0x1f: {  	s9 =	smul.u32 $0xF7A, s1;
	s8 =	simm.s32 @!p0 $0x1BF5;
	p2 =	por !p2, p0  }
0x20: {  	[sflag:s8] =	ssyncset.s32 @!p0 $0xFFFFF086;
	s6 =	sadd.s32 @!p0 s3, s7;
	s7 =	simm.s32 @!p0 $0x108  }
0x21: {  	s3 =	sadd.s32 s3, s9;
	s6 =	sadd.s32 @!p0 $0x88, s6;
	s7 =	simm.s32 @p2 $0x1082  }
0x22: {  	[simem:s7], [sflag:s8] =	dma.local @!p0 [hbm:s6], $0xF7A  }
0x23: {  	s9 =	sor.u32 $0xD0000000, s2;
	s6 =	simm.s32 $0x108;
	_ =	swait.ge @!p0 [sflag:s8], $0x0  }
0x24: {  	s3 =	sadd.s32 $0x88, s3;
	s6 =	simm.s32 @!p1 $0x1082;
	[sflag:s4] =	ssyncset.s32 $0xFFFFF086  }
0x25: {  	[simem:s6], [sflag:s4] =	dma.local [hbm:s3], $0xF7A  }
0x26: {  	[smem:$0x3F93] =	sst s1;
	(tag) =	ssettag s2;
	_ =	strace s9  }
0x27: {  	s1 =	sld [smem:$0x3FA3]  }
0x28: {  	s2 =	sld [smem:$0x3FA4]  }
0x29: {  	s4 =	sld [smem:$0x3FA6]  }
0x2a: {  	p0 =	seq.s32 s5, $0x0;
	s5 =	sld [smem:$0x3FA7]  }
0x2b: {  	s6 =	sld [smem:$0x3FA8]  }
0x2c: {  	s7 =	sld [smem:$0x3FA9]  }
0x2d: {  	s3 =	simm.s32 $0x108;
	s8 =	sld [smem:$0x3FAA]  }
0x2e: {  	s3 =	simm.s32 @!p0 $0x1082;
	s9 =	sld [smem:$0x3FAB]  }
0x2f: {  	lr =	sadd.s32 s0, s3;
	s0 =	sld [smem:$0x3FA2]  }
0x30: {  	s3 =	sld [smem:$0x3FA5]  }
0x31: {  	[smem:$0x3FAE] =	sst s10  }
0x32: {  	s10 =	sld [smem:$0x3FAC];
	_ =	sdelay $0x3  }
0x33: {  	p0 =	seq.s32 s10, $0x1;
	s10 =	sld [smem:$0x3FAE];
	_ =	sdelay $0x3  }
0x34: {  	[smem:$0x3FAE] =	sst s10  }
0x35: {  	s10 =	sld [smem:$0x3FAD];
	_ =	sdelay $0x3  }
0x36: {  	p1 =	seq.s32 s10, $0x1;
	s10 =	sld [smem:$0x3FAE];
	_ =	sdelay $0x3  }
0x37: {  	[smem:$0x3FAE] =	sst s10  }
0x38: {  	s10 =	sld [smem:$0x3FAF]  }
0x39: {  	_ = 	snop;
	(pc) =	sbr.ind lr, $3  }
0x3a: {  	_ = 	snop  }
0x3b: {  	_ = 	snop  }
0x3c: {  	p2 =	seq.s32 s10, $0x1;
	s10 =	sld [smem:$0x3FAE]  }
0x3d: {  	_ =	shalt  }
0x3e: {  	_ =	shalt  }
0x3f: {  	_ =	shalt  }
0x40: {  	_ =	shalt  }
0x41: {  	_ =	shalt  }
0x42: {  	_ =	shalt  }
0x43: {  	_ =	shalt  }
0x44: {  	_ =	shalt  }
0x45: {  	_ =	shalt  }
0x46: {  	_ =	shalt  }
0x47: {  	_ =	shalt  }
0x48: {  	_ =	shalt  }
0x49: {  	_ =	shalt  }
0x4a: {  	_ =	shalt  }
0x4b: {  	_ =	shalt  }
0x4c: {  	_ =	shalt  }
0x4d: {  	_ =	shalt  }
0x4e: {  	_ =	shalt  }
0x4f: {  	_ =	shalt  }
0x50: {  	_ =	shalt  }
0x51: {  	_ =	shalt  }
0x52: {  	_ =	shalt  }
0x53: {  	_ =	shalt  }
0x54: {  	_ =	shalt  }
0x55: {  	_ =	shalt  }
0x56: {  	_ =	shalt  }
0x57: {  	_ =	shalt  }
0x58: {  	_ =	shalt  }
0x59: {  	_ =	shalt  }
0x5a: {  	_ =	shalt  }
0x5b: {  	_ =	shalt  }
0x5c: {  	_ =	shalt  }
0x5d: {  	_ =	shalt  }
0x5e: {  	_ =	shalt  }
0x5f: {  	_ =	shalt  }
0x60: {  	_ =	shalt  }
0x61: {  	_ =	shalt  }
0x62: {  	_ =	shalt  }
0x63: {  	_ =	shalt  }
0x64: {  	_ =	shalt  }
0x65: {  	_ =	shalt  }
0x66: {  	_ =	shalt  }
0x67: {  	_ =	shalt  }
0x68: {  	_ =	shalt  }
0x69: {  	_ =	shalt  }
0x6a: {  	_ =	shalt  }
0x6b: {  	_ =	shalt  }
0x6c: {  	_ =	shalt  }
0x6d: {  	_ =	shalt  }
0x6e: {  	_ =	shalt  }
0x6f: {  	_ =	shalt  }
0x70: {  	_ =	shalt  }
0x71: {  	_ =	shalt  }
0x72: {  	_ =	shalt  }
0x73: {  	_ =	shalt  }
0x74: {  	_ =	shalt  }
0x75: {  	_ =	shalt  }
0x76: {  	_ =	shalt  }
0x77: {  	_ =	shalt  }
0x78: {  	_ =	shalt  }
0x79: {  	_ =	shalt  }
0x7a: {  	_ =	shalt  }
0x7b: {  	_ =	shalt  }
0x7c: {  	_ =	shalt  }
0x7d: {  	_ =	shalt  }
0x7e: {  	_ =	shalt  }
0x7f: {  	_ =	shalt  }
0x80: {  	_ =	shalt  }
0x81: {  	_ =	shalt  }
0x82: {  	_ =	shalt  }
0x83: {  	_ =	shalt  }
0x84: {  	_ =	shalt  }
0x85: {  	_ =	shalt  }
0x86: {  	_ =	shalt  }
0x87: {  	_ =	shalt  }
.Lfunc_end0:
.L_simem_size_0:
called_computation.3_lowered:
.L_overlay_start_0:
0x88: {  	s2 =	sld [smem:$0x3FD9]  }
0x89: {  	s3 =	sld [smem:$0x3FFE];
	_ =	sdelay $0x1  }
0x8a: {  	s1 =	srdreg.scid  }
0x8b: {  	s0 =	sand.u32 $0x1, s1  }
0x8c: {  	s17 =	sshll.u32 s0, $0xA;
	s2 =	sadd.s32 s3, s2  }
0x8d: {  	s2 =	sadd.s32 s2, s17  }
0x8e: {  	[smem:$0x3FBA] =	sst s2  }
0x8f: {  	_ = 	snop  }
0x90: {  	(tm) =	ssettm $0x1  }
0x91: {  	s18 =	sld [smem:$0x3FFB];
	_ =	sdelay $0x3  }
0x92: {  	_ =	strace s18  }
0x93: {  	s2 =	sld [smem:$0x3FFC];
	_ =	sdelay $0x3  }
0x94: {  	_ =	strace s2  }
0x95: {  	s2 =	sld [smem:$0x3FFD];
	_ =	sdelay $0x3  }
0x96: {  	_ =	strace s2  }
0x97: {  	_ =	strace $0x8FFFFFFF  }
0x98: {  	s19 =	sld [smem:$0x3FDB];
	_ =	sdelay $0x1  }
0x99: {  	s20 =	simm.s32 $_scs_section_size  }
0x9a: {  	s4 =	simm.s32 $_size__tile_overlayer_lowered;
	s5 =	simm.s32 $_tile_overlayer_lowered  }
0x9b: {  	s6 =	simm.s32 $0x1BFF;
	s21 =	sshll.u32 s5, $0x1;
	s3 =	sadd.s32 s20, s19  }
0x9c: {  	s22 =	simm.s32 $0x0;
	s4 =	sshll.u32 s4, $0x1;
	s5 =	sadd.s32 s21, s3  }
0x9d: {  	[timem:s22], [sflag:s6] =	dma.local [hbm:s5], s4  }
0x9e: {  	_ =	swait.ge [sflag:s6], s4  }
0x9f: {  	s4 =	ssub.s32 $0x0, s4;
	[sflag:s6] =	ssyncset.done $0x0  }
0xa0: {  	[sflag:s6] =	ssyncadd.s32 s4;
	_ =	sdelay $0x1  }
0xa1: {  	s23 =	simm.s32 $0x1B8B  }
0xa2: {  	_ =	swait.ge [sflag:s23], $0x1  }
0xa3: {  	[sflag:s23] =	ssyncset.done $0x0  }
0xa4: {  	[sflag:s23] =	ssyncadd.s32 $0xFFFFFFFF  }
0xa5: {  	s4 =	sld [smem:$0x0]  }
0xa6: {  	s5 =	sand.u32 $0xFFFFFFFE, s1  }
0xa7: {  	p0 =	sne.s32 s1, s5  }
0xa8: {  	s5 =	sshll.u32 @p0 s5, $0xE  }
0xa9: {  	s5 =	sadd.s32 @p0 $0x11B8D, s5;
	s6 =	sshll.u32 @p0 s4, $0x11  }
0xaa: {  	s5 =	sor.u32 @p0 s6, s5  }
0xab: {  	[sflag:s5] =	ssyncadd.remote.s32 @p0 $0x1;
	_ =	sdelay $0x1  }
0xac: {  	s5 =	simm.s32 @p0 $0x1B8D  }
0xad: {  	_ =	swait.eq @p0 [sflag:s5], $0x1  }
0xae: {  	[sflag:s5] =	ssyncadd.s32 @p0 $0xFFFFFFFF  }
0xaf: {  	s6 =	sshll.u32 @!p0 s1, $0xE  }
0xb0: {  	s6 =	sor.u32 @!p0 $0x4000, s6;
	s5 =	simm.s32 @!p0 $0x1B8D  }
0xb1: {  	s4 =	sshll.u32 @!p0 s4, $0x11;
	s6 =	sadd.s32 @!p0 $0x11B8D, s6;
	_ =	swait.eq @!p0 [sflag:s5], $0x1  }
0xb2: {  	s4 =	sor.u32 @!p0 s4, s6;
	[sflag:s5] =	ssyncadd.s32 @!p0 $0xFFFFFFFF  }
0xb3: {  	s25 =	simm.s32 $0x1B8E;
	s24 =	sld [smem:$0x3FFE];
	[sflag:s4] =	ssyncadd.remote.s32 @!p0 $0x1  }
0xb4: {  	s26 =	simm.s32 $execute0_lowered;
	[smem:$0x3FD2] =	sst s25  }
0xb5: {  	s5 =	sshll.u32 s26, $0x1;
	_ =	strace $0x8000004C;
	[dreg:$0x1] =	wrdreg $0xFFFFFFFF  }
0xb6: {  	s28 =	simm.s32 $_size_execute0_lowered;
	s3 =	sadd.s32 s3, s5;
	[dreg:$0x0] =	wrdreg $0x0  }
0xb7: {  	s5 =	sshll.u32 s28, $0x1;
	[dreg:$0x2] =	wrdreg s3  }
0xb8: {  	[dreg:$0x3] =	wrdreg s5  }
0xb9: {  	[dreg:$0x4] =	wrdreg $0xC0  }
0xba: {  	_ =	task [dreg:s22], $0x5FFFF  }
0xbb: {  	[dreg:$0x1] =	wrdreg $0xFFFFFFFF  }
0xbc: {  	[dreg:$0x0] =	wrdreg $0x60  }
0xbd: {  	[dreg:$0x2] =	wrdreg s24  }
0xbe: {  	[dreg:$0x3] =	wrdreg $0xA8000  }
0xbf: {  	[dreg:$0x4] =	wrdreg $0xA  }
0xc0: {  	_ =	task.clear_ibuf [dreg:s22], $0x5FFFF;
	_ =	strace $0x9000004C  }
0xc1: {  	s29 =	simm.s32 $0xA;
	_ =	strace $0x8000004E  }
0xc2: {  	_ =	swait.ge [sflag:s29], $0x1  }
0xc3: {  	[sflag:s29] =	ssyncadd.s32 $0xFFFFFFFF  }
0xc4: {  	_ =	strace $0x9000004E  }
0xc5: {  	_ =	sfence  }
0xc6: {  	s30 =	sld [smem:$0x0];
	_ =	sdelay $0x2  }
0xc7: {  	s31 =	sshll.u32 s1, $0xD;
	s1 =	sshrl.u32 s1, $0x2  }
0xc8: {  	s4 =	sand.u32 $0x4000, s31;
	s1 =	sadd.s32 s1, s30  }
0xc9: {  	s0 =	sor.u32 s4, s0;
	s1 =	sshll.u32 s1, $0x11  }
0xca: {  	s0 =	sor.u32 s1, s0  }
0xcb: {  	s0 =	sadd.s32 $0x8F2B, s0  }
0xcc: {  	[sflag:s0] =	ssyncadd.remote.s32 $0x1  }
0xcd: {  	_ =	sfence.sel $0xFFFF  }
0xce: {  	[dreg:$0x0] =	wrdreg $0xFFFFFFFF;
	(pc) =	sbr.abs _section_cstart, $3  }
0xcf: {  	[dreg:$0x1] =	wrdreg $0xFFFFFFFF  }
0xd0: {  	_ =	task.clear_ibuf [dreg:s22], $0x2FFFF;
	_ =	strace $0x9FFFFFFF  }
0xd1: {  	(tm) =	ssettm $0x7FFFFFFF  }
tec
execute0_lowered:
.L_overlay_start_1:
0x0: {  	(tag) =	ssettag $0x1  }
0x1: {  	s7 =	rddreg [dreg:$0x0]  }
0x2: {  	s1 =	rddreg [dreg:$0x1]  }
0x3: {  	s0 =	rddreg [dreg:$0x2]  }
0x4: {  	s3 =	simm.s32 $0x0;
	s2 =	stileid.u32;
	s5 =	srdreg.scid  }
0x5: {  	s17 =	simm.s32 $0x3;
	s18 =	simm.s32 $0x1400;
	s19 =	simm.s32 $0x80  }
0x6: {  	s20 =	simm.s32 $0x6800;
	s21 =	simm.s32 $0x1;
	s22 =	simm.s32 $0x2  }
0x7: {  	s23 =	simm.s32 $0x1380;
	[smem:$0x7FF] =	sst s3;
	s4 =	sadd.s32 $0x2D200, s7  }
0x8: {  	s14 =	sadd.s32 $0xF200, s7;
	s24 =	smul.u32 $0x2800, s2;
	s6 =	sand.u32 $0x1, s5  }
0x9: {  	s15 =	sadd.s32 $0x5200, s7;
	s8 =	smul.u32 $0x50000, s2;
	s25 =	sadd.s32 $0xF5200, s7  }
0xa: {  	_ =	strace $0x8000004D;
	s5 =	ssub.s32 $0x2, s6;
	s11 =	sshll.u32 s6, $0x4  }
0xb: {  	p0 =	seq.s32 s6, $0x1;
	s9 =	sadd.s32 s24, s7;
	s10 =	sshrl.u32 s5, $0x1  }
0xc: {  	s11 =	sor.u32 s2, s11;
	s31 =	sshrl.u32 s8, $0x2;
	s25 =	sadd.s32 @p0 s24, s25  }
0xd: {  	s24 =	simm.s32 $0x2700;
	s10 =	ssub.s32 s5, s10;
	s5 =	sadd.s32 s31, s1  }
0xe: {  	s6 =	sadd.s32 $0xCD200, s9;
	s13 =	smul.u32 $0x500, s11;
	s7 =	smax.u32 s10, $0x1  }
0xf: {  	s8 =	sadd.s32 $0x4000, s5;
	s9 =	sadd.s32 $0x8000, s5;
	s10 =	sadd.s32 $0xC000, s5  }
0x10: {  	s11 =	sadd.s32 $0x10000, s5;
	s6 =	smov.u32 @p0 s25;
	s25 =	simm.s32 $0x2780  }
0x11: {  	s12 =	sadd.s32 s14, s13;
	s16 =	sadd.s32 $0x280, s13;
	s13 =	sadd.s32 s15, s13  }
0x12: {  	v0 =	vimm.f32 $0.0e+00;
	s14 =	sadd.s32 s14, s16;
	s15 =	sadd.s32 s15, s16;
	s16 =	simm.s32 $0x2800  }
.LBB2_1:
0x13: {  	s26 =	simm.s32 $0x0;
	s28 =	simm.s32 $0x200  }
.LBB2_2:
0x14: {  	p0 =	sne.s32 s28, $0xFE00;
	[tilespmem:s26+$0x2870] =	vst v0  }
0x15: {  	[tilespmem:s26+$0x2800] =	vst v0  }
0x16: {  	[tilespmem:s26+$0x2810] =	vst v0  }
.Ltmp0:
0x17: {  	[tilespmem:s26+$0x2820] =	vst v0;
	(pc) =	sbr.rel @p0 .LBB2_2-.Ltmp0, $4  }
0x18: {  	[tilespmem:s26+$0x2830] =	vst v0  }
0x19: {  	[tilespmem:s26+$0x2840] =	vst v0  }
0x1a: {  	[tilespmem:s26+$0x2850] =	vst v0  }
0x1b: {  	[tilespmem:s26+$0x2860] =	vst v0;
	s26 =	sshra.s32 s28, $0x2;
	s28 =	sadd.s32 $0x200, s28  }
0x1c: {  	[tilespmem:s26+$0x2870] =	vst v0  }
0x1d: {  	[tilespmem:s26+$0x2800] =	vst v0  }
0x1e: {  	[tilespmem:s26+$0x2810] =	vst v0  }
0x1f: {  	[tilespmem:s26+$0x2820] =	vst v0  }
0x20: {  	[tilespmem:s26+$0x2830] =	vst v0  }
0x21: {  	[tilespmem:s26+$0x2840] =	vst v0  }
0x22: {  	[tilespmem:s26+$0x2850] =	vst v0  }
0x23: {  	[tilespmem:s26+$0x2860] =	vst v0  }
0x24: {  	[spmem:s5] =	stream.linear.scatter [tilespmem:s16], [sflag:$0x3], $0x4000, $0x38;
	[tilespmem:$0x1E800] =	vst v63  }
0x25: {  	_ =	swait.ge [sflag:s17], $0x4000  }
0x26: {  	[sflag:s17] =	ssyncset.done $0x0  }
0x27: {  	[sflag:s17] =	ssyncadd.s32 $0xFFFFC000  }
0x28: {  	[spmem:s8] =	stream.linear.scatter [tilespmem:s16], [sflag:$0x3], $0x4000, $0x38;
	[tilespmem:$0x1E800] =	vst v63  }
0x29: {  	_ =	swait.ge [sflag:s17], $0x4000  }
0x2a: {  	[sflag:s17] =	ssyncset.done $0x0  }
0x2b: {  	[sflag:s17] =	ssyncadd.s32 $0xFFFFC000  }
0x2c: {  	[spmem:s9] =	stream.linear.scatter [tilespmem:s16], [sflag:$0x3], $0x4000, $0x38;
	[tilespmem:$0x1E800] =	vst v63  }
0x2d: {  	_ =	swait.ge [sflag:s17], $0x4000  }
0x2e: {  	[sflag:s17] =	ssyncset.done $0x0  }
0x2f: {  	[sflag:s17] =	ssyncadd.s32 $0xFFFFC000  }
0x30: {  	[spmem:s10] =	stream.linear.scatter [tilespmem:s16], [sflag:$0x3], $0x4000, $0x38;
	[tilespmem:$0x1E800] =	vst v63  }
0x31: {  	_ =	swait.ge [sflag:s17], $0x4000  }
0x32: {  	[sflag:s17] =	ssyncset.done $0x0  }
0x33: {  	[sflag:s17] =	ssyncadd.s32 $0xFFFFC000  }
0x34: {  	[spmem:s11] =	stream.linear.scatter [tilespmem:s16], [sflag:$0x3], $0x4000, $0x38;
	[tilespmem:$0x1E800] =	vst v63  }
0x35: {  	_ =	swait.ge [sflag:s17], $0x4000  }
0x36: {  	[sflag:s17] =	ssyncset.done $0x0  }
0x37: {  	[sflag:s17] =	ssyncadd.s32 $0xFFFFC000  }
0x38: {  	s30 =	simm.s32 $0x0;
	[bflag:$0x0] =	sbarrier.arrive $0xFFFF  }
0x39: {  	[tilespmem:s30], [sflag:$0x3] =	stream.linear.gather [hbm4b:s12+s30], $0x1400, $0x38;
	[tilespmem:$0x1E800] =	vst v63  }
0x3a: {  	_ =	swait.ge [sflag:s17], $0x1400  }
0x3b: {  	[sflag:s17] =	ssyncset.done $0x0  }
0x3c: {  	[sflag:s17] =	ssyncadd.s32 $0xFFFFEC00  }
0x3d: {  	[tilespmem:s18], [sflag:$0x3] =	stream.linear.gather [hbm4b:s13+s30], $0x1400, $0x38;
	[tilespmem:$0x1E800] =	vst v63  }
0x3e: {  	_ =	swait.ge [sflag:s17], $0x1400  }
0x3f: {  	[sflag:s17] =	ssyncset.done $0x0  }
0x40: {  	[sflag:s17] =	ssyncadd.s32 $0xFFFFEC00  }
0x41: {  	[tilespmem:s16], [sflag:$0x1] =	stream.indirect.gather [hbm4b:s4+s19], $0x80, s30, s19, $0xb8;
	[tilespmem:$0x1E800] =	vst v63  }
0x42: {  	s31 =	simm.s32 $0x80  }
0x43: {  	[tilespmem:s20], [sflag:$0x2] =	stream.indirect.gather [hbm4b:s4+s19], $0x80, s31, s19, $0xb8;
	[tilespmem:$0x1E800] =	vst v63  }
0x44: {  	_ =	swait.ge [sflag:s21], $0x4000  }
0x45: {  	[sflag:s21] =	ssyncset.done $0x0  }
0x46: {  	s29 =	simm.s32 $0x1400;
	[sflag:s21] =	ssyncadd.s32 $0xFFFFC000  }
0x47: {  	[spmem:s1] =	stream.indirect.scatter.add.f32 [tilespmem:s16], [sflag:$0x3], $0x80, s29, s19, $0xb8;
	[tilespmem:$0x1E800] =	vst v63  }
0x48: {  	_ =	swait.ge [sflag:s17], $0x4000  }
0x49: {  	[sflag:s17] =	ssyncset.done $0x0  }
0x4a: {  	s30 =	simm.s32 $0x100;
	[sflag:s17] =	ssyncadd.s32 $0xFFFFC000  }
0x4b: {  	[tilespmem:s16], [sflag:$0x1] =	stream.indirect.gather [hbm4b:s4+s19], $0x80, s30, s19, $0xb8;
	[tilespmem:$0x1E800] =	vst v63  }
0x4c: {  	_ =	swait.ge [sflag:s22], $0x4000  }
0x4d: {  	[sflag:s22] =	ssyncset.done $0x0  }
0x4e: {  	s31 =	simm.s32 $0x1480;
	[sflag:s22] =	ssyncadd.s32 $0xFFFFC000  }
0x4f: {  	[spmem:s1] =	stream.indirect.scatter.add.f32 [tilespmem:s20], [sflag:$0x3], $0x80, s31, s19, $0xb8;
	[tilespmem:$0x1E800] =	vst v63  }
0x50: {  	_ =	swait.ge [sflag:s17], $0x4000  }
0x51: {  	s28 =	simm.s32 $0x800;
	s26 =	simm.s32 $0x100;
	[sflag:s17] =	ssyncset.done $0x0  }
.LBB2_4:
0x52: {  	s29 =	sadd.s32 $0x80, s26  }
0x53: {  	[sflag:s17] =	ssyncadd.s32 $0xFFFFC000;
	s30 =	smov.u32 s28;
	s31 =	sadd.s32 $0x400, s28  }
0x54: {  	[tilespmem:s20], [sflag:$0x2] =	stream.indirect.gather [hbm4b:s4+s19], $0x80, s29, s19, $0xb8;
	[tilespmem:$0x1E800] =	vst v63  }
0x55: {  	p0 =	sne.s32 s28, $0x4800;
	_ =	swait.ge [sflag:s21], $0x4000  }
0x56: {  	[sflag:s21] =	ssyncset.done $0x0  }
0x57: {  	s28 =	sadd.s32 $0x1400, s26;
	[sflag:s21] =	ssyncadd.s32 $0xFFFFC000  }
0x58: {  	[spmem:s1] =	stream.indirect.scatter.add.f32 [tilespmem:s16], [sflag:$0x3], $0x80, s28, s19, $0xb8;
	[tilespmem:$0x1E800] =	vst v63  }
0x59: {  	_ =	swait.ge [sflag:s17], $0x4000  }
0x5a: {  	[sflag:s17] =	ssyncset.done $0x0  }
0x5b: {  	s28 =	sadd.s32 $0x100, s26;
	[sflag:s17] =	ssyncadd.s32 $0xFFFFC000  }
0x5c: {  	[tilespmem:s16], [sflag:$0x1] =	stream.indirect.gather [hbm4b:s4+s19], $0x80, s28, s19, $0xb8;
	[tilespmem:$0x1E800] =	vst v63  }
0x5d: {  	_ =	swait.ge [sflag:s22], $0x4000  }
.Ltmp1:
0x5e: {  	[sflag:s22] =	ssyncset.done $0x0;
	(pc) =	sbr.rel @p0 .LBB2_4-.Ltmp1, $4  }
0x5f: {  	s26 =	sadd.s32 $0x1480, s26;
	[sflag:s22] =	ssyncadd.s32 $0xFFFFC000  }
0x60: {  	[spmem:s1] =	stream.indirect.scatter.add.f32 [tilespmem:s20], [sflag:$0x3], $0x80, s26, s19, $0xb8;
	[tilespmem:$0x1E800] =	vst v63  }
0x61: {  	_ =	swait.ge [sflag:s17], $0x4000  }
0x62: {  	s28 =	smov.u32 s31;
	s26 =	sshra.s32 s30, $0x2;
	[sflag:s17] =	ssyncset.done $0x0  }
0x63: {  	s28 =	sadd.s32 $0x80, s26;
	[sflag:s17] =	ssyncadd.s32 $0xFFFFC000  }
0x64: {  	[tilespmem:s20], [sflag:$0x2] =	stream.indirect.gather [hbm4b:s4+s19], $0x80, s28, s19, $0xb8;
	[tilespmem:$0x1E800] =	vst v63  }
0x65: {  	_ =	swait.ge [sflag:s21], $0x4000  }
0x66: {  	[sflag:s21] =	ssyncset.done $0x0  }
0x67: {  	s28 =	sadd.s32 $0x1400, s26;
	[sflag:s21] =	ssyncadd.s32 $0xFFFFC000  }
0x68: {  	[spmem:s1] =	stream.indirect.scatter.add.f32 [tilespmem:s16], [sflag:$0x3], $0x80, s28, s19, $0xb8;
	[tilespmem:$0x1E800] =	vst v63  }
0x69: {  	_ =	swait.ge [sflag:s17], $0x4000  }
0x6a: {  	[sflag:s17] =	ssyncset.done $0x0  }
0x6b: {  	s28 =	sadd.s32 $0x100, s26;
	[sflag:s17] =	ssyncadd.s32 $0xFFFFC000  }
0x6c: {  	[tilespmem:s16], [sflag:$0x1] =	stream.indirect.gather [hbm4b:s4+s19], $0x80, s28, s19, $0xb8;
	[tilespmem:$0x1E800] =	vst v63  }
0x6d: {  	_ =	swait.ge [sflag:s22], $0x4000  }
0x6e: {  	[sflag:s22] =	ssyncset.done $0x0  }
0x6f: {  	s29 =	sadd.s32 $0x1480, s26;
	[sflag:s22] =	ssyncadd.s32 $0xFFFFC000  }
0x70: {  	[spmem:s1] =	stream.indirect.scatter.add.f32 [tilespmem:s20], [sflag:$0x3], $0x80, s29, s19, $0xb8;
	[tilespmem:$0x1E800] =	vst v63  }
0x71: {  	_ =	swait.ge [sflag:s17], $0x4000  }
0x72: {  	[sflag:s17] =	ssyncset.done $0x0  }
0x73: {  	[sflag:s17] =	ssyncadd.s32 $0xFFFFC000  }
0x74: {  	[tilespmem:s20], [sflag:$0x2] =	stream.indirect.gather [hbm4b:s4+s19], $0x80, s23, s19, $0xb8;
	[tilespmem:$0x1E800] =	vst v63  }
0x75: {  	_ =	swait.ge [sflag:s21], $0x4000  }
0x76: {  	[sflag:s21] =	ssyncset.done $0x0  }
0x77: {  	[sflag:s21] =	ssyncadd.s32 $0xFFFFC000  }
0x78: {  	[spmem:s1] =	stream.indirect.scatter.add.f32 [tilespmem:s16], [sflag:$0x3], $0x80, s24, s19, $0xb8;
	[tilespmem:$0x1E800] =	vst v63  }
0x79: {  	_ =	swait.ge [sflag:s17], $0x4000  }
0x7a: {  	[sflag:s17] =	ssyncset.done $0x0  }
0x7b: {  	[sflag:s17] =	ssyncadd.s32 $0xFFFFC000  }
0x7c: {  	_ =	swait.ge [sflag:s22], $0x4000  }
0x7d: {  	[sflag:s22] =	ssyncset.done $0x0  }
0x7e: {  	[sflag:s22] =	ssyncadd.s32 $0xFFFFC000  }
0x7f: {  	[spmem:s1] =	stream.indirect.scatter.add.f32 [tilespmem:s20], [sflag:$0x3], $0x80, s25, s19, $0xb8;
	[tilespmem:$0x1E800] =	vst v63  }
0x80: {  	_ =	swait.ge [sflag:s17], $0x4000  }
0x81: {  	[sflag:s17] =	ssyncset.done $0x0  }
0x82: {  	s30 =	simm.s32 $0x0;
	[sflag:s17] =	ssyncadd.s32 $0xFFFFC000  }
0x83: {  	[tilespmem:s30], [sflag:$0x3] =	stream.linear.gather [hbm4b:s14+s30], $0x1400, $0x38;
	[tilespmem:$0x1E800] =	vst v63  }
0x84: {  	_ =	swait.ge [sflag:s17], $0x1400  }
0x85: {  	[sflag:s17] =	ssyncset.done $0x0  }
0x86: {  	[sflag:s17] =	ssyncadd.s32 $0xFFFFEC00  }
0x87: {  	[tilespmem:s18], [sflag:$0x3] =	stream.linear.gather [hbm4b:s15+s30], $0x1400, $0x38;
	[tilespmem:$0x1E800] =	vst v63  }
0x88: {  	_ =	swait.ge [sflag:s17], $0x1400  }
0x89: {  	[sflag:s17] =	ssyncset.done $0x0  }
0x8a: {  	[sflag:s17] =	ssyncadd.s32 $0xFFFFEC00  }
0x8b: {  	[tilespmem:s16], [sflag:$0x1] =	stream.indirect.gather [hbm4b:s4+s19], $0x80, s30, s19, $0xb8;
	[tilespmem:$0x1E800] =	vst v63  }
0x8c: {  	s31 =	simm.s32 $0x80  }
0x8d: {  	[tilespmem:s20], [sflag:$0x2] =	stream.indirect.gather [hbm4b:s4+s19], $0x80, s31, s19, $0xb8;
	[tilespmem:$0x1E800] =	vst v63  }
0x8e: {  	_ =	swait.ge [sflag:s21], $0x4000  }
0x8f: {  	[sflag:s21] =	ssyncset.done $0x0  }
0x90: {  	s29 =	simm.s32 $0x1400;
	[sflag:s21] =	ssyncadd.s32 $0xFFFFC000  }
0x91: {  	[spmem:s1] =	stream.indirect.scatter.add.f32 [tilespmem:s16], [sflag:$0x3], $0x80, s29, s19, $0xb8;
	[tilespmem:$0x1E800] =	vst v63  }
0x92: {  	_ =	swait.ge [sflag:s17], $0x4000  }
0x93: {  	[sflag:s17] =	ssyncset.done $0x0  }
0x94: {  	s30 =	simm.s32 $0x100;
	[sflag:s17] =	ssyncadd.s32 $0xFFFFC000  }
0x95: {  	[tilespmem:s16], [sflag:$0x1] =	stream.indirect.gather [hbm4b:s4+s19], $0x80, s30, s19, $0xb8;
	[tilespmem:$0x1E800] =	vst v63  }
0x96: {  	_ =	swait.ge [sflag:s22], $0x4000  }
0x97: {  	[sflag:s22] =	ssyncset.done $0x0  }
0x98: {  	s31 =	simm.s32 $0x1480;
	[sflag:s22] =	ssyncadd.s32 $0xFFFFC000  }
0x99: {  	[spmem:s1] =	stream.indirect.scatter.add.f32 [tilespmem:s20], [sflag:$0x3], $0x80, s31, s19, $0xb8;
	[tilespmem:$0x1E800] =	vst v63  }
0x9a: {  	_ =	swait.ge [sflag:s17], $0x4000  }
0x9b: {  	s26 =	simm.s32 $0x100;
	s28 =	simm.s32 $0x800;
	[sflag:s17] =	ssyncset.done $0x0  }
.LBB2_6:
0x9c: {  	s29 =	sadd.s32 $0x80, s26  }
0x9d: {  	[sflag:s17] =	ssyncadd.s32 $0xFFFFC000;
	s30 =	smov.u32 s28;
	s31 =	sadd.s32 $0x400, s28  }
0x9e: {  	[tilespmem:s20], [sflag:$0x2] =	stream.indirect.gather [hbm4b:s4+s19], $0x80, s29, s19, $0xb8;
	[tilespmem:$0x1E800] =	vst v63  }
0x9f: {  	p0 =	sne.s32 s28, $0x4800;
	_ =	swait.ge [sflag:s21], $0x4000  }
0xa0: {  	[sflag:s21] =	ssyncset.done $0x0  }
0xa1: {  	s28 =	sadd.s32 $0x1400, s26;
	[sflag:s21] =	ssyncadd.s32 $0xFFFFC000  }
0xa2: {  	[spmem:s1] =	stream.indirect.scatter.add.f32 [tilespmem:s16], [sflag:$0x3], $0x80, s28, s19, $0xb8;
	[tilespmem:$0x1E800] =	vst v63  }
0xa3: {  	_ =	swait.ge [sflag:s17], $0x4000  }
0xa4: {  	[sflag:s17] =	ssyncset.done $0x0  }
0xa5: {  	s28 =	sadd.s32 $0x100, s26;
	[sflag:s17] =	ssyncadd.s32 $0xFFFFC000  }
0xa6: {  	[tilespmem:s16], [sflag:$0x1] =	stream.indirect.gather [hbm4b:s4+s19], $0x80, s28, s19, $0xb8;
	[tilespmem:$0x1E800] =	vst v63  }
0xa7: {  	_ =	swait.ge [sflag:s22], $0x4000  }
.Ltmp2:
0xa8: {  	[sflag:s22] =	ssyncset.done $0x0;
	(pc) =	sbr.rel @p0 .LBB2_6-.Ltmp2, $4  }
0xa9: {  	s26 =	sadd.s32 $0x1480, s26;
	[sflag:s22] =	ssyncadd.s32 $0xFFFFC000  }
0xaa: {  	[spmem:s1] =	stream.indirect.scatter.add.f32 [tilespmem:s20], [sflag:$0x3], $0x80, s26, s19, $0xb8;
	[tilespmem:$0x1E800] =	vst v63  }
0xab: {  	_ =	swait.ge [sflag:s17], $0x4000  }
0xac: {  	s28 =	smov.u32 s31;
	s26 =	sshra.s32 s30, $0x2;
	[sflag:s17] =	ssyncset.done $0x0  }
0xad: {  	s28 =	sadd.s32 $0x80, s26;
	[sflag:s17] =	ssyncadd.s32 $0xFFFFC000  }
0xae: {  	[tilespmem:s20], [sflag:$0x2] =	stream.indirect.gather [hbm4b:s4+s19], $0x80, s28, s19, $0xb8;
	[tilespmem:$0x1E800] =	vst v63  }
0xaf: {  	_ =	swait.ge [sflag:s21], $0x4000  }
0xb0: {  	[sflag:s21] =	ssyncset.done $0x0  }
0xb1: {  	s30 =	sadd.s32 $0x1400, s26;
	[sflag:s21] =	ssyncadd.s32 $0xFFFFC000  }
0xb2: {  	[spmem:s1] =	stream.indirect.scatter.add.f32 [tilespmem:s16], [sflag:$0x3], $0x80, s30, s19, $0xb8;
	[tilespmem:$0x1E800] =	vst v63  }
0xb3: {  	_ =	swait.ge [sflag:s17], $0x4000  }
0xb4: {  	[sflag:s17] =	ssyncset.done $0x0  }
0xb5: {  	s31 =	sadd.s32 $0x100, s26;
	[sflag:s17] =	ssyncadd.s32 $0xFFFFC000  }
0xb6: {  	[tilespmem:s16], [sflag:$0x1] =	stream.indirect.gather [hbm4b:s4+s19], $0x80, s31, s19, $0xb8;
	[tilespmem:$0x1E800] =	vst v63  }
0xb7: {  	_ =	swait.ge [sflag:s22], $0x4000  }
0xb8: {  	[sflag:s22] =	ssyncset.done $0x0  }
0xb9: {  	s29 =	sadd.s32 $0x1480, s26;
	[sflag:s22] =	ssyncadd.s32 $0xFFFFC000  }
0xba: {  	[spmem:s1] =	stream.indirect.scatter.add.f32 [tilespmem:s20], [sflag:$0x3], $0x80, s29, s19, $0xb8;
	[tilespmem:$0x1E800] =	vst v63  }
0xbb: {  	_ =	swait.ge [sflag:s17], $0x4000  }
0xbc: {  	[sflag:s17] =	ssyncset.done $0x0  }
0xbd: {  	[sflag:s17] =	ssyncadd.s32 $0xFFFFC000  }
0xbe: {  	[tilespmem:s20], [sflag:$0x2] =	stream.indirect.gather [hbm4b:s4+s19], $0x80, s23, s19, $0xb8;
	[tilespmem:$0x1E800] =	vst v63  }
0xbf: {  	_ =	swait.ge [sflag:s21], $0x4000  }
0xc0: {  	[sflag:s21] =	ssyncset.done $0x0  }
0xc1: {  	[sflag:s21] =	ssyncadd.s32 $0xFFFFC000  }
0xc2: {  	[spmem:s1] =	stream.indirect.scatter.add.f32 [tilespmem:s16], [sflag:$0x3], $0x80, s24, s19, $0xb8;
	[tilespmem:$0x1E800] =	vst v63  }
0xc3: {  	_ =	swait.ge [sflag:s17], $0x4000  }
0xc4: {  	[sflag:s17] =	ssyncset.done $0x0  }
0xc5: {  	[sflag:s17] =	ssyncadd.s32 $0xFFFFC000  }
0xc6: {  	_ =	swait.ge [sflag:s22], $0x4000  }
0xc7: {  	[sflag:s22] =	ssyncset.done $0x0  }
0xc8: {  	[sflag:s22] =	ssyncadd.s32 $0xFFFFC000  }
0xc9: {  	[spmem:s1] =	stream.indirect.scatter.add.f32 [tilespmem:s20], [sflag:$0x3], $0x80, s25, s19, $0xb8;
	[tilespmem:$0x1E800] =	vst v63  }
0xca: {  	_ =	swait.ge [sflag:s17], $0x4000  }
0xcb: {  	s3 =	sadd.s32 $0x1, s3;
	s30 =	sshll.u32 s2, $0x6;
	[sflag:s17] =	ssyncset.done $0x0  }
0xcc: {  	p0 =	sne.s32 s3, s7;
	s26 =	sor.u32 $0x1C03, s30;
	[sflag:s17] =	ssyncadd.s32 $0xFFFFC000  }
.Ltmp3:
0xcd: {  	s31 =	sshrl.u32 s5, $0x3;
	[bflag:$0x0] =	sbarrier.arrive $0xFFFF;
	(pc) =	sbr.rel @p0 .LBB2_1-.Ltmp3, $4  }
0xce: {  	[hbm:s6], [sflag:s26] =	dma.local [spmem:s31], $0x2800  }
0xcf: {  	_ =	swait.ge [sflag:s17], $0x2800  }
0xd0: {  	[sflag:s17] =	ssyncset.done $0x0  }
0xd1: {  	[sflag:s17] =	ssyncadd.s32 $0xFFFFD800  }
0xd2: {  	_ =	sfence.sel $0x180000  }
0xd3: {  	[bflag:$0x0] =	sbarrier.arrive $0xFFFF  }
0xd4: {  	p0 =	sne.s32 s2, $0x0;
	_ =	strace $0x9000004D  }
0xd5: {  	s0 =	sadd.s32 @!p0 $0x100000, s0;
	[bflag:$0x2] =	sbarrier.arrive $0xFFFF  }
0xd6: {  	[sflag:s0] =	ssyncadd.tile.s32 @!p0 $0x1;
	_ =	shalt  }
.Lfunc_end2:
_tile_overlayer_lowered:
.L_overlay_start_2:
0xd7: {  	(tag) =	ssettag $0x2  }
0xd8: {  	s0 =	rddreg [dreg:$0x0];
	s2 =	stileid.u32  }
0xd9: {  	s1 =	rddreg [dreg:$0x1];
	p0 =	sne.s32 s2, $0x0  }
0xda: {  	s3 =	rddreg [dreg:$0x2];
	[bflag:$0x3] =	sbarrier.arrive $0xFFFF;
	s2 =	simm.s32 @!p0 $0x1C03  }
0xdb: {  	[timem:s3], [sflag:s2] =	dma.local @!p0 [hbm:s0], s1  }
0xdc: {  	s0 =	simm.s32 @!p0 $0x3  }
0xdd: {  	_ =	swait.ge @!p0 [sflag:s0], s1  }
0xde: {  	s1 =	ssub.s32 @!p0 $0x0, s1;
	[sflag:s0] =	ssyncset.done @!p0 $0x0  }
0xdf: {  	[sflag:s0] =	ssyncadd.s32 @!p0 s1  }
0xe0: {  	[bflag:$0x3] =	sbarrier.arrive $0xFFFF  }
0xe1: {  	_ =	shalt  }

// kernel: kernel.31.cloned.1.call-start
scs
__scs_entry_jumppad:
0x0: {  	(pc) =	sbr.rel $0x88, $3  }
0x1: {  	(tag) =	ssettag $0x0;
	lr =	simm.s32 $0x1  }
0x2: {  	[smem:$0x3F93] =	sst lr;
	_ =	strace $0xD0000000  }
0x3: {  	_ = 	snop  }
0x4: {  	_ = 	snop  }
0x5: {  	_ = 	snop  }
0x6: {  	_ = 	snop  }
0x7: {  	_ = 	snop  }
__scs_overlays_trampoline_lowered:
0x8: {  	[smem:$0x3FA2] =	sst s0  }
0x9: {  	[smem:$0x3FA3] =	sst s1  }
0xa: {  	[smem:$0x3FA4] =	sst s2  }
0xb: {  	[smem:$0x3FA5] =	sst s3  }
0xc: {  	[smem:$0x3FA6] =	sst s4  }
0xd: {  	[smem:$0x3FA7] =	sst s5  }
0xe: {  	[smem:$0x3FA8] =	sst s6  }
0xf: {  	[smem:$0x3FA9] =	sst s7  }
0x10: {  	[smem:$0x3FAA] =	sst s8  }
0x11: {  	[smem:$0x3FAB] =	sst s9;
	s0 =	simm.s32 @!p0 $0x0  }
0x12: {  	s1 =	sld [smem:$0x3F91];
	s0 =	simm.s32 @p0 $0x1  }
0x13: {  	[smem:$0x3FAC] =	sst s0;
	s0 =	simm.s32 @!p1 $0x0  }
0x14: {  	s2 =	sld [smem:$0x3F90];
	s0 =	simm.s32 @p1 $0x1  }
0x15: {  	[smem:$0x3FAD] =	sst s0;
	s0 =	simm.s32 @!p2 $0x0  }
0x16: {  	s3 =	sld [smem:$0x3FDB];
	s0 =	simm.s32 @p2 $0x1  }
0x17: {  	s4 =	simm.s32 $0x1BF5;
	[smem:$0x3FAF] =	sst s0  }
0x18: {  	s0 =	sld [smem:$0x3F92];
	_ =	swait.ge [sflag:s4], $0x0  }
0x19: {  	s7 =	sld [smem:$0x3F93]  }
0x1a: {  	s8 =	sadd.s32 $0xFFFFE003, lr  }
0x1b: {  	s9 =	sadd.s32 $0xFFFFFEF7, lr;
	s5 =	simm.s32 $0xFFFFFFFF;
	p2 =	slt.u32 s8, $0xFFFFF086  }
0x1c: {  	p1 =	slt.u32 s9, $0xF7A;
	s5 =	simm.s32 @!p2 $0x0  }
0x1d: {  	s5 =	simm.s32 @p1 $0x1;
	p0 =	seq.s32 s7, s2  }
0x1e: {  	s7 =	smul.u32 @!p0 $0xF7A, s2;
	p2 =	seq.s32 @!p0 s5, $0x0  }
0x1f: {  	s9 =	smul.u32 $0xF7A, s1;
	s8 =	simm.s32 @!p0 $0x1BF5;
	p2 =	por !p2, p0  }
0x20: {  	[sflag:s8] =	ssyncset.s32 @!p0 $0xFFFFF086;
	s6 =	sadd.s32 @!p0 s3, s7;
	s7 =	simm.s32 @!p0 $0x108  }
0x21: {  	s3 =	sadd.s32 s3, s9;
	s6 =	sadd.s32 @!p0 $0x88, s6;
	s7 =	simm.s32 @p2 $0x1082  }
0x22: {  	[simem:s7], [sflag:s8] =	dma.local @!p0 [hbm:s6], $0xF7A  }
0x23: {  	s9 =	sor.u32 $0xD0000000, s2;
	s6 =	simm.s32 $0x108;
	_ =	swait.ge @!p0 [sflag:s8], $0x0  }
0x24: {  	s3 =	sadd.s32 $0x88, s3;
	s6 =	simm.s32 @!p1 $0x1082;
	[sflag:s4] =	ssyncset.s32 $0xFFFFF086  }
0x25: {  	[simem:s6], [sflag:s4] =	dma.local [hbm:s3], $0xF7A  }
0x26: {  	[smem:$0x3F93] =	sst s1;
	(tag) =	ssettag s2;
	_ =	strace s9  }
0x27: {  	s1 =	sld [smem:$0x3FA3]  }
0x28: {  	s2 =	sld [smem:$0x3FA4]  }
0x29: {  	s4 =	sld [smem:$0x3FA6]  }
0x2a: {  	p0 =	seq.s32 s5, $0x0;
	s5 =	sld [smem:$0x3FA7]  }
0x2b: {  	s6 =	sld [smem:$0x3FA8]  }
0x2c: {  	s7 =	sld [smem:$0x3FA9]  }
0x2d: {  	s3 =	simm.s32 $0x108;
	s8 =	sld [smem:$0x3FAA]  }
0x2e: {  	s3 =	simm.s32 @!p0 $0x1082;
	s9 =	sld [smem:$0x3FAB]  }
0x2f: {  	lr =	sadd.s32 s0, s3;
	s0 =	sld [smem:$0x3FA2]  }
0x30: {  	s3 =	sld [smem:$0x3FA5]  }
0x31: {  	[smem:$0x3FAE] =	sst s10  }
0x32: {  	s10 =	sld [smem:$0x3FAC];
	_ =	sdelay $0x3  }
0x33: {  	p0 =	seq.s32 s10, $0x1;
	s10 =	sld [smem:$0x3FAE];
	_ =	sdelay $0x3  }
0x34: {  	[smem:$0x3FAE] =	sst s10  }
0x35: {  	s10 =	sld [smem:$0x3FAD];
	_ =	sdelay $0x3  }
0x36: {  	p1 =	seq.s32 s10, $0x1;
	s10 =	sld [smem:$0x3FAE];
	_ =	sdelay $0x3  }
0x37: {  	[smem:$0x3FAE] =	sst s10  }
0x38: {  	s10 =	sld [smem:$0x3FAF]  }
0x39: {  	_ = 	snop;
	(pc) =	sbr.ind lr, $3  }
0x3a: {  	_ = 	snop  }
0x3b: {  	_ = 	snop  }
0x3c: {  	p2 =	seq.s32 s10, $0x1;
	s10 =	sld [smem:$0x3FAE]  }
0x3d: {  	_ =	shalt  }
0x3e: {  	_ =	shalt  }
0x3f: {  	_ =	shalt  }
0x40: {  	_ =	shalt  }
0x41: {  	_ =	shalt  }
0x42: {  	_ =	shalt  }
0x43: {  	_ =	shalt  }
0x44: {  	_ =	shalt  }
0x45: {  	_ =	shalt  }
0x46: {  	_ =	shalt  }
0x47: {  	_ =	shalt  }
0x48: {  	_ =	shalt  }
0x49: {  	_ =	shalt  }
0x4a: {  	_ =	shalt  }
0x4b: {  	_ =	shalt  }
0x4c: {  	_ =	shalt  }
0x4d: {  	_ =	shalt  }
0x4e: {  	_ =	shalt  }
0x4f: {  	_ =	shalt  }
0x50: {  	_ =	shalt  }
0x51: {  	_ =	shalt  }
0x52: {  	_ =	shalt  }
0x53: {  	_ =	shalt  }
0x54: {  	_ =	shalt  }
0x55: {  	_ =	shalt  }
0x56: {  	_ =	shalt  }
0x57: {  	_ =	shalt  }
0x58: {  	_ =	shalt  }
0x59: {  	_ =	shalt  }
0x5a: {  	_ =	shalt  }
0x5b: {  	_ =	shalt  }
0x5c: {  	_ =	shalt  }
0x5d: {  	_ =	shalt  }
0x5e: {  	_ =	shalt  }
0x5f: {  	_ =	shalt  }
0x60: {  	_ =	shalt  }
0x61: {  	_ =	shalt  }
0x62: {  	_ =	shalt  }
0x63: {  	_ =	shalt  }
0x64: {  	_ =	shalt  }
0x65: {  	_ =	shalt  }
0x66: {  	_ =	shalt  }
0x67: {  	_ =	shalt  }
0x68: {  	_ =	shalt  }
0x69: {  	_ =	shalt  }
0x6a: {  	_ =	shalt  }
0x6b: {  	_ =	shalt  }
0x6c: {  	_ =	shalt  }
0x6d: {  	_ =	shalt  }
0x6e: {  	_ =	shalt  }
0x6f: {  	_ =	shalt  }
0x70: {  	_ =	shalt  }
0x71: {  	_ =	shalt  }
0x72: {  	_ =	shalt  }
0x73: {  	_ =	shalt  }
0x74: {  	_ =	shalt  }
0x75: {  	_ =	shalt  }
0x76: {  	_ =	shalt  }
0x77: {  	_ =	shalt  }
0x78: {  	_ =	shalt  }
0x79: {  	_ =	shalt  }
0x7a: {  	_ =	shalt  }
0x7b: {  	_ =	shalt  }
0x7c: {  	_ =	shalt  }
0x7d: {  	_ =	shalt  }
0x7e: {  	_ =	shalt  }
0x7f: {  	_ =	shalt  }
0x80: {  	_ =	shalt  }
0x81: {  	_ =	shalt  }
0x82: {  	_ =	shalt  }
0x83: {  	_ =	shalt  }
0x84: {  	_ =	shalt  }
0x85: {  	_ =	shalt  }
0x86: {  	_ =	shalt  }
0x87: {  	_ =	shalt  }
.Lfunc_end0:
.L_simem_size_0:
called_computation.4_lowered:
.L_overlay_start_0:
0x88: {  	s2 =	sld [smem:$0x3FD9]  }
0x89: {  	s3 =	sld [smem:$0x3FFE];
	_ =	sdelay $0x1  }
0x8a: {  	s1 =	srdreg.scid  }
0x8b: {  	s0 =	sand.u32 $0x1, s1  }
0x8c: {  	s17 =	sshll.u32 s0, $0xA;
	s2 =	sadd.s32 s3, s2  }
0x8d: {  	s2 =	sadd.s32 s2, s17  }
0x8e: {  	[smem:$0x3FBA] =	sst s2  }
0x8f: {  	_ = 	snop  }
0x90: {  	(tm) =	ssettm $0x1  }
0x91: {  	s18 =	sld [smem:$0x3FFB];
	_ =	sdelay $0x3  }
0x92: {  	_ =	strace s18  }
0x93: {  	s2 =	sld [smem:$0x3FFC];
	_ =	sdelay $0x3  }
0x94: {  	_ =	strace s2  }
0x95: {  	s2 =	sld [smem:$0x3FFD];
	_ =	sdelay $0x3  }
0x96: {  	_ =	strace s2  }
0x97: {  	_ =	strace $0x8FFFFFFF  }
0x98: {  	s19 =	sld [smem:$0x3FDB];
	_ =	sdelay $0x1  }
0x99: {  	s20 =	simm.s32 $_scs_section_size  }
0x9a: {  	s4 =	simm.s32 $_size__tile_overlayer_lowered;
	s5 =	simm.s32 $_tile_overlayer_lowered  }
0x9b: {  	s6 =	simm.s32 $0x1BFF;
	s21 =	sshll.u32 s5, $0x1;
	s3 =	sadd.s32 s20, s19  }
0x9c: {  	s22 =	simm.s32 $0x0;
	s4 =	sshll.u32 s4, $0x1;
	s5 =	sadd.s32 s21, s3  }
0x9d: {  	[timem:s22], [sflag:s6] =	dma.local [hbm:s5], s4  }
0x9e: {  	_ =	swait.ge [sflag:s6], s4  }
0x9f: {  	s4 =	ssub.s32 $0x0, s4;
	[sflag:s6] =	ssyncset.done $0x0  }
0xa0: {  	[sflag:s6] =	ssyncadd.s32 s4;
	_ =	sdelay $0x1  }
0xa1: {  	s23 =	simm.s32 $0x1B8B  }
0xa2: {  	_ =	swait.ge [sflag:s23], $0x1  }
0xa3: {  	[sflag:s23] =	ssyncset.done $0x0  }
0xa4: {  	[sflag:s23] =	ssyncadd.s32 $0xFFFFFFFF  }
0xa5: {  	s4 =	sld [smem:$0x0]  }
0xa6: {  	s5 =	sand.u32 $0xFFFFFFFE, s1  }
0xa7: {  	p0 =	sne.s32 s1, s5  }
0xa8: {  	s5 =	sshll.u32 @p0 s5, $0xE  }
0xa9: {  	s5 =	sadd.s32 @p0 $0x11B8D, s5;
	s6 =	sshll.u32 @p0 s4, $0x11  }
0xaa: {  	s5 =	sor.u32 @p0 s6, s5  }
0xab: {  	[sflag:s5] =	ssyncadd.remote.s32 @p0 $0x1;
	_ =	sdelay $0x1  }
0xac: {  	s5 =	simm.s32 @p0 $0x1B8D  }
0xad: {  	_ =	swait.eq @p0 [sflag:s5], $0x1  }
0xae: {  	[sflag:s5] =	ssyncadd.s32 @p0 $0xFFFFFFFF  }
0xaf: {  	s6 =	sshll.u32 @!p0 s1, $0xE  }
0xb0: {  	s6 =	sor.u32 @!p0 $0x4000, s6;
	s5 =	simm.s32 @!p0 $0x1B8D  }
0xb1: {  	s4 =	sshll.u32 @!p0 s4, $0x11;
	s6 =	sadd.s32 @!p0 $0x11B8D, s6;
	_ =	swait.eq @!p0 [sflag:s5], $0x1  }
0xb2: {  	s4 =	sor.u32 @!p0 s4, s6;
	[sflag:s5] =	ssyncadd.s32 @!p0 $0xFFFFFFFF  }
0xb3: {  	s25 =	simm.s32 $0x1B8E;
	s24 =	sld [smem:$0x3FFE];
	[sflag:s4] =	ssyncadd.remote.s32 @!p0 $0x1  }
0xb4: {  	s26 =	simm.s32 $execute0_lowered;
	[smem:$0x3FD2] =	sst s25  }
0xb5: {  	s5 =	sshll.u32 s26, $0x1;
	_ =	strace $0x80000055;
	[dreg:$0x1] =	wrdreg $0xFFFFFFFF  }
0xb6: {  	s28 =	simm.s32 $_size_execute0_lowered;
	s3 =	sadd.s32 s3, s5;
	[dreg:$0x0] =	wrdreg $0x0  }
0xb7: {  	s5 =	sshll.u32 s28, $0x1;
	[dreg:$0x2] =	wrdreg s3  }
0xb8: {  	[dreg:$0x3] =	wrdreg s5  }
0xb9: {  	[dreg:$0x4] =	wrdreg $0xC0  }
0xba: {  	_ =	task [dreg:s22], $0x5FFFF  }
0xbb: {  	[dreg:$0x1] =	wrdreg $0xFFFFFFFF  }
0xbc: {  	[dreg:$0x0] =	wrdreg $0x60  }
0xbd: {  	[dreg:$0x2] =	wrdreg s24  }
0xbe: {  	[dreg:$0x3] =	wrdreg $0xA8000  }
0xbf: {  	[dreg:$0x4] =	wrdreg $0x9  }
0xc0: {  	_ =	task.clear_ibuf [dreg:s22], $0x5FFFF;
	_ =	strace $0x90000055  }
0xc1: {  	s29 =	simm.s32 $0x9;
	_ =	strace $0x80000057  }
0xc2: {  	_ =	swait.ge [sflag:s29], $0x1  }
0xc3: {  	[sflag:s29] =	ssyncadd.s32 $0xFFFFFFFF  }
0xc4: {  	_ =	strace $0x90000057  }
0xc5: {  	_ =	sfence  }
0xc6: {  	s30 =	sld [smem:$0x0];
	_ =	sdelay $0x2  }
0xc7: {  	s31 =	sshll.u32 s1, $0xD;
	s1 =	sshrl.u32 s1, $0x2  }
0xc8: {  	s4 =	sand.u32 $0x4000, s31;
	s1 =	sadd.s32 s1, s30  }
0xc9: {  	s0 =	sor.u32 s4, s0;
	s1 =	sshll.u32 s1, $0x11  }
0xca: {  	s0 =	sor.u32 s1, s0  }
0xcb: {  	s0 =	sadd.s32 $0x8F2B, s0  }
0xcc: {  	[sflag:s0] =	ssyncadd.remote.s32 $0x1  }
0xcd: {  	_ =	sfence.sel $0xFFFF  }
0xce: {  	[dreg:$0x0] =	wrdreg $0xFFFFFFFF;
	(pc) =	sbr.abs _section_cstart, $3  }
0xcf: {  	[dreg:$0x1] =	wrdreg $0xFFFFFFFF  }
0xd0: {  	_ =	task.clear_ibuf [dreg:s22], $0x2FFFF;
	_ =	strace $0x9FFFFFFF  }
0xd1: {  	(tm) =	ssettm $0x7FFFFFFF  }
tec
execute0_lowered:
.L_overlay_start_1:
0x0: {  	(tag) =	ssettag $0x1  }
0x1: {  	s7 =	rddreg [dreg:$0x0]  }
0x2: {  	s1 =	rddreg [dreg:$0x1]  }
0x3: {  	s0 =	rddreg [dreg:$0x2]  }
0x4: {  	s3 =	simm.s32 $0x0;
	s2 =	stileid.u32;
	s5 =	srdreg.scid  }
0x5: {  	s17 =	simm.s32 $0x3;
	s18 =	simm.s32 $0x1400;
	s19 =	simm.s32 $0x80  }
0x6: {  	s20 =	simm.s32 $0x6800;
	s21 =	simm.s32 $0x1;
	s22 =	simm.s32 $0x2  }
0x7: {  	s23 =	simm.s32 $0x1380;
	[smem:$0x7FF] =	sst s3;
	s4 =	sadd.s32 $0x55200, s7  }
0x8: {  	s14 =	sadd.s32 $0x23200, s7;
	s24 =	smul.u32 $0x2800, s2;
	s6 =	sand.u32 $0x1, s5  }
0x9: {  	s15 =	sadd.s32 $0x19200, s7;
	s8 =	smul.u32 $0x50000, s2;
	s25 =	sadd.s32 $0xA5200, s7  }
0xa: {  	_ =	strace $0x80000056;
	s5 =	ssub.s32 $0x2, s6;
	s11 =	sshll.u32 s6, $0x4  }
0xb: {  	p0 =	seq.s32 s6, $0x1;
	s9 =	sadd.s32 s24, s7;
	s10 =	sshrl.u32 s5, $0x1  }
0xc: {  	s11 =	sor.u32 s2, s11;
	s31 =	sshrl.u32 s8, $0x2;
	s25 =	sadd.s32 @p0 s24, s25  }
0xd: {  	s24 =	simm.s32 $0x2700;
	s10 =	ssub.s32 s5, s10;
	s5 =	sadd.s32 s31, s1  }
0xe: {  	s6 =	sadd.s32 $0x7D200, s9;
	s13 =	smul.u32 $0x500, s11;
	s7 =	smax.u32 s10, $0x1  }
0xf: {  	s8 =	sadd.s32 $0x4000, s5;
	s9 =	sadd.s32 $0x8000, s5;
	s10 =	sadd.s32 $0xC000, s5  }
0x10: {  	s11 =	sadd.s32 $0x10000, s5;
	s6 =	smov.u32 @p0 s25;
	s25 =	simm.s32 $0x2780  }
0x11: {  	s12 =	sadd.s32 s14, s13;
	s16 =	sadd.s32 $0x280, s13;
	s13 =	sadd.s32 s15, s13  }
0x12: {  	v0 =	vimm.f32 $0.0e+00;
	s14 =	sadd.s32 s14, s16;
	s15 =	sadd.s32 s15, s16;
	s16 =	simm.s32 $0x2800  }
.LBB2_1:
0x13: {  	s26 =	simm.s32 $0x0;
	s28 =	simm.s32 $0x200  }
.LBB2_2:
0x14: {  	p0 =	sne.s32 s28, $0xFE00;
	[tilespmem:s26+$0x2870] =	vst v0  }
0x15: {  	[tilespmem:s26+$0x2800] =	vst v0  }
0x16: {  	[tilespmem:s26+$0x2810] =	vst v0  }
.Ltmp0:
0x17: {  	[tilespmem:s26+$0x2820] =	vst v0;
	(pc) =	sbr.rel @p0 .LBB2_2-.Ltmp0, $4  }
0x18: {  	[tilespmem:s26+$0x2830] =	vst v0  }
0x19: {  	[tilespmem:s26+$0x2840] =	vst v0  }
0x1a: {  	[tilespmem:s26+$0x2850] =	vst v0  }
0x1b: {  	[tilespmem:s26+$0x2860] =	vst v0;
	s26 =	sshra.s32 s28, $0x2;
	s28 =	sadd.s32 $0x200, s28  }
0x1c: {  	[tilespmem:s26+$0x2870] =	vst v0  }
0x1d: {  	[tilespmem:s26+$0x2800] =	vst v0  }
0x1e: {  	[tilespmem:s26+$0x2810] =	vst v0  }
0x1f: {  	[tilespmem:s26+$0x2820] =	vst v0  }
0x20: {  	[tilespmem:s26+$0x2830] =	vst v0  }
0x21: {  	[tilespmem:s26+$0x2840] =	vst v0  }
0x22: {  	[tilespmem:s26+$0x2850] =	vst v0  }
0x23: {  	[tilespmem:s26+$0x2860] =	vst v0  }
0x24: {  	[spmem:s5] =	stream.linear.scatter [tilespmem:s16], [sflag:$0x3], $0x4000, $0x38;
	[tilespmem:$0x1E800] =	vst v63  }
0x25: {  	_ =	swait.ge [sflag:s17], $0x4000  }
0x26: {  	[sflag:s17] =	ssyncset.done $0x0  }
0x27: {  	[sflag:s17] =	ssyncadd.s32 $0xFFFFC000  }
0x28: {  	[spmem:s8] =	stream.linear.scatter [tilespmem:s16], [sflag:$0x3], $0x4000, $0x38;
	[tilespmem:$0x1E800] =	vst v63  }
0x29: {  	_ =	swait.ge [sflag:s17], $0x4000  }
0x2a: {  	[sflag:s17] =	ssyncset.done $0x0  }
0x2b: {  	[sflag:s17] =	ssyncadd.s32 $0xFFFFC000  }
0x2c: {  	[spmem:s9] =	stream.linear.scatter [tilespmem:s16], [sflag:$0x3], $0x4000, $0x38;
	[tilespmem:$0x1E800] =	vst v63  }
0x2d: {  	_ =	swait.ge [sflag:s17], $0x4000  }
0x2e: {  	[sflag:s17] =	ssyncset.done $0x0  }
0x2f: {  	[sflag:s17] =	ssyncadd.s32 $0xFFFFC000  }
0x30: {  	[spmem:s10] =	stream.linear.scatter [tilespmem:s16], [sflag:$0x3], $0x4000, $0x38;
	[tilespmem:$0x1E800] =	vst v63  }
0x31: {  	_ =	swait.ge [sflag:s17], $0x4000  }
0x32: {  	[sflag:s17] =	ssyncset.done $0x0  }
0x33: {  	[sflag:s17] =	ssyncadd.s32 $0xFFFFC000  }
0x34: {  	[spmem:s11] =	stream.linear.scatter [tilespmem:s16], [sflag:$0x3], $0x4000, $0x38;
	[tilespmem:$0x1E800] =	vst v63  }
0x35: {  	_ =	swait.ge [sflag:s17], $0x4000  }
0x36: {  	[sflag:s17] =	ssyncset.done $0x0  }
0x37: {  	[sflag:s17] =	ssyncadd.s32 $0xFFFFC000  }
0x38: {  	s30 =	simm.s32 $0x0;
	[bflag:$0x0] =	sbarrier.arrive $0xFFFF  }
0x39: {  	[tilespmem:s30], [sflag:$0x3] =	stream.linear.gather [hbm4b:s12+s30], $0x1400, $0x38;
	[tilespmem:$0x1E800] =	vst v63  }
0x3a: {  	_ =	swait.ge [sflag:s17], $0x1400  }
0x3b: {  	[sflag:s17] =	ssyncset.done $0x0  }
0x3c: {  	[sflag:s17] =	ssyncadd.s32 $0xFFFFEC00  }
0x3d: {  	[tilespmem:s18], [sflag:$0x3] =	stream.linear.gather [hbm4b:s13+s30], $0x1400, $0x38;
	[tilespmem:$0x1E800] =	vst v63  }
0x3e: {  	_ =	swait.ge [sflag:s17], $0x1400  }
0x3f: {  	[sflag:s17] =	ssyncset.done $0x0  }
0x40: {  	[sflag:s17] =	ssyncadd.s32 $0xFFFFEC00  }
0x41: {  	[tilespmem:s16], [sflag:$0x1] =	stream.indirect.gather [hbm4b:s4+s19], $0x80, s30, s19, $0xb8;
	[tilespmem:$0x1E800] =	vst v63  }
0x42: {  	s31 =	simm.s32 $0x80  }
0x43: {  	[tilespmem:s20], [sflag:$0x2] =	stream.indirect.gather [hbm4b:s4+s19], $0x80, s31, s19, $0xb8;
	[tilespmem:$0x1E800] =	vst v63  }
0x44: {  	_ =	swait.ge [sflag:s21], $0x4000  }
0x45: {  	[sflag:s21] =	ssyncset.done $0x0  }
0x46: {  	s29 =	simm.s32 $0x1400;
	[sflag:s21] =	ssyncadd.s32 $0xFFFFC000  }
0x47: {  	[spmem:s1] =	stream.indirect.scatter.add.f32 [tilespmem:s16], [sflag:$0x3], $0x80, s29, s19, $0xb8;
	[tilespmem:$0x1E800] =	vst v63  }
0x48: {  	_ =	swait.ge [sflag:s17], $0x4000  }
0x49: {  	[sflag:s17] =	ssyncset.done $0x0  }
0x4a: {  	s30 =	simm.s32 $0x100;
	[sflag:s17] =	ssyncadd.s32 $0xFFFFC000  }
0x4b: {  	[tilespmem:s16], [sflag:$0x1] =	stream.indirect.gather [hbm4b:s4+s19], $0x80, s30, s19, $0xb8;
	[tilespmem:$0x1E800] =	vst v63  }
0x4c: {  	_ =	swait.ge [sflag:s22], $0x4000  }
0x4d: {  	[sflag:s22] =	ssyncset.done $0x0  }
0x4e: {  	s31 =	simm.s32 $0x1480;
	[sflag:s22] =	ssyncadd.s32 $0xFFFFC000  }
0x4f: {  	[spmem:s1] =	stream.indirect.scatter.add.f32 [tilespmem:s20], [sflag:$0x3], $0x80, s31, s19, $0xb8;
	[tilespmem:$0x1E800] =	vst v63  }
0x50: {  	_ =	swait.ge [sflag:s17], $0x4000  }
0x51: {  	s28 =	simm.s32 $0x800;
	s26 =	simm.s32 $0x100;
	[sflag:s17] =	ssyncset.done $0x0  }
.LBB2_4:
0x52: {  	s29 =	sadd.s32 $0x80, s26  }
0x53: {  	[sflag:s17] =	ssyncadd.s32 $0xFFFFC000;
	s30 =	smov.u32 s28;
	s31 =	sadd.s32 $0x400, s28  }
0x54: {  	[tilespmem:s20], [sflag:$0x2] =	stream.indirect.gather [hbm4b:s4+s19], $0x80, s29, s19, $0xb8;
	[tilespmem:$0x1E800] =	vst v63  }
0x55: {  	p0 =	sne.s32 s28, $0x4800;
	_ =	swait.ge [sflag:s21], $0x4000  }
0x56: {  	[sflag:s21] =	ssyncset.done $0x0  }
0x57: {  	s28 =	sadd.s32 $0x1400, s26;
	[sflag:s21] =	ssyncadd.s32 $0xFFFFC000  }
0x58: {  	[spmem:s1] =	stream.indirect.scatter.add.f32 [tilespmem:s16], [sflag:$0x3], $0x80, s28, s19, $0xb8;
	[tilespmem:$0x1E800] =	vst v63  }
0x59: {  	_ =	swait.ge [sflag:s17], $0x4000  }
0x5a: {  	[sflag:s17] =	ssyncset.done $0x0  }
0x5b: {  	s28 =	sadd.s32 $0x100, s26;
	[sflag:s17] =	ssyncadd.s32 $0xFFFFC000  }
0x5c: {  	[tilespmem:s16], [sflag:$0x1] =	stream.indirect.gather [hbm4b:s4+s19], $0x80, s28, s19, $0xb8;
	[tilespmem:$0x1E800] =	vst v63  }
0x5d: {  	_ =	swait.ge [sflag:s22], $0x4000  }
.Ltmp1:
0x5e: {  	[sflag:s22] =	ssyncset.done $0x0;
	(pc) =	sbr.rel @p0 .LBB2_4-.Ltmp1, $4  }
0x5f: {  	s26 =	sadd.s32 $0x1480, s26;
	[sflag:s22] =	ssyncadd.s32 $0xFFFFC000  }
0x60: {  	[spmem:s1] =	stream.indirect.scatter.add.f32 [tilespmem:s20], [sflag:$0x3], $0x80, s26, s19, $0xb8;
	[tilespmem:$0x1E800] =	vst v63  }
0x61: {  	_ =	swait.ge [sflag:s17], $0x4000  }
0x62: {  	s28 =	smov.u32 s31;
	s26 =	sshra.s32 s30, $0x2;
	[sflag:s17] =	ssyncset.done $0x0  }
0x63: {  	s28 =	sadd.s32 $0x80, s26;
	[sflag:s17] =	ssyncadd.s32 $0xFFFFC000  }
0x64: {  	[tilespmem:s20], [sflag:$0x2] =	stream.indirect.gather [hbm4b:s4+s19], $0x80, s28, s19, $0xb8;
	[tilespmem:$0x1E800] =	vst v63  }
0x65: {  	_ =	swait.ge [sflag:s21], $0x4000  }
0x66: {  	[sflag:s21] =	ssyncset.done $0x0  }
0x67: {  	s28 =	sadd.s32 $0x1400, s26;
	[sflag:s21] =	ssyncadd.s32 $0xFFFFC000  }
0x68: {  	[spmem:s1] =	stream.indirect.scatter.add.f32 [tilespmem:s16], [sflag:$0x3], $0x80, s28, s19, $0xb8;
	[tilespmem:$0x1E800] =	vst v63  }
0x69: {  	_ =	swait.ge [sflag:s17], $0x4000  }
0x6a: {  	[sflag:s17] =	ssyncset.done $0x0  }
0x6b: {  	s28 =	sadd.s32 $0x100, s26;
	[sflag:s17] =	ssyncadd.s32 $0xFFFFC000  }
0x6c: {  	[tilespmem:s16], [sflag:$0x1] =	stream.indirect.gather [hbm4b:s4+s19], $0x80, s28, s19, $0xb8;
	[tilespmem:$0x1E800] =	vst v63  }
0x6d: {  	_ =	swait.ge [sflag:s22], $0x4000  }
0x6e: {  	[sflag:s22] =	ssyncset.done $0x0  }
0x6f: {  	s29 =	sadd.s32 $0x1480, s26;
	[sflag:s22] =	ssyncadd.s32 $0xFFFFC000  }
0x70: {  	[spmem:s1] =	stream.indirect.scatter.add.f32 [tilespmem:s20], [sflag:$0x3], $0x80, s29, s19, $0xb8;
	[tilespmem:$0x1E800] =	vst v63  }
0x71: {  	_ =	swait.ge [sflag:s17], $0x4000  }
0x72: {  	[sflag:s17] =	ssyncset.done $0x0  }
0x73: {  	[sflag:s17] =	ssyncadd.s32 $0xFFFFC000  }
0x74: {  	[tilespmem:s20], [sflag:$0x2] =	stream.indirect.gather [hbm4b:s4+s19], $0x80, s23, s19, $0xb8;
	[tilespmem:$0x1E800] =	vst v63  }
0x75: {  	_ =	swait.ge [sflag:s21], $0x4000  }
0x76: {  	[sflag:s21] =	ssyncset.done $0x0  }
0x77: {  	[sflag:s21] =	ssyncadd.s32 $0xFFFFC000  }
0x78: {  	[spmem:s1] =	stream.indirect.scatter.add.f32 [tilespmem:s16], [sflag:$0x3], $0x80, s24, s19, $0xb8;
	[tilespmem:$0x1E800] =	vst v63  }
0x79: {  	_ =	swait.ge [sflag:s17], $0x4000  }
0x7a: {  	[sflag:s17] =	ssyncset.done $0x0  }
0x7b: {  	[sflag:s17] =	ssyncadd.s32 $0xFFFFC000  }
0x7c: {  	_ =	swait.ge [sflag:s22], $0x4000  }
0x7d: {  	[sflag:s22] =	ssyncset.done $0x0  }
0x7e: {  	[sflag:s22] =	ssyncadd.s32 $0xFFFFC000  }
0x7f: {  	[spmem:s1] =	stream.indirect.scatter.add.f32 [tilespmem:s20], [sflag:$0x3], $0x80, s25, s19, $0xb8;
	[tilespmem:$0x1E800] =	vst v63  }
0x80: {  	_ =	swait.ge [sflag:s17], $0x4000  }
0x81: {  	[sflag:s17] =	ssyncset.done $0x0  }
0x82: {  	s30 =	simm.s32 $0x0;
	[sflag:s17] =	ssyncadd.s32 $0xFFFFC000  }
0x83: {  	[tilespmem:s30], [sflag:$0x3] =	stream.linear.gather [hbm4b:s14+s30], $0x1400, $0x38;
	[tilespmem:$0x1E800] =	vst v63  }
0x84: {  	_ =	swait.ge [sflag:s17], $0x1400  }
0x85: {  	[sflag:s17] =	ssyncset.done $0x0  }
0x86: {  	[sflag:s17] =	ssyncadd.s32 $0xFFFFEC00  }
0x87: {  	[tilespmem:s18], [sflag:$0x3] =	stream.linear.gather [hbm4b:s15+s30], $0x1400, $0x38;
	[tilespmem:$0x1E800] =	vst v63  }
0x88: {  	_ =	swait.ge [sflag:s17], $0x1400  }
0x89: {  	[sflag:s17] =	ssyncset.done $0x0  }
0x8a: {  	[sflag:s17] =	ssyncadd.s32 $0xFFFFEC00  }
0x8b: {  	[tilespmem:s16], [sflag:$0x1] =	stream.indirect.gather [hbm4b:s4+s19], $0x80, s30, s19, $0xb8;
	[tilespmem:$0x1E800] =	vst v63  }
0x8c: {  	s31 =	simm.s32 $0x80  }
0x8d: {  	[tilespmem:s20], [sflag:$0x2] =	stream.indirect.gather [hbm4b:s4+s19], $0x80, s31, s19, $0xb8;
	[tilespmem:$0x1E800] =	vst v63  }
0x8e: {  	_ =	swait.ge [sflag:s21], $0x4000  }
0x8f: {  	[sflag:s21] =	ssyncset.done $0x0  }
0x90: {  	s29 =	simm.s32 $0x1400;
	[sflag:s21] =	ssyncadd.s32 $0xFFFFC000  }
0x91: {  	[spmem:s1] =	stream.indirect.scatter.add.f32 [tilespmem:s16], [sflag:$0x3], $0x80, s29, s19, $0xb8;
	[tilespmem:$0x1E800] =	vst v63  }
0x92: {  	_ =	swait.ge [sflag:s17], $0x4000  }
0x93: {  	[sflag:s17] =	ssyncset.done $0x0  }
0x94: {  	s30 =	simm.s32 $0x100;
	[sflag:s17] =	ssyncadd.s32 $0xFFFFC000  }
0x95: {  	[tilespmem:s16], [sflag:$0x1] =	stream.indirect.gather [hbm4b:s4+s19], $0x80, s30, s19, $0xb8;
	[tilespmem:$0x1E800] =	vst v63  }
0x96: {  	_ =	swait.ge [sflag:s22], $0x4000  }
0x97: {  	[sflag:s22] =	ssyncset.done $0x0  }
0x98: {  	s31 =	simm.s32 $0x1480;
	[sflag:s22] =	ssyncadd.s32 $0xFFFFC000  }
0x99: {  	[spmem:s1] =	stream.indirect.scatter.add.f32 [tilespmem:s20], [sflag:$0x3], $0x80, s31, s19, $0xb8;
	[tilespmem:$0x1E800] =	vst v63  }
0x9a: {  	_ =	swait.ge [sflag:s17], $0x4000  }
0x9b: {  	s26 =	simm.s32 $0x100;
	s28 =	simm.s32 $0x800;
	[sflag:s17] =	ssyncset.done $0x0  }
.LBB2_6:
0x9c: {  	s29 =	sadd.s32 $0x80, s26  }
0x9d: {  	[sflag:s17] =	ssyncadd.s32 $0xFFFFC000;
	s30 =	smov.u32 s28;
	s31 =	sadd.s32 $0x400, s28  }
0x9e: {  	[tilespmem:s20], [sflag:$0x2] =	stream.indirect.gather [hbm4b:s4+s19], $0x80, s29, s19, $0xb8;
	[tilespmem:$0x1E800] =	vst v63  }
0x9f: {  	p0 =	sne.s32 s28, $0x4800;
	_ =	swait.ge [sflag:s21], $0x4000  }
0xa0: {  	[sflag:s21] =	ssyncset.done $0x0  }
0xa1: {  	s28 =	sadd.s32 $0x1400, s26;
	[sflag:s21] =	ssyncadd.s32 $0xFFFFC000  }
0xa2: {  	[spmem:s1] =	stream.indirect.scatter.add.f32 [tilespmem:s16], [sflag:$0x3], $0x80, s28, s19, $0xb8;
	[tilespmem:$0x1E800] =	vst v63  }
0xa3: {  	_ =	swait.ge [sflag:s17], $0x4000  }
0xa4: {  	[sflag:s17] =	ssyncset.done $0x0  }
0xa5: {  	s28 =	sadd.s32 $0x100, s26;
	[sflag:s17] =	ssyncadd.s32 $0xFFFFC000  }
0xa6: {  	[tilespmem:s16], [sflag:$0x1] =	stream.indirect.gather [hbm4b:s4+s19], $0x80, s28, s19, $0xb8;
	[tilespmem:$0x1E800] =	vst v63  }
0xa7: {  	_ =	swait.ge [sflag:s22], $0x4000  }
.Ltmp2:
0xa8: {  	[sflag:s22] =	ssyncset.done $0x0;
	(pc) =	sbr.rel @p0 .LBB2_6-.Ltmp2, $4  }
0xa9: {  	s26 =	sadd.s32 $0x1480, s26;
	[sflag:s22] =	ssyncadd.s32 $0xFFFFC000  }
0xaa: {  	[spmem:s1] =	stream.indirect.scatter.add.f32 [tilespmem:s20], [sflag:$0x3], $0x80, s26, s19, $0xb8;
	[tilespmem:$0x1E800] =	vst v63  }
0xab: {  	_ =	swait.ge [sflag:s17], $0x4000  }
0xac: {  	s28 =	smov.u32 s31;
	s26 =	sshra.s32 s30, $0x2;
	[sflag:s17] =	ssyncset.done $0x0  }
0xad: {  	s28 =	sadd.s32 $0x80, s26;
	[sflag:s17] =	ssyncadd.s32 $0xFFFFC000  }
0xae: {  	[tilespmem:s20], [sflag:$0x2] =	stream.indirect.gather [hbm4b:s4+s19], $0x80, s28, s19, $0xb8;
	[tilespmem:$0x1E800] =	vst v63  }
0xaf: {  	_ =	swait.ge [sflag:s21], $0x4000  }
0xb0: {  	[sflag:s21] =	ssyncset.done $0x0  }
0xb1: {  	s30 =	sadd.s32 $0x1400, s26;
	[sflag:s21] =	ssyncadd.s32 $0xFFFFC000  }
0xb2: {  	[spmem:s1] =	stream.indirect.scatter.add.f32 [tilespmem:s16], [sflag:$0x3], $0x80, s30, s19, $0xb8;
	[tilespmem:$0x1E800] =	vst v63  }
0xb3: {  	_ =	swait.ge [sflag:s17], $0x4000  }
0xb4: {  	[sflag:s17] =	ssyncset.done $0x0  }
0xb5: {  	s31 =	sadd.s32 $0x100, s26;
	[sflag:s17] =	ssyncadd.s32 $0xFFFFC000  }
0xb6: {  	[tilespmem:s16], [sflag:$0x1] =	stream.indirect.gather [hbm4b:s4+s19], $0x80, s31, s19, $0xb8;
	[tilespmem:$0x1E800] =	vst v63  }
0xb7: {  	_ =	swait.ge [sflag:s22], $0x4000  }
0xb8: {  	[sflag:s22] =	ssyncset.done $0x0  }
0xb9: {  	s29 =	sadd.s32 $0x1480, s26;
	[sflag:s22] =	ssyncadd.s32 $0xFFFFC000  }
0xba: {  	[spmem:s1] =	stream.indirect.scatter.add.f32 [tilespmem:s20], [sflag:$0x3], $0x80, s29, s19, $0xb8;
	[tilespmem:$0x1E800] =	vst v63  }
0xbb: {  	_ =	swait.ge [sflag:s17], $0x4000  }
0xbc: {  	[sflag:s17] =	ssyncset.done $0x0  }
0xbd: {  	[sflag:s17] =	ssyncadd.s32 $0xFFFFC000  }
0xbe: {  	[tilespmem:s20], [sflag:$0x2] =	stream.indirect.gather [hbm4b:s4+s19], $0x80, s23, s19, $0xb8;
	[tilespmem:$0x1E800] =	vst v63  }
0xbf: {  	_ =	swait.ge [sflag:s21], $0x4000  }
0xc0: {  	[sflag:s21] =	ssyncset.done $0x0  }
0xc1: {  	[sflag:s21] =	ssyncadd.s32 $0xFFFFC000  }
0xc2: {  	[spmem:s1] =	stream.indirect.scatter.add.f32 [tilespmem:s16], [sflag:$0x3], $0x80, s24, s19, $0xb8;
	[tilespmem:$0x1E800] =	vst v63  }
0xc3: {  	_ =	swait.ge [sflag:s17], $0x4000  }
0xc4: {  	[sflag:s17] =	ssyncset.done $0x0  }
0xc5: {  	[sflag:s17] =	ssyncadd.s32 $0xFFFFC000  }
0xc6: {  	_ =	swait.ge [sflag:s22], $0x4000  }
0xc7: {  	[sflag:s22] =	ssyncset.done $0x0  }
0xc8: {  	[sflag:s22] =	ssyncadd.s32 $0xFFFFC000  }
0xc9: {  	[spmem:s1] =	stream.indirect.scatter.add.f32 [tilespmem:s20], [sflag:$0x3], $0x80, s25, s19, $0xb8;
	[tilespmem:$0x1E800] =	vst v63  }
0xca: {  	_ =	swait.ge [sflag:s17], $0x4000  }
0xcb: {  	s3 =	sadd.s32 $0x1, s3;
	s30 =	sshll.u32 s2, $0x6;
	[sflag:s17] =	ssyncset.done $0x0  }
0xcc: {  	p0 =	sne.s32 s3, s7;
	s26 =	sor.u32 $0x1C03, s30;
	[sflag:s17] =	ssyncadd.s32 $0xFFFFC000  }
.Ltmp3:
0xcd: {  	s31 =	sshrl.u32 s5, $0x3;
	[bflag:$0x0] =	sbarrier.arrive $0xFFFF;
	(pc) =	sbr.rel @p0 .LBB2_1-.Ltmp3, $4  }
0xce: {  	[hbm:s6], [sflag:s26] =	dma.local [spmem:s31], $0x2800  }
0xcf: {  	_ =	swait.ge [sflag:s17], $0x2800  }
0xd0: {  	[sflag:s17] =	ssyncset.done $0x0  }
0xd1: {  	[sflag:s17] =	ssyncadd.s32 $0xFFFFD800  }
0xd2: {  	_ =	sfence.sel $0x180000  }
0xd3: {  	[bflag:$0x0] =	sbarrier.arrive $0xFFFF  }
0xd4: {  	p0 =	sne.s32 s2, $0x0;
	_ =	strace $0x90000056  }
0xd5: {  	s0 =	sadd.s32 @!p0 $0x100000, s0;
	[bflag:$0x2] =	sbarrier.arrive $0xFFFF  }
0xd6: {  	[sflag:s0] =	ssyncadd.tile.s32 @!p0 $0x1;
	_ =	shalt  }
.Lfunc_end2:
_tile_overlayer_lowered:
.L_overlay_start_2:
0xd7: {  	(tag) =	ssettag $0x2  }
0xd8: {  	s0 =	rddreg [dreg:$0x0];
	s2 =	stileid.u32  }
0xd9: {  	s1 =	rddreg [dreg:$0x1];
	p0 =	sne.s32 s2, $0x0  }
0xda: {  	s3 =	rddreg [dreg:$0x2];
	[bflag:$0x3] =	sbarrier.arrive $0xFFFF;
	s2 =	simm.s32 @!p0 $0x1C03  }
0xdb: {  	[timem:s3], [sflag:s2] =	dma.local @!p0 [hbm:s0], s1  }
0xdc: {  	s0 =	simm.s32 @!p0 $0x3  }
0xdd: {  	_ =	swait.ge @!p0 [sflag:s0], s1  }
0xde: {  	s1 =	ssub.s32 @!p0 $0x0, s1;
	[sflag:s0] =	ssyncset.done @!p0 $0x0  }
0xdf: {  	[sflag:s0] =	ssyncadd.s32 @!p0 s1  }
0xe0: {  	[bflag:$0x3] =	sbarrier.arrive $0xFFFF  }
0xe1: {  	_ =	shalt  }

// kernel: kernel.34.cloned.1.call-start
scs
__scs_entry_jumppad:
0x0: {  	(pc) =	sbr.rel $0x88, $3  }
0x1: {  	(tag) =	ssettag $0x0;
	lr =	simm.s32 $0x1  }
0x2: {  	[smem:$0x3F93] =	sst lr;
	_ =	strace $0xD0000000  }
0x3: {  	_ = 	snop  }
0x4: {  	_ = 	snop  }
0x5: {  	_ = 	snop  }
0x6: {  	_ = 	snop  }
0x7: {  	_ = 	snop  }
__scs_overlays_trampoline_lowered:
0x8: {  	[smem:$0x3FA2] =	sst s0  }
0x9: {  	[smem:$0x3FA3] =	sst s1  }
0xa: {  	[smem:$0x3FA4] =	sst s2  }
0xb: {  	[smem:$0x3FA5] =	sst s3  }
0xc: {  	[smem:$0x3FA6] =	sst s4  }
0xd: {  	[smem:$0x3FA7] =	sst s5  }
0xe: {  	[smem:$0x3FA8] =	sst s6  }
0xf: {  	[smem:$0x3FA9] =	sst s7  }
0x10: {  	[smem:$0x3FAA] =	sst s8  }
0x11: {  	[smem:$0x3FAB] =	sst s9;
	s0 =	simm.s32 @!p0 $0x0  }
0x12: {  	s1 =	sld [smem:$0x3F91];
	s0 =	simm.s32 @p0 $0x1  }
0x13: {  	[smem:$0x3FAC] =	sst s0;
	s0 =	simm.s32 @!p1 $0x0  }
0x14: {  	s2 =	sld [smem:$0x3F90];
	s0 =	simm.s32 @p1 $0x1  }
0x15: {  	[smem:$0x3FAD] =	sst s0;
	s0 =	simm.s32 @!p2 $0x0  }
0x16: {  	s3 =	sld [smem:$0x3FDB];
	s0 =	simm.s32 @p2 $0x1  }
0x17: {  	s4 =	simm.s32 $0x1BF5;
	[smem:$0x3FAF] =	sst s0  }
0x18: {  	s0 =	sld [smem:$0x3F92];
	_ =	swait.ge [sflag:s4], $0x0  }
0x19: {  	s7 =	sld [smem:$0x3F93]  }
0x1a: {  	s8 =	sadd.s32 $0xFFFFE003, lr  }
0x1b: {  	s9 =	sadd.s32 $0xFFFFFEF7, lr;
	s5 =	simm.s32 $0xFFFFFFFF;
	p2 =	slt.u32 s8, $0xFFFFF086  }
0x1c: {  	p1 =	slt.u32 s9, $0xF7A;
	s5 =	simm.s32 @!p2 $0x0  }
0x1d: {  	s5 =	simm.s32 @p1 $0x1;
	p0 =	seq.s32 s7, s2  }
0x1e: {  	s7 =	smul.u32 @!p0 $0xF7A, s2;
	p2 =	seq.s32 @!p0 s5, $0x0  }
0x1f: {  	s9 =	smul.u32 $0xF7A, s1;
	s8 =	simm.s32 @!p0 $0x1BF5;
	p2 =	por !p2, p0  }
0x20: {  	[sflag:s8] =	ssyncset.s32 @!p0 $0xFFFFF086;
	s6 =	sadd.s32 @!p0 s3, s7;
	s7 =	simm.s32 @!p0 $0x108  }
0x21: {  	s3 =	sadd.s32 s3, s9;
	s6 =	sadd.s32 @!p0 $0x88, s6;
	s7 =	simm.s32 @p2 $0x1082  }
0x22: {  	[simem:s7], [sflag:s8] =	dma.local @!p0 [hbm:s6], $0xF7A  }
0x23: {  	s9 =	sor.u32 $0xD0000000, s2;
	s6 =	simm.s32 $0x108;
	_ =	swait.ge @!p0 [sflag:s8], $0x0  }
0x24: {  	s3 =	sadd.s32 $0x88, s3;
	s6 =	simm.s32 @!p1 $0x1082;
	[sflag:s4] =	ssyncset.s32 $0xFFFFF086  }
0x25: {  	[simem:s6], [sflag:s4] =	dma.local [hbm:s3], $0xF7A  }
0x26: {  	[smem:$0x3F93] =	sst s1;
	(tag) =	ssettag s2;
	_ =	strace s9  }
0x27: {  	s1 =	sld [smem:$0x3FA3]  }
0x28: {  	s2 =	sld [smem:$0x3FA4]  }
0x29: {  	s4 =	sld [smem:$0x3FA6]  }
0x2a: {  	p0 =	seq.s32 s5, $0x0;
	s5 =	sld [smem:$0x3FA7]  }
0x2b: {  	s6 =	sld [smem:$0x3FA8]  }
0x2c: {  	s7 =	sld [smem:$0x3FA9]  }
0x2d: {  	s3 =	simm.s32 $0x108;
	s8 =	sld [smem:$0x3FAA]  }
0x2e: {  	s3 =	simm.s32 @!p0 $0x1082;
	s9 =	sld [smem:$0x3FAB]  }
0x2f: {  	lr =	sadd.s32 s0, s3;
	s0 =	sld [smem:$0x3FA2]  }
0x30: {  	s3 =	sld [smem:$0x3FA5]  }
0x31: {  	[smem:$0x3FAE] =	sst s10  }
0x32: {  	s10 =	sld [smem:$0x3FAC];
	_ =	sdelay $0x3  }
0x33: {  	p0 =	seq.s32 s10, $0x1;
	s10 =	sld [smem:$0x3FAE];
	_ =	sdelay $0x3  }
0x34: {  	[smem:$0x3FAE] =	sst s10  }
0x35: {  	s10 =	sld [smem:$0x3FAD];
	_ =	sdelay $0x3  }
0x36: {  	p1 =	seq.s32 s10, $0x1;
	s10 =	sld [smem:$0x3FAE];
	_ =	sdelay $0x3  }
0x37: {  	[smem:$0x3FAE] =	sst s10  }
0x38: {  	s10 =	sld [smem:$0x3FAF]  }
0x39: {  	_ = 	snop;
	(pc) =	sbr.ind lr, $3  }
0x3a: {  	_ = 	snop  }
0x3b: {  	_ = 	snop  }
0x3c: {  	p2 =	seq.s32 s10, $0x1;
	s10 =	sld [smem:$0x3FAE]  }
0x3d: {  	_ =	shalt  }
0x3e: {  	_ =	shalt  }
0x3f: {  	_ =	shalt  }
0x40: {  	_ =	shalt  }
0x41: {  	_ =	shalt  }
0x42: {  	_ =	shalt  }
0x43: {  	_ =	shalt  }
0x44: {  	_ =	shalt  }
0x45: {  	_ =	shalt  }
0x46: {  	_ =	shalt  }
0x47: {  	_ =	shalt  }
0x48: {  	_ =	shalt  }
0x49: {  	_ =	shalt  }
0x4a: {  	_ =	shalt  }
0x4b: {  	_ =	shalt  }
0x4c: {  	_ =	shalt  }
0x4d: {  	_ =	shalt  }
0x4e: {  	_ =	shalt  }
0x4f: {  	_ =	shalt  }
0x50: {  	_ =	shalt  }
0x51: {  	_ =	shalt  }
0x52: {  	_ =	shalt  }
0x53: {  	_ =	shalt  }
0x54: {  	_ =	shalt  }
0x55: {  	_ =	shalt  }
0x56: {  	_ =	shalt  }
0x57: {  	_ =	shalt  }
0x58: {  	_ =	shalt  }
0x59: {  	_ =	shalt  }
0x5a: {  	_ =	shalt  }
0x5b: {  	_ =	shalt  }
0x5c: {  	_ =	shalt  }
0x5d: {  	_ =	shalt  }
0x5e: {  	_ =	shalt  }
0x5f: {  	_ =	shalt  }
0x60: {  	_ =	shalt  }
0x61: {  	_ =	shalt  }
0x62: {  	_ =	shalt  }
0x63: {  	_ =	shalt  }
0x64: {  	_ =	shalt  }
0x65: {  	_ =	shalt  }
0x66: {  	_ =	shalt  }
0x67: {  	_ =	shalt  }
0x68: {  	_ =	shalt  }
0x69: {  	_ =	shalt  }
0x6a: {  	_ =	shalt  }
0x6b: {  	_ =	shalt  }
0x6c: {  	_ =	shalt  }
0x6d: {  	_ =	shalt  }
0x6e: {  	_ =	shalt  }
0x6f: {  	_ =	shalt  }
0x70: {  	_ =	shalt  }
0x71: {  	_ =	shalt  }
0x72: {  	_ =	shalt  }
0x73: {  	_ =	shalt  }
0x74: {  	_ =	shalt  }
0x75: {  	_ =	shalt  }
0x76: {  	_ =	shalt  }
0x77: {  	_ =	shalt  }
0x78: {  	_ =	shalt  }
0x79: {  	_ =	shalt  }
0x7a: {  	_ =	shalt  }
0x7b: {  	_ =	shalt  }
0x7c: {  	_ =	shalt  }
0x7d: {  	_ =	shalt  }
0x7e: {  	_ =	shalt  }
0x7f: {  	_ =	shalt  }
0x80: {  	_ =	shalt  }
0x81: {  	_ =	shalt  }
0x82: {  	_ =	shalt  }
0x83: {  	_ =	shalt  }
0x84: {  	_ =	shalt  }
0x85: {  	_ =	shalt  }
0x86: {  	_ =	shalt  }
0x87: {  	_ =	shalt  }
.Lfunc_end0:
.L_simem_size_0:
called_computation.5_lowered:
.L_overlay_start_0:
0x88: {  	s2 =	sld [smem:$0x3FD9]  }
0x89: {  	s3 =	sld [smem:$0x3FFE];
	_ =	sdelay $0x1  }
0x8a: {  	s1 =	srdreg.scid  }
0x8b: {  	s0 =	sand.u32 $0x1, s1  }
0x8c: {  	s17 =	sshll.u32 s0, $0xA;
	s2 =	sadd.s32 s3, s2  }
0x8d: {  	s2 =	sadd.s32 s2, s17  }
0x8e: {  	[smem:$0x3FBA] =	sst s2  }
0x8f: {  	_ = 	snop  }
0x90: {  	(tm) =	ssettm $0x1  }
0x91: {  	s18 =	sld [smem:$0x3FFB];
	_ =	sdelay $0x3  }
0x92: {  	_ =	strace s18  }
0x93: {  	s2 =	sld [smem:$0x3FFC];
	_ =	sdelay $0x3  }
0x94: {  	_ =	strace s2  }
0x95: {  	s2 =	sld [smem:$0x3FFD];
	_ =	sdelay $0x3  }
0x96: {  	_ =	strace s2  }
0x97: {  	_ =	strace $0x8FFFFFFF  }
0x98: {  	s19 =	sld [smem:$0x3FDB];
	_ =	sdelay $0x1  }
0x99: {  	s20 =	simm.s32 $_scs_section_size  }
0x9a: {  	s4 =	simm.s32 $_size__tile_overlayer_lowered;
	s5 =	simm.s32 $_tile_overlayer_lowered  }
0x9b: {  	s6 =	simm.s32 $0x1BFF;
	s21 =	sshll.u32 s5, $0x1;
	s3 =	sadd.s32 s20, s19  }
0x9c: {  	s22 =	simm.s32 $0x0;
	s4 =	sshll.u32 s4, $0x1;
	s5 =	sadd.s32 s21, s3  }
0x9d: {  	[timem:s22], [sflag:s6] =	dma.local [hbm:s5], s4  }
0x9e: {  	_ =	swait.ge [sflag:s6], s4  }
0x9f: {  	s4 =	ssub.s32 $0x0, s4;
	[sflag:s6] =	ssyncset.done $0x0  }
0xa0: {  	[sflag:s6] =	ssyncadd.s32 s4;
	_ =	sdelay $0x1  }
0xa1: {  	s23 =	simm.s32 $0x1B8B  }
0xa2: {  	_ =	swait.ge [sflag:s23], $0x1  }
0xa3: {  	[sflag:s23] =	ssyncset.done $0x0  }
0xa4: {  	[sflag:s23] =	ssyncadd.s32 $0xFFFFFFFF  }
0xa5: {  	s4 =	sld [smem:$0x0]  }
0xa6: {  	s5 =	sand.u32 $0xFFFFFFFE, s1  }
0xa7: {  	p0 =	sne.s32 s1, s5  }
0xa8: {  	s5 =	sshll.u32 @p0 s5, $0xE  }
0xa9: {  	s5 =	sadd.s32 @p0 $0x11B8D, s5;
	s6 =	sshll.u32 @p0 s4, $0x11  }
0xaa: {  	s5 =	sor.u32 @p0 s6, s5  }
0xab: {  	[sflag:s5] =	ssyncadd.remote.s32 @p0 $0x1;
	_ =	sdelay $0x1  }
0xac: {  	s5 =	simm.s32 @p0 $0x1B8D  }
0xad: {  	_ =	swait.eq @p0 [sflag:s5], $0x1  }
0xae: {  	[sflag:s5] =	ssyncadd.s32 @p0 $0xFFFFFFFF  }
0xaf: {  	s6 =	sshll.u32 @!p0 s1, $0xE  }
0xb0: {  	s6 =	sor.u32 @!p0 $0x4000, s6;
	s5 =	simm.s32 @!p0 $0x1B8D  }
0xb1: {  	s4 =	sshll.u32 @!p0 s4, $0x11;
	s6 =	sadd.s32 @!p0 $0x11B8D, s6;
	_ =	swait.eq @!p0 [sflag:s5], $0x1  }
0xb2: {  	s4 =	sor.u32 @!p0 s4, s6;
	[sflag:s5] =	ssyncadd.s32 @!p0 $0xFFFFFFFF  }
0xb3: {  	s25 =	simm.s32 $0x1B8E;
	s24 =	sld [smem:$0x3FFE];
	[sflag:s4] =	ssyncadd.remote.s32 @!p0 $0x1  }
0xb4: {  	s26 =	simm.s32 $execute0_lowered;
	[smem:$0x3FD2] =	sst s25  }
0xb5: {  	s5 =	sshll.u32 s26, $0x1;
	_ =	strace $0x80000052;
	[dreg:$0x1] =	wrdreg $0xFFFFFFFF  }
0xb6: {  	s28 =	simm.s32 $_size_execute0_lowered;
	s3 =	sadd.s32 s3, s5;
	[dreg:$0x0] =	wrdreg $0x0  }
0xb7: {  	s5 =	sshll.u32 s28, $0x1;
	[dreg:$0x2] =	wrdreg s3  }
0xb8: {  	[dreg:$0x3] =	wrdreg s5  }
0xb9: {  	[dreg:$0x4] =	wrdreg $0xC0  }
0xba: {  	_ =	task [dreg:s22], $0x5FFFF  }
0xbb: {  	[dreg:$0x1] =	wrdreg $0xFFFFFFFF  }
0xbc: {  	[dreg:$0x0] =	wrdreg $0x60  }
0xbd: {  	[dreg:$0x2] =	wrdreg s24  }
0xbe: {  	[dreg:$0x3] =	wrdreg $0xA8000  }
0xbf: {  	[dreg:$0x4] =	wrdreg $0xA  }
0xc0: {  	_ =	task.clear_ibuf [dreg:s22], $0x5FFFF;
	_ =	strace $0x90000052  }
0xc1: {  	s29 =	simm.s32 $0xA;
	_ =	strace $0x80000054  }
0xc2: {  	_ =	swait.ge [sflag:s29], $0x1  }
0xc3: {  	[sflag:s29] =	ssyncadd.s32 $0xFFFFFFFF  }
0xc4: {  	_ =	strace $0x90000054  }
0xc5: {  	_ =	sfence  }
0xc6: {  	s30 =	sld [smem:$0x0];
	_ =	sdelay $0x2  }
0xc7: {  	s31 =	sshll.u32 s1, $0xD;
	s1 =	sshrl.u32 s1, $0x2  }
0xc8: {  	s4 =	sand.u32 $0x4000, s31;
	s1 =	sadd.s32 s1, s30  }
0xc9: {  	s0 =	sor.u32 s4, s0;
	s1 =	sshll.u32 s1, $0x11  }
0xca: {  	s0 =	sor.u32 s1, s0  }
0xcb: {  	s0 =	sadd.s32 $0x8F2B, s0  }
0xcc: {  	[sflag:s0] =	ssyncadd.remote.s32 $0x1  }
0xcd: {  	_ =	sfence.sel $0xFFFF  }
0xce: {  	[dreg:$0x0] =	wrdreg $0xFFFFFFFF;
	(pc) =	sbr.abs _section_cstart, $3  }
0xcf: {  	[dreg:$0x1] =	wrdreg $0xFFFFFFFF  }
0xd0: {  	_ =	task.clear_ibuf [dreg:s22], $0x2FFFF;
	_ =	strace $0x9FFFFFFF  }
0xd1: {  	(tm) =	ssettm $0x7FFFFFFF  }
tec
execute0_lowered:
.L_overlay_start_1:
0x0: {  	(tag) =	ssettag $0x1  }
0x1: {  	s7 =	rddreg [dreg:$0x0]  }
0x2: {  	s1 =	rddreg [dreg:$0x1]  }
0x3: {  	s0 =	rddreg [dreg:$0x2]  }
0x4: {  	s3 =	simm.s32 $0x0;
	s2 =	stileid.u32;
	s5 =	srdreg.scid  }
0x5: {  	s17 =	simm.s32 $0x3;
	s18 =	simm.s32 $0x1400;
	s19 =	simm.s32 $0x80  }
0x6: {  	s20 =	simm.s32 $0x6800;
	s21 =	simm.s32 $0x1;
	s22 =	simm.s32 $0x2  }
0x7: {  	s23 =	simm.s32 $0x1380;
	[smem:$0x7FF] =	sst s3;
	s4 =	sadd.s32 $0x2D200, s7  }
0x8: {  	s14 =	sadd.s32 $0xF200, s7;
	s24 =	smul.u32 $0x2800, s2;
	s6 =	sand.u32 $0x1, s5  }
0x9: {  	s15 =	sadd.s32 $0x5200, s7;
	s8 =	smul.u32 $0x50000, s2;
	s25 =	sadd.s32 $0xF5200, s7  }
0xa: {  	_ =	strace $0x80000053;
	s5 =	ssub.s32 $0x2, s6;
	s11 =	sshll.u32 s6, $0x4  }
0xb: {  	p0 =	seq.s32 s6, $0x1;
	s9 =	sadd.s32 s24, s7;
	s10 =	sshrl.u32 s5, $0x1  }
0xc: {  	s11 =	sor.u32 s2, s11;
	s31 =	sshrl.u32 s8, $0x2;
	s25 =	sadd.s32 @p0 s24, s25  }
0xd: {  	s24 =	simm.s32 $0x2700;
	s10 =	ssub.s32 s5, s10;
	s5 =	sadd.s32 s31, s1  }
0xe: {  	s6 =	sadd.s32 $0xCD200, s9;
	s13 =	smul.u32 $0x500, s11;
	s7 =	smax.u32 s10, $0x1  }
0xf: {  	s8 =	sadd.s32 $0x4000, s5;
	s9 =	sadd.s32 $0x8000, s5;
	s10 =	sadd.s32 $0xC000, s5  }
0x10: {  	s11 =	sadd.s32 $0x10000, s5;
	s6 =	smov.u32 @p0 s25;
	s25 =	simm.s32 $0x2780  }
0x11: {  	s12 =	sadd.s32 s14, s13;
	s16 =	sadd.s32 $0x280, s13;
	s13 =	sadd.s32 s15, s13  }
0x12: {  	v0 =	vimm.f32 $0.0e+00;
	s14 =	sadd.s32 s14, s16;
	s15 =	sadd.s32 s15, s16;
	s16 =	simm.s32 $0x2800  }
.LBB2_1:
0x13: {  	s26 =	simm.s32 $0x0;
	s28 =	simm.s32 $0x200  }
.LBB2_2:
0x14: {  	p0 =	sne.s32 s28, $0xFE00;
	[tilespmem:s26+$0x2870] =	vst v0  }
0x15: {  	[tilespmem:s26+$0x2800] =	vst v0  }
0x16: {  	[tilespmem:s26+$0x2810] =	vst v0  }
.Ltmp0:
0x17: {  	[tilespmem:s26+$0x2820] =	vst v0;
	(pc) =	sbr.rel @p0 .LBB2_2-.Ltmp0, $4  }
0x18: {  	[tilespmem:s26+$0x2830] =	vst v0  }
0x19: {  	[tilespmem:s26+$0x2840] =	vst v0  }
0x1a: {  	[tilespmem:s26+$0x2850] =	vst v0  }
0x1b: {  	[tilespmem:s26+$0x2860] =	vst v0;
	s26 =	sshra.s32 s28, $0x2;
	s28 =	sadd.s32 $0x200, s28  }
0x1c: {  	[tilespmem:s26+$0x2870] =	vst v0  }
0x1d: {  	[tilespmem:s26+$0x2800] =	vst v0  }
0x1e: {  	[tilespmem:s26+$0x2810] =	vst v0  }
0x1f: {  	[tilespmem:s26+$0x2820] =	vst v0  }
0x20: {  	[tilespmem:s26+$0x2830] =	vst v0  }
0x21: {  	[tilespmem:s26+$0x2840] =	vst v0  }
0x22: {  	[tilespmem:s26+$0x2850] =	vst v0  }
0x23: {  	[tilespmem:s26+$0x2860] =	vst v0  }
0x24: {  	[spmem:s5] =	stream.linear.scatter [tilespmem:s16], [sflag:$0x3], $0x4000, $0x38;
	[tilespmem:$0x1E800] =	vst v63  }
0x25: {  	_ =	swait.ge [sflag:s17], $0x4000  }
0x26: {  	[sflag:s17] =	ssyncset.done $0x0  }
0x27: {  	[sflag:s17] =	ssyncadd.s32 $0xFFFFC000  }
0x28: {  	[spmem:s8] =	stream.linear.scatter [tilespmem:s16], [sflag:$0x3], $0x4000, $0x38;
	[tilespmem:$0x1E800] =	vst v63  }
0x29: {  	_ =	swait.ge [sflag:s17], $0x4000  }
0x2a: {  	[sflag:s17] =	ssyncset.done $0x0  }
0x2b: {  	[sflag:s17] =	ssyncadd.s32 $0xFFFFC000  }
0x2c: {  	[spmem:s9] =	stream.linear.scatter [tilespmem:s16], [sflag:$0x3], $0x4000, $0x38;
	[tilespmem:$0x1E800] =	vst v63  }
0x2d: {  	_ =	swait.ge [sflag:s17], $0x4000  }
0x2e: {  	[sflag:s17] =	ssyncset.done $0x0  }
0x2f: {  	[sflag:s17] =	ssyncadd.s32 $0xFFFFC000  }
0x30: {  	[spmem:s10] =	stream.linear.scatter [tilespmem:s16], [sflag:$0x3], $0x4000, $0x38;
	[tilespmem:$0x1E800] =	vst v63  }
0x31: {  	_ =	swait.ge [sflag:s17], $0x4000  }
0x32: {  	[sflag:s17] =	ssyncset.done $0x0  }
0x33: {  	[sflag:s17] =	ssyncadd.s32 $0xFFFFC000  }
0x34: {  	[spmem:s11] =	stream.linear.scatter [tilespmem:s16], [sflag:$0x3], $0x4000, $0x38;
	[tilespmem:$0x1E800] =	vst v63  }
0x35: {  	_ =	swait.ge [sflag:s17], $0x4000  }
0x36: {  	[sflag:s17] =	ssyncset.done $0x0  }
0x37: {  	[sflag:s17] =	ssyncadd.s32 $0xFFFFC000  }
0x38: {  	s30 =	simm.s32 $0x0;
	[bflag:$0x0] =	sbarrier.arrive $0xFFFF  }
0x39: {  	[tilespmem:s30], [sflag:$0x3] =	stream.linear.gather [hbm4b:s12+s30], $0x1400, $0x38;
	[tilespmem:$0x1E800] =	vst v63  }
0x3a: {  	_ =	swait.ge [sflag:s17], $0x1400  }
0x3b: {  	[sflag:s17] =	ssyncset.done $0x0  }
0x3c: {  	[sflag:s17] =	ssyncadd.s32 $0xFFFFEC00  }
0x3d: {  	[tilespmem:s18], [sflag:$0x3] =	stream.linear.gather [hbm4b:s13+s30], $0x1400, $0x38;
	[tilespmem:$0x1E800] =	vst v63  }
0x3e: {  	_ =	swait.ge [sflag:s17], $0x1400  }
0x3f: {  	[sflag:s17] =	ssyncset.done $0x0  }
0x40: {  	[sflag:s17] =	ssyncadd.s32 $0xFFFFEC00  }
0x41: {  	[tilespmem:s16], [sflag:$0x1] =	stream.indirect.gather [hbm4b:s4+s19], $0x80, s30, s19, $0xb8;
	[tilespmem:$0x1E800] =	vst v63  }
0x42: {  	s31 =	simm.s32 $0x80  }
0x43: {  	[tilespmem:s20], [sflag:$0x2] =	stream.indirect.gather [hbm4b:s4+s19], $0x80, s31, s19, $0xb8;
	[tilespmem:$0x1E800] =	vst v63  }
0x44: {  	_ =	swait.ge [sflag:s21], $0x4000  }
0x45: {  	[sflag:s21] =	ssyncset.done $0x0  }
0x46: {  	s29 =	simm.s32 $0x1400;
	[sflag:s21] =	ssyncadd.s32 $0xFFFFC000  }
0x47: {  	[spmem:s1] =	stream.indirect.scatter.add.f32 [tilespmem:s16], [sflag:$0x3], $0x80, s29, s19, $0xb8;
	[tilespmem:$0x1E800] =	vst v63  }
0x48: {  	_ =	swait.ge [sflag:s17], $0x4000  }
0x49: {  	[sflag:s17] =	ssyncset.done $0x0  }
0x4a: {  	s30 =	simm.s32 $0x100;
	[sflag:s17] =	ssyncadd.s32 $0xFFFFC000  }
0x4b: {  	[tilespmem:s16], [sflag:$0x1] =	stream.indirect.gather [hbm4b:s4+s19], $0x80, s30, s19, $0xb8;
	[tilespmem:$0x1E800] =	vst v63  }
0x4c: {  	_ =	swait.ge [sflag:s22], $0x4000  }
0x4d: {  	[sflag:s22] =	ssyncset.done $0x0  }
0x4e: {  	s31 =	simm.s32 $0x1480;
	[sflag:s22] =	ssyncadd.s32 $0xFFFFC000  }
0x4f: {  	[spmem:s1] =	stream.indirect.scatter.add.f32 [tilespmem:s20], [sflag:$0x3], $0x80, s31, s19, $0xb8;
	[tilespmem:$0x1E800] =	vst v63  }
0x50: {  	_ =	swait.ge [sflag:s17], $0x4000  }
0x51: {  	s28 =	simm.s32 $0x800;
	s26 =	simm.s32 $0x100;
	[sflag:s17] =	ssyncset.done $0x0  }
.LBB2_4:
0x52: {  	s29 =	sadd.s32 $0x80, s26  }
0x53: {  	[sflag:s17] =	ssyncadd.s32 $0xFFFFC000;
	s30 =	smov.u32 s28;
	s31 =	sadd.s32 $0x400, s28  }
0x54: {  	[tilespmem:s20], [sflag:$0x2] =	stream.indirect.gather [hbm4b:s4+s19], $0x80, s29, s19, $0xb8;
	[tilespmem:$0x1E800] =	vst v63  }
0x55: {  	p0 =	sne.s32 s28, $0x4800;
	_ =	swait.ge [sflag:s21], $0x4000  }
0x56: {  	[sflag:s21] =	ssyncset.done $0x0  }
0x57: {  	s28 =	sadd.s32 $0x1400, s26;
	[sflag:s21] =	ssyncadd.s32 $0xFFFFC000  }
0x58: {  	[spmem:s1] =	stream.indirect.scatter.add.f32 [tilespmem:s16], [sflag:$0x3], $0x80, s28, s19, $0xb8;
	[tilespmem:$0x1E800] =	vst v63  }
0x59: {  	_ =	swait.ge [sflag:s17], $0x4000  }
0x5a: {  	[sflag:s17] =	ssyncset.done $0x0  }
0x5b: {  	s28 =	sadd.s32 $0x100, s26;
	[sflag:s17] =	ssyncadd.s32 $0xFFFFC000  }
0x5c: {  	[tilespmem:s16], [sflag:$0x1] =	stream.indirect.gather [hbm4b:s4+s19], $0x80, s28, s19, $0xb8;
	[tilespmem:$0x1E800] =	vst v63  }
0x5d: {  	_ =	swait.ge [sflag:s22], $0x4000  }
.Ltmp1:
0x5e: {  	[sflag:s22] =	ssyncset.done $0x0;
	(pc) =	sbr.rel @p0 .LBB2_4-.Ltmp1, $4  }
0x5f: {  	s26 =	sadd.s32 $0x1480, s26;
	[sflag:s22] =	ssyncadd.s32 $0xFFFFC000  }
0x60: {  	[spmem:s1] =	stream.indirect.scatter.add.f32 [tilespmem:s20], [sflag:$0x3], $0x80, s26, s19, $0xb8;
	[tilespmem:$0x1E800] =	vst v63  }
0x61: {  	_ =	swait.ge [sflag:s17], $0x4000  }
0x62: {  	s28 =	smov.u32 s31;
	s26 =	sshra.s32 s30, $0x2;
	[sflag:s17] =	ssyncset.done $0x0  }
0x63: {  	s28 =	sadd.s32 $0x80, s26;
	[sflag:s17] =	ssyncadd.s32 $0xFFFFC000  }
0x64: {  	[tilespmem:s20], [sflag:$0x2] =	stream.indirect.gather [hbm4b:s4+s19], $0x80, s28, s19, $0xb8;
	[tilespmem:$0x1E800] =	vst v63  }
0x65: {  	_ =	swait.ge [sflag:s21], $0x4000  }
0x66: {  	[sflag:s21] =	ssyncset.done $0x0  }
0x67: {  	s28 =	sadd.s32 $0x1400, s26;
	[sflag:s21] =	ssyncadd.s32 $0xFFFFC000  }
0x68: {  	[spmem:s1] =	stream.indirect.scatter.add.f32 [tilespmem:s16], [sflag:$0x3], $0x80, s28, s19, $0xb8;
	[tilespmem:$0x1E800] =	vst v63  }
0x69: {  	_ =	swait.ge [sflag:s17], $0x4000  }
0x6a: {  	[sflag:s17] =	ssyncset.done $0x0  }
0x6b: {  	s28 =	sadd.s32 $0x100, s26;
	[sflag:s17] =	ssyncadd.s32 $0xFFFFC000  }
0x6c: {  	[tilespmem:s16], [sflag:$0x1] =	stream.indirect.gather [hbm4b:s4+s19], $0x80, s28, s19, $0xb8;
	[tilespmem:$0x1E800] =	vst v63  }
0x6d: {  	_ =	swait.ge [sflag:s22], $0x4000  }
0x6e: {  	[sflag:s22] =	ssyncset.done $0x0  }
0x6f: {  	s29 =	sadd.s32 $0x1480, s26;
	[sflag:s22] =	ssyncadd.s32 $0xFFFFC000  }
0x70: {  	[spmem:s1] =	stream.indirect.scatter.add.f32 [tilespmem:s20], [sflag:$0x3], $0x80, s29, s19, $0xb8;
	[tilespmem:$0x1E800] =	vst v63  }
0x71: {  	_ =	swait.ge [sflag:s17], $0x4000  }
0x72: {  	[sflag:s17] =	ssyncset.done $0x0  }
0x73: {  	[sflag:s17] =	ssyncadd.s32 $0xFFFFC000  }
0x74: {  	[tilespmem:s20], [sflag:$0x2] =	stream.indirect.gather [hbm4b:s4+s19], $0x80, s23, s19, $0xb8;
	[tilespmem:$0x1E800] =	vst v63  }
0x75: {  	_ =	swait.ge [sflag:s21], $0x4000  }
0x76: {  	[sflag:s21] =	ssyncset.done $0x0  }
0x77: {  	[sflag:s21] =	ssyncadd.s32 $0xFFFFC000  }
0x78: {  	[spmem:s1] =	stream.indirect.scatter.add.f32 [tilespmem:s16], [sflag:$0x3], $0x80, s24, s19, $0xb8;
	[tilespmem:$0x1E800] =	vst v63  }
0x79: {  	_ =	swait.ge [sflag:s17], $0x4000  }
0x7a: {  	[sflag:s17] =	ssyncset.done $0x0  }
0x7b: {  	[sflag:s17] =	ssyncadd.s32 $0xFFFFC000  }
0x7c: {  	_ =	swait.ge [sflag:s22], $0x4000  }
0x7d: {  	[sflag:s22] =	ssyncset.done $0x0  }
0x7e: {  	[sflag:s22] =	ssyncadd.s32 $0xFFFFC000  }
0x7f: {  	[spmem:s1] =	stream.indirect.scatter.add.f32 [tilespmem:s20], [sflag:$0x3], $0x80, s25, s19, $0xb8;
	[tilespmem:$0x1E800] =	vst v63  }
0x80: {  	_ =	swait.ge [sflag:s17], $0x4000  }
0x81: {  	[sflag:s17] =	ssyncset.done $0x0  }
0x82: {  	s30 =	simm.s32 $0x0;
	[sflag:s17] =	ssyncadd.s32 $0xFFFFC000  }
0x83: {  	[tilespmem:s30], [sflag:$0x3] =	stream.linear.gather [hbm4b:s14+s30], $0x1400, $0x38;
	[tilespmem:$0x1E800] =	vst v63  }
0x84: {  	_ =	swait.ge [sflag:s17], $0x1400  }
0x85: {  	[sflag:s17] =	ssyncset.done $0x0  }
0x86: {  	[sflag:s17] =	ssyncadd.s32 $0xFFFFEC00  }
0x87: {  	[tilespmem:s18], [sflag:$0x3] =	stream.linear.gather [hbm4b:s15+s30], $0x1400, $0x38;
	[tilespmem:$0x1E800] =	vst v63  }
0x88: {  	_ =	swait.ge [sflag:s17], $0x1400  }
0x89: {  	[sflag:s17] =	ssyncset.done $0x0  }
0x8a: {  	[sflag:s17] =	ssyncadd.s32 $0xFFFFEC00  }
0x8b: {  	[tilespmem:s16], [sflag:$0x1] =	stream.indirect.gather [hbm4b:s4+s19], $0x80, s30, s19, $0xb8;
	[tilespmem:$0x1E800] =	vst v63  }
0x8c: {  	s31 =	simm.s32 $0x80  }
0x8d: {  	[tilespmem:s20], [sflag:$0x2] =	stream.indirect.gather [hbm4b:s4+s19], $0x80, s31, s19, $0xb8;
	[tilespmem:$0x1E800] =	vst v63  }
0x8e: {  	_ =	swait.ge [sflag:s21], $0x4000  }
0x8f: {  	[sflag:s21] =	ssyncset.done $0x0  }
0x90: {  	s29 =	simm.s32 $0x1400;
	[sflag:s21] =	ssyncadd.s32 $0xFFFFC000  }
0x91: {  	[spmem:s1] =	stream.indirect.scatter.add.f32 [tilespmem:s16], [sflag:$0x3], $0x80, s29, s19, $0xb8;
	[tilespmem:$0x1E800] =	vst v63  }
0x92: {  	_ =	swait.ge [sflag:s17], $0x4000  }
0x93: {  	[sflag:s17] =	ssyncset.done $0x0  }
0x94: {  	s30 =	simm.s32 $0x100;
	[sflag:s17] =	ssyncadd.s32 $0xFFFFC000  }
0x95: {  	[tilespmem:s16], [sflag:$0x1] =	stream.indirect.gather [hbm4b:s4+s19], $0x80, s30, s19, $0xb8;
	[tilespmem:$0x1E800] =	vst v63  }
0x96: {  	_ =	swait.ge [sflag:s22], $0x4000  }
0x97: {  	[sflag:s22] =	ssyncset.done $0x0  }
0x98: {  	s31 =	simm.s32 $0x1480;
	[sflag:s22] =	ssyncadd.s32 $0xFFFFC000  }
0x99: {  	[spmem:s1] =	stream.indirect.scatter.add.f32 [tilespmem:s20], [sflag:$0x3], $0x80, s31, s19, $0xb8;
	[tilespmem:$0x1E800] =	vst v63  }
0x9a: {  	_ =	swait.ge [sflag:s17], $0x4000  }
0x9b: {  	s26 =	simm.s32 $0x100;
	s28 =	simm.s32 $0x800;
	[sflag:s17] =	ssyncset.done $0x0  }
.LBB2_6:
0x9c: {  	s29 =	sadd.s32 $0x80, s26  }
0x9d: {  	[sflag:s17] =	ssyncadd.s32 $0xFFFFC000;
	s30 =	smov.u32 s28;
	s31 =	sadd.s32 $0x400, s28  }
0x9e: {  	[tilespmem:s20], [sflag:$0x2] =	stream.indirect.gather [hbm4b:s4+s19], $0x80, s29, s19, $0xb8;
	[tilespmem:$0x1E800] =	vst v63  }
0x9f: {  	p0 =	sne.s32 s28, $0x4800;
	_ =	swait.ge [sflag:s21], $0x4000  }
0xa0: {  	[sflag:s21] =	ssyncset.done $0x0  }
0xa1: {  	s28 =	sadd.s32 $0x1400, s26;
	[sflag:s21] =	ssyncadd.s32 $0xFFFFC000  }
0xa2: {  	[spmem:s1] =	stream.indirect.scatter.add.f32 [tilespmem:s16], [sflag:$0x3], $0x80, s28, s19, $0xb8;
	[tilespmem:$0x1E800] =	vst v63  }
0xa3: {  	_ =	swait.ge [sflag:s17], $0x4000  }
0xa4: {  	[sflag:s17] =	ssyncset.done $0x0  }
0xa5: {  	s28 =	sadd.s32 $0x100, s26;
	[sflag:s17] =	ssyncadd.s32 $0xFFFFC000  }
0xa6: {  	[tilespmem:s16], [sflag:$0x1] =	stream.indirect.gather [hbm4b:s4+s19], $0x80, s28, s19, $0xb8;
	[tilespmem:$0x1E800] =	vst v63  }
0xa7: {  	_ =	swait.ge [sflag:s22], $0x4000  }
.Ltmp2:
0xa8: {  	[sflag:s22] =	ssyncset.done $0x0;
	(pc) =	sbr.rel @p0 .LBB2_6-.Ltmp2, $4  }
0xa9: {  	s26 =	sadd.s32 $0x1480, s26;
	[sflag:s22] =	ssyncadd.s32 $0xFFFFC000  }
0xaa: {  	[spmem:s1] =	stream.indirect.scatter.add.f32 [tilespmem:s20], [sflag:$0x3], $0x80, s26, s19, $0xb8;
	[tilespmem:$0x1E800] =	vst v63  }
0xab: {  	_ =	swait.ge [sflag:s17], $0x4000  }
0xac: {  	s28 =	smov.u32 s31;
	s26 =	sshra.s32 s30, $0x2;
	[sflag:s17] =	ssyncset.done $0x0  }
0xad: {  	s28 =	sadd.s32 $0x80, s26;
	[sflag:s17] =	ssyncadd.s32 $0xFFFFC000  }
0xae: {  	[tilespmem:s20], [sflag:$0x2] =	stream.indirect.gather [hbm4b:s4+s19], $0x80, s28, s19, $0xb8;
	[tilespmem:$0x1E800] =	vst v63  }
0xaf: {  	_ =	swait.ge [sflag:s21], $0x4000  }
0xb0: {  	[sflag:s21] =	ssyncset.done $0x0  }
0xb1: {  	s30 =	sadd.s32 $0x1400, s26;
	[sflag:s21] =	ssyncadd.s32 $0xFFFFC000  }
0xb2: {  	[spmem:s1] =	stream.indirect.scatter.add.f32 [tilespmem:s16], [sflag:$0x3], $0x80, s30, s19, $0xb8;
	[tilespmem:$0x1E800] =	vst v63  }
0xb3: {  	_ =	swait.ge [sflag:s17], $0x4000  }
0xb4: {  	[sflag:s17] =	ssyncset.done $0x0  }
0xb5: {  	s31 =	sadd.s32 $0x100, s26;
	[sflag:s17] =	ssyncadd.s32 $0xFFFFC000  }
0xb6: {  	[tilespmem:s16], [sflag:$0x1] =	stream.indirect.gather [hbm4b:s4+s19], $0x80, s31, s19, $0xb8;
	[tilespmem:$0x1E800] =	vst v63  }
0xb7: {  	_ =	swait.ge [sflag:s22], $0x4000  }
0xb8: {  	[sflag:s22] =	ssyncset.done $0x0  }
0xb9: {  	s29 =	sadd.s32 $0x1480, s26;
	[sflag:s22] =	ssyncadd.s32 $0xFFFFC000  }
0xba: {  	[spmem:s1] =	stream.indirect.scatter.add.f32 [tilespmem:s20], [sflag:$0x3], $0x80, s29, s19, $0xb8;
	[tilespmem:$0x1E800] =	vst v63  }
0xbb: {  	_ =	swait.ge [sflag:s17], $0x4000  }
0xbc: {  	[sflag:s17] =	ssyncset.done $0x0  }
0xbd: {  	[sflag:s17] =	ssyncadd.s32 $0xFFFFC000  }
0xbe: {  	[tilespmem:s20], [sflag:$0x2] =	stream.indirect.gather [hbm4b:s4+s19], $0x80, s23, s19, $0xb8;
	[tilespmem:$0x1E800] =	vst v63  }
0xbf: {  	_ =	swait.ge [sflag:s21], $0x4000  }
0xc0: {  	[sflag:s21] =	ssyncset.done $0x0  }
0xc1: {  	[sflag:s21] =	ssyncadd.s32 $0xFFFFC000  }
0xc2: {  	[spmem:s1] =	stream.indirect.scatter.add.f32 [tilespmem:s16], [sflag:$0x3], $0x80, s24, s19, $0xb8;
	[tilespmem:$0x1E800] =	vst v63  }
0xc3: {  	_ =	swait.ge [sflag:s17], $0x4000  }
0xc4: {  	[sflag:s17] =	ssyncset.done $0x0  }
0xc5: {  	[sflag:s17] =	ssyncadd.s32 $0xFFFFC000  }
0xc6: {  	_ =	swait.ge [sflag:s22], $0x4000  }
0xc7: {  	[sflag:s22] =	ssyncset.done $0x0  }
0xc8: {  	[sflag:s22] =	ssyncadd.s32 $0xFFFFC000  }
0xc9: {  	[spmem:s1] =	stream.indirect.scatter.add.f32 [tilespmem:s20], [sflag:$0x3], $0x80, s25, s19, $0xb8;
	[tilespmem:$0x1E800] =	vst v63  }
0xca: {  	_ =	swait.ge [sflag:s17], $0x4000  }
0xcb: {  	s3 =	sadd.s32 $0x1, s3;
	s30 =	sshll.u32 s2, $0x6;
	[sflag:s17] =	ssyncset.done $0x0  }
0xcc: {  	p0 =	sne.s32 s3, s7;
	s26 =	sor.u32 $0x1C03, s30;
	[sflag:s17] =	ssyncadd.s32 $0xFFFFC000  }
.Ltmp3:
0xcd: {  	s31 =	sshrl.u32 s5, $0x3;
	[bflag:$0x0] =	sbarrier.arrive $0xFFFF;
	(pc) =	sbr.rel @p0 .LBB2_1-.Ltmp3, $4  }
0xce: {  	[hbm:s6], [sflag:s26] =	dma.local [spmem:s31], $0x2800  }
0xcf: {  	_ =	swait.ge [sflag:s17], $0x2800  }
0xd0: {  	[sflag:s17] =	ssyncset.done $0x0  }
0xd1: {  	[sflag:s17] =	ssyncadd.s32 $0xFFFFD800  }
0xd2: {  	_ =	sfence.sel $0x180000  }
0xd3: {  	[bflag:$0x0] =	sbarrier.arrive $0xFFFF  }
0xd4: {  	p0 =	sne.s32 s2, $0x0;
	_ =	strace $0x90000053  }
0xd5: {  	s0 =	sadd.s32 @!p0 $0x100000, s0;
	[bflag:$0x2] =	sbarrier.arrive $0xFFFF  }
0xd6: {  	[sflag:s0] =	ssyncadd.tile.s32 @!p0 $0x1;
	_ =	shalt  }
.Lfunc_end2:
_tile_overlayer_lowered:
.L_overlay_start_2:
0xd7: {  	(tag) =	ssettag $0x2  }
0xd8: {  	s0 =	rddreg [dreg:$0x0];
	s2 =	stileid.u32  }
0xd9: {  	s1 =	rddreg [dreg:$0x1];
	p0 =	sne.s32 s2, $0x0  }
0xda: {  	s3 =	rddreg [dreg:$0x2];
	[bflag:$0x3] =	sbarrier.arrive $0xFFFF;
	s2 =	simm.s32 @!p0 $0x1C03  }
0xdb: {  	[timem:s3], [sflag:s2] =	dma.local @!p0 [hbm:s0], s1  }
0xdc: {  	s0 =	simm.s32 @!p0 $0x3  }
0xdd: {  	_ =	swait.ge @!p0 [sflag:s0], s1  }
0xde: {  	s1 =	ssub.s32 @!p0 $0x0, s1;
	[sflag:s0] =	ssyncset.done @!p0 $0x0  }
0xdf: {  	[sflag:s0] =	ssyncadd.s32 @!p0 s1  }
0xe0: {  	[bflag:$0x3] =	sbarrier.arrive $0xFFFF  }
0xe1: {  	_ =	shalt  }

// kernel: kernel.37.cloned.1.call-start
scs
__scs_entry_jumppad:
0x0: {  	(pc) =	sbr.rel $0x88, $3  }
0x1: {  	(tag) =	ssettag $0x0;
	lr =	simm.s32 $0x1  }
0x2: {  	[smem:$0x3F93] =	sst lr;
	_ =	strace $0xD0000000  }
0x3: {  	_ = 	snop  }
0x4: {  	_ = 	snop  }
0x5: {  	_ = 	snop  }
0x6: {  	_ = 	snop  }
0x7: {  	_ = 	snop  }
__scs_overlays_trampoline_lowered:
0x8: {  	[smem:$0x3FA2] =	sst s0  }
0x9: {  	[smem:$0x3FA3] =	sst s1  }
0xa: {  	[smem:$0x3FA4] =	sst s2  }
0xb: {  	[smem:$0x3FA5] =	sst s3  }
0xc: {  	[smem:$0x3FA6] =	sst s4  }
0xd: {  	[smem:$0x3FA7] =	sst s5  }
0xe: {  	[smem:$0x3FA8] =	sst s6  }
0xf: {  	[smem:$0x3FA9] =	sst s7  }
0x10: {  	[smem:$0x3FAA] =	sst s8  }
0x11: {  	[smem:$0x3FAB] =	sst s9;
	s0 =	simm.s32 @!p0 $0x0  }
0x12: {  	s1 =	sld [smem:$0x3F91];
	s0 =	simm.s32 @p0 $0x1  }
0x13: {  	[smem:$0x3FAC] =	sst s0;
	s0 =	simm.s32 @!p1 $0x0  }
0x14: {  	s2 =	sld [smem:$0x3F90];
	s0 =	simm.s32 @p1 $0x1  }
0x15: {  	[smem:$0x3FAD] =	sst s0;
	s0 =	simm.s32 @!p2 $0x0  }
0x16: {  	s3 =	sld [smem:$0x3FDB];
	s0 =	simm.s32 @p2 $0x1  }
0x17: {  	s4 =	simm.s32 $0x1BF5;
	[smem:$0x3FAF] =	sst s0  }
0x18: {  	s0 =	sld [smem:$0x3F92];
	_ =	swait.ge [sflag:s4], $0x0  }
0x19: {  	s7 =	sld [smem:$0x3F93]  }
0x1a: {  	s8 =	sadd.s32 $0xFFFFE003, lr  }
0x1b: {  	s9 =	sadd.s32 $0xFFFFFEF7, lr;
	s5 =	simm.s32 $0xFFFFFFFF;
	p2 =	slt.u32 s8, $0xFFFFF086  }
0x1c: {  	p1 =	slt.u32 s9, $0xF7A;
	s5 =	simm.s32 @!p2 $0x0  }
0x1d: {  	s5 =	simm.s32 @p1 $0x1;
	p0 =	seq.s32 s7, s2  }
0x1e: {  	s7 =	smul.u32 @!p0 $0xF7A, s2;
	p2 =	seq.s32 @!p0 s5, $0x0  }
0x1f: {  	s9 =	smul.u32 $0xF7A, s1;
	s8 =	simm.s32 @!p0 $0x1BF5;
	p2 =	por !p2, p0  }
0x20: {  	[sflag:s8] =	ssyncset.s32 @!p0 $0xFFFFF086;
	s6 =	sadd.s32 @!p0 s3, s7;
	s7 =	simm.s32 @!p0 $0x108  }
0x21: {  	s3 =	sadd.s32 s3, s9;
	s6 =	sadd.s32 @!p0 $0x88, s6;
	s7 =	simm.s32 @p2 $0x1082  }
0x22: {  	[simem:s7], [sflag:s8] =	dma.local @!p0 [hbm:s6], $0xF7A  }
0x23: {  	s9 =	sor.u32 $0xD0000000, s2;
	s6 =	simm.s32 $0x108;
	_ =	swait.ge @!p0 [sflag:s8], $0x0  }
0x24: {  	s3 =	sadd.s32 $0x88, s3;
	s6 =	simm.s32 @!p1 $0x1082;
	[sflag:s4] =	ssyncset.s32 $0xFFFFF086  }
0x25: {  	[simem:s6], [sflag:s4] =	dma.local [hbm:s3], $0xF7A  }
0x26: {  	[smem:$0x3F93] =	sst s1;
	(tag) =	ssettag s2;
	_ =	strace s9  }
0x27: {  	s1 =	sld [smem:$0x3FA3]  }
0x28: {  	s2 =	sld [smem:$0x3FA4]  }
0x29: {  	s4 =	sld [smem:$0x3FA6]  }
0x2a: {  	p0 =	seq.s32 s5, $0x0;
	s5 =	sld [smem:$0x3FA7]  }
0x2b: {  	s6 =	sld [smem:$0x3FA8]  }
0x2c: {  	s7 =	sld [smem:$0x3FA9]  }
0x2d: {  	s3 =	simm.s32 $0x108;
	s8 =	sld [smem:$0x3FAA]  }
0x2e: {  	s3 =	simm.s32 @!p0 $0x1082;
	s9 =	sld [smem:$0x3FAB]  }
0x2f: {  	lr =	sadd.s32 s0, s3;
	s0 =	sld [smem:$0x3FA2]  }
0x30: {  	s3 =	sld [smem:$0x3FA5]  }
0x31: {  	[smem:$0x3FAE] =	sst s10  }
0x32: {  	s10 =	sld [smem:$0x3FAC];
	_ =	sdelay $0x3  }
0x33: {  	p0 =	seq.s32 s10, $0x1;
	s10 =	sld [smem:$0x3FAE];
	_ =	sdelay $0x3  }
0x34: {  	[smem:$0x3FAE] =	sst s10  }
0x35: {  	s10 =	sld [smem:$0x3FAD];
	_ =	sdelay $0x3  }
0x36: {  	p1 =	seq.s32 s10, $0x1;
	s10 =	sld [smem:$0x3FAE];
	_ =	sdelay $0x3  }
0x37: {  	[smem:$0x3FAE] =	sst s10  }
0x38: {  	s10 =	sld [smem:$0x3FAF]  }
0x39: {  	_ = 	snop;
	(pc) =	sbr.ind lr, $3  }
0x3a: {  	_ = 	snop  }
0x3b: {  	_ = 	snop  }
0x3c: {  	p2 =	seq.s32 s10, $0x1;
	s10 =	sld [smem:$0x3FAE]  }
0x3d: {  	_ =	shalt  }
0x3e: {  	_ =	shalt  }
0x3f: {  	_ =	shalt  }
0x40: {  	_ =	shalt  }
0x41: {  	_ =	shalt  }
0x42: {  	_ =	shalt  }
0x43: {  	_ =	shalt  }
0x44: {  	_ =	shalt  }
0x45: {  	_ =	shalt  }
0x46: {  	_ =	shalt  }
0x47: {  	_ =	shalt  }
0x48: {  	_ =	shalt  }
0x49: {  	_ =	shalt  }
0x4a: {  	_ =	shalt  }
0x4b: {  	_ =	shalt  }
0x4c: {  	_ =	shalt  }
0x4d: {  	_ =	shalt  }
0x4e: {  	_ =	shalt  }
0x4f: {  	_ =	shalt  }
0x50: {  	_ =	shalt  }
0x51: {  	_ =	shalt  }
0x52: {  	_ =	shalt  }
0x53: {  	_ =	shalt  }
0x54: {  	_ =	shalt  }
0x55: {  	_ =	shalt  }
0x56: {  	_ =	shalt  }
0x57: {  	_ =	shalt  }
0x58: {  	_ =	shalt  }
0x59: {  	_ =	shalt  }
0x5a: {  	_ =	shalt  }
0x5b: {  	_ =	shalt  }
0x5c: {  	_ =	shalt  }
0x5d: {  	_ =	shalt  }
0x5e: {  	_ =	shalt  }
0x5f: {  	_ =	shalt  }
0x60: {  	_ =	shalt  }
0x61: {  	_ =	shalt  }
0x62: {  	_ =	shalt  }
0x63: {  	_ =	shalt  }
0x64: {  	_ =	shalt  }
0x65: {  	_ =	shalt  }
0x66: {  	_ =	shalt  }
0x67: {  	_ =	shalt  }
0x68: {  	_ =	shalt  }
0x69: {  	_ =	shalt  }
0x6a: {  	_ =	shalt  }
0x6b: {  	_ =	shalt  }
0x6c: {  	_ =	shalt  }
0x6d: {  	_ =	shalt  }
0x6e: {  	_ =	shalt  }
0x6f: {  	_ =	shalt  }
0x70: {  	_ =	shalt  }
0x71: {  	_ =	shalt  }
0x72: {  	_ =	shalt  }
0x73: {  	_ =	shalt  }
0x74: {  	_ =	shalt  }
0x75: {  	_ =	shalt  }
0x76: {  	_ =	shalt  }
0x77: {  	_ =	shalt  }
0x78: {  	_ =	shalt  }
0x79: {  	_ =	shalt  }
0x7a: {  	_ =	shalt  }
0x7b: {  	_ =	shalt  }
0x7c: {  	_ =	shalt  }
0x7d: {  	_ =	shalt  }
0x7e: {  	_ =	shalt  }
0x7f: {  	_ =	shalt  }
0x80: {  	_ =	shalt  }
0x81: {  	_ =	shalt  }
0x82: {  	_ =	shalt  }
0x83: {  	_ =	shalt  }
0x84: {  	_ =	shalt  }
0x85: {  	_ =	shalt  }
0x86: {  	_ =	shalt  }
0x87: {  	_ =	shalt  }
.Lfunc_end0:
.L_simem_size_0:
called_computation.6_lowered:
.L_overlay_start_0:
0x88: {  	s2 =	sld [smem:$0x3FD9]  }
0x89: {  	s3 =	sld [smem:$0x3FFE];
	_ =	sdelay $0x1  }
0x8a: {  	s1 =	srdreg.scid  }
0x8b: {  	s0 =	sand.u32 $0x1, s1  }
0x8c: {  	s17 =	sshll.u32 s0, $0xA;
	s2 =	sadd.s32 s3, s2  }
0x8d: {  	s2 =	sadd.s32 s2, s17  }
0x8e: {  	[smem:$0x3FBA] =	sst s2  }
0x8f: {  	_ = 	snop  }
0x90: {  	(tm) =	ssettm $0x1  }
0x91: {  	s18 =	sld [smem:$0x3FFB];
	_ =	sdelay $0x3  }
0x92: {  	_ =	strace s18  }
0x93: {  	s2 =	sld [smem:$0x3FFC];
	_ =	sdelay $0x3  }
0x94: {  	_ =	strace s2  }
0x95: {  	s2 =	sld [smem:$0x3FFD];
	_ =	sdelay $0x3  }
0x96: {  	_ =	strace s2  }
0x97: {  	_ =	strace $0x8FFFFFFF  }
0x98: {  	s19 =	sld [smem:$0x3FDB];
	_ =	sdelay $0x1  }
0x99: {  	s20 =	simm.s32 $_scs_section_size  }
0x9a: {  	s4 =	simm.s32 $_size__tile_overlayer_lowered;
	s5 =	simm.s32 $_tile_overlayer_lowered  }
0x9b: {  	s6 =	simm.s32 $0x1BFF;
	s21 =	sshll.u32 s5, $0x1;
	s3 =	sadd.s32 s20, s19  }
0x9c: {  	s22 =	simm.s32 $0x0;
	s4 =	sshll.u32 s4, $0x1;
	s5 =	sadd.s32 s21, s3  }
0x9d: {  	[timem:s22], [sflag:s6] =	dma.local [hbm:s5], s4  }
0x9e: {  	_ =	swait.ge [sflag:s6], s4  }
0x9f: {  	s4 =	ssub.s32 $0x0, s4;
	[sflag:s6] =	ssyncset.done $0x0  }
0xa0: {  	[sflag:s6] =	ssyncadd.s32 s4;
	_ =	sdelay $0x1  }
0xa1: {  	s23 =	simm.s32 $0x1B8B  }
0xa2: {  	_ =	swait.ge [sflag:s23], $0x1  }
0xa3: {  	[sflag:s23] =	ssyncset.done $0x0  }
0xa4: {  	[sflag:s23] =	ssyncadd.s32 $0xFFFFFFFF  }
0xa5: {  	s4 =	sld [smem:$0x0]  }
0xa6: {  	s5 =	sand.u32 $0xFFFFFFFE, s1  }
0xa7: {  	p0 =	sne.s32 s1, s5  }
0xa8: {  	s5 =	sshll.u32 @p0 s5, $0xE  }
0xa9: {  	s5 =	sadd.s32 @p0 $0x11B8D, s5;
	s6 =	sshll.u32 @p0 s4, $0x11  }
0xaa: {  	s5 =	sor.u32 @p0 s6, s5  }
0xab: {  	[sflag:s5] =	ssyncadd.remote.s32 @p0 $0x1;
	_ =	sdelay $0x1  }
0xac: {  	s5 =	simm.s32 @p0 $0x1B8D  }
0xad: {  	_ =	swait.eq @p0 [sflag:s5], $0x1  }
0xae: {  	[sflag:s5] =	ssyncadd.s32 @p0 $0xFFFFFFFF  }
0xaf: {  	s6 =	sshll.u32 @!p0 s1, $0xE  }
0xb0: {  	s6 =	sor.u32 @!p0 $0x4000, s6;
	s5 =	simm.s32 @!p0 $0x1B8D  }
0xb1: {  	s4 =	sshll.u32 @!p0 s4, $0x11;
	s6 =	sadd.s32 @!p0 $0x11B8D, s6;
	_ =	swait.eq @!p0 [sflag:s5], $0x1  }
0xb2: {  	s4 =	sor.u32 @!p0 s4, s6;
	[sflag:s5] =	ssyncadd.s32 @!p0 $0xFFFFFFFF  }
0xb3: {  	s25 =	simm.s32 $0x1B8E;
	s24 =	sld [smem:$0x3FFE];
	[sflag:s4] =	ssyncadd.remote.s32 @!p0 $0x1  }
0xb4: {  	s26 =	simm.s32 $execute0_lowered;
	[smem:$0x3FD2] =	sst s25  }
0xb5: {  	s5 =	sshll.u32 s26, $0x1;
	_ =	strace $0x8000005B;
	[dreg:$0x1] =	wrdreg $0xFFFFFFFF  }
0xb6: {  	s28 =	simm.s32 $_size_execute0_lowered;
	s3 =	sadd.s32 s3, s5;
	[dreg:$0x0] =	wrdreg $0x0  }
0xb7: {  	s5 =	sshll.u32 s28, $0x1;
	[dreg:$0x2] =	wrdreg s3  }
0xb8: {  	[dreg:$0x3] =	wrdreg s5  }
0xb9: {  	[dreg:$0x4] =	wrdreg $0xC0  }
0xba: {  	_ =	task [dreg:s22], $0x5FFFF  }
0xbb: {  	[dreg:$0x1] =	wrdreg $0xFFFFFFFF  }
0xbc: {  	[dreg:$0x0] =	wrdreg $0x60  }
0xbd: {  	[dreg:$0x2] =	wrdreg s24  }
0xbe: {  	[dreg:$0x3] =	wrdreg $0xA8000  }
0xbf: {  	[dreg:$0x4] =	wrdreg $0x9  }
0xc0: {  	_ =	task.clear_ibuf [dreg:s22], $0x5FFFF;
	_ =	strace $0x9000005B  }
0xc1: {  	s29 =	simm.s32 $0x9;
	_ =	strace $0x8000005D  }
0xc2: {  	_ =	swait.ge [sflag:s29], $0x1  }
0xc3: {  	[sflag:s29] =	ssyncadd.s32 $0xFFFFFFFF  }
0xc4: {  	_ =	strace $0x9000005D  }
0xc5: {  	_ =	sfence  }
0xc6: {  	s30 =	sld [smem:$0x0];
	_ =	sdelay $0x2  }
0xc7: {  	s31 =	sshll.u32 s1, $0xD;
	s1 =	sshrl.u32 s1, $0x2  }
0xc8: {  	s4 =	sand.u32 $0x4000, s31;
	s1 =	sadd.s32 s1, s30  }
0xc9: {  	s0 =	sor.u32 s4, s0;
	s1 =	sshll.u32 s1, $0x11  }
0xca: {  	s0 =	sor.u32 s1, s0  }
0xcb: {  	s0 =	sadd.s32 $0x8F2B, s0  }
0xcc: {  	[sflag:s0] =	ssyncadd.remote.s32 $0x1  }
0xcd: {  	_ =	sfence.sel $0xFFFF  }
0xce: {  	[dreg:$0x0] =	wrdreg $0xFFFFFFFF;
	(pc) =	sbr.abs _section_cstart, $3  }
0xcf: {  	[dreg:$0x1] =	wrdreg $0xFFFFFFFF  }
0xd0: {  	_ =	task.clear_ibuf [dreg:s22], $0x2FFFF;
	_ =	strace $0x9FFFFFFF  }
0xd1: {  	(tm) =	ssettm $0x7FFFFFFF  }
tec
execute0_lowered:
.L_overlay_start_1:
0x0: {  	(tag) =	ssettag $0x1  }
0x1: {  	s7 =	rddreg [dreg:$0x0]  }
0x2: {  	s1 =	rddreg [dreg:$0x1]  }
0x3: {  	s0 =	rddreg [dreg:$0x2]  }
0x4: {  	s3 =	simm.s32 $0x0;
	s2 =	stileid.u32;
	s5 =	srdreg.scid  }
0x5: {  	s17 =	simm.s32 $0x3;
	s18 =	simm.s32 $0x1400;
	s19 =	simm.s32 $0x80  }
0x6: {  	s20 =	simm.s32 $0x6800;
	s21 =	simm.s32 $0x1;
	s22 =	simm.s32 $0x2  }
0x7: {  	s23 =	simm.s32 $0x1380;
	[smem:$0x7FF] =	sst s3;
	s4 =	sadd.s32 $0x55200, s7  }
0x8: {  	s14 =	sadd.s32 $0x23200, s7;
	s24 =	smul.u32 $0x2800, s2;
	s6 =	sand.u32 $0x1, s5  }
0x9: {  	s15 =	sadd.s32 $0x19200, s7;
	s8 =	smul.u32 $0x50000, s2;
	s25 =	sadd.s32 $0xA5200, s7  }
0xa: {  	_ =	strace $0x8000005C;
	s5 =	ssub.s32 $0x2, s6;
	s11 =	sshll.u32 s6, $0x4  }
0xb: {  	p0 =	seq.s32 s6, $0x1;
	s9 =	sadd.s32 s24, s7;
	s10 =	sshrl.u32 s5, $0x1  }
0xc: {  	s11 =	sor.u32 s2, s11;
	s31 =	sshrl.u32 s8, $0x2;
	s25 =	sadd.s32 @p0 s24, s25  }
0xd: {  	s24 =	simm.s32 $0x2700;
	s10 =	ssub.s32 s5, s10;
	s5 =	sadd.s32 s31, s1  }
0xe: {  	s6 =	sadd.s32 $0x7D200, s9;
	s13 =	smul.u32 $0x500, s11;
	s7 =	smax.u32 s10, $0x1  }
0xf: {  	s8 =	sadd.s32 $0x4000, s5;
	s9 =	sadd.s32 $0x8000, s5;
	s10 =	sadd.s32 $0xC000, s5  }
0x10: {  	s11 =	sadd.s32 $0x10000, s5;
	s6 =	smov.u32 @p0 s25;
	s25 =	simm.s32 $0x2780  }
0x11: {  	s12 =	sadd.s32 s14, s13;
	s16 =	sadd.s32 $0x280, s13;
	s13 =	sadd.s32 s15, s13  }
0x12: {  	v0 =	vimm.f32 $0.0e+00;
	s14 =	sadd.s32 s14, s16;
	s15 =	sadd.s32 s15, s16;
	s16 =	simm.s32 $0x2800  }
.LBB2_1:
0x13: {  	s26 =	simm.s32 $0x0;
	s28 =	simm.s32 $0x200  }
.LBB2_2:
0x14: {  	p0 =	sne.s32 s28, $0xFE00;
	[tilespmem:s26+$0x2870] =	vst v0  }
0x15: {  	[tilespmem:s26+$0x2800] =	vst v0  }
0x16: {  	[tilespmem:s26+$0x2810] =	vst v0  }
.Ltmp0:
0x17: {  	[tilespmem:s26+$0x2820] =	vst v0;
	(pc) =	sbr.rel @p0 .LBB2_2-.Ltmp0, $4  }
0x18: {  	[tilespmem:s26+$0x2830] =	vst v0  }
0x19: {  	[tilespmem:s26+$0x2840] =	vst v0  }
0x1a: {  	[tilespmem:s26+$0x2850] =	vst v0  }
0x1b: {  	[tilespmem:s26+$0x2860] =	vst v0;
	s26 =	sshra.s32 s28, $0x2;
	s28 =	sadd.s32 $0x200, s28  }
0x1c: {  	[tilespmem:s26+$0x2870] =	vst v0  }
0x1d: {  	[tilespmem:s26+$0x2800] =	vst v0  }
0x1e: {  	[tilespmem:s26+$0x2810] =	vst v0  }
0x1f: {  	[tilespmem:s26+$0x2820] =	vst v0  }
0x20: {  	[tilespmem:s26+$0x2830] =	vst v0  }
0x21: {  	[tilespmem:s26+$0x2840] =	vst v0  }
0x22: {  	[tilespmem:s26+$0x2850] =	vst v0  }
0x23: {  	[tilespmem:s26+$0x2860] =	vst v0  }
0x24: {  	[spmem:s5] =	stream.linear.scatter [tilespmem:s16], [sflag:$0x3], $0x4000, $0x38;
	[tilespmem:$0x1E800] =	vst v63  }
0x25: {  	_ =	swait.ge [sflag:s17], $0x4000  }
0x26: {  	[sflag:s17] =	ssyncset.done $0x0  }
0x27: {  	[sflag:s17] =	ssyncadd.s32 $0xFFFFC000  }
0x28: {  	[spmem:s8] =	stream.linear.scatter [tilespmem:s16], [sflag:$0x3], $0x4000, $0x38;
	[tilespmem:$0x1E800] =	vst v63  }
0x29: {  	_ =	swait.ge [sflag:s17], $0x4000  }
0x2a: {  	[sflag:s17] =	ssyncset.done $0x0  }
0x2b: {  	[sflag:s17] =	ssyncadd.s32 $0xFFFFC000  }
0x2c: {  	[spmem:s9] =	stream.linear.scatter [tilespmem:s16], [sflag:$0x3], $0x4000, $0x38;
	[tilespmem:$0x1E800] =	vst v63  }
0x2d: {  	_ =	swait.ge [sflag:s17], $0x4000  }
0x2e: {  	[sflag:s17] =	ssyncset.done $0x0  }
0x2f: {  	[sflag:s17] =	ssyncadd.s32 $0xFFFFC000  }
0x30: {  	[spmem:s10] =	stream.linear.scatter [tilespmem:s16], [sflag:$0x3], $0x4000, $0x38;
	[tilespmem:$0x1E800] =	vst v63  }
0x31: {  	_ =	swait.ge [sflag:s17], $0x4000  }
0x32: {  	[sflag:s17] =	ssyncset.done $0x0  }
0x33: {  	[sflag:s17] =	ssyncadd.s32 $0xFFFFC000  }
0x34: {  	[spmem:s11] =	stream.linear.scatter [tilespmem:s16], [sflag:$0x3], $0x4000, $0x38;
	[tilespmem:$0x1E800] =	vst v63  }
0x35: {  	_ =	swait.ge [sflag:s17], $0x4000  }
0x36: {  	[sflag:s17] =	ssyncset.done $0x0  }
0x37: {  	[sflag:s17] =	ssyncadd.s32 $0xFFFFC000  }
0x38: {  	s30 =	simm.s32 $0x0;
	[bflag:$0x0] =	sbarrier.arrive $0xFFFF  }
0x39: {  	[tilespmem:s30], [sflag:$0x3] =	stream.linear.gather [hbm4b:s12+s30], $0x1400, $0x38;
	[tilespmem:$0x1E800] =	vst v63  }
0x3a: {  	_ =	swait.ge [sflag:s17], $0x1400  }
0x3b: {  	[sflag:s17] =	ssyncset.done $0x0  }
0x3c: {  	[sflag:s17] =	ssyncadd.s32 $0xFFFFEC00  }
0x3d: {  	[tilespmem:s18], [sflag:$0x3] =	stream.linear.gather [hbm4b:s13+s30], $0x1400, $0x38;
	[tilespmem:$0x1E800] =	vst v63  }
0x3e: {  	_ =	swait.ge [sflag:s17], $0x1400  }
0x3f: {  	[sflag:s17] =	ssyncset.done $0x0  }
0x40: {  	[sflag:s17] =	ssyncadd.s32 $0xFFFFEC00  }
0x41: {  	[tilespmem:s16], [sflag:$0x1] =	stream.indirect.gather [hbm4b:s4+s19], $0x80, s30, s19, $0xb8;
	[tilespmem:$0x1E800] =	vst v63  }
0x42: {  	s31 =	simm.s32 $0x80  }
0x43: {  	[tilespmem:s20], [sflag:$0x2] =	stream.indirect.gather [hbm4b:s4+s19], $0x80, s31, s19, $0xb8;
	[tilespmem:$0x1E800] =	vst v63  }
0x44: {  	_ =	swait.ge [sflag:s21], $0x4000  }
0x45: {  	[sflag:s21] =	ssyncset.done $0x0  }
0x46: {  	s29 =	simm.s32 $0x1400;
	[sflag:s21] =	ssyncadd.s32 $0xFFFFC000  }
0x47: {  	[spmem:s1] =	stream.indirect.scatter.add.f32 [tilespmem:s16], [sflag:$0x3], $0x80, s29, s19, $0xb8;
	[tilespmem:$0x1E800] =	vst v63  }
0x48: {  	_ =	swait.ge [sflag:s17], $0x4000  }
0x49: {  	[sflag:s17] =	ssyncset.done $0x0  }
0x4a: {  	s30 =	simm.s32 $0x100;
	[sflag:s17] =	ssyncadd.s32 $0xFFFFC000  }
0x4b: {  	[tilespmem:s16], [sflag:$0x1] =	stream.indirect.gather [hbm4b:s4+s19], $0x80, s30, s19, $0xb8;
	[tilespmem:$0x1E800] =	vst v63  }
0x4c: {  	_ =	swait.ge [sflag:s22], $0x4000  }
0x4d: {  	[sflag:s22] =	ssyncset.done $0x0  }
0x4e: {  	s31 =	simm.s32 $0x1480;
	[sflag:s22] =	ssyncadd.s32 $0xFFFFC000  }
0x4f: {  	[spmem:s1] =	stream.indirect.scatter.add.f32 [tilespmem:s20], [sflag:$0x3], $0x80, s31, s19, $0xb8;
	[tilespmem:$0x1E800] =	vst v63  }
0x50: {  	_ =	swait.ge [sflag:s17], $0x4000  }
0x51: {  	s28 =	simm.s32 $0x800;
	s26 =	simm.s32 $0x100;
	[sflag:s17] =	ssyncset.done $0x0  }
.LBB2_4:
0x52: {  	s29 =	sadd.s32 $0x80, s26  }
0x53: {  	[sflag:s17] =	ssyncadd.s32 $0xFFFFC000;
	s30 =	smov.u32 s28;
	s31 =	sadd.s32 $0x400, s28  }
0x54: {  	[tilespmem:s20], [sflag:$0x2] =	stream.indirect.gather [hbm4b:s4+s19], $0x80, s29, s19, $0xb8;
	[tilespmem:$0x1E800] =	vst v63  }
0x55: {  	p0 =	sne.s32 s28, $0x4800;
	_ =	swait.ge [sflag:s21], $0x4000  }
0x56: {  	[sflag:s21] =	ssyncset.done $0x0  }
0x57: {  	s28 =	sadd.s32 $0x1400, s26;
	[sflag:s21] =	ssyncadd.s32 $0xFFFFC000  }
0x58: {  	[spmem:s1] =	stream.indirect.scatter.add.f32 [tilespmem:s16], [sflag:$0x3], $0x80, s28, s19, $0xb8;
	[tilespmem:$0x1E800] =	vst v63  }
0x59: {  	_ =	swait.ge [sflag:s17], $0x4000  }
0x5a: {  	[sflag:s17] =	ssyncset.done $0x0  }
0x5b: {  	s28 =	sadd.s32 $0x100, s26;
	[sflag:s17] =	ssyncadd.s32 $0xFFFFC000  }
0x5c: {  	[tilespmem:s16], [sflag:$0x1] =	stream.indirect.gather [hbm4b:s4+s19], $0x80, s28, s19, $0xb8;
	[tilespmem:$0x1E800] =	vst v63  }
0x5d: {  	_ =	swait.ge [sflag:s22], $0x4000  }
.Ltmp1:
0x5e: {  	[sflag:s22] =	ssyncset.done $0x0;
	(pc) =	sbr.rel @p0 .LBB2_4-.Ltmp1, $4  }
0x5f: {  	s26 =	sadd.s32 $0x1480, s26;
	[sflag:s22] =	ssyncadd.s32 $0xFFFFC000  }
0x60: {  	[spmem:s1] =	stream.indirect.scatter.add.f32 [tilespmem:s20], [sflag:$0x3], $0x80, s26, s19, $0xb8;
	[tilespmem:$0x1E800] =	vst v63  }
0x61: {  	_ =	swait.ge [sflag:s17], $0x4000  }
0x62: {  	s28 =	smov.u32 s31;
	s26 =	sshra.s32 s30, $0x2;
	[sflag:s17] =	ssyncset.done $0x0  }
0x63: {  	s28 =	sadd.s32 $0x80, s26;
	[sflag:s17] =	ssyncadd.s32 $0xFFFFC000  }
0x64: {  	[tilespmem:s20], [sflag:$0x2] =	stream.indirect.gather [hbm4b:s4+s19], $0x80, s28, s19, $0xb8;
	[tilespmem:$0x1E800] =	vst v63  }
0x65: {  	_ =	swait.ge [sflag:s21], $0x4000  }
0x66: {  	[sflag:s21] =	ssyncset.done $0x0  }
0x67: {  	s28 =	sadd.s32 $0x1400, s26;
	[sflag:s21] =	ssyncadd.s32 $0xFFFFC000  }
0x68: {  	[spmem:s1] =	stream.indirect.scatter.add.f32 [tilespmem:s16], [sflag:$0x3], $0x80, s28, s19, $0xb8;
	[tilespmem:$0x1E800] =	vst v63  }
0x69: {  	_ =	swait.ge [sflag:s17], $0x4000  }
0x6a: {  	[sflag:s17] =	ssyncset.done $0x0  }
0x6b: {  	s28 =	sadd.s32 $0x100, s26;
	[sflag:s17] =	ssyncadd.s32 $0xFFFFC000  }
0x6c: {  	[tilespmem:s16], [sflag:$0x1] =	stream.indirect.gather [hbm4b:s4+s19], $0x80, s28, s19, $0xb8;
	[tilespmem:$0x1E800] =	vst v63  }
0x6d: {  	_ =	swait.ge [sflag:s22], $0x4000  }
0x6e: {  	[sflag:s22] =	ssyncset.done $0x0  }
0x6f: {  	s29 =	sadd.s32 $0x1480, s26;
	[sflag:s22] =	ssyncadd.s32 $0xFFFFC000  }
0x70: {  	[spmem:s1] =	stream.indirect.scatter.add.f32 [tilespmem:s20], [sflag:$0x3], $0x80, s29, s19, $0xb8;
	[tilespmem:$0x1E800] =	vst v63  }
0x71: {  	_ =	swait.ge [sflag:s17], $0x4000  }
0x72: {  	[sflag:s17] =	ssyncset.done $0x0  }
0x73: {  	[sflag:s17] =	ssyncadd.s32 $0xFFFFC000  }
0x74: {  	[tilespmem:s20], [sflag:$0x2] =	stream.indirect.gather [hbm4b:s4+s19], $0x80, s23, s19, $0xb8;
	[tilespmem:$0x1E800] =	vst v63  }
0x75: {  	_ =	swait.ge [sflag:s21], $0x4000  }
0x76: {  	[sflag:s21] =	ssyncset.done $0x0  }
0x77: {  	[sflag:s21] =	ssyncadd.s32 $0xFFFFC000  }
0x78: {  	[spmem:s1] =	stream.indirect.scatter.add.f32 [tilespmem:s16], [sflag:$0x3], $0x80, s24, s19, $0xb8;
	[tilespmem:$0x1E800] =	vst v63  }
0x79: {  	_ =	swait.ge [sflag:s17], $0x4000  }
0x7a: {  	[sflag:s17] =	ssyncset.done $0x0  }
0x7b: {  	[sflag:s17] =	ssyncadd.s32 $0xFFFFC000  }
0x7c: {  	_ =	swait.ge [sflag:s22], $0x4000  }
0x7d: {  	[sflag:s22] =	ssyncset.done $0x0  }
0x7e: {  	[sflag:s22] =	ssyncadd.s32 $0xFFFFC000  }
0x7f: {  	[spmem:s1] =	stream.indirect.scatter.add.f32 [tilespmem:s20], [sflag:$0x3], $0x80, s25, s19, $0xb8;
	[tilespmem:$0x1E800] =	vst v63  }
0x80: {  	_ =	swait.ge [sflag:s17], $0x4000  }
0x81: {  	[sflag:s17] =	ssyncset.done $0x0  }
0x82: {  	s30 =	simm.s32 $0x0;
	[sflag:s17] =	ssyncadd.s32 $0xFFFFC000  }
0x83: {  	[tilespmem:s30], [sflag:$0x3] =	stream.linear.gather [hbm4b:s14+s30], $0x1400, $0x38;
	[tilespmem:$0x1E800] =	vst v63  }
0x84: {  	_ =	swait.ge [sflag:s17], $0x1400  }
0x85: {  	[sflag:s17] =	ssyncset.done $0x0  }
0x86: {  	[sflag:s17] =	ssyncadd.s32 $0xFFFFEC00  }
0x87: {  	[tilespmem:s18], [sflag:$0x3] =	stream.linear.gather [hbm4b:s15+s30], $0x1400, $0x38;
	[tilespmem:$0x1E800] =	vst v63  }
0x88: {  	_ =	swait.ge [sflag:s17], $0x1400  }
0x89: {  	[sflag:s17] =	ssyncset.done $0x0  }
0x8a: {  	[sflag:s17] =	ssyncadd.s32 $0xFFFFEC00  }
0x8b: {  	[tilespmem:s16], [sflag:$0x1] =	stream.indirect.gather [hbm4b:s4+s19], $0x80, s30, s19, $0xb8;
	[tilespmem:$0x1E800] =	vst v63  }
0x8c: {  	s31 =	simm.s32 $0x80  }
0x8d: {  	[tilespmem:s20], [sflag:$0x2] =	stream.indirect.gather [hbm4b:s4+s19], $0x80, s31, s19, $0xb8;
	[tilespmem:$0x1E800] =	vst v63  }
0x8e: {  	_ =	swait.ge [sflag:s21], $0x4000  }
0x8f: {  	[sflag:s21] =	ssyncset.done $0x0  }
0x90: {  	s29 =	simm.s32 $0x1400;
	[sflag:s21] =	ssyncadd.s32 $0xFFFFC000  }
0x91: {  	[spmem:s1] =	stream.indirect.scatter.add.f32 [tilespmem:s16], [sflag:$0x3], $0x80, s29, s19, $0xb8;
	[tilespmem:$0x1E800] =	vst v63  }
0x92: {  	_ =	swait.ge [sflag:s17], $0x4000  }
0x93: {  	[sflag:s17] =	ssyncset.done $0x0  }
0x94: {  	s30 =	simm.s32 $0x100;
	[sflag:s17] =	ssyncadd.s32 $0xFFFFC000  }
0x95: {  	[tilespmem:s16], [sflag:$0x1] =	stream.indirect.gather [hbm4b:s4+s19], $0x80, s30, s19, $0xb8;
	[tilespmem:$0x1E800] =	vst v63  }
0x96: {  	_ =	swait.ge [sflag:s22], $0x4000  }
0x97: {  	[sflag:s22] =	ssyncset.done $0x0  }
0x98: {  	s31 =	simm.s32 $0x1480;
	[sflag:s22] =	ssyncadd.s32 $0xFFFFC000  }
0x99: {  	[spmem:s1] =	stream.indirect.scatter.add.f32 [tilespmem:s20], [sflag:$0x3], $0x80, s31, s19, $0xb8;
	[tilespmem:$0x1E800] =	vst v63  }
0x9a: {  	_ =	swait.ge [sflag:s17], $0x4000  }
0x9b: {  	s26 =	simm.s32 $0x100;
	s28 =	simm.s32 $0x800;
	[sflag:s17] =	ssyncset.done $0x0  }
.LBB2_6:
0x9c: {  	s29 =	sadd.s32 $0x80, s26  }
0x9d: {  	[sflag:s17] =	ssyncadd.s32 $0xFFFFC000;
	s30 =	smov.u32 s28;
	s31 =	sadd.s32 $0x400, s28  }
0x9e: {  	[tilespmem:s20], [sflag:$0x2] =	stream.indirect.gather [hbm4b:s4+s19], $0x80, s29, s19, $0xb8;
	[tilespmem:$0x1E800] =	vst v63  }
0x9f: {  	p0 =	sne.s32 s28, $0x4800;
	_ =	swait.ge [sflag:s21], $0x4000  }
0xa0: {  	[sflag:s21] =	ssyncset.done $0x0  }
0xa1: {  	s28 =	sadd.s32 $0x1400, s26;
	[sflag:s21] =	ssyncadd.s32 $0xFFFFC000  }
0xa2: {  	[spmem:s1] =	stream.indirect.scatter.add.f32 [tilespmem:s16], [sflag:$0x3], $0x80, s28, s19, $0xb8;
	[tilespmem:$0x1E800] =	vst v63  }
0xa3: {  	_ =	swait.ge [sflag:s17], $0x4000  }
0xa4: {  	[sflag:s17] =	ssyncset.done $0x0  }
0xa5: {  	s28 =	sadd.s32 $0x100, s26;
	[sflag:s17] =	ssyncadd.s32 $0xFFFFC000  }
0xa6: {  	[tilespmem:s16], [sflag:$0x1] =	stream.indirect.gather [hbm4b:s4+s19], $0x80, s28, s19, $0xb8;
	[tilespmem:$0x1E800] =	vst v63  }
0xa7: {  	_ =	swait.ge [sflag:s22], $0x4000  }
.Ltmp2:
0xa8: {  	[sflag:s22] =	ssyncset.done $0x0;
	(pc) =	sbr.rel @p0 .LBB2_6-.Ltmp2, $4  }
0xa9: {  	s26 =	sadd.s32 $0x1480, s26;
	[sflag:s22] =	ssyncadd.s32 $0xFFFFC000  }
0xaa: {  	[spmem:s1] =	stream.indirect.scatter.add.f32 [tilespmem:s20], [sflag:$0x3], $0x80, s26, s19, $0xb8;
	[tilespmem:$0x1E800] =	vst v63  }
0xab: {  	_ =	swait.ge [sflag:s17], $0x4000  }
0xac: {  	s28 =	smov.u32 s31;
	s26 =	sshra.s32 s30, $0x2;
	[sflag:s17] =	ssyncset.done $0x0  }
0xad: {  	s28 =	sadd.s32 $0x80, s26;
	[sflag:s17] =	ssyncadd.s32 $0xFFFFC000  }
0xae: {  	[tilespmem:s20], [sflag:$0x2] =	stream.indirect.gather [hbm4b:s4+s19], $0x80, s28, s19, $0xb8;
	[tilespmem:$0x1E800] =	vst v63  }
0xaf: {  	_ =	swait.ge [sflag:s21], $0x4000  }
0xb0: {  	[sflag:s21] =	ssyncset.done $0x0  }
0xb1: {  	s30 =	sadd.s32 $0x1400, s26;
	[sflag:s21] =	ssyncadd.s32 $0xFFFFC000  }
0xb2: {  	[spmem:s1] =	stream.indirect.scatter.add.f32 [tilespmem:s16], [sflag:$0x3], $0x80, s30, s19, $0xb8;
	[tilespmem:$0x1E800] =	vst v63  }
0xb3: {  	_ =	swait.ge [sflag:s17], $0x4000  }
0xb4: {  	[sflag:s17] =	ssyncset.done $0x0  }
0xb5: {  	s31 =	sadd.s32 $0x100, s26;
	[sflag:s17] =	ssyncadd.s32 $0xFFFFC000  }
0xb6: {  	[tilespmem:s16], [sflag:$0x1] =	stream.indirect.gather [hbm4b:s4+s19], $0x80, s31, s19, $0xb8;
	[tilespmem:$0x1E800] =	vst v63  }
0xb7: {  	_ =	swait.ge [sflag:s22], $0x4000  }
0xb8: {  	[sflag:s22] =	ssyncset.done $0x0  }
0xb9: {  	s29 =	sadd.s32 $0x1480, s26;
	[sflag:s22] =	ssyncadd.s32 $0xFFFFC000  }
0xba: {  	[spmem:s1] =	stream.indirect.scatter.add.f32 [tilespmem:s20], [sflag:$0x3], $0x80, s29, s19, $0xb8;
	[tilespmem:$0x1E800] =	vst v63  }
0xbb: {  	_ =	swait.ge [sflag:s17], $0x4000  }
0xbc: {  	[sflag:s17] =	ssyncset.done $0x0  }
0xbd: {  	[sflag:s17] =	ssyncadd.s32 $0xFFFFC000  }
0xbe: {  	[tilespmem:s20], [sflag:$0x2] =	stream.indirect.gather [hbm4b:s4+s19], $0x80, s23, s19, $0xb8;
	[tilespmem:$0x1E800] =	vst v63  }
0xbf: {  	_ =	swait.ge [sflag:s21], $0x4000  }
0xc0: {  	[sflag:s21] =	ssyncset.done $0x0  }
0xc1: {  	[sflag:s21] =	ssyncadd.s32 $0xFFFFC000  }
0xc2: {  	[spmem:s1] =	stream.indirect.scatter.add.f32 [tilespmem:s16], [sflag:$0x3], $0x80, s24, s19, $0xb8;
	[tilespmem:$0x1E800] =	vst v63  }
0xc3: {  	_ =	swait.ge [sflag:s17], $0x4000  }
0xc4: {  	[sflag:s17] =	ssyncset.done $0x0  }
0xc5: {  	[sflag:s17] =	ssyncadd.s32 $0xFFFFC000  }
0xc6: {  	_ =	swait.ge [sflag:s22], $0x4000  }
0xc7: {  	[sflag:s22] =	ssyncset.done $0x0  }
0xc8: {  	[sflag:s22] =	ssyncadd.s32 $0xFFFFC000  }
0xc9: {  	[spmem:s1] =	stream.indirect.scatter.add.f32 [tilespmem:s20], [sflag:$0x3], $0x80, s25, s19, $0xb8;
	[tilespmem:$0x1E800] =	vst v63  }
0xca: {  	_ =	swait.ge [sflag:s17], $0x4000  }
0xcb: {  	s3 =	sadd.s32 $0x1, s3;
	s30 =	sshll.u32 s2, $0x6;
	[sflag:s17] =	ssyncset.done $0x0  }
0xcc: {  	p0 =	sne.s32 s3, s7;
	s26 =	sor.u32 $0x1C03, s30;
	[sflag:s17] =	ssyncadd.s32 $0xFFFFC000  }
.Ltmp3:
0xcd: {  	s31 =	sshrl.u32 s5, $0x3;
	[bflag:$0x0] =	sbarrier.arrive $0xFFFF;
	(pc) =	sbr.rel @p0 .LBB2_1-.Ltmp3, $4  }
0xce: {  	[hbm:s6], [sflag:s26] =	dma.local [spmem:s31], $0x2800  }
0xcf: {  	_ =	swait.ge [sflag:s17], $0x2800  }
0xd0: {  	[sflag:s17] =	ssyncset.done $0x0  }
0xd1: {  	[sflag:s17] =	ssyncadd.s32 $0xFFFFD800  }
0xd2: {  	_ =	sfence.sel $0x180000  }
0xd3: {  	[bflag:$0x0] =	sbarrier.arrive $0xFFFF  }
0xd4: {  	p0 =	sne.s32 s2, $0x0;
	_ =	strace $0x9000005C  }
0xd5: {  	s0 =	sadd.s32 @!p0 $0x100000, s0;
	[bflag:$0x2] =	sbarrier.arrive $0xFFFF  }
0xd6: {  	[sflag:s0] =	ssyncadd.tile.s32 @!p0 $0x1;
	_ =	shalt  }
.Lfunc_end2:
_tile_overlayer_lowered:
.L_overlay_start_2:
0xd7: {  	(tag) =	ssettag $0x2  }
0xd8: {  	s0 =	rddreg [dreg:$0x0];
	s2 =	stileid.u32  }
0xd9: {  	s1 =	rddreg [dreg:$0x1];
	p0 =	sne.s32 s2, $0x0  }
0xda: {  	s3 =	rddreg [dreg:$0x2];
	[bflag:$0x3] =	sbarrier.arrive $0xFFFF;
	s2 =	simm.s32 @!p0 $0x1C03  }
0xdb: {  	[timem:s3], [sflag:s2] =	dma.local @!p0 [hbm:s0], s1  }
0xdc: {  	s0 =	simm.s32 @!p0 $0x3  }
0xdd: {  	_ =	swait.ge @!p0 [sflag:s0], s1  }
0xde: {  	s1 =	ssub.s32 @!p0 $0x0, s1;
	[sflag:s0] =	ssyncset.done @!p0 $0x0  }
0xdf: {  	[sflag:s0] =	ssyncadd.s32 @!p0 s1  }
0xe0: {  	[bflag:$0x3] =	sbarrier.arrive $0xFFFF  }
0xe1: {  	_ =	shalt  }

// kernel: kernel.40.cloned.1.call-start
scs
__scs_entry_jumppad:
0x0: {  	(pc) =	sbr.rel $0x88, $3  }
0x1: {  	(tag) =	ssettag $0x0;
	lr =	simm.s32 $0x1  }
0x2: {  	[smem:$0x3F93] =	sst lr;
	_ =	strace $0xD0000000  }
0x3: {  	_ = 	snop  }
0x4: {  	_ = 	snop  }
0x5: {  	_ = 	snop  }
0x6: {  	_ = 	snop  }
0x7: {  	_ = 	snop  }
__scs_overlays_trampoline_lowered:
0x8: {  	[smem:$0x3FA2] =	sst s0  }
0x9: {  	[smem:$0x3FA3] =	sst s1  }
0xa: {  	[smem:$0x3FA4] =	sst s2  }
0xb: {  	[smem:$0x3FA5] =	sst s3  }
0xc: {  	[smem:$0x3FA6] =	sst s4  }
0xd: {  	[smem:$0x3FA7] =	sst s5  }
0xe: {  	[smem:$0x3FA8] =	sst s6  }
0xf: {  	[smem:$0x3FA9] =	sst s7  }
0x10: {  	[smem:$0x3FAA] =	sst s8  }
0x11: {  	[smem:$0x3FAB] =	sst s9;
	s0 =	simm.s32 @!p0 $0x0  }
0x12: {  	s1 =	sld [smem:$0x3F91];
	s0 =	simm.s32 @p0 $0x1  }
0x13: {  	[smem:$0x3FAC] =	sst s0;
	s0 =	simm.s32 @!p1 $0x0  }
0x14: {  	s2 =	sld [smem:$0x3F90];
	s0 =	simm.s32 @p1 $0x1  }
0x15: {  	[smem:$0x3FAD] =	sst s0;
	s0 =	simm.s32 @!p2 $0x0  }
0x16: {  	s3 =	sld [smem:$0x3FDB];
	s0 =	simm.s32 @p2 $0x1  }
0x17: {  	s4 =	simm.s32 $0x1BF5;
	[smem:$0x3FAF] =	sst s0  }
0x18: {  	s0 =	sld [smem:$0x3F92];
	_ =	swait.ge [sflag:s4], $0x0  }
0x19: {  	s7 =	sld [smem:$0x3F93]  }
0x1a: {  	s8 =	sadd.s32 $0xFFFFE003, lr  }
0x1b: {  	s9 =	sadd.s32 $0xFFFFFEF7, lr;
	s5 =	simm.s32 $0xFFFFFFFF;
	p2 =	slt.u32 s8, $0xFFFFF086  }
0x1c: {  	p1 =	slt.u32 s9, $0xF7A;
	s5 =	simm.s32 @!p2 $0x0  }
0x1d: {  	s5 =	simm.s32 @p1 $0x1;
	p0 =	seq.s32 s7, s2  }
0x1e: {  	s7 =	smul.u32 @!p0 $0xF7A, s2;
	p2 =	seq.s32 @!p0 s5, $0x0  }
0x1f: {  	s9 =	smul.u32 $0xF7A, s1;
	s8 =	simm.s32 @!p0 $0x1BF5;
	p2 =	por !p2, p0  }
0x20: {  	[sflag:s8] =	ssyncset.s32 @!p0 $0xFFFFF086;
	s6 =	sadd.s32 @!p0 s3, s7;
	s7 =	simm.s32 @!p0 $0x108  }
0x21: {  	s3 =	sadd.s32 s3, s9;
	s6 =	sadd.s32 @!p0 $0x88, s6;
	s7 =	simm.s32 @p2 $0x1082  }
0x22: {  	[simem:s7], [sflag:s8] =	dma.local @!p0 [hbm:s6], $0xF7A  }
0x23: {  	s9 =	sor.u32 $0xD0000000, s2;
	s6 =	simm.s32 $0x108;
	_ =	swait.ge @!p0 [sflag:s8], $0x0  }
0x24: {  	s3 =	sadd.s32 $0x88, s3;
	s6 =	simm.s32 @!p1 $0x1082;
	[sflag:s4] =	ssyncset.s32 $0xFFFFF086  }
0x25: {  	[simem:s6], [sflag:s4] =	dma.local [hbm:s3], $0xF7A  }
0x26: {  	[smem:$0x3F93] =	sst s1;
	(tag) =	ssettag s2;
	_ =	strace s9  }
0x27: {  	s1 =	sld [smem:$0x3FA3]  }
0x28: {  	s2 =	sld [smem:$0x3FA4]  }
0x29: {  	s4 =	sld [smem:$0x3FA6]  }
0x2a: {  	p0 =	seq.s32 s5, $0x0;
	s5 =	sld [smem:$0x3FA7]  }
0x2b: {  	s6 =	sld [smem:$0x3FA8]  }
0x2c: {  	s7 =	sld [smem:$0x3FA9]  }
0x2d: {  	s3 =	simm.s32 $0x108;
	s8 =	sld [smem:$0x3FAA]  }
0x2e: {  	s3 =	simm.s32 @!p0 $0x1082;
	s9 =	sld [smem:$0x3FAB]  }
0x2f: {  	lr =	sadd.s32 s0, s3;
	s0 =	sld [smem:$0x3FA2]  }
0x30: {  	s3 =	sld [smem:$0x3FA5]  }
0x31: {  	[smem:$0x3FAE] =	sst s10  }
0x32: {  	s10 =	sld [smem:$0x3FAC];
	_ =	sdelay $0x3  }
0x33: {  	p0 =	seq.s32 s10, $0x1;
	s10 =	sld [smem:$0x3FAE];
	_ =	sdelay $0x3  }
0x34: {  	[smem:$0x3FAE] =	sst s10  }
0x35: {  	s10 =	sld [smem:$0x3FAD];
	_ =	sdelay $0x3  }
0x36: {  	p1 =	seq.s32 s10, $0x1;
	s10 =	sld [smem:$0x3FAE];
	_ =	sdelay $0x3  }
0x37: {  	[smem:$0x3FAE] =	sst s10  }
0x38: {  	s10 =	sld [smem:$0x3FAF]  }
0x39: {  	_ = 	snop;
	(pc) =	sbr.ind lr, $3  }
0x3a: {  	_ = 	snop  }
0x3b: {  	_ = 	snop  }
0x3c: {  	p2 =	seq.s32 s10, $0x1;
	s10 =	sld [smem:$0x3FAE]  }
0x3d: {  	_ =	shalt  }
0x3e: {  	_ =	shalt  }
0x3f: {  	_ =	shalt  }
0x40: {  	_ =	shalt  }
0x41: {  	_ =	shalt  }
0x42: {  	_ =	shalt  }
0x43: {  	_ =	shalt  }
0x44: {  	_ =	shalt  }
0x45: {  	_ =	shalt  }
0x46: {  	_ =	shalt  }
0x47: {  	_ =	shalt  }
0x48: {  	_ =	shalt  }
0x49: {  	_ =	shalt  }
0x4a: {  	_ =	shalt  }
0x4b: {  	_ =	shalt  }
0x4c: {  	_ =	shalt  }
0x4d: {  	_ =	shalt  }
0x4e: {  	_ =	shalt  }
0x4f: {  	_ =	shalt  }
0x50: {  	_ =	shalt  }
0x51: {  	_ =	shalt  }
0x52: {  	_ =	shalt  }
0x53: {  	_ =	shalt  }
0x54: {  	_ =	shalt  }
0x55: {  	_ =	shalt  }
0x56: {  	_ =	shalt  }
0x57: {  	_ =	shalt  }
0x58: {  	_ =	shalt  }
0x59: {  	_ =	shalt  }
0x5a: {  	_ =	shalt  }
0x5b: {  	_ =	shalt  }
0x5c: {  	_ =	shalt  }
0x5d: {  	_ =	shalt  }
0x5e: {  	_ =	shalt  }
0x5f: {  	_ =	shalt  }
0x60: {  	_ =	shalt  }
0x61: {  	_ =	shalt  }
0x62: {  	_ =	shalt  }
0x63: {  	_ =	shalt  }
0x64: {  	_ =	shalt  }
0x65: {  	_ =	shalt  }
0x66: {  	_ =	shalt  }
0x67: {  	_ =	shalt  }
0x68: {  	_ =	shalt  }
0x69: {  	_ =	shalt  }
0x6a: {  	_ =	shalt  }
0x6b: {  	_ =	shalt  }
0x6c: {  	_ =	shalt  }
0x6d: {  	_ =	shalt  }
0x6e: {  	_ =	shalt  }
0x6f: {  	_ =	shalt  }
0x70: {  	_ =	shalt  }
0x71: {  	_ =	shalt  }
0x72: {  	_ =	shalt  }
0x73: {  	_ =	shalt  }
0x74: {  	_ =	shalt  }
0x75: {  	_ =	shalt  }
0x76: {  	_ =	shalt  }
0x77: {  	_ =	shalt  }
0x78: {  	_ =	shalt  }
0x79: {  	_ =	shalt  }
0x7a: {  	_ =	shalt  }
0x7b: {  	_ =	shalt  }
0x7c: {  	_ =	shalt  }
0x7d: {  	_ =	shalt  }
0x7e: {  	_ =	shalt  }
0x7f: {  	_ =	shalt  }
0x80: {  	_ =	shalt  }
0x81: {  	_ =	shalt  }
0x82: {  	_ =	shalt  }
0x83: {  	_ =	shalt  }
0x84: {  	_ =	shalt  }
0x85: {  	_ =	shalt  }
0x86: {  	_ =	shalt  }
0x87: {  	_ =	shalt  }
.Lfunc_end0:
.L_simem_size_0:
called_computation.7_lowered:
.L_overlay_start_0:
0x88: {  	s2 =	sld [smem:$0x3FD9]  }
0x89: {  	s3 =	sld [smem:$0x3FFE];
	_ =	sdelay $0x1  }
0x8a: {  	s1 =	srdreg.scid  }
0x8b: {  	s0 =	sand.u32 $0x1, s1  }
0x8c: {  	s17 =	sshll.u32 s0, $0xA;
	s2 =	sadd.s32 s3, s2  }
0x8d: {  	s2 =	sadd.s32 s2, s17  }
0x8e: {  	[smem:$0x3FBA] =	sst s2  }
0x8f: {  	_ = 	snop  }
0x90: {  	(tm) =	ssettm $0x1  }
0x91: {  	s18 =	sld [smem:$0x3FFB];
	_ =	sdelay $0x3  }
0x92: {  	_ =	strace s18  }
0x93: {  	s2 =	sld [smem:$0x3FFC];
	_ =	sdelay $0x3  }
0x94: {  	_ =	strace s2  }
0x95: {  	s2 =	sld [smem:$0x3FFD];
	_ =	sdelay $0x3  }
0x96: {  	_ =	strace s2  }
0x97: {  	_ =	strace $0x8FFFFFFF  }
0x98: {  	s19 =	sld [smem:$0x3FDB];
	_ =	sdelay $0x1  }
0x99: {  	s20 =	simm.s32 $_scs_section_size  }
0x9a: {  	s4 =	simm.s32 $_size__tile_overlayer_lowered;
	s5 =	simm.s32 $_tile_overlayer_lowered  }
0x9b: {  	s6 =	simm.s32 $0x1BFF;
	s21 =	sshll.u32 s5, $0x1;
	s3 =	sadd.s32 s20, s19  }
0x9c: {  	s22 =	simm.s32 $0x0;
	s4 =	sshll.u32 s4, $0x1;
	s5 =	sadd.s32 s21, s3  }
0x9d: {  	[timem:s22], [sflag:s6] =	dma.local [hbm:s5], s4  }
0x9e: {  	_ =	swait.ge [sflag:s6], s4  }
0x9f: {  	s4 =	ssub.s32 $0x0, s4;
	[sflag:s6] =	ssyncset.done $0x0  }
0xa0: {  	[sflag:s6] =	ssyncadd.s32 s4;
	_ =	sdelay $0x1  }
0xa1: {  	s23 =	simm.s32 $0x1B8B  }
0xa2: {  	_ =	swait.ge [sflag:s23], $0x1  }
0xa3: {  	[sflag:s23] =	ssyncset.done $0x0  }
0xa4: {  	[sflag:s23] =	ssyncadd.s32 $0xFFFFFFFF  }
0xa5: {  	s4 =	sld [smem:$0x0]  }
0xa6: {  	s5 =	sand.u32 $0xFFFFFFFE, s1  }
0xa7: {  	p0 =	sne.s32 s1, s5  }
0xa8: {  	s5 =	sshll.u32 @p0 s5, $0xE  }
0xa9: {  	s5 =	sadd.s32 @p0 $0x11B8D, s5;
	s6 =	sshll.u32 @p0 s4, $0x11  }
0xaa: {  	s5 =	sor.u32 @p0 s6, s5  }
0xab: {  	[sflag:s5] =	ssyncadd.remote.s32 @p0 $0x1;
	_ =	sdelay $0x1  }
0xac: {  	s5 =	simm.s32 @p0 $0x1B8D  }
0xad: {  	_ =	swait.eq @p0 [sflag:s5], $0x1  }
0xae: {  	[sflag:s5] =	ssyncadd.s32 @p0 $0xFFFFFFFF  }
0xaf: {  	s6 =	sshll.u32 @!p0 s1, $0xE  }
0xb0: {  	s6 =	sor.u32 @!p0 $0x4000, s6;
	s5 =	simm.s32 @!p0 $0x1B8D  }
0xb1: {  	s4 =	sshll.u32 @!p0 s4, $0x11;
	s6 =	sadd.s32 @!p0 $0x11B8D, s6;
	_ =	swait.eq @!p0 [sflag:s5], $0x1  }
0xb2: {  	s4 =	sor.u32 @!p0 s4, s6;
	[sflag:s5] =	ssyncadd.s32 @!p0 $0xFFFFFFFF  }
0xb3: {  	s25 =	simm.s32 $0x1B8E;
	s24 =	sld [smem:$0x3FFE];
	[sflag:s4] =	ssyncadd.remote.s32 @!p0 $0x1  }
0xb4: {  	s26 =	simm.s32 $execute0_lowered;
	[smem:$0x3FD2] =	sst s25  }
0xb5: {  	s5 =	sshll.u32 s26, $0x1;
	_ =	strace $0x80000058;
	[dreg:$0x1] =	wrdreg $0xFFFFFFFF  }
0xb6: {  	s28 =	simm.s32 $_size_execute0_lowered;
	s3 =	sadd.s32 s3, s5;
	[dreg:$0x0] =	wrdreg $0x0  }
0xb7: {  	s5 =	sshll.u32 s28, $0x1;
	[dreg:$0x2] =	wrdreg s3  }
0xb8: {  	[dreg:$0x3] =	wrdreg s5  }
0xb9: {  	[dreg:$0x4] =	wrdreg $0xC0  }
0xba: {  	_ =	task [dreg:s22], $0x5FFFF  }
0xbb: {  	[dreg:$0x1] =	wrdreg $0xFFFFFFFF  }
0xbc: {  	[dreg:$0x0] =	wrdreg $0x60  }
0xbd: {  	[dreg:$0x2] =	wrdreg s24  }
0xbe: {  	[dreg:$0x3] =	wrdreg $0xA8000  }
0xbf: {  	[dreg:$0x4] =	wrdreg $0xA  }
0xc0: {  	_ =	task.clear_ibuf [dreg:s22], $0x5FFFF;
	_ =	strace $0x90000058  }
0xc1: {  	s29 =	simm.s32 $0xA;
	_ =	strace $0x8000005A  }
0xc2: {  	_ =	swait.ge [sflag:s29], $0x1  }
0xc3: {  	[sflag:s29] =	ssyncadd.s32 $0xFFFFFFFF  }
0xc4: {  	_ =	strace $0x9000005A  }
0xc5: {  	_ =	sfence  }
0xc6: {  	s30 =	sld [smem:$0x0];
	_ =	sdelay $0x2  }
0xc7: {  	s31 =	sshll.u32 s1, $0xD;
	s1 =	sshrl.u32 s1, $0x2  }
0xc8: {  	s4 =	sand.u32 $0x4000, s31;
	s1 =	sadd.s32 s1, s30  }
0xc9: {  	s0 =	sor.u32 s4, s0;
	s1 =	sshll.u32 s1, $0x11  }
0xca: {  	s0 =	sor.u32 s1, s0  }
0xcb: {  	s0 =	sadd.s32 $0x8F2B, s0  }
0xcc: {  	[sflag:s0] =	ssyncadd.remote.s32 $0x1  }
0xcd: {  	_ =	sfence.sel $0xFFFF  }
0xce: {  	[dreg:$0x0] =	wrdreg $0xFFFFFFFF;
	(pc) =	sbr.abs _section_cstart, $3  }
0xcf: {  	[dreg:$0x1] =	wrdreg $0xFFFFFFFF  }
0xd0: {  	_ =	task.clear_ibuf [dreg:s22], $0x2FFFF;
	_ =	strace $0x9FFFFFFF  }
0xd1: {  	(tm) =	ssettm $0x7FFFFFFF  }
tec
execute0_lowered:
.L_overlay_start_1:
0x0: {  	(tag) =	ssettag $0x1  }
0x1: {  	s7 =	rddreg [dreg:$0x0]  }
0x2: {  	s1 =	rddreg [dreg:$0x1]  }
0x3: {  	s0 =	rddreg [dreg:$0x2]  }
0x4: {  	s3 =	simm.s32 $0x0;
	s2 =	stileid.u32;
	s5 =	srdreg.scid  }
0x5: {  	s17 =	simm.s32 $0x3;
	s18 =	simm.s32 $0x1400;
	s19 =	simm.s32 $0x80  }
0x6: {  	s20 =	simm.s32 $0x6800;
	s21 =	simm.s32 $0x1;
	s22 =	simm.s32 $0x2  }
0x7: {  	s23 =	simm.s32 $0x1380;
	[smem:$0x7FF] =	sst s3;
	s4 =	sadd.s32 $0x2D200, s7  }
0x8: {  	s14 =	sadd.s32 $0xF200, s7;
	s24 =	smul.u32 $0x2800, s2;
	s6 =	sand.u32 $0x1, s5  }
0x9: {  	s15 =	sadd.s32 $0x5200, s7;
	s8 =	smul.u32 $0x50000, s2;
	s25 =	sadd.s32 $0xF5200, s7  }
0xa: {  	_ =	strace $0x80000059;
	s5 =	ssub.s32 $0x2, s6;
	s11 =	sshll.u32 s6, $0x4  }
0xb: {  	p0 =	seq.s32 s6, $0x1;
	s9 =	sadd.s32 s24, s7;
	s10 =	sshrl.u32 s5, $0x1  }
0xc: {  	s11 =	sor.u32 s2, s11;
	s31 =	sshrl.u32 s8, $0x2;
	s25 =	sadd.s32 @p0 s24, s25  }
0xd: {  	s24 =	simm.s32 $0x2700;
	s10 =	ssub.s32 s5, s10;
	s5 =	sadd.s32 s31, s1  }
0xe: {  	s6 =	sadd.s32 $0xCD200, s9;
	s13 =	smul.u32 $0x500, s11;
	s7 =	smax.u32 s10, $0x1  }
0xf: {  	s8 =	sadd.s32 $0x4000, s5;
	s9 =	sadd.s32 $0x8000, s5;
	s10 =	sadd.s32 $0xC000, s5  }
0x10: {  	s11 =	sadd.s32 $0x10000, s5;
	s6 =	smov.u32 @p0 s25;
	s25 =	simm.s32 $0x2780  }
0x11: {  	s12 =	sadd.s32 s14, s13;
	s16 =	sadd.s32 $0x280, s13;
	s13 =	sadd.s32 s15, s13  }
0x12: {  	v0 =	vimm.f32 $0.0e+00;
	s14 =	sadd.s32 s14, s16;
	s15 =	sadd.s32 s15, s16;
	s16 =	simm.s32 $0x2800  }
.LBB2_1:
0x13: {  	s26 =	simm.s32 $0x0;
	s28 =	simm.s32 $0x200  }
.LBB2_2:
0x14: {  	p0 =	sne.s32 s28, $0xFE00;
	[tilespmem:s26+$0x2870] =	vst v0  }
0x15: {  	[tilespmem:s26+$0x2800] =	vst v0  }
0x16: {  	[tilespmem:s26+$0x2810] =	vst v0  }
.Ltmp0:
0x17: {  	[tilespmem:s26+$0x2820] =	vst v0;
	(pc) =	sbr.rel @p0 .LBB2_2-.Ltmp0, $4  }
0x18: {  	[tilespmem:s26+$0x2830] =	vst v0  }
0x19: {  	[tilespmem:s26+$0x2840] =	vst v0  }
0x1a: {  	[tilespmem:s26+$0x2850] =	vst v0  }
0x1b: {  	[tilespmem:s26+$0x2860] =	vst v0;
	s26 =	sshra.s32 s28, $0x2;
	s28 =	sadd.s32 $0x200, s28  }
0x1c: {  	[tilespmem:s26+$0x2870] =	vst v0  }
0x1d: {  	[tilespmem:s26+$0x2800] =	vst v0  }
0x1e: {  	[tilespmem:s26+$0x2810] =	vst v0  }
0x1f: {  	[tilespmem:s26+$0x2820] =	vst v0  }
0x20: {  	[tilespmem:s26+$0x2830] =	vst v0  }
0x21: {  	[tilespmem:s26+$0x2840] =	vst v0  }
0x22: {  	[tilespmem:s26+$0x2850] =	vst v0  }
0x23: {  	[tilespmem:s26+$0x2860] =	vst v0  }
0x24: {  	[spmem:s5] =	stream.linear.scatter [tilespmem:s16], [sflag:$0x3], $0x4000, $0x38;
	[tilespmem:$0x1E800] =	vst v63  }
0x25: {  	_ =	swait.ge [sflag:s17], $0x4000  }
0x26: {  	[sflag:s17] =	ssyncset.done $0x0  }
0x27: {  	[sflag:s17] =	ssyncadd.s32 $0xFFFFC000  }
0x28: {  	[spmem:s8] =	stream.linear.scatter [tilespmem:s16], [sflag:$0x3], $0x4000, $0x38;
	[tilespmem:$0x1E800] =	vst v63  }
0x29: {  	_ =	swait.ge [sflag:s17], $0x4000  }
0x2a: {  	[sflag:s17] =	ssyncset.done $0x0  }
0x2b: {  	[sflag:s17] =	ssyncadd.s32 $0xFFFFC000  }
0x2c: {  	[spmem:s9] =	stream.linear.scatter [tilespmem:s16], [sflag:$0x3], $0x4000, $0x38;
	[tilespmem:$0x1E800] =	vst v63  }
0x2d: {  	_ =	swait.ge [sflag:s17], $0x4000  }
0x2e: {  	[sflag:s17] =	ssyncset.done $0x0  }
0x2f: {  	[sflag:s17] =	ssyncadd.s32 $0xFFFFC000  }
0x30: {  	[spmem:s10] =	stream.linear.scatter [tilespmem:s16], [sflag:$0x3], $0x4000, $0x38;
	[tilespmem:$0x1E800] =	vst v63  }
0x31: {  	_ =	swait.ge [sflag:s17], $0x4000  }
0x32: {  	[sflag:s17] =	ssyncset.done $0x0  }
0x33: {  	[sflag:s17] =	ssyncadd.s32 $0xFFFFC000  }
0x34: {  	[spmem:s11] =	stream.linear.scatter [tilespmem:s16], [sflag:$0x3], $0x4000, $0x38;
	[tilespmem:$0x1E800] =	vst v63  }
0x35: {  	_ =	swait.ge [sflag:s17], $0x4000  }
0x36: {  	[sflag:s17] =	ssyncset.done $0x0  }
0x37: {  	[sflag:s17] =	ssyncadd.s32 $0xFFFFC000  }
0x38: {  	s30 =	simm.s32 $0x0;
	[bflag:$0x0] =	sbarrier.arrive $0xFFFF  }
0x39: {  	[tilespmem:s30], [sflag:$0x3] =	stream.linear.gather [hbm4b:s12+s30], $0x1400, $0x38;
	[tilespmem:$0x1E800] =	vst v63  }
0x3a: {  	_ =	swait.ge [sflag:s17], $0x1400  }
0x3b: {  	[sflag:s17] =	ssyncset.done $0x0  }
0x3c: {  	[sflag:s17] =	ssyncadd.s32 $0xFFFFEC00  }
0x3d: {  	[tilespmem:s18], [sflag:$0x3] =	stream.linear.gather [hbm4b:s13+s30], $0x1400, $0x38;
	[tilespmem:$0x1E800] =	vst v63  }
0x3e: {  	_ =	swait.ge [sflag:s17], $0x1400  }
0x3f: {  	[sflag:s17] =	ssyncset.done $0x0  }
0x40: {  	[sflag:s17] =	ssyncadd.s32 $0xFFFFEC00  }
0x41: {  	[tilespmem:s16], [sflag:$0x1] =	stream.indirect.gather [hbm4b:s4+s19], $0x80, s30, s19, $0xb8;
	[tilespmem:$0x1E800] =	vst v63  }
0x42: {  	s31 =	simm.s32 $0x80  }
0x43: {  	[tilespmem:s20], [sflag:$0x2] =	stream.indirect.gather [hbm4b:s4+s19], $0x80, s31, s19, $0xb8;
	[tilespmem:$0x1E800] =	vst v63  }
0x44: {  	_ =	swait.ge [sflag:s21], $0x4000  }
0x45: {  	[sflag:s21] =	ssyncset.done $0x0  }
0x46: {  	s29 =	simm.s32 $0x1400;
	[sflag:s21] =	ssyncadd.s32 $0xFFFFC000  }
0x47: {  	[spmem:s1] =	stream.indirect.scatter.add.f32 [tilespmem:s16], [sflag:$0x3], $0x80, s29, s19, $0xb8;
	[tilespmem:$0x1E800] =	vst v63  }
0x48: {  	_ =	swait.ge [sflag:s17], $0x4000  }
0x49: {  	[sflag:s17] =	ssyncset.done $0x0  }
0x4a: {  	s30 =	simm.s32 $0x100;
	[sflag:s17] =	ssyncadd.s32 $0xFFFFC000  }
0x4b: {  	[tilespmem:s16], [sflag:$0x1] =	stream.indirect.gather [hbm4b:s4+s19], $0x80, s30, s19, $0xb8;
	[tilespmem:$0x1E800] =	vst v63  }
0x4c: {  	_ =	swait.ge [sflag:s22], $0x4000  }
0x4d: {  	[sflag:s22] =	ssyncset.done $0x0  }
0x4e: {  	s31 =	simm.s32 $0x1480;
	[sflag:s22] =	ssyncadd.s32 $0xFFFFC000  }
0x4f: {  	[spmem:s1] =	stream.indirect.scatter.add.f32 [tilespmem:s20], [sflag:$0x3], $0x80, s31, s19, $0xb8;
	[tilespmem:$0x1E800] =	vst v63  }
0x50: {  	_ =	swait.ge [sflag:s17], $0x4000  }
0x51: {  	s28 =	simm.s32 $0x800;
	s26 =	simm.s32 $0x100;
	[sflag:s17] =	ssyncset.done $0x0  }
.LBB2_4:
0x52: {  	s29 =	sadd.s32 $0x80, s26  }
0x53: {  	[sflag:s17] =	ssyncadd.s32 $0xFFFFC000;
	s30 =	smov.u32 s28;
	s31 =	sadd.s32 $0x400, s28  }
0x54: {  	[tilespmem:s20], [sflag:$0x2] =	stream.indirect.gather [hbm4b:s4+s19], $0x80, s29, s19, $0xb8;
	[tilespmem:$0x1E800] =	vst v63  }
0x55: {  	p0 =	sne.s32 s28, $0x4800;
	_ =	swait.ge [sflag:s21], $0x4000  }
0x56: {  	[sflag:s21] =	ssyncset.done $0x0  }
0x57: {  	s28 =	sadd.s32 $0x1400, s26;
	[sflag:s21] =	ssyncadd.s32 $0xFFFFC000  }
0x58: {  	[spmem:s1] =	stream.indirect.scatter.add.f32 [tilespmem:s16], [sflag:$0x3], $0x80, s28, s19, $0xb8;
	[tilespmem:$0x1E800] =	vst v63  }
0x59: {  	_ =	swait.ge [sflag:s17], $0x4000  }
0x5a: {  	[sflag:s17] =	ssyncset.done $0x0  }
0x5b: {  	s28 =	sadd.s32 $0x100, s26;
	[sflag:s17] =	ssyncadd.s32 $0xFFFFC000  }
0x5c: {  	[tilespmem:s16], [sflag:$0x1] =	stream.indirect.gather [hbm4b:s4+s19], $0x80, s28, s19, $0xb8;
	[tilespmem:$0x1E800] =	vst v63  }
0x5d: {  	_ =	swait.ge [sflag:s22], $0x4000  }
.Ltmp1:
0x5e: {  	[sflag:s22] =	ssyncset.done $0x0;
	(pc) =	sbr.rel @p0 .LBB2_4-.Ltmp1, $4  }
0x5f: {  	s26 =	sadd.s32 $0x1480, s26;
	[sflag:s22] =	ssyncadd.s32 $0xFFFFC000  }
0x60: {  	[spmem:s1] =	stream.indirect.scatter.add.f32 [tilespmem:s20], [sflag:$0x3], $0x80, s26, s19, $0xb8;
	[tilespmem:$0x1E800] =	vst v63  }
0x61: {  	_ =	swait.ge [sflag:s17], $0x4000  }
0x62: {  	s28 =	smov.u32 s31;
	s26 =	sshra.s32 s30, $0x2;
	[sflag:s17] =	ssyncset.done $0x0  }
0x63: {  	s28 =	sadd.s32 $0x80, s26;
	[sflag:s17] =	ssyncadd.s32 $0xFFFFC000  }
0x64: {  	[tilespmem:s20], [sflag:$0x2] =	stream.indirect.gather [hbm4b:s4+s19], $0x80, s28, s19, $0xb8;
	[tilespmem:$0x1E800] =	vst v63  }
0x65: {  	_ =	swait.ge [sflag:s21], $0x4000  }
0x66: {  	[sflag:s21] =	ssyncset.done $0x0  }
0x67: {  	s28 =	sadd.s32 $0x1400, s26;
	[sflag:s21] =	ssyncadd.s32 $0xFFFFC000  }
0x68: {  	[spmem:s1] =	stream.indirect.scatter.add.f32 [tilespmem:s16], [sflag:$0x3], $0x80, s28, s19, $0xb8;
	[tilespmem:$0x1E800] =	vst v63  }
0x69: {  	_ =	swait.ge [sflag:s17], $0x4000  }
0x6a: {  	[sflag:s17] =	ssyncset.done $0x0  }
0x6b: {  	s28 =	sadd.s32 $0x100, s26;
	[sflag:s17] =	ssyncadd.s32 $0xFFFFC000  }
0x6c: {  	[tilespmem:s16], [sflag:$0x1] =	stream.indirect.gather [hbm4b:s4+s19], $0x80, s28, s19, $0xb8;
	[tilespmem:$0x1E800] =	vst v63  }
0x6d: {  	_ =	swait.ge [sflag:s22], $0x4000  }
0x6e: {  	[sflag:s22] =	ssyncset.done $0x0  }
0x6f: {  	s29 =	sadd.s32 $0x1480, s26;
	[sflag:s22] =	ssyncadd.s32 $0xFFFFC000  }
0x70: {  	[spmem:s1] =	stream.indirect.scatter.add.f32 [tilespmem:s20], [sflag:$0x3], $0x80, s29, s19, $0xb8;
	[tilespmem:$0x1E800] =	vst v63  }
0x71: {  	_ =	swait.ge [sflag:s17], $0x4000  }
0x72: {  	[sflag:s17] =	ssyncset.done $0x0  }
0x73: {  	[sflag:s17] =	ssyncadd.s32 $0xFFFFC000  }
0x74: {  	[tilespmem:s20], [sflag:$0x2] =	stream.indirect.gather [hbm4b:s4+s19], $0x80, s23, s19, $0xb8;
	[tilespmem:$0x1E800] =	vst v63  }
0x75: {  	_ =	swait.ge [sflag:s21], $0x4000  }
0x76: {  	[sflag:s21] =	ssyncset.done $0x0  }
0x77: {  	[sflag:s21] =	ssyncadd.s32 $0xFFFFC000  }
0x78: {  	[spmem:s1] =	stream.indirect.scatter.add.f32 [tilespmem:s16], [sflag:$0x3], $0x80, s24, s19, $0xb8;
	[tilespmem:$0x1E800] =	vst v63  }
0x79: {  	_ =	swait.ge [sflag:s17], $0x4000  }
0x7a: {  	[sflag:s17] =	ssyncset.done $0x0  }
0x7b: {  	[sflag:s17] =	ssyncadd.s32 $0xFFFFC000  }
0x7c: {  	_ =	swait.ge [sflag:s22], $0x4000  }
0x7d: {  	[sflag:s22] =	ssyncset.done $0x0  }
0x7e: {  	[sflag:s22] =	ssyncadd.s32 $0xFFFFC000  }
0x7f: {  	[spmem:s1] =	stream.indirect.scatter.add.f32 [tilespmem:s20], [sflag:$0x3], $0x80, s25, s19, $0xb8;
	[tilespmem:$0x1E800] =	vst v63  }
0x80: {  	_ =	swait.ge [sflag:s17], $0x4000  }
0x81: {  	[sflag:s17] =	ssyncset.done $0x0  }
0x82: {  	s30 =	simm.s32 $0x0;
	[sflag:s17] =	ssyncadd.s32 $0xFFFFC000  }
0x83: {  	[tilespmem:s30], [sflag:$0x3] =	stream.linear.gather [hbm4b:s14+s30], $0x1400, $0x38;
	[tilespmem:$0x1E800] =	vst v63  }
0x84: {  	_ =	swait.ge [sflag:s17], $0x1400  }
0x85: {  	[sflag:s17] =	ssyncset.done $0x0  }
0x86: {  	[sflag:s17] =	ssyncadd.s32 $0xFFFFEC00  }
0x87: {  	[tilespmem:s18], [sflag:$0x3] =	stream.linear.gather [hbm4b:s15+s30], $0x1400, $0x38;
	[tilespmem:$0x1E800] =	vst v63  }
0x88: {  	_ =	swait.ge [sflag:s17], $0x1400  }
0x89: {  	[sflag:s17] =	ssyncset.done $0x0  }
0x8a: {  	[sflag:s17] =	ssyncadd.s32 $0xFFFFEC00  }
0x8b: {  	[tilespmem:s16], [sflag:$0x1] =	stream.indirect.gather [hbm4b:s4+s19], $0x80, s30, s19, $0xb8;
	[tilespmem:$0x1E800] =	vst v63  }
0x8c: {  	s31 =	simm.s32 $0x80  }
0x8d: {  	[tilespmem:s20], [sflag:$0x2] =	stream.indirect.gather [hbm4b:s4+s19], $0x80, s31, s19, $0xb8;
	[tilespmem:$0x1E800] =	vst v63  }
0x8e: {  	_ =	swait.ge [sflag:s21], $0x4000  }
0x8f: {  	[sflag:s21] =	ssyncset.done $0x0  }
0x90: {  	s29 =	simm.s32 $0x1400;
	[sflag:s21] =	ssyncadd.s32 $0xFFFFC000  }
0x91: {  	[spmem:s1] =	stream.indirect.scatter.add.f32 [tilespmem:s16], [sflag:$0x3], $0x80, s29, s19, $0xb8;
	[tilespmem:$0x1E800] =	vst v63  }
0x92: {  	_ =	swait.ge [sflag:s17], $0x4000  }
0x93: {  	[sflag:s17] =	ssyncset.done $0x0  }
0x94: {  	s30 =	simm.s32 $0x100;
	[sflag:s17] =	ssyncadd.s32 $0xFFFFC000  }
0x95: {  	[tilespmem:s16], [sflag:$0x1] =	stream.indirect.gather [hbm4b:s4+s19], $0x80, s30, s19, $0xb8;
	[tilespmem:$0x1E800] =	vst v63  }
0x96: {  	_ =	swait.ge [sflag:s22], $0x4000  }
0x97: {  	[sflag:s22] =	ssyncset.done $0x0  }
0x98: {  	s31 =	simm.s32 $0x1480;
	[sflag:s22] =	ssyncadd.s32 $0xFFFFC000  }
0x99: {  	[spmem:s1] =	stream.indirect.scatter.add.f32 [tilespmem:s20], [sflag:$0x3], $0x80, s31, s19, $0xb8;
	[tilespmem:$0x1E800] =	vst v63  }
0x9a: {  	_ =	swait.ge [sflag:s17], $0x4000  }
0x9b: {  	s26 =	simm.s32 $0x100;
	s28 =	simm.s32 $0x800;
	[sflag:s17] =	ssyncset.done $0x0  }
.LBB2_6:
0x9c: {  	s29 =	sadd.s32 $0x80, s26  }
0x9d: {  	[sflag:s17] =	ssyncadd.s32 $0xFFFFC000;
	s30 =	smov.u32 s28;
	s31 =	sadd.s32 $0x400, s28  }
0x9e: {  	[tilespmem:s20], [sflag:$0x2] =	stream.indirect.gather [hbm4b:s4+s19], $0x80, s29, s19, $0xb8;
	[tilespmem:$0x1E800] =	vst v63  }
0x9f: {  	p0 =	sne.s32 s28, $0x4800;
	_ =	swait.ge [sflag:s21], $0x4000  }
0xa0: {  	[sflag:s21] =	ssyncset.done $0x0  }
0xa1: {  	s28 =	sadd.s32 $0x1400, s26;
	[sflag:s21] =	ssyncadd.s32 $0xFFFFC000  }
0xa2: {  	[spmem:s1] =	stream.indirect.scatter.add.f32 [tilespmem:s16], [sflag:$0x3], $0x80, s28, s19, $0xb8;
	[tilespmem:$0x1E800] =	vst v63  }
0xa3: {  	_ =	swait.ge [sflag:s17], $0x4000  }
0xa4: {  	[sflag:s17] =	ssyncset.done $0x0  }
0xa5: {  	s28 =	sadd.s32 $0x100, s26;
	[sflag:s17] =	ssyncadd.s32 $0xFFFFC000  }
0xa6: {  	[tilespmem:s16], [sflag:$0x1] =	stream.indirect.gather [hbm4b:s4+s19], $0x80, s28, s19, $0xb8;
	[tilespmem:$0x1E800] =	vst v63  }
0xa7: {  	_ =	swait.ge [sflag:s22], $0x4000  }
.Ltmp2:
0xa8: {  	[sflag:s22] =	ssyncset.done $0x0;
	(pc) =	sbr.rel @p0 .LBB2_6-.Ltmp2, $4  }
0xa9: {  	s26 =	sadd.s32 $0x1480, s26;
	[sflag:s22] =	ssyncadd.s32 $0xFFFFC000  }
0xaa: {  	[spmem:s1] =	stream.indirect.scatter.add.f32 [tilespmem:s20], [sflag:$0x3], $0x80, s26, s19, $0xb8;
	[tilespmem:$0x1E800] =	vst v63  }
0xab: {  	_ =	swait.ge [sflag:s17], $0x4000  }
0xac: {  	s28 =	smov.u32 s31;
	s26 =	sshra.s32 s30, $0x2;
	[sflag:s17] =	ssyncset.done $0x0  }
0xad: {  	s28 =	sadd.s32 $0x80, s26;
	[sflag:s17] =	ssyncadd.s32 $0xFFFFC000  }
0xae: {  	[tilespmem:s20], [sflag:$0x2] =	stream.indirect.gather [hbm4b:s4+s19], $0x80, s28, s19, $0xb8;
	[tilespmem:$0x1E800] =	vst v63  }
0xaf: {  	_ =	swait.ge [sflag:s21], $0x4000  }
0xb0: {  	[sflag:s21] =	ssyncset.done $0x0  }
0xb1: {  	s30 =	sadd.s32 $0x1400, s26;
	[sflag:s21] =	ssyncadd.s32 $0xFFFFC000  }
0xb2: {  	[spmem:s1] =	stream.indirect.scatter.add.f32 [tilespmem:s16], [sflag:$0x3], $0x80, s30, s19, $0xb8;
	[tilespmem:$0x1E800] =	vst v63  }
0xb3: {  	_ =	swait.ge [sflag:s17], $0x4000  }
0xb4: {  	[sflag:s17] =	ssyncset.done $0x0  }
0xb5: {  	s31 =	sadd.s32 $0x100, s26;
	[sflag:s17] =	ssyncadd.s32 $0xFFFFC000  }
0xb6: {  	[tilespmem:s16], [sflag:$0x1] =	stream.indirect.gather [hbm4b:s4+s19], $0x80, s31, s19, $0xb8;
	[tilespmem:$0x1E800] =	vst v63  }
0xb7: {  	_ =	swait.ge [sflag:s22], $0x4000  }
0xb8: {  	[sflag:s22] =	ssyncset.done $0x0  }
0xb9: {  	s29 =	sadd.s32 $0x1480, s26;
	[sflag:s22] =	ssyncadd.s32 $0xFFFFC000  }
0xba: {  	[spmem:s1] =	stream.indirect.scatter.add.f32 [tilespmem:s20], [sflag:$0x3], $0x80, s29, s19, $0xb8;
	[tilespmem:$0x1E800] =	vst v63  }
0xbb: {  	_ =	swait.ge [sflag:s17], $0x4000  }
0xbc: {  	[sflag:s17] =	ssyncset.done $0x0  }
0xbd: {  	[sflag:s17] =	ssyncadd.s32 $0xFFFFC000  }
0xbe: {  	[tilespmem:s20], [sflag:$0x2] =	stream.indirect.gather [hbm4b:s4+s19], $0x80, s23, s19, $0xb8;
	[tilespmem:$0x1E800] =	vst v63  }
0xbf: {  	_ =	swait.ge [sflag:s21], $0x4000  }
0xc0: {  	[sflag:s21] =	ssyncset.done $0x0  }
0xc1: {  	[sflag:s21] =	ssyncadd.s32 $0xFFFFC000  }
0xc2: {  	[spmem:s1] =	stream.indirect.scatter.add.f32 [tilespmem:s16], [sflag:$0x3], $0x80, s24, s19, $0xb8;
	[tilespmem:$0x1E800] =	vst v63  }
0xc3: {  	_ =	swait.ge [sflag:s17], $0x4000  }
0xc4: {  	[sflag:s17] =	ssyncset.done $0x0  }
0xc5: {  	[sflag:s17] =	ssyncadd.s32 $0xFFFFC000  }
0xc6: {  	_ =	swait.ge [sflag:s22], $0x4000  }
0xc7: {  	[sflag:s22] =	ssyncset.done $0x0  }
0xc8: {  	[sflag:s22] =	ssyncadd.s32 $0xFFFFC000  }
0xc9: {  	[spmem:s1] =	stream.indirect.scatter.add.f32 [tilespmem:s20], [sflag:$0x3], $0x80, s25, s19, $0xb8;
	[tilespmem:$0x1E800] =	vst v63  }
0xca: {  	_ =	swait.ge [sflag:s17], $0x4000  }
0xcb: {  	s3 =	sadd.s32 $0x1, s3;
	s30 =	sshll.u32 s2, $0x6;
	[sflag:s17] =	ssyncset.done $0x0  }
0xcc: {  	p0 =	sne.s32 s3, s7;
	s26 =	sor.u32 $0x1C03, s30;
	[sflag:s17] =	ssyncadd.s32 $0xFFFFC000  }
.Ltmp3:
0xcd: {  	s31 =	sshrl.u32 s5, $0x3;
	[bflag:$0x0] =	sbarrier.arrive $0xFFFF;
	(pc) =	sbr.rel @p0 .LBB2_1-.Ltmp3, $4  }
0xce: {  	[hbm:s6], [sflag:s26] =	dma.local [spmem:s31], $0x2800  }
0xcf: {  	_ =	swait.ge [sflag:s17], $0x2800  }
0xd0: {  	[sflag:s17] =	ssyncset.done $0x0  }
0xd1: {  	[sflag:s17] =	ssyncadd.s32 $0xFFFFD800  }
0xd2: {  	_ =	sfence.sel $0x180000  }
0xd3: {  	[bflag:$0x0] =	sbarrier.arrive $0xFFFF  }
0xd4: {  	p0 =	sne.s32 s2, $0x0;
	_ =	strace $0x90000059  }
0xd5: {  	s0 =	sadd.s32 @!p0 $0x100000, s0;
	[bflag:$0x2] =	sbarrier.arrive $0xFFFF  }
0xd6: {  	[sflag:s0] =	ssyncadd.tile.s32 @!p0 $0x1;
	_ =	shalt  }
.Lfunc_end2:
_tile_overlayer_lowered:
.L_overlay_start_2:
0xd7: {  	(tag) =	ssettag $0x2  }
0xd8: {  	s0 =	rddreg [dreg:$0x0];
	s2 =	stileid.u32  }
0xd9: {  	s1 =	rddreg [dreg:$0x1];
	p0 =	sne.s32 s2, $0x0  }
0xda: {  	s3 =	rddreg [dreg:$0x2];
	[bflag:$0x3] =	sbarrier.arrive $0xFFFF;
	s2 =	simm.s32 @!p0 $0x1C03  }
0xdb: {  	[timem:s3], [sflag:s2] =	dma.local @!p0 [hbm:s0], s1  }
0xdc: {  	s0 =	simm.s32 @!p0 $0x3  }
0xdd: {  	_ =	swait.ge @!p0 [sflag:s0], s1  }
0xde: {  	s1 =	ssub.s32 @!p0 $0x0, s1;
	[sflag:s0] =	ssyncset.done @!p0 $0x0  }
0xdf: {  	[sflag:s0] =	ssyncadd.s32 @!p0 s1  }
0xe0: {  	[bflag:$0x3] =	sbarrier.arrive $0xFFFF  }
0xe1: {  	_ =	shalt  }

</sc_bundles>
